<compile_context>
chip_gen: v7x
topology: tpu7x:2x2x1
jax: 0.10.2.dev20260603
libtpu: 0.0.44.dev20260713+nightly
codegen_flags: <defaults>
</compile_context>

<pallas_src>
import functools

import jax
import jax.numpy as jnp
from jax import lax
from jax.experimental import pallas as pl
from jax.experimental.pallas import tpu as pltpu
from jax.experimental.pallas import tpu_sc as plsc

N = 10000
E = 320000
F = 128
H = 8
D = 16
NC, NS = 2, 16
NW = NC * NS
EPW = E // NW
CHUNK = 80
NCHUNK = EPW // CHUNK
GRP = CHUNK // 2
CH1 = 50
NCH1 = EPW // CH1
GRP1 = CH1 // 2
ACHUNK = 400
ANCHUNK = EPW // ACHUNK
AGRP = ACHUNK // 2
DN = N * H

_mesh = plsc.VectorSubcoreMesh(
    core_axis_name="c", subcore_axis_name="s", num_cores=NC, num_subcores=NS
)
_params = pltpu.CompilerParams(needs_layout_passes=False)


def _proj_body(x_ref, wl_ref, bl_ref, wr_ref, br_ref, fs_ref, fd_ref):
    xv = x_ref[...]
    fs_ref[...] = (
        jnp.dot(xv, wl_ref[...], preferred_element_type=jnp.float32) + bl_ref[...]
    )
    fd_ref[...] = (
        jnp.dot(xv, wr_ref[...], preferred_element_type=jnp.float32) + br_ref[...]
    )


def _project(x, W_l, b_l, W_r, b_r):
    BLK = 1000
    return pl.pallas_call(
        _proj_body,
        grid=(N // BLK,),
        in_specs=[
            pl.BlockSpec((BLK, F), lambda i: (i, 0)),
            pl.BlockSpec((F, F), lambda i: (0, 0)),
            pl.BlockSpec((1, F), lambda i: (0, 0)),
            pl.BlockSpec((F, F), lambda i: (0, 0)),
            pl.BlockSpec((1, F), lambda i: (0, 0)),
        ],
        out_specs=[
            pl.BlockSpec((BLK, F), lambda i: (i, 0)),
            pl.BlockSpec((BLK, F), lambda i: (i, 0)),
        ],
        out_shape=[
            jax.ShapeDtypeStruct((N, F), jnp.float32),
            jax.ShapeDtypeStruct((N, F), jnp.float32),
        ],
    )(x, W_l, b_l.reshape(1, F), W_r, b_r.reshape(1, F))


def _lane_consts():
    iota = lax.iota(jnp.int32, 16)
    sel = (iota >= 8).astype(jnp.int32)
    lane7 = iota & 7
    return sel, lane7


@functools.partial(
    pl.kernel,
    compiler_params=_params,
    out_type=(
        jax.ShapeDtypeStruct((E * H,), jnp.float32),
        jax.ShapeDtypeStruct((NW, DN), jnp.float32),
    ),
    mesh=_mesh,
    scratch_types=[
        pltpu.VMEM((F,), jnp.float32),
        pltpu.VMEM((2, CH1), jnp.int32),
        pltpu.VMEM((2, CH1), jnp.int32),
        pltpu.VMEM((CH1, F), jnp.float32),
        pltpu.VMEM((CH1, F), jnp.float32),
        pltpu.VMEM((CH1, F), jnp.float32),
        pltpu.VMEM((CH1, F), jnp.float32),
        pltpu.VMEM((4 * CH1 * H,), jnp.float32),
        pltpu.VMEM((DN,), jnp.float32),
        pltpu.SemaphoreType.DMA,
        pltpu.SemaphoreType.DMA,
    ],
)
def _sc_logits(fs_hbm, fd_hbm, sd_hbm, attn_hbm,
               ex_hbm, dpart_hbm,
               attn_v, sdA, sdB, fsrA, fdrA, fsrB, fdrB,
               exb, dloc, semA, semB):
    c = lax.axis_index("c")
    s = lax.axis_index("s")
    wid = c * NS + s
    base0 = wid * EPW

    pltpu.sync_copy(attn_hbm, attn_v)

    def zero_body(i, _):
        dloc[pl.ds(i * 16, 16)] = jnp.zeros((16,), jnp.float32)
        return 0
    lax.fori_loop(0, DN // 16, zero_body, 0)

    sel, lane7 = _lane_consts()
    iota = lax.iota(jnp.int32, 16)
    attn_vecs = [attn_v[pl.ds(h * 16, 16)] for h in range(H)]

    one_v = jnp.full((16,), 1, jnp.int32)

    def issue(ci, sd, fr, dr, sem):
        pltpu.sync_copy(sd_hbm.at[wid].at[ci], sd)
        pltpu.async_copy(fs_hbm.at[sd.at[0]], fr, sem)
        pltpu.async_copy(fd_hbm.at[sd.at[1]], dr, sem)

    def wait(sd, fr, dr, sem):
        pltpu.make_async_copy(fs_hbm.at[sd.at[0]], fr, sem).wait()
        pltpu.make_async_copy(fd_hbm.at[sd.at[1]], dr, sem).wait()

    def compute(q, sd, fr, dr):
        def grp_body(g, _):
            out = jnp.zeros((16,), jnp.float32)
            for ee in range(2):
                e = 2 * g + ee
                for h in range(H):
                    a = fr[e, pl.ds(h * 16, 16)]
                    b = dr[e, pl.ds(h * 16, 16)]
                    sv2 = a + b
                    tv = jnp.maximum(sv2, sv2 * 0.2) * attn_vecs[h]
                    ssum = jnp.sum(tv)
                    out = jnp.where(
                        iota == ee * 8 + h, jnp.full((16,), ssum), out
                    )
            ev = jnp.exp(out)
            exb[pl.ds(q * CH1 * H + g * 16, 16)] = ev
            dst2 = plsc.load_gather(sd, [one_v, 2 * g + sel])
            plsc.addupdate_scatter(dloc, [dst2 * H + lane7], ev)
            return 0
        lax.fori_loop(0, GRP1, grp_body, 0)

    issue(0, sdA, fsrA, fdrA, semA)

    def body(j, _):
        c0 = 2 * j
        q0 = 2 * (j % 2)
        issue(c0 + 1, sdB, fsrB, fdrB, semB)
        wait(sdA, fsrA, fdrA, semA)
        compute(q0, sdA, fsrA, fdrA)

        @pl.when(j < NCH1 // 2 - 1)
        def _():
            issue(c0 + 2, sdA, fsrA, fdrA, semA)

        wait(sdB, fsrB, fdrB, semB)
        compute(q0 + 1, sdB, fsrB, fdrB)

        @pl.when(j % 2 == 1)
        def _():
            pltpu.sync_copy(
                exb,
                ex_hbm.at[pl.ds((base0 + (c0 - 2) * CH1) * H, 4 * CH1 * H)],
            )
        return 0
    lax.fori_loop(0, NCH1 // 2, body, 0)

    pltpu.sync_copy(dloc, dpart_hbm.at[wid])


@functools.partial(
    pl.kernel,
    compiler_params=_params,
    out_type=jax.ShapeDtypeStruct((E * H,), jnp.float32),
    mesh=_mesh,
    scratch_types=[
        pltpu.VMEM((EPW,), jnp.int32),
        pltpu.VMEM((ACHUNK * H,), jnp.float32),
        pltpu.VMEM((ACHUNK * H,), jnp.float32),
        pltpu.VMEM((DN,), jnp.float32),
    ],
)
def _sc_alpha(ex_hbm, rden_hbm, dst_hbm, alpha_hbm, dstv, exv, alv, rden):
    c = lax.axis_index("c")
    s = lax.axis_index("s")
    wid = c * NS + s
    base0 = wid * EPW

    pltpu.sync_copy(rden_hbm, rden)
    pltpu.sync_copy(dst_hbm.at[pl.ds(base0, EPW)], dstv)

    sel, lane7 = _lane_consts()

    def chunk_body(i, _):
        base = base0 + i * ACHUNK
        pltpu.sync_copy(ex_hbm.at[pl.ds(base * H, ACHUNK * H)], exv)

        def alpha_body(g, _):
            dst2 = plsc.load_gather(dstv, [i * ACHUNK + 2 * g + sel])
            rv = plsc.load_gather(rden, [dst2 * H + lane7])
            alv[pl.ds(g * 16, 16)] = exv[pl.ds(g * 16, 16)] * rv
            return 0
        lax.fori_loop(0, AGRP, alpha_body, 0)

        pltpu.sync_copy(alv, alpha_hbm.at[pl.ds(base * H, ACHUNK * H)])
        return 0
    lax.fori_loop(0, ANCHUNK, chunk_body, 0)


@functools.partial(
    pl.kernel,
    compiler_params=_params,
    out_type=jax.ShapeDtypeStruct((NC, N, F), jnp.float32),
    mesh=_mesh,
    scratch_types=[
        pltpu.VMEM((2, CHUNK), jnp.int32),
        pltpu.VMEM((CHUNK, F), jnp.float32),
        pltpu.VMEM((CHUNK * H,), jnp.float32),
        pltpu.VMEM((CHUNK, F), jnp.float32),
        pltpu.VMEM_SHARED((N, F), jnp.float32),
        pltpu.SemaphoreType.DMA,
    ],
)
def _sc_messages(fs_hbm, alpha_hbm, sd_hbm, zeros_hbm,
                 hpart_hbm,
                 sdv, fsr, alv, msg, h_sh, sem):
    c = lax.axis_index("c")
    s = lax.axis_index("s")
    wid = c * NS + s
    base0 = wid * EPW

    @pl.when(s == 0)
    def _():
        pltpu.sync_copy(zeros_hbm, h_sh)
    plsc.subcore_barrier()

    def chunk_body(i, _):
        base = base0 + i * CHUNK
        pltpu.sync_copy(sd_hbm.at[wid].at[i], sdv)
        pltpu.sync_copy(alpha_hbm.at[pl.ds(base * H, CHUNK * H)], alv)
        pltpu.async_copy(fs_hbm.at[sdv.at[0]], fsr, sem).wait()

        def msg_body(e, _):
            for h in range(H):
                av = plsc.load_gather(
                    alv, [jnp.full((16,), e * H + h, jnp.int32)]
                )
                msg[e, pl.ds(h * 16, 16)] = fsr[e, pl.ds(h * 16, 16)] * av
            return 0
        lax.fori_loop(0, CHUNK, msg_body, 0)

        pltpu.sync_copy(msg, h_sh.at[sdv.at[1]], add=True)
        return 0
    lax.fori_loop(0, NCHUNK, chunk_body, 0)

    plsc.subcore_barrier()

    @pl.when(s == 0)
    def _():
        pltpu.sync_copy(h_sh, hpart_hbm.at[c])


@functools.partial(
    pl.kernel,
    compiler_params=_params,
    out_type=jax.ShapeDtypeStruct((E * H,), jnp.float32),
    mesh=_mesh,
    scratch_types=[
        pltpu.VMEM((2, CH1), jnp.int32),
        pltpu.VMEM((2, CH1), jnp.int32),
        pltpu.VMEM((CH1, F), jnp.float32),
        pltpu.VMEM((CH1, F), jnp.float32),
        pltpu.VMEM((CH1, F), jnp.float32),
        pltpu.VMEM((CH1, F), jnp.float32),
        pltpu.VMEM((4 * CH1 * H,), jnp.float32),
        pltpu.SemaphoreType.DMA,
        pltpu.SemaphoreType.DMA,
    ],
)
def _sc_scores(h_hbm, sd_hbm, out_hbm,
               sdA, sdB, hsrA, hdrA, hsrB, hdrB, outb,
               semA, semB):
    c = lax.axis_index("c")
    s = lax.axis_index("s")
    wid = c * NS + s
    base0 = wid * EPW

    iota = lax.iota(jnp.int32, 16)

    def issue(ci, sd, fr, dr, sem):
        pltpu.sync_copy(sd_hbm.at[wid].at[ci], sd)
        pltpu.async_copy(h_hbm.at[sd.at[0]], fr, sem)
        pltpu.async_copy(h_hbm.at[sd.at[1]], dr, sem)

    def wait(sd, fr, dr, sem):
        pltpu.make_async_copy(h_hbm.at[sd.at[0]], fr, sem).wait()
        pltpu.make_async_copy(h_hbm.at[sd.at[1]], dr, sem).wait()

    def compute(q, fr, dr):
        def grp_body(g, _):
            out = jnp.zeros((16,), jnp.float32)
            for ee in range(2):
                e = 2 * g + ee
                for h in range(H):
                    tv = fr[e, pl.ds(h * 16, 16)] * dr[e, pl.ds(h * 16, 16)]
                    ssum = jnp.sum(tv)
                    out = jnp.where(
                        iota == ee * 8 + h, jnp.full((16,), ssum), out
                    )
            outb[pl.ds(q * CH1 * H + g * 16, 16)] = out
            return 0
        lax.fori_loop(0, GRP1, grp_body, 0)

    issue(0, sdA, hsrA, hdrA, semA)

    def body(j, _):
        c0 = 2 * j
        q0 = 2 * (j % 2)
        issue(c0 + 1, sdB, hsrB, hdrB, semB)
        wait(sdA, hsrA, hdrA, semA)
        compute(q0, hsrA, hdrA)

        @pl.when(j < NCH1 // 2 - 1)
        def _():
            issue(c0 + 2, sdA, hsrA, hdrA, semA)

        wait(sdB, hsrB, hdrB, semB)
        compute(q0 + 1, hsrB, hdrB)

        @pl.when(j % 2 == 1)
        def _():
            pltpu.sync_copy(
                outb,
                out_hbm.at[pl.ds((base0 + (c0 - 2) * CH1) * H, 4 * CH1 * H)],
            )
        return 0
    lax.fori_loop(0, NCH1 // 2, body, 0)


def kernel(x, W_l, b_l, W_r, b_r, attn, bias, edge_index):
    src = edge_index[0]
    dst = edge_index[1]
    sd4 = jnp.stack(
        [src.reshape(NW, NCH1, CH1), dst.reshape(NW, NCH1, CH1)], axis=2
    )
    sd3 = jnp.stack(
        [src.reshape(NW, NCHUNK, CHUNK), dst.reshape(NW, NCHUNK, CHUNK)],
        axis=2,
    )
    fs, fd = _project(x, W_l, b_l, W_r, b_r)

    ex, dpart = _sc_logits(fs, fd, sd4, attn.reshape(F))
    denom = jnp.sum(dpart, axis=0)
    rden = 1.0 / (denom + 1e-9)

    alpha = _sc_alpha(ex, rden, dst)
    hpart = _sc_messages(
        fs, alpha, sd3, jnp.zeros((N, F), jnp.float32)
    )
    h = hpart[0] + hpart[1] + bias.reshape(1, F)

    score = _sc_scores(h, sd4)
    return score.reshape(E, H)

# --- scband reference (transcript-rebuilt; emitter-appended) ---
"""Pipeline reference for scband-gatmodel-59485297049837 (READ-ONLY COPY).

The authoritative reference and input builder live on the scoring server;
editing this copy changes nothing except your own understanding.
"""

import jax, jax.numpy as jnp
import numpy as np

N_NODES = 10000
N_EDGES = 320000
IN_F = 128
OUT_F = 16
HEADS = 8


def setup_inputs(seed: int = 0) -> dict:
    key = jax.random.key(seed)
    ks = jax.random.split(key, 6)
    x = jax.random.normal(ks[0], (N_NODES, IN_F), dtype=jnp.float32)
    edge_index = jax.random.randint(ks[1], (2, N_EDGES), 0, N_NODES, dtype=jnp.int32)
    W_l = jax.random.normal(ks[2], (IN_F, HEADS * OUT_F), dtype=jnp.float32) * 0.1
    b_l = jnp.zeros((HEADS * OUT_F,), dtype=jnp.float32)
    W_r = jax.random.normal(ks[3], (IN_F, HEADS * OUT_F), dtype=jnp.float32) * 0.1
    b_r = jnp.zeros((HEADS * OUT_F,), dtype=jnp.float32)
    attn = jax.random.normal(ks[4], (HEADS, OUT_F), dtype=jnp.float32) * 0.1
    bias = jnp.zeros((HEADS, OUT_F), dtype=jnp.float32)
    return {"x": x, "W_l": W_l, "b_l": b_l, "W_r": W_r, "b_r": b_r, "attn": attn, "bias": bias, "edge_index": edge_index}


def reference(x, W_l, b_l, W_r, b_r, attn, bias, edge_index):
    # GATv2Conv (DGL semantics, share_weights=False, negative_slope=0.2)
    src = edge_index[0]
    dst = edge_index[1]
    N = x.shape[0]
    H, D = attn.shape
    feat_src = (x @ W_l + b_l).reshape(N, H, D)
    feat_dst = (x @ W_r + b_r).reshape(N, H, D)
    # per-edge pre-activation: leaky_relu(Wl*x_u + Wr*x_v)
    e = jax.nn.leaky_relu(feat_src[src] + feat_dst[dst], negative_slope=0.2)  # [E,H,D]
    logits = jnp.sum(e * attn[None, :, :], axis=-1)  # [E,H]
    # edge softmax over incoming edges of each dst node
    m = jax.ops.segment_max(logits, dst, num_segments=N)  # [N,H]
    m = jnp.where(jnp.isfinite(m), m, 0.0)
    ex = jnp.exp(logits - m[dst])
    denom = jax.ops.segment_sum(ex, dst, num_segments=N)  # [N,H]
    alpha = ex / (denom[dst] + 1e-9)  # [E,H]
    # message passing: aggregate src features weighted by attention
    h = jax.ops.segment_sum(feat_src[src] * alpha[:, :, None], dst, num_segments=N)  # [N,H,D]
    h = h + bias[None, :, :]
    # DotProductPredictor: u_dot_v per edge, per head
    score = jnp.sum(h[src] * h[dst], axis=-1)  # [E,H]
    return score

if __name__ == "__main__":
    import jax
    _d = setup_inputs()
    print(jax.jit(kernel)(*tuple(_d.values())))

</pallas_src>

<mosaic_0001>
#map = affine_map<(d0, d1) -> (0, 0)>
#map1 = affine_map<(d0, d1) -> (0, 0, 0, 0)>
#map2 = affine_map<(d0, d1) -> (0)>
module attributes {stable_mosaic.version = 14 : i64} {
  func.func @_sc_scores(%arg0: i32, %arg1: i32, %arg2: memref<10000x128xf32, #tpu.memory_space<hbm>>, %arg3: memref<32x200x2x50xi32, #tpu.memory_space<hbm>>, %arg4: memref<2560000xf32, #tpu.memory_space<hbm>>, %arg5: memref<2x50xi32, #tpu.memory_space<vmem>>, %arg6: memref<2x50xi32, #tpu.memory_space<vmem>>, %arg7: memref<50x128xf32, #tpu.memory_space<vmem>>, %arg8: memref<50x128xf32, #tpu.memory_space<vmem>>, %arg9: memref<50x128xf32, #tpu.memory_space<vmem>>, %arg10: memref<50x128xf32, #tpu.memory_space<vmem>>, %arg11: memref<1600xf32, #tpu.memory_space<vmem>>, %arg12: memref<!tpu.dma_semaphore, #tpu.memory_space<semaphore_mem>>, %arg13: memref<!tpu.dma_semaphore, #tpu.memory_space<semaphore_mem>>) attributes {dimension_semantics = [#tpu.dimension_semantics<core_parallel>, #tpu.dimension_semantics<subcore_parallel>], iteration_bounds = array<i64: 2, 16>, scalar_prefetch = 0 : i64, scratch_operands = 9 : i64, tpu.core_type = #tpu.core_type<sc_vector_subcore>, window_params = [{transform_indices = #map}, {transform_indices = #map1}, {transform_indices = #map2}]} {
    %mul3A = arith.constant 16 : i32
    %mul3A_0 = arith.muli %arg0, %mul3A : i32
    %add3A = arith.addi %mul3A_0, %arg1 : i32
    %mul3A_1 = arith.constant 10000 : i32
    %mul3A_2 = arith.muli %add3A, %mul3A_1 : i32
    %iota3A = tpu.iota {dimensions = array<i32: 0>} : vector<16xi32>
    %run_scoped3A = arith.constant 0 : i32
    "tpu.region"() ({
      %run_scoped3A_22 = tpu.sem_alloc : memref<!tpu.dma_semaphore, #tpu.memory_space<semaphore_mem>>
      %dma_start3A_23 = arith.constant 0 : i32
      %dma_start3A_24 = arith.constant 0 : i32
      %dma_start3A_25 = arith.constant 0 : i32
      %dma_start3A_26 = tpu.memref_slice %arg3[%add3A, %dma_start3A_23, %dma_start3A_24, %dma_start3A_25] : memref<32x200x2x50xi32, #tpu.memory_space<hbm>> -> memref<1x200x2x50xi32, #tpu.memory_space<hbm>>
      %dma_start3A_27 = tpu.memref_squeeze %dma_start3A_26 : memref<1x200x2x50xi32, #tpu.memory_space<hbm>> -> memref<200x2x50xi32, #tpu.memory_space<hbm>>
      %dma_start3A_28 = arith.constant 0 : i32
      %dma_start3A_29 = arith.constant 0 : i32
      %dma_start3A_30 = tpu.memref_slice %dma_start3A_27[%run_scoped3A, %dma_start3A_28, %dma_start3A_29] : memref<200x2x50xi32, #tpu.memory_space<hbm>> -> memref<1x2x50xi32, #tpu.memory_space<hbm>>
      %dma_start3A_31 = tpu.memref_squeeze %dma_start3A_30 : memref<1x2x50xi32, #tpu.memory_space<hbm>> -> memref<2x50xi32, #tpu.memory_space<hbm>>
      %dma_start3A_32 = arith.constant 0 : i32
      %dma_start3A_33 = arith.constant 0 : i32
      %dma_start3A_34 = arith.constant 0 : i32
      %dma_start3A_35 = tpu.memref_slice %arg3[%add3A, %dma_start3A_32, %dma_start3A_33, %dma_start3A_34] : memref<32x200x2x50xi32, #tpu.memory_space<hbm>> -> memref<1x200x2x50xi32, #tpu.memory_space<hbm>>
      %dma_start3A_36 = tpu.memref_squeeze %dma_start3A_35 : memref<1x200x2x50xi32, #tpu.memory_space<hbm>> -> memref<200x2x50xi32, #tpu.memory_space<hbm>>
      %dma_start3A_37 = arith.constant 0 : i32
      %dma_start3A_38 = arith.constant 0 : i32
      %dma_start3A_39 = tpu.memref_slice %dma_start3A_36[%run_scoped3A, %dma_start3A_37, %dma_start3A_38] : memref<200x2x50xi32, #tpu.memory_space<hbm>> -> memref<1x2x50xi32, #tpu.memory_space<hbm>>
      %dma_start3A_40 = tpu.memref_squeeze %dma_start3A_39 : memref<1x2x50xi32, #tpu.memory_space<hbm>> -> memref<2x50xi32, #tpu.memory_space<hbm>>
      tpu.enqueue_dma source(%dma_start3A_40 : memref<2x50xi32, #tpu.memory_space<hbm>>) target(%arg5 : memref<2x50xi32, #tpu.memory_space<vmem>>) target_semaphore(%run_scoped3A_22 : memref<!tpu.dma_semaphore, #tpu.memory_space<semaphore_mem>>)
      %dma_wait3A = arith.constant 0 : i32
      %dma_wait3A_41 = arith.constant 0 : i32
      %dma_wait3A_42 = arith.constant 0 : i32
      %dma_wait3A_43 = tpu.memref_slice %arg3[%add3A, %dma_wait3A, %dma_wait3A_41, %dma_wait3A_42] : memref<32x200x2x50xi32, #tpu.memory_space<hbm>> -> memref<1x200x2x50xi32, #tpu.memory_space<hbm>>
      %dma_wait3A_44 = tpu.memref_squeeze %dma_wait3A_43 : memref<1x200x2x50xi32, #tpu.memory_space<hbm>> -> memref<200x2x50xi32, #tpu.memory_space<hbm>>
      %dma_wait3A_45 = arith.constant 0 : i32
      %dma_wait3A_46 = arith.constant 0 : i32
      %dma_wait3A_47 = tpu.memref_slice %dma_wait3A_44[%run_scoped3A, %dma_wait3A_45, %dma_wait3A_46] : memref<200x2x50xi32, #tpu.memory_space<hbm>> -> memref<1x2x50xi32, #tpu.memory_space<hbm>>
      %dma_wait3A_48 = tpu.memref_squeeze %dma_wait3A_47 : memref<1x2x50xi32, #tpu.memory_space<hbm>> -> memref<2x50xi32, #tpu.memory_space<hbm>>
      %dma_wait3A_49 = arith.constant 0 : i32
      %dma_wait3A_50 = arith.constant 0 : i32
      %dma_wait3A_51 = arith.constant 0 : i32
      %dma_wait3A_52 = tpu.memref_slice %arg3[%add3A, %dma_wait3A_49, %dma_wait3A_50, %dma_wait3A_51] : memref<32x200x2x50xi32, #tpu.memory_space<hbm>> -> memref<1x200x2x50xi32, #tpu.memory_space<hbm>>
      %dma_wait3A_53 = tpu.memref_squeeze %dma_wait3A_52 : memref<1x200x2x50xi32, #tpu.memory_space<hbm>> -> memref<200x2x50xi32, #tpu.memory_space<hbm>>
      %dma_wait3A_54 = arith.constant 0 : i32
      %dma_wait3A_55 = arith.constant 0 : i32
      %dma_wait3A_56 = tpu.memref_slice %dma_wait3A_53[%run_scoped3A, %dma_wait3A_54, %dma_wait3A_55] : memref<200x2x50xi32, #tpu.memory_space<hbm>> -> memref<1x2x50xi32, #tpu.memory_space<hbm>>
      %dma_wait3A_57 = tpu.memref_squeeze %dma_wait3A_56 : memref<1x2x50xi32, #tpu.memory_space<hbm>> -> memref<2x50xi32, #tpu.memory_space<hbm>>
      tpu.wait_dma2 semaphore(%run_scoped3A_22 : memref<!tpu.dma_semaphore, #tpu.memory_space<semaphore_mem>>) src(%dma_wait3A_57 : memref<2x50xi32, #tpu.memory_space<hbm>>) dst(%arg5 : memref<2x50xi32, #tpu.memory_space<vmem>>)
      tpu.yield
    }) : () -> ()
    %dma_start3A = arith.constant 0 : i32
    %dma_start3A_3 = arith.constant 0 : i32
    %dma_start3A_4 = tpu.memref_slice %arg5[%dma_start3A, %dma_start3A_3] : memref<2x50xi32, #tpu.memory_space<vmem>> -> memref<1x50xi32, #tpu.memory_space<vmem>>
    %dma_start3A_5 = tpu.memref_squeeze %dma_start3A_4 : memref<1x50xi32, #tpu.memory_space<vmem>> -> memref<50xi32, #tpu.memory_space<vmem>>
    %dma_start3A_6 = arith.constant 0 : i32
    %dma_start3A_7 = arith.constant 0 : i32
    %dma_start3A_8 = tpu.memref_slice %arg2[%dma_start3A_6, %dma_start3A_7] : memref<10000x128xf32, #tpu.memory_space<hbm>> -> memref<10000x128xf32, #tpu.memory_space<hbm>>
    tpu.enqueue_indirect_dma source(%dma_start3A_8 : memref<10000x128xf32, #tpu.memory_space<hbm>>) target(%arg7 : memref<50x128xf32, #tpu.memory_space<vmem>>) offsets(%dma_start3A_5 : memref<50xi32, #tpu.memory_space<vmem>>) semaphore(%arg12 : memref<!tpu.dma_semaphore, #tpu.memory_space<semaphore_mem>>)
    %dma_start3A_9 = arith.constant 1 : i32
    %dma_start3A_10 = arith.constant 0 : i32
    %dma_start3A_11 = tpu.memref_slice %arg5[%dma_start3A_9, %dma_start3A_10] : memref<2x50xi32, #tpu.memory_space<vmem>> -> memref<1x50xi32, #tpu.memory_space<vmem>>
    %dma_start3A_12 = tpu.memref_squeeze %dma_start3A_11 : memref<1x50xi32, #tpu.memory_space<vmem>> -> memref<50xi32, #tpu.memory_space<vmem>>
    %dma_start3A_13 = arith.constant 0 : i32
    %dma_start3A_14 = arith.constant 0 : i32
    %dma_start3A_15 = tpu.memref_slice %arg2[%dma_start3A_13, %dma_start3A_14] : memref<10000x128xf32, #tpu.memory_space<hbm>> -> memref<10000x128xf32, #tpu.memory_space<hbm>>
    tpu.enqueue_indirect_dma source(%dma_start3A_15 : memref<10000x128xf32, #tpu.memory_space<hbm>>) target(%arg8 : memref<50x128xf32, #tpu.memory_space<vmem>>) offsets(%dma_start3A_12 : memref<50xi32, #tpu.memory_space<vmem>>) semaphore(%arg12 : memref<!tpu.dma_semaphore, #tpu.memory_space<semaphore_mem>>)
    %scan3A = arith.constant 0 : i32
    %scan3A_16 = arith.constant 0 : i32
    %scan3A_17 = arith.constant 100 : i32
    %scan3A_18 = arith.addi %scan3A_16, %scan3A_17 : i32
    %scan3A_19 = arith.constant 1 : i32
    %scan3A_20 = scf.for %scan3A_22 = %scan3A_16 to %scan3A_18 step %scan3A_19 iter_args(%scan3A_23 = %scan3A) -> (i32)  : i32 {
      %mul3A_24 = arith.constant 2 : i32
      %mul3A_25 = arith.muli %mul3A_24, %scan3A_22 : i32
      %jit3A = arith.constant 2 : i32
      %eq3A = arith.constant 0 : i32
      %eq3A_26 = arith.cmpi eq, %jit3A, %eq3A : i32
      %jit3A_27 = arith.constant 1 : i32
      %select_n3A = arith.select %eq3A_26, %jit3A_27, %jit3A : i32
      %rem3A = arith.remsi %scan3A_22, %select_n3A : i32
      %ne3A = arith.constant 0 : i32
      %ne3A_28 = arith.cmpi ne, %rem3A, %ne3A : i32
      %lt3A = arith.constant 0 : i32
      %lt3A_29 = arith.cmpi slt, %rem3A, %lt3A : i32
      %lt3A_30 = arith.constant 0 : i32
      %lt3A_31 = arith.cmpi slt, %select_n3A, %lt3A_30 : i32
      %ne3A_32 = arith.xori %lt3A_29, %lt3A_31 : i1
      %and3A = arith.andi %ne3A_32, %ne3A_28 : i1
      %add3A_33 = arith.addi %rem3A, %select_n3A : i32
      %select_n3A_34 = arith.select %and3A, %add3A_33, %rem3A : i32
      %mul3A_35 = arith.constant 2 : i32
      %mul3A_36 = arith.muli %mul3A_35, %select_n3A_34 : i32
      %add3A_37 = arith.constant 1 : i32
      %add3A_38 = arith.addi %mul3A_25, %add3A_37 : i32
      "tpu.region"() ({
        %run_scoped3A_121 = tpu.sem_alloc : memref<!tpu.dma_semaphore, #tpu.memory_space<semaphore_mem>>
        %dma_start3A_122 = arith.constant 0 : i32
        %dma_start3A_123 = arith.constant 0 : i32
        %dma_start3A_124 = arith.constant 0 : i32
        %dma_start3A_125 = tpu.memref_slice %arg3[%add3A, %dma_start3A_122, %dma_start3A_123, %dma_start3A_124] : memref<32x200x2x50xi32, #tpu.memory_space<hbm>> -> memref<1x200x2x50xi32, #tpu.memory_space<hbm>>
        %dma_start3A_126 = tpu.memref_squeeze %dma_start3A_125 : memref<1x200x2x50xi32, #tpu.memory_space<hbm>> -> memref<200x2x50xi32, #tpu.memory_space<hbm>>
        %dma_start3A_127 = arith.constant 0 : i32
        %dma_start3A_128 = arith.constant 0 : i32
        %dma_start3A_129 = tpu.memref_slice %dma_start3A_126[%add3A_38, %dma_start3A_127, %dma_start3A_128] : memref<200x2x50xi32, #tpu.memory_space<hbm>> -> memref<1x2x50xi32, #tpu.memory_space<hbm>>
        %dma_start3A_130 = tpu.memref_squeeze %dma_start3A_129 : memref<1x2x50xi32, #tpu.memory_space<hbm>> -> memref<2x50xi32, #tpu.memory_space<hbm>>
        %dma_start3A_131 = arith.constant 0 : i32
        %dma_start3A_132 = arith.constant 0 : i32
        %dma_start3A_133 = arith.constant 0 : i32
        %dma_start3A_134 = tpu.memref_slice %arg3[%add3A, %dma_start3A_131, %dma_start3A_132, %dma_start3A_133] : memref<32x200x2x50xi32, #tpu.memory_space<hbm>> -> memref<1x200x2x50xi32, #tpu.memory_space<hbm>>
        %dma_start3A_135 = tpu.memref_squeeze %dma_start3A_134 : memref<1x200x2x50xi32, #tpu.memory_space<hbm>> -> memref<200x2x50xi32, #tpu.memory_space<hbm>>
        %dma_start3A_136 = arith.constant 0 : i32
        %dma_start3A_137 = arith.constant 0 : i32
        %dma_start3A_138 = tpu.memref_slice %dma_start3A_135[%add3A_38, %dma_start3A_136, %dma_start3A_137] : memref<200x2x50xi32, #tpu.memory_space<hbm>> -> memref<1x2x50xi32, #tpu.memory_space<hbm>>
        %dma_start3A_139 = tpu.memref_squeeze %dma_start3A_138 : memref<1x2x50xi32, #tpu.memory_space<hbm>> -> memref<2x50xi32, #tpu.memory_space<hbm>>
        tpu.enqueue_dma source(%dma_start3A_139 : memref<2x50xi32, #tpu.memory_space<hbm>>) target(%arg6 : memref<2x50xi32, #tpu.memory_space<vmem>>) target_semaphore(%run_scoped3A_121 : memref<!tpu.dma_semaphore, #tpu.memory_space<semaphore_mem>>)
        %dma_wait3A_140 = arith.constant 0 : i32
        %dma_wait3A_141 = arith.constant 0 : i32
        %dma_wait3A_142 = arith.constant 0 : i32
        %dma_wait3A_143 = tpu.memref_slice %arg3[%add3A, %dma_wait3A_140, %dma_wait3A_141, %dma_wait3A_142] : memref<32x200x2x50xi32, #tpu.memory_space<hbm>> -> memref<1x200x2x50xi32, #tpu.memory_space<hbm>>
        %dma_wait3A_144 = tpu.memref_squeeze %dma_wait3A_143 : memref<1x200x2x50xi32, #tpu.memory_space<hbm>> -> memref<200x2x50xi32, #tpu.memory_space<hbm>>
        %dma_wait3A_145 = arith.constant 0 : i32
        %dma_wait3A_146 = arith.constant 0 : i32
        %dma_wait3A_147 = tpu.memref_slice %dma_wait3A_144[%add3A_38, %dma_wait3A_145, %dma_wait3A_146] : memref<200x2x50xi32, #tpu.memory_space<hbm>> -> memref<1x2x50xi32, #tpu.memory_space<hbm>>
        %dma_wait3A_148 = tpu.memref_squeeze %dma_wait3A_147 : memref<1x2x50xi32, #tpu.memory_space<hbm>> -> memref<2x50xi32, #tpu.memory_space<hbm>>
        %dma_wait3A_149 = arith.constant 0 : i32
        %dma_wait3A_150 = arith.constant 0 : i32
        %dma_wait3A_151 = arith.constant 0 : i32
        %dma_wait3A_152 = tpu.memref_slice %arg3[%add3A, %dma_wait3A_149, %dma_wait3A_150, %dma_wait3A_151] : memref<32x200x2x50xi32, #tpu.memory_space<hbm>> -> memref<1x200x2x50xi32, #tpu.memory_space<hbm>>
        %dma_wait3A_153 = tpu.memref_squeeze %dma_wait3A_152 : memref<1x200x2x50xi32, #tpu.memory_space<hbm>> -> memref<200x2x50xi32, #tpu.memory_space<hbm>>
        %dma_wait3A_154 = arith.constant 0 : i32
        %dma_wait3A_155 = arith.constant 0 : i32
        %dma_wait3A_156 = tpu.memref_slice %dma_wait3A_153[%add3A_38, %dma_wait3A_154, %dma_wait3A_155] : memref<200x2x50xi32, #tpu.memory_space<hbm>> -> memref<1x2x50xi32, #tpu.memory_space<hbm>>
        %dma_wait3A_157 = tpu.memref_squeeze %dma_wait3A_156 : memref<1x2x50xi32, #tpu.memory_space<hbm>> -> memref<2x50xi32, #tpu.memory_space<hbm>>
        tpu.wait_dma2 semaphore(%run_scoped3A_121 : memref<!tpu.dma_semaphore, #tpu.memory_space<semaphore_mem>>) src(%dma_wait3A_157 : memref<2x50xi32, #tpu.memory_space<hbm>>) dst(%arg6 : memref<2x50xi32, #tpu.memory_space<vmem>>)
        tpu.yield
      }) : () -> ()
      %dma_start3A_39 = arith.constant 0 : i32
      %dma_start3A_40 = arith.constant 0 : i32
      %dma_start3A_41 = tpu.memref_slice %arg6[%dma_start3A_39, %dma_start3A_40] : memref<2x50xi32, #tpu.memory_space<vmem>> -> memref<1x50xi32, #tpu.memory_space<vmem>>
      %dma_start3A_42 = tpu.memref_squeeze %dma_start3A_41 : memref<1x50xi32, #tpu.memory_space<vmem>> -> memref<50xi32, #tpu.memory_space<vmem>>
      %dma_start3A_43 = arith.constant 0 : i32
      %dma_start3A_44 = arith.constant 0 : i32
      %dma_start3A_45 = tpu.memref_slice %arg2[%dma_start3A_43, %dma_start3A_44] : memref<10000x128xf32, #tpu.memory_space<hbm>> -> memref<10000x128xf32, #tpu.memory_space<hbm>>
      tpu.enqueue_indirect_dma source(%dma_start3A_45 : memref<10000x128xf32, #tpu.memory_space<hbm>>) target(%arg9 : memref<50x128xf32, #tpu.memory_space<vmem>>) offsets(%dma_start3A_42 : memref<50xi32, #tpu.memory_space<vmem>>) semaphore(%arg13 : memref<!tpu.dma_semaphore, #tpu.memory_space<semaphore_mem>>)
      %dma_start3A_46 = arith.constant 1 : i32
      %dma_start3A_47 = arith.constant 0 : i32
      %dma_start3A_48 = tpu.memref_slice %arg6[%dma_start3A_46, %dma_start3A_47] : memref<2x50xi32, #tpu.memory_space<vmem>> -> memref<1x50xi32, #tpu.memory_space<vmem>>
      %dma_start3A_49 = tpu.memref_squeeze %dma_start3A_48 : memref<1x50xi32, #tpu.memory_space<vmem>> -> memref<50xi32, #tpu.memory_space<vmem>>
      %dma_start3A_50 = arith.constant 0 : i32
      %dma_start3A_51 = arith.constant 0 : i32
      %dma_start3A_52 = tpu.memref_slice %arg2[%dma_start3A_50, %dma_start3A_51] : memref<10000x128xf32, #tpu.memory_space<hbm>> -> memref<10000x128xf32, #tpu.memory_space<hbm>>
      tpu.enqueue_indirect_dma source(%dma_start3A_52 : memref<10000x128xf32, #tpu.memory_space<hbm>>) target(%arg10 : memref<50x128xf32, #tpu.memory_space<vmem>>) offsets(%dma_start3A_49 : memref<50xi32, #tpu.memory_space<vmem>>) semaphore(%arg13 : memref<!tpu.dma_semaphore, #tpu.memory_space<semaphore_mem>>)
      %dma_wait3A = arith.constant 0 : i32
      %dma_wait3A_53 = arith.constant 0 : i32
      %dma_wait3A_54 = tpu.memref_slice %arg5[%dma_wait3A, %dma_wait3A_53] : memref<2x50xi32, #tpu.memory_space<vmem>> -> memref<1x50xi32, #tpu.memory_space<vmem>>
      %dma_wait3A_55 = tpu.memref_squeeze %dma_wait3A_54 : memref<1x50xi32, #tpu.memory_space<vmem>> -> memref<50xi32, #tpu.memory_space<vmem>>
      %dma_wait3A_56 = arith.constant 0 : i32
      %dma_wait3A_57 = arith.constant 0 : i32
      %dma_wait3A_58 = tpu.memref_slice %arg2[%dma_wait3A_56, %dma_wait3A_57] : memref<10000x128xf32, #tpu.memory_space<hbm>> -> memref<10000x128xf32, #tpu.memory_space<hbm>>
      tpu.wait_indirect_dma semaphore(%arg12 : memref<!tpu.dma_semaphore, #tpu.memory_space<semaphore_mem>>) src(%dma_wait3A_58 : memref<10000x128xf32, #tpu.memory_space<hbm>>) dst(%arg7 : memref<50x128xf32, #tpu.memory_space<vmem>>)
      %dma_wait3A_59 = arith.constant 1 : i32
      %dma_wait3A_60 = arith.constant 0 : i32
      %dma_wait3A_61 = tpu.memref_slice %arg5[%dma_wait3A_59, %dma_wait3A_60] : memref<2x50xi32, #tpu.memory_space<vmem>> -> memref<1x50xi32, #tpu.memory_space<vmem>>
      %dma_wait3A_62 = tpu.memref_squeeze %dma_wait3A_61 : memref<1x50xi32, #tpu.memory_space<vmem>> -> memref<50xi32, #tpu.memory_space<vmem>>
      %dma_wait3A_63 = arith.constant 0 : i32
      %dma_wait3A_64 = arith.constant 0 : i32
      %dma_wait3A_65 = tpu.memref_slice %arg2[%dma_wait3A_63, %dma_wait3A_64] : memref<10000x128xf32, #tpu.memory_space<hbm>> -> memref<10000x128xf32, #tpu.memory_space<hbm>>
      tpu.wait_indirect_dma semaphore(%arg12 : memref<!tpu.dma_semaphore, #tpu.memory_space<semaphore_mem>>) src(%dma_wait3A_65 : memref<10000x128xf32, #tpu.memory_space<hbm>>) dst(%arg8 : memref<50x128xf32, #tpu.memory_space<vmem>>)
      %scan3A_66 = arith.constant 0 : i32
      %scan3A_67 = arith.constant 0 : i32
      %scan3A_68 = arith.constant 25 : i32
      %scan3A_69 = arith.addi %scan3A_67, %scan3A_68 : i32
      %scan3A_70 = arith.constant 1 : i32
      %scan3A_71 = scf.for %scan3A_121 = %scan3A_67 to %scan3A_69 step %scan3A_70 iter_args(%scan3A_122 = %scan3A_66) -> (i32)  : i32 {
        %broadcast_in_dim3A = arith.constant 0.000000e+00 : f32
        %broadcast_in_dim3A_123 = vector.broadcast %broadcast_in_dim3A : f32 to vector<16xf32>
        %mul3A_124 = arith.constant 2 : i32
        %mul3A_125 = arith.muli %mul3A_124, %scan3A_121 : i32
        %add3A_126 = arith.constant 0 : i32
        %add3A_127 = arith.addi %mul3A_125, %add3A_126 : i32
        %get3A = arith.index_cast %add3A_127 : i32 to index
        %get3A_128 = arith.constant 0 : index
        %get3A_129 = tpu.vector_load %arg7[%get3A, %get3A_128] {strides = array<i32>} : memref<50x128xf32, #tpu.memory_space<vmem>>, vector<16xf32>,
        %get3A_130 = arith.index_cast %add3A_127 : i32 to index
        %get3A_131 = arith.constant 0 : index
        %get3A_132 = tpu.vector_load %arg8[%get3A_130, %get3A_131] {strides = array<i32>} : memref<50x128xf32, #tpu.memory_space<vmem>>, vector<16xf32>,
        %mul3A_133 = arith.mulf %get3A_129, %get3A_132 : vector<16xf32>
        %reduce_sum3A = arith.constant true
        %reduce_sum3A_134 = vector.broadcast %reduce_sum3A : i1 to vector<16xi1>
        %reduce_sum3A_135 = tpu.scan <sum>, %mul3A_133 masked %reduce_sum3A_134 : vector<16xf32>, vector<16xi1> -> vector<16xf32>
        %reduce_sum3A_136 = vector.extract %reduce_sum3A_135[15] : f32 from vector<16xf32>
        %eq3A_137 = arith.constant 0 : i32
        %eq3A_138 = vector.broadcast %eq3A_137 : i32 to vector<16xi32>
        %eq3A_139 = arith.cmpi eq, %iota3A, %eq3A_138 : vector<16xi32>
        %broadcast_in_dim3A_140 = vector.broadcast %reduce_sum3A_136 : f32 to vector<16xf32>
        %select_n3A_141 = arith.select %eq3A_139, %broadcast_in_dim3A_140, %broadcast_in_dim3A_123 : vector<16xi1>, vector<16xf32>
        %get3A_142 = arith.index_cast %add3A_127 : i32 to index
        %get3A_143 = arith.constant 16 : index
        %get3A_144 = tpu.vector_load %arg7[%get3A_142, %get3A_143] {strides = array<i32>} : memref<50x128xf32, #tpu.memory_space<vmem>>, vector<16xf32>,
        %get3A_145 = arith.index_cast %add3A_127 : i32 to index
        %get3A_146 = arith.constant 16 : index
        %get3A_147 = tpu.vector_load %arg8[%get3A_145, %get3A_146] {strides = array<i32>} : memref<50x128xf32, #tpu.memory_space<vmem>>, vector<16xf32>,
        %mul3A_148 = arith.mulf %get3A_144, %get3A_147 : vector<16xf32>
        %reduce_sum3A_149 = arith.constant true
        %reduce_sum3A_150 = vector.broadcast %reduce_sum3A_149 : i1 to vector<16xi1>
        %reduce_sum3A_151 = tpu.scan <sum>, %mul3A_148 masked %reduce_sum3A_150 : vector<16xf32>, vector<16xi1> -> vector<16xf32>
        %reduce_sum3A_152 = vector.extract %reduce_sum3A_151[15] : f32 from vector<16xf32>
        %eq3A_153 = arith.constant 1 : i32
        %eq3A_154 = vector.broadcast %eq3A_153 : i32 to vector<16xi32>
        %eq3A_155 = arith.cmpi eq, %iota3A, %eq3A_154 : vector<16xi32>
        %broadcast_in_dim3A_156 = vector.broadcast %reduce_sum3A_152 : f32 to vector<16xf32>
        %select_n3A_157 = arith.select %eq3A_155, %broadcast_in_dim3A_156, %select_n3A_141 : vector<16xi1>, vector<16xf32>
        %get3A_158 = arith.index_cast %add3A_127 : i32 to index
        %get3A_159 = arith.constant 32 : index
        %get3A_160 = tpu.vector_load %arg7[%get3A_158, %get3A_159] {strides = array<i32>} : memref<50x128xf32, #tpu.memory_space<vmem>>, vector<16xf32>,
        %get3A_161 = arith.index_cast %add3A_127 : i32 to index
        %get3A_162 = arith.constant 32 : index
        %get3A_163 = tpu.vector_load %arg8[%get3A_161, %get3A_162] {strides = array<i32>} : memref<50x128xf32, #tpu.memory_space<vmem>>, vector<16xf32>,
        %mul3A_164 = arith.mulf %get3A_160, %get3A_163 : vector<16xf32>
        %reduce_sum3A_165 = arith.constant true
        %reduce_sum3A_166 = vector.broadcast %reduce_sum3A_165 : i1 to vector<16xi1>
        %reduce_sum3A_167 = tpu.scan <sum>, %mul3A_164 masked %reduce_sum3A_166 : vector<16xf32>, vector<16xi1> -> vector<16xf32>
        %reduce_sum3A_168 = vector.extract %reduce_sum3A_167[15] : f32 from vector<16xf32>
        %eq3A_169 = arith.constant 2 : i32
        %eq3A_170 = vector.broadcast %eq3A_169 : i32 to vector<16xi32>
        %eq3A_171 = arith.cmpi eq, %iota3A, %eq3A_170 : vector<16xi32>
        %broadcast_in_dim3A_172 = vector.broadcast %reduce_sum3A_168 : f32 to vector<16xf32>
        %select_n3A_173 = arith.select %eq3A_171, %broadcast_in_dim3A_172, %select_n3A_157 : vector<16xi1>, vector<16xf32>
        %get3A_174 = arith.index_cast %add3A_127 : i32 to index
        %get3A_175 = arith.constant 48 : index
        %get3A_176 = tpu.vector_load %arg7[%get3A_174, %get3A_175] {strides = array<i32>} : memref<50x128xf32, #tpu.memory_space<vmem>>, vector<16xf32>,
        %get3A_177 = arith.index_cast %add3A_127 : i32 to index
        %get3A_178 = arith.constant 48 : index
        %get3A_179 = tpu.vector_load %arg8[%get3A_177, %get3A_178] {strides = array<i32>} : memref<50x128xf32, #tpu.memory_space<vmem>>, vector<16xf32>,
        %mul3A_180 = arith.mulf %get3A_176, %get3A_179 : vector<16xf32>
        %reduce_sum3A_181 = arith.constant true
        %reduce_sum3A_182 = vector.broadcast %reduce_sum3A_181 : i1 to vector<16xi1>
        %reduce_sum3A_183 = tpu.scan <sum>, %mul3A_180 masked %reduce_sum3A_182 : vector<16xf32>, vector<16xi1> -> vector<16xf32>
        %reduce_sum3A_184 = vector.extract %reduce_sum3A_183[15] : f32 from vector<16xf32>
        %eq3A_185 = arith.constant 3 : i32
        %eq3A_186 = vector.broadcast %eq3A_185 : i32 to vector<16xi32>
        %eq3A_187 = arith.cmpi eq, %iota3A, %eq3A_186 : vector<16xi32>
        %broadcast_in_dim3A_188 = vector.broadcast %reduce_sum3A_184 : f32 to vector<16xf32>
        %select_n3A_189 = arith.select %eq3A_187, %broadcast_in_dim3A_188, %select_n3A_173 : vector<16xi1>, vector<16xf32>
        %get3A_190 = arith.index_cast %add3A_127 : i32 to index
        %get3A_191 = arith.constant 64 : index
        %get3A_192 = tpu.vector_load %arg7[%get3A_190, %get3A_191] {strides = array<i32>} : memref<50x128xf32, #tpu.memory_space<vmem>>, vector<16xf32>,
        %get3A_193 = arith.index_cast %add3A_127 : i32 to index
        %get3A_194 = arith.constant 64 : index
        %get3A_195 = tpu.vector_load %arg8[%get3A_193, %get3A_194] {strides = array<i32>} : memref<50x128xf32, #tpu.memory_space<vmem>>, vector<16xf32>,
        %mul3A_196 = arith.mulf %get3A_192, %get3A_195 : vector<16xf32>
        %reduce_sum3A_197 = arith.constant true
        %reduce_sum3A_198 = vector.broadcast %reduce_sum3A_197 : i1 to vector<16xi1>
        %reduce_sum3A_199 = tpu.scan <sum>, %mul3A_196 masked %reduce_sum3A_198 : vector<16xf32>, vector<16xi1> -> vector<16xf32>
        %reduce_sum3A_200 = vector.extract %reduce_sum3A_199[15] : f32 from vector<16xf32>
        %eq3A_201 = arith.constant 4 : i32
        %eq3A_202 = vector.broadcast %eq3A_201 : i32 to vector<16xi32>
        %eq3A_203 = arith.cmpi eq, %iota3A, %eq3A_202 : vector<16xi32>
        %broadcast_in_dim3A_204 = vector.broadcast %reduce_sum3A_200 : f32 to vector<16xf32>
        %select_n3A_205 = arith.select %eq3A_203, %broadcast_in_dim3A_204, %select_n3A_189 : vector<16xi1>, vector<16xf32>
        %get3A_206 = arith.index_cast %add3A_127 : i32 to index
        %get3A_207 = arith.constant 80 : index
        %get3A_208 = tpu.vector_load %arg7[%get3A_206, %get3A_207] {strides = array<i32>} : memref<50x128xf32, #tpu.memory_space<vmem>>, vector<16xf32>,
        %get3A_209 = arith.index_cast %add3A_127 : i32 to index
        %get3A_210 = arith.constant 80 : index
        %get3A_211 = tpu.vector_load %arg8[%get3A_209, %get3A_210] {strides = array<i32>} : memref<50x128xf32, #tpu.memory_space<vmem>>, vector<16xf32>,
        %mul3A_212 = arith.mulf %get3A_208, %get3A_211 : vector<16xf32>
        %reduce_sum3A_213 = arith.constant true
        %reduce_sum3A_214 = vector.broadcast %reduce_sum3A_213 : i1 to vector<16xi1>
        %reduce_sum3A_215 = tpu.scan <sum>, %mul3A_212 masked %reduce_sum3A_214 : vector<16xf32>, vector<16xi1> -> vector<16xf32>
        %reduce_sum3A_216 = vector.extract %reduce_sum3A_215[15] : f32 from vector<16xf32>
        %eq3A_217 = arith.constant 5 : i32
        %eq3A_218 = vector.broadcast %eq3A_217 : i32 to vector<16xi32>
        %eq3A_219 = arith.cmpi eq, %iota3A, %eq3A_218 : vector<16xi32>
        %broadcast_in_dim3A_220 = vector.broadcast %reduce_sum3A_216 : f32 to vector<16xf32>
        %select_n3A_221 = arith.select %eq3A_219, %broadcast_in_dim3A_220, %select_n3A_205 : vector<16xi1>, vector<16xf32>
        %get3A_222 = arith.index_cast %add3A_127 : i32 to index
        %get3A_223 = arith.constant 96 : index
        %get3A_224 = tpu.vector_load %arg7[%get3A_222, %get3A_223] {strides = array<i32>} : memref<50x128xf32, #tpu.memory_space<vmem>>, vector<16xf32>,
        %get3A_225 = arith.index_cast %add3A_127 : i32 to index
        %get3A_226 = arith.constant 96 : index
        %get3A_227 = tpu.vector_load %arg8[%get3A_225, %get3A_226] {strides = array<i32>} : memref<50x128xf32, #tpu.memory_space<vmem>>, vector<16xf32>,
        %mul3A_228 = arith.mulf %get3A_224, %get3A_227 : vector<16xf32>
        %reduce_sum3A_229 = arith.constant true
        %reduce_sum3A_230 = vector.broadcast %reduce_sum3A_229 : i1 to vector<16xi1>
        %reduce_sum3A_231 = tpu.scan <sum>, %mul3A_228 masked %reduce_sum3A_230 : vector<16xf32>, vector<16xi1> -> vector<16xf32>
        %reduce_sum3A_232 = vector.extract %reduce_sum3A_231[15] : f32 from vector<16xf32>
        %eq3A_233 = arith.constant 6 : i32
        %eq3A_234 = vector.broadcast %eq3A_233 : i32 to vector<16xi32>
        %eq3A_235 = arith.cmpi eq, %iota3A, %eq3A_234 : vector<16xi32>
        %broadcast_in_dim3A_236 = vector.broadcast %reduce_sum3A_232 : f32 to vector<16xf32>
        %select_n3A_237 = arith.select %eq3A_235, %broadcast_in_dim3A_236, %select_n3A_221 : vector<16xi1>, vector<16xf32>
        %get3A_238 = arith.index_cast %add3A_127 : i32 to index
        %get3A_239 = arith.constant 112 : index
        %get3A_240 = tpu.vector_load %arg7[%get3A_238, %get3A_239] {strides = array<i32>} : memref<50x128xf32, #tpu.memory_space<vmem>>, vector<16xf32>,
        %get3A_241 = arith.index_cast %add3A_127 : i32 to index
        %get3A_242 = arith.constant 112 : index
        %get3A_243 = tpu.vector_load %arg8[%get3A_241, %get3A_242] {strides = array<i32>} : memref<50x128xf32, #tpu.memory_space<vmem>>, vector<16xf32>,
        %mul3A_244 = arith.mulf %get3A_240, %get3A_243 : vector<16xf32>
        %reduce_sum3A_245 = arith.constant true
        %reduce_sum3A_246 = vector.broadcast %reduce_sum3A_245 : i1 to vector<16xi1>
        %reduce_sum3A_247 = tpu.scan <sum>, %mul3A_244 masked %reduce_sum3A_246 : vector<16xf32>, vector<16xi1> -> vector<16xf32>
        %reduce_sum3A_248 = vector.extract %reduce_sum3A_247[15] : f32 from vector<16xf32>
        %eq3A_249 = arith.constant 7 : i32
        %eq3A_250 = vector.broadcast %eq3A_249 : i32 to vector<16xi32>
        %eq3A_251 = arith.cmpi eq, %iota3A, %eq3A_250 : vector<16xi32>
        %broadcast_in_dim3A_252 = vector.broadcast %reduce_sum3A_248 : f32 to vector<16xf32>
        %select_n3A_253 = arith.select %eq3A_251, %broadcast_in_dim3A_252, %select_n3A_237 : vector<16xi1>, vector<16xf32>
        %mul3A_254 = arith.constant 2 : i32
        %mul3A_255 = arith.muli %mul3A_254, %scan3A_121 : i32
        %add3A_256 = arith.constant 1 : i32
        %add3A_257 = arith.addi %mul3A_255, %add3A_256 : i32
        %get3A_258 = arith.index_cast %add3A_257 : i32 to index
        %get3A_259 = arith.constant 0 : index
        %get3A_260 = tpu.vector_load %arg7[%get3A_258, %get3A_259] {strides = array<i32>} : memref<50x128xf32, #tpu.memory_space<vmem>>, vector<16xf32>,
        %get3A_261 = arith.index_cast %add3A_257 : i32 to index
        %get3A_262 = arith.constant 0 : index
        %get3A_263 = tpu.vector_load %arg8[%get3A_261, %get3A_262] {strides = array<i32>} : memref<50x128xf32, #tpu.memory_space<vmem>>, vector<16xf32>,
        %mul3A_264 = arith.mulf %get3A_260, %get3A_263 : vector<16xf32>
        %reduce_sum3A_265 = arith.constant true
        %reduce_sum3A_266 = vector.broadcast %reduce_sum3A_265 : i1 to vector<16xi1>
        %reduce_sum3A_267 = tpu.scan <sum>, %mul3A_264 masked %reduce_sum3A_266 : vector<16xf32>, vector<16xi1> -> vector<16xf32>
        %reduce_sum3A_268 = vector.extract %reduce_sum3A_267[15] : f32 from vector<16xf32>
        %eq3A_269 = arith.constant 8 : i32
        %eq3A_270 = vector.broadcast %eq3A_269 : i32 to vector<16xi32>
        %eq3A_271 = arith.cmpi eq, %iota3A, %eq3A_270 : vector<16xi32>
        %broadcast_in_dim3A_272 = vector.broadcast %reduce_sum3A_268 : f32 to vector<16xf32>
        %select_n3A_273 = arith.select %eq3A_271, %broadcast_in_dim3A_272, %select_n3A_253 : vector<16xi1>, vector<16xf32>
        %get3A_274 = arith.index_cast %add3A_257 : i32 to index
        %get3A_275 = arith.constant 16 : index
        %get3A_276 = tpu.vector_load %arg7[%get3A_274, %get3A_275] {strides = array<i32>} : memref<50x128xf32, #tpu.memory_space<vmem>>, vector<16xf32>,
        %get3A_277 = arith.index_cast %add3A_257 : i32 to index
        %get3A_278 = arith.constant 16 : index
        %get3A_279 = tpu.vector_load %arg8[%get3A_277, %get3A_278] {strides = array<i32>} : memref<50x128xf32, #tpu.memory_space<vmem>>, vector<16xf32>,
        %mul3A_280 = arith.mulf %get3A_276, %get3A_279 : vector<16xf32>
        %reduce_sum3A_281 = arith.constant true
        %reduce_sum3A_282 = vector.broadcast %reduce_sum3A_281 : i1 to vector<16xi1>
        %reduce_sum3A_283 = tpu.scan <sum>, %mul3A_280 masked %reduce_sum3A_282 : vector<16xf32>, vector<16xi1> -> vector<16xf32>
        %reduce_sum3A_284 = vector.extract %reduce_sum3A_283[15] : f32 from vector<16xf32>
        %eq3A_285 = arith.constant 9 : i32
        %eq3A_286 = vector.broadcast %eq3A_285 : i32 to vector<16xi32>
        %eq3A_287 = arith.cmpi eq, %iota3A, %eq3A_286 : vector<16xi32>
        %broadcast_in_dim3A_288 = vector.broadcast %reduce_sum3A_284 : f32 to vector<16xf32>
        %select_n3A_289 = arith.select %eq3A_287, %broadcast_in_dim3A_288, %select_n3A_273 : vector<16xi1>, vector<16xf32>
        %get3A_290 = arith.index_cast %add3A_257 : i32 to index
        %get3A_291 = arith.constant 32 : index
        %get3A_292 = tpu.vector_load %arg7[%get3A_290, %get3A_291] {strides = array<i32>} : memref<50x128xf32, #tpu.memory_space<vmem>>, vector<16xf32>,
        %get3A_293 = arith.index_cast %add3A_257 : i32 to index
        %get3A_294 = arith.constant 32 : index
        %get3A_295 = tpu.vector_load %arg8[%get3A_293, %get3A_294] {strides = array<i32>} : memref<50x128xf32, #tpu.memory_space<vmem>>, vector<16xf32>,
        %mul3A_296 = arith.mulf %get3A_292, %get3A_295 : vector<16xf32>
        %reduce_sum3A_297 = arith.constant true
        %reduce_sum3A_298 = vector.broadcast %reduce_sum3A_297 : i1 to vector<16xi1>
        %reduce_sum3A_299 = tpu.scan <sum>, %mul3A_296 masked %reduce_sum3A_298 : vector<16xf32>, vector<16xi1> -> vector<16xf32>
        %reduce_sum3A_300 = vector.extract %reduce_sum3A_299[15] : f32 from vector<16xf32>
        %eq3A_301 = arith.constant 10 : i32
        %eq3A_302 = vector.broadcast %eq3A_301 : i32 to vector<16xi32>
        %eq3A_303 = arith.cmpi eq, %iota3A, %eq3A_302 : vector<16xi32>
        %broadcast_in_dim3A_304 = vector.broadcast %reduce_sum3A_300 : f32 to vector<16xf32>
        %select_n3A_305 = arith.select %eq3A_303, %broadcast_in_dim3A_304, %select_n3A_289 : vector<16xi1>, vector<16xf32>
        %get3A_306 = arith.index_cast %add3A_257 : i32 to index
        %get3A_307 = arith.constant 48 : index
        %get3A_308 = tpu.vector_load %arg7[%get3A_306, %get3A_307] {strides = array<i32>} : memref<50x128xf32, #tpu.memory_space<vmem>>, vector<16xf32>,
        %get3A_309 = arith.index_cast %add3A_257 : i32 to index
        %get3A_310 = arith.constant 48 : index
        %get3A_311 = tpu.vector_load %arg8[%get3A_309, %get3A_310] {strides = array<i32>} : memref<50x128xf32, #tpu.memory_space<vmem>>, vector<16xf32>,
        %mul3A_312 = arith.mulf %get3A_308, %get3A_311 : vector<16xf32>
        %reduce_sum3A_313 = arith.constant true
        %reduce_sum3A_314 = vector.broadcast %reduce_sum3A_313 : i1 to vector<16xi1>
        %reduce_sum3A_315 = tpu.scan <sum>, %mul3A_312 masked %reduce_sum3A_314 : vector<16xf32>, vector<16xi1> -> vector<16xf32>
        %reduce_sum3A_316 = vector.extract %reduce_sum3A_315[15] : f32 from vector<16xf32>
        %eq3A_317 = arith.constant 11 : i32
        %eq3A_318 = vector.broadcast %eq3A_317 : i32 to vector<16xi32>
        %eq3A_319 = arith.cmpi eq, %iota3A, %eq3A_318 : vector<16xi32>
        %broadcast_in_dim3A_320 = vector.broadcast %reduce_sum3A_316 : f32 to vector<16xf32>
        %select_n3A_321 = arith.select %eq3A_319, %broadcast_in_dim3A_320, %select_n3A_305 : vector<16xi1>, vector<16xf32>
        %get3A_322 = arith.index_cast %add3A_257 : i32 to index
        %get3A_323 = arith.constant 64 : index
        %get3A_324 = tpu.vector_load %arg7[%get3A_322, %get3A_323] {strides = array<i32>} : memref<50x128xf32, #tpu.memory_space<vmem>>, vector<16xf32>,
        %get3A_325 = arith.index_cast %add3A_257 : i32 to index
        %get3A_326 = arith.constant 64 : index
        %get3A_327 = tpu.vector_load %arg8[%get3A_325, %get3A_326] {strides = array<i32>} : memref<50x128xf32, #tpu.memory_space<vmem>>, vector<16xf32>,
        %mul3A_328 = arith.mulf %get3A_324, %get3A_327 : vector<16xf32>
        %reduce_sum3A_329 = arith.constant true
        %reduce_sum3A_330 = vector.broadcast %reduce_sum3A_329 : i1 to vector<16xi1>
        %reduce_sum3A_331 = tpu.scan <sum>, %mul3A_328 masked %reduce_sum3A_330 : vector<16xf32>, vector<16xi1> -> vector<16xf32>
        %reduce_sum3A_332 = vector.extract %reduce_sum3A_331[15] : f32 from vector<16xf32>
        %eq3A_333 = arith.constant 12 : i32
        %eq3A_334 = vector.broadcast %eq3A_333 : i32 to vector<16xi32>
        %eq3A_335 = arith.cmpi eq, %iota3A, %eq3A_334 : vector<16xi32>
        %broadcast_in_dim3A_336 = vector.broadcast %reduce_sum3A_332 : f32 to vector<16xf32>
        %select_n3A_337 = arith.select %eq3A_335, %broadcast_in_dim3A_336, %select_n3A_321 : vector<16xi1>, vector<16xf32>
        %get3A_338 = arith.index_cast %add3A_257 : i32 to index
        %get3A_339 = arith.constant 80 : index
        %get3A_340 = tpu.vector_load %arg7[%get3A_338, %get3A_339] {strides = array<i32>} : memref<50x128xf32, #tpu.memory_space<vmem>>, vector<16xf32>,
        %get3A_341 = arith.index_cast %add3A_257 : i32 to index
        %get3A_342 = arith.constant 80 : index
        %get3A_343 = tpu.vector_load %arg8[%get3A_341, %get3A_342] {strides = array<i32>} : memref<50x128xf32, #tpu.memory_space<vmem>>, vector<16xf32>,
        %mul3A_344 = arith.mulf %get3A_340, %get3A_343 : vector<16xf32>
        %reduce_sum3A_345 = arith.constant true
        %reduce_sum3A_346 = vector.broadcast %reduce_sum3A_345 : i1 to vector<16xi1>
        %reduce_sum3A_347 = tpu.scan <sum>, %mul3A_344 masked %reduce_sum3A_346 : vector<16xf32>, vector<16xi1> -> vector<16xf32>
        %reduce_sum3A_348 = vector.extract %reduce_sum3A_347[15] : f32 from vector<16xf32>
        %eq3A_349 = arith.constant 13 : i32
        %eq3A_350 = vector.broadcast %eq3A_349 : i32 to vector<16xi32>
        %eq3A_351 = arith.cmpi eq, %iota3A, %eq3A_350 : vector<16xi32>
        %broadcast_in_dim3A_352 = vector.broadcast %reduce_sum3A_348 : f32 to vector<16xf32>
        %select_n3A_353 = arith.select %eq3A_351, %broadcast_in_dim3A_352, %select_n3A_337 : vector<16xi1>, vector<16xf32>
        %get3A_354 = arith.index_cast %add3A_257 : i32 to index
        %get3A_355 = arith.constant 96 : index
        %get3A_356 = tpu.vector_load %arg7[%get3A_354, %get3A_355] {strides = array<i32>} : memref<50x128xf32, #tpu.memory_space<vmem>>, vector<16xf32>,
        %get3A_357 = arith.index_cast %add3A_257 : i32 to index
        %get3A_358 = arith.constant 96 : index
        %get3A_359 = tpu.vector_load %arg8[%get3A_357, %get3A_358] {strides = array<i32>} : memref<50x128xf32, #tpu.memory_space<vmem>>, vector<16xf32>,
        %mul3A_360 = arith.mulf %get3A_356, %get3A_359 : vector<16xf32>
        %reduce_sum3A_361 = arith.constant true
        %reduce_sum3A_362 = vector.broadcast %reduce_sum3A_361 : i1 to vector<16xi1>
        %reduce_sum3A_363 = tpu.scan <sum>, %mul3A_360 masked %reduce_sum3A_362 : vector<16xf32>, vector<16xi1> -> vector<16xf32>
        %reduce_sum3A_364 = vector.extract %reduce_sum3A_363[15] : f32 from vector<16xf32>
        %eq3A_365 = arith.constant 14 : i32
        %eq3A_366 = vector.broadcast %eq3A_365 : i32 to vector<16xi32>
        %eq3A_367 = arith.cmpi eq, %iota3A, %eq3A_366 : vector<16xi32>
        %broadcast_in_dim3A_368 = vector.broadcast %reduce_sum3A_364 : f32 to vector<16xf32>
        %select_n3A_369 = arith.select %eq3A_367, %broadcast_in_dim3A_368, %select_n3A_353 : vector<16xi1>, vector<16xf32>
        %get3A_370 = arith.index_cast %add3A_257 : i32 to index
        %get3A_371 = arith.constant 112 : index
        %get3A_372 = tpu.vector_load %arg7[%get3A_370, %get3A_371] {strides = array<i32>} : memref<50x128xf32, #tpu.memory_space<vmem>>, vector<16xf32>,
        %get3A_373 = arith.index_cast %add3A_257 : i32 to index
        %get3A_374 = arith.constant 112 : index
        %get3A_375 = tpu.vector_load %arg8[%get3A_373, %get3A_374] {strides = array<i32>} : memref<50x128xf32, #tpu.memory_space<vmem>>, vector<16xf32>,
        %mul3A_376 = arith.mulf %get3A_372, %get3A_375 : vector<16xf32>
        %reduce_sum3A_377 = arith.constant true
        %reduce_sum3A_378 = vector.broadcast %reduce_sum3A_377 : i1 to vector<16xi1>
        %reduce_sum3A_379 = tpu.scan <sum>, %mul3A_376 masked %reduce_sum3A_378 : vector<16xf32>, vector<16xi1> -> vector<16xf32>
        %reduce_sum3A_380 = vector.extract %reduce_sum3A_379[15] : f32 from vector<16xf32>
        %eq3A_381 = arith.constant 15 : i32
        %eq3A_382 = vector.broadcast %eq3A_381 : i32 to vector<16xi32>
        %eq3A_383 = arith.cmpi eq, %iota3A, %eq3A_382 : vector<16xi32>
        %broadcast_in_dim3A_384 = vector.broadcast %reduce_sum3A_380 : f32 to vector<16xf32>
        %select_n3A_385 = arith.select %eq3A_383, %broadcast_in_dim3A_384, %select_n3A_369 : vector<16xi1>, vector<16xf32>
        %mul3A_386 = arith.constant 50 : i32
        %mul3A_387 = arith.muli %mul3A_36, %mul3A_386 : i32
        %mul3A_388 = arith.constant 8 : i32
        %mul3A_389 = arith.muli %mul3A_387, %mul3A_388 : i32
        %mul3A_390 = arith.constant 16 : i32
        %mul3A_391 = arith.muli %scan3A_121, %mul3A_390 : i32
        %add3A_392 = arith.addi %mul3A_389, %mul3A_391 : i32
        %swap3A = arith.index_cast %add3A_392 : i32 to index
        %swap3A_393 = tpu.vector_load %arg11[%swap3A] {strides = array<i32>} : memref<1600xf32, #tpu.memory_space<vmem>>, vector<16xf32>,
        tpu.vector_store %arg11[%swap3A], %select_n3A_385 {strides = array<i32>} : memref<1600xf32, #tpu.memory_space<vmem>>, vector<16xf32>,
        %scan3A_394 = arith.constant 0 : i32
        scf.yield %scan3A_394 : i32
      }
      %scan3A_72 = arith.constant 25 : i32
      %lt3A_73 = arith.constant 99 : i32
      %lt3A_74 = arith.cmpi slt, %scan3A_22, %lt3A_73 : i32
      %convert_element_type3A = arith.extui %lt3A_74 : i1 to i32
      %cond3A = arith.constant 0 : i32
      %cond3A_75 = arith.cmpi ne, %convert_element_type3A, %cond3A : i32
      scf.if %cond3A_75 {
        %add3A_121 = arith.constant 2 : i32
        %add3A_122 = arith.addi %mul3A_25, %add3A_121 : i32
        "tpu.region"() ({
          %run_scoped3A_137 = tpu.sem_alloc : memref<!tpu.dma_semaphore, #tpu.memory_space<semaphore_mem>>
          %dma_start3A_138 = arith.constant 0 : i32
          %dma_start3A_139 = arith.constant 0 : i32
          %dma_start3A_140 = arith.constant 0 : i32
          %dma_start3A_141 = tpu.memref_slice %arg3[%add3A, %dma_start3A_138, %dma_start3A_139, %dma_start3A_140] : memref<32x200x2x50xi32, #tpu.memory_space<hbm>> -> memref<1x200x2x50xi32, #tpu.memory_space<hbm>>
          %dma_start3A_142 = tpu.memref_squeeze %dma_start3A_141 : memref<1x200x2x50xi32, #tpu.memory_space<hbm>> -> memref<200x2x50xi32, #tpu.memory_space<hbm>>
          %dma_start3A_143 = arith.constant 0 : i32
          %dma_start3A_144 = arith.constant 0 : i32
          %dma_start3A_145 = tpu.memref_slice %dma_start3A_142[%add3A_122, %dma_start3A_143, %dma_start3A_144] : memref<200x2x50xi32, #tpu.memory_space<hbm>> -> memref<1x2x50xi32, #tpu.memory_space<hbm>>
          %dma_start3A_146 = tpu.memref_squeeze %dma_start3A_145 : memref<1x2x50xi32, #tpu.memory_space<hbm>> -> memref<2x50xi32, #tpu.memory_space<hbm>>
          %dma_start3A_147 = arith.constant 0 : i32
          %dma_start3A_148 = arith.constant 0 : i32
          %dma_start3A_149 = arith.constant 0 : i32
          %dma_start3A_150 = tpu.memref_slice %arg3[%add3A, %dma_start3A_147, %dma_start3A_148, %dma_start3A_149] : memref<32x200x2x50xi32, #tpu.memory_space<hbm>> -> memref<1x200x2x50xi32, #tpu.memory_space<hbm>>
          %dma_start3A_151 = tpu.memref_squeeze %dma_start3A_150 : memref<1x200x2x50xi32, #tpu.memory_space<hbm>> -> memref<200x2x50xi32, #tpu.memory_space<hbm>>
          %dma_start3A_152 = arith.constant 0 : i32
          %dma_start3A_153 = arith.constant 0 : i32
          %dma_start3A_154 = tpu.memref_slice %dma_start3A_151[%add3A_122, %dma_start3A_152, %dma_start3A_153] : memref<200x2x50xi32, #tpu.memory_space<hbm>> -> memref<1x2x50xi32, #tpu.memory_space<hbm>>
          %dma_start3A_155 = tpu.memref_squeeze %dma_start3A_154 : memref<1x2x50xi32, #tpu.memory_space<hbm>> -> memref<2x50xi32, #tpu.memory_space<hbm>>
          tpu.enqueue_dma source(%dma_start3A_155 : memref<2x50xi32, #tpu.memory_space<hbm>>) target(%arg5 : memref<2x50xi32, #tpu.memory_space<vmem>>) target_semaphore(%run_scoped3A_137 : memref<!tpu.dma_semaphore, #tpu.memory_space<semaphore_mem>>)
          %dma_wait3A_156 = arith.constant 0 : i32
          %dma_wait3A_157 = arith.constant 0 : i32
          %dma_wait3A_158 = arith.constant 0 : i32
          %dma_wait3A_159 = tpu.memref_slice %arg3[%add3A, %dma_wait3A_156, %dma_wait3A_157, %dma_wait3A_158] : memref<32x200x2x50xi32, #tpu.memory_space<hbm>> -> memref<1x200x2x50xi32, #tpu.memory_space<hbm>>
          %dma_wait3A_160 = tpu.memref_squeeze %dma_wait3A_159 : memref<1x200x2x50xi32, #tpu.memory_space<hbm>> -> memref<200x2x50xi32, #tpu.memory_space<hbm>>
          %dma_wait3A_161 = arith.constant 0 : i32
          %dma_wait3A_162 = arith.constant 0 : i32
          %dma_wait3A_163 = tpu.memref_slice %dma_wait3A_160[%add3A_122, %dma_wait3A_161, %dma_wait3A_162] : memref<200x2x50xi32, #tpu.memory_space<hbm>> -> memref<1x2x50xi32, #tpu.memory_space<hbm>>
          %dma_wait3A_164 = tpu.memref_squeeze %dma_wait3A_163 : memref<1x2x50xi32, #tpu.memory_space<hbm>> -> memref<2x50xi32, #tpu.memory_space<hbm>>
          %dma_wait3A_165 = arith.constant 0 : i32
          %dma_wait3A_166 = arith.constant 0 : i32
          %dma_wait3A_167 = arith.constant 0 : i32
          %dma_wait3A_168 = tpu.memref_slice %arg3[%add3A, %dma_wait3A_165, %dma_wait3A_166, %dma_wait3A_167] : memref<32x200x2x50xi32, #tpu.memory_space<hbm>> -> memref<1x200x2x50xi32, #tpu.memory_space<hbm>>
          %dma_wait3A_169 = tpu.memref_squeeze %dma_wait3A_168 : memref<1x200x2x50xi32, #tpu.memory_space<hbm>> -> memref<200x2x50xi32, #tpu.memory_space<hbm>>
          %dma_wait3A_170 = arith.constant 0 : i32
          %dma_wait3A_171 = arith.constant 0 : i32
          %dma_wait3A_172 = tpu.memref_slice %dma_wait3A_169[%add3A_122, %dma_wait3A_170, %dma_wait3A_171] : memref<200x2x50xi32, #tpu.memory_space<hbm>> -> memref<1x2x50xi32, #tpu.memory_space<hbm>>
          %dma_wait3A_173 = tpu.memref_squeeze %dma_wait3A_172 : memref<1x2x50xi32, #tpu.memory_space<hbm>> -> memref<2x50xi32, #tpu.memory_space<hbm>>
          tpu.wait_dma2 semaphore(%run_scoped3A_137 : memref<!tpu.dma_semaphore, #tpu.memory_space<semaphore_mem>>) src(%dma_wait3A_173 : memref<2x50xi32, #tpu.memory_space<hbm>>) dst(%arg5 : memref<2x50xi32, #tpu.memory_space<vmem>>)
          tpu.yield
        }) : () -> ()
        %dma_start3A_123 = arith.constant 0 : i32
        %dma_start3A_124 = arith.constant 0 : i32
        %dma_start3A_125 = tpu.memref_slice %arg5[%dma_start3A_123, %dma_start3A_124] : memref<2x50xi32, #tpu.memory_space<vmem>> -> memref<1x50xi32, #tpu.memory_space<vmem>>
        %dma_start3A_126 = tpu.memref_squeeze %dma_start3A_125 : memref<1x50xi32, #tpu.memory_space<vmem>> -> memref<50xi32, #tpu.memory_space<vmem>>
        %dma_start3A_127 = arith.constant 0 : i32
        %dma_start3A_128 = arith.constant 0 : i32
        %dma_start3A_129 = tpu.memref_slice %arg2[%dma_start3A_127, %dma_start3A_128] : memref<10000x128xf32, #tpu.memory_space<hbm>> -> memref<10000x128xf32, #tpu.memory_space<hbm>>
        tpu.enqueue_indirect_dma source(%dma_start3A_129 : memref<10000x128xf32, #tpu.memory_space<hbm>>) target(%arg7 : memref<50x128xf32, #tpu.memory_space<vmem>>) offsets(%dma_start3A_126 : memref<50xi32, #tpu.memory_space<vmem>>) semaphore(%arg12 : memref<!tpu.dma_semaphore, #tpu.memory_space<semaphore_mem>>)
        %dma_start3A_130 = arith.constant 1 : i32
        %dma_start3A_131 = arith.constant 0 : i32
        %dma_start3A_132 = tpu.memref_slice %arg5[%dma_start3A_130, %dma_start3A_131] : memref<2x50xi32, #tpu.memory_space<vmem>> -> memref<1x50xi32, #tpu.memory_space<vmem>>
        %dma_start3A_133 = tpu.memref_squeeze %dma_start3A_132 : memref<1x50xi32, #tpu.memory_space<vmem>> -> memref<50xi32, #tpu.memory_space<vmem>>
        %dma_start3A_134 = arith.constant 0 : i32
        %dma_start3A_135 = arith.constant 0 : i32
        %dma_start3A_136 = tpu.memref_slice %arg2[%dma_start3A_134, %dma_start3A_135] : memref<10000x128xf32, #tpu.memory_space<hbm>> -> memref<10000x128xf32, #tpu.memory_space<hbm>>
        tpu.enqueue_indirect_dma source(%dma_start3A_136 : memref<10000x128xf32, #tpu.memory_space<hbm>>) target(%arg8 : memref<50x128xf32, #tpu.memory_space<vmem>>) offsets(%dma_start3A_133 : memref<50xi32, #tpu.memory_space<vmem>>) semaphore(%arg12 : memref<!tpu.dma_semaphore, #tpu.memory_space<semaphore_mem>>)
      } else {
      }
      %dma_wait3A_76 = arith.constant 0 : i32
      %dma_wait3A_77 = arith.constant 0 : i32
      %dma_wait3A_78 = tpu.memref_slice %arg6[%dma_wait3A_76, %dma_wait3A_77] : memref<2x50xi32, #tpu.memory_space<vmem>> -> memref<1x50xi32, #tpu.memory_space<vmem>>
      %dma_wait3A_79 = tpu.memref_squeeze %dma_wait3A_78 : memref<1x50xi32, #tpu.memory_space<vmem>> -> memref<50xi32, #tpu.memory_space<vmem>>
      %dma_wait3A_80 = arith.constant 0 : i32
      %dma_wait3A_81 = arith.constant 0 : i32
      %dma_wait3A_82 = tpu.memref_slice %arg2[%dma_wait3A_80, %dma_wait3A_81] : memref<10000x128xf32, #tpu.memory_space<hbm>> -> memref<10000x128xf32, #tpu.memory_space<hbm>>
      tpu.wait_indirect_dma semaphore(%arg13 : memref<!tpu.dma_semaphore, #tpu.memory_space<semaphore_mem>>) src(%dma_wait3A_82 : memref<10000x128xf32, #tpu.memory_space<hbm>>) dst(%arg9 : memref<50x128xf32, #tpu.memory_space<vmem>>)
      %dma_wait3A_83 = arith.constant 1 : i32
      %dma_wait3A_84 = arith.constant 0 : i32
      %dma_wait3A_85 = tpu.memref_slice %arg6[%dma_wait3A_83, %dma_wait3A_84] : memref<2x50xi32, #tpu.memory_space<vmem>> -> memref<1x50xi32, #tpu.memory_space<vmem>>
      %dma_wait3A_86 = tpu.memref_squeeze %dma_wait3A_85 : memref<1x50xi32, #tpu.memory_space<vmem>> -> memref<50xi32, #tpu.memory_space<vmem>>
      %dma_wait3A_87 = arith.constant 0 : i32
      %dma_wait3A_88 = arith.constant 0 : i32
      %dma_wait3A_89 = tpu.memref_slice %arg2[%dma_wait3A_87, %dma_wait3A_88] : memref<10000x128xf32, #tpu.memory_space<hbm>> -> memref<10000x128xf32, #tpu.memory_space<hbm>>
      tpu.wait_indirect_dma semaphore(%arg13 : memref<!tpu.dma_semaphore, #tpu.memory_space<semaphore_mem>>) src(%dma_wait3A_89 : memref<10000x128xf32, #tpu.memory_space<hbm>>) dst(%arg10 : memref<50x128xf32, #tpu.memory_space<vmem>>)
      %add3A_90 = arith.constant 1 : i32
      %add3A_91 = arith.addi %mul3A_36, %add3A_90 : i32
      %scan3A_92 = arith.constant 0 : i32
      %scan3A_93 = arith.constant 0 : i32
      %scan3A_94 = arith.constant 25 : i32
      %scan3A_95 = arith.addi %scan3A_93, %scan3A_94 : i32
      %scan3A_96 = arith.constant 1 : i32
      %scan3A_97 = scf.for %scan3A_121 = %scan3A_93 to %scan3A_95 step %scan3A_96 iter_args(%scan3A_122 = %scan3A_92) -> (i32)  : i32 {
        %broadcast_in_dim3A = arith.constant 0.000000e+00 : f32
        %broadcast_in_dim3A_123 = vector.broadcast %broadcast_in_dim3A : f32 to vector<16xf32>
        %mul3A_124 = arith.constant 2 : i32
        %mul3A_125 = arith.muli %mul3A_124, %scan3A_121 : i32
        %add3A_126 = arith.constant 0 : i32
        %add3A_127 = arith.addi %mul3A_125, %add3A_126 : i32
        %get3A = arith.index_cast %add3A_127 : i32 to index
        %get3A_128 = arith.constant 0 : index
        %get3A_129 = tpu.vector_load %arg9[%get3A, %get3A_128] {strides = array<i32>} : memref<50x128xf32, #tpu.memory_space<vmem>>, vector<16xf32>,
        %get3A_130 = arith.index_cast %add3A_127 : i32 to index
        %get3A_131 = arith.constant 0 : index
        %get3A_132 = tpu.vector_load %arg10[%get3A_130, %get3A_131] {strides = array<i32>} : memref<50x128xf32, #tpu.memory_space<vmem>>, vector<16xf32>,
        %mul3A_133 = arith.mulf %get3A_129, %get3A_132 : vector<16xf32>
        %reduce_sum3A = arith.constant true
        %reduce_sum3A_134 = vector.broadcast %reduce_sum3A : i1 to vector<16xi1>
        %reduce_sum3A_135 = tpu.scan <sum>, %mul3A_133 masked %reduce_sum3A_134 : vector<16xf32>, vector<16xi1> -> vector<16xf32>
        %reduce_sum3A_136 = vector.extract %reduce_sum3A_135[15] : f32 from vector<16xf32>
        %eq3A_137 = arith.constant 0 : i32
        %eq3A_138 = vector.broadcast %eq3A_137 : i32 to vector<16xi32>
        %eq3A_139 = arith.cmpi eq, %iota3A, %eq3A_138 : vector<16xi32>
        %broadcast_in_dim3A_140 = vector.broadcast %reduce_sum3A_136 : f32 to vector<16xf32>
        %select_n3A_141 = arith.select %eq3A_139, %broadcast_in_dim3A_140, %broadcast_in_dim3A_123 : vector<16xi1>, vector<16xf32>
        %get3A_142 = arith.index_cast %add3A_127 : i32 to index
        %get3A_143 = arith.constant 16 : index
        %get3A_144 = tpu.vector_load %arg9[%get3A_142, %get3A_143] {strides = array<i32>} : memref<50x128xf32, #tpu.memory_space<vmem>>, vector<16xf32>,
        %get3A_145 = arith.index_cast %add3A_127 : i32 to index
        %get3A_146 = arith.constant 16 : index
        %get3A_147 = tpu.vector_load %arg10[%get3A_145, %get3A_146] {strides = array<i32>} : memref<50x128xf32, #tpu.memory_space<vmem>>, vector<16xf32>,
        %mul3A_148 = arith.mulf %get3A_144, %get3A_147 : vector<16xf32>
        %reduce_sum3A_149 = arith.constant true
        %reduce_sum3A_150 = vector.broadcast %reduce_sum3A_149 : i1 to vector<16xi1>
        %reduce_sum3A_151 = tpu.scan <sum>, %mul3A_148 masked %reduce_sum3A_150 : vector<16xf32>, vector<16xi1> -> vector<16xf32>
        %reduce_sum3A_152 = vector.extract %reduce_sum3A_151[15] : f32 from vector<16xf32>
        %eq3A_153 = arith.constant 1 : i32
        %eq3A_154 = vector.broadcast %eq3A_153 : i32 to vector<16xi32>
        %eq3A_155 = arith.cmpi eq, %iota3A, %eq3A_154 : vector<16xi32>
        %broadcast_in_dim3A_156 = vector.broadcast %reduce_sum3A_152 : f32 to vector<16xf32>
        %select_n3A_157 = arith.select %eq3A_155, %broadcast_in_dim3A_156, %select_n3A_141 : vector<16xi1>, vector<16xf32>
        %get3A_158 = arith.index_cast %add3A_127 : i32 to index
        %get3A_159 = arith.constant 32 : index
        %get3A_160 = tpu.vector_load %arg9[%get3A_158, %get3A_159] {strides = array<i32>} : memref<50x128xf32, #tpu.memory_space<vmem>>, vector<16xf32>,
        %get3A_161 = arith.index_cast %add3A_127 : i32 to index
        %get3A_162 = arith.constant 32 : index
        %get3A_163 = tpu.vector_load %arg10[%get3A_161, %get3A_162] {strides = array<i32>} : memref<50x128xf32, #tpu.memory_space<vmem>>, vector<16xf32>,
        %mul3A_164 = arith.mulf %get3A_160, %get3A_163 : vector<16xf32>
        %reduce_sum3A_165 = arith.constant true
        %reduce_sum3A_166 = vector.broadcast %reduce_sum3A_165 : i1 to vector<16xi1>
        %reduce_sum3A_167 = tpu.scan <sum>, %mul3A_164 masked %reduce_sum3A_166 : vector<16xf32>, vector<16xi1> -> vector<16xf32>
        %reduce_sum3A_168 = vector.extract %reduce_sum3A_167[15] : f32 from vector<16xf32>
        %eq3A_169 = arith.constant 2 : i32
        %eq3A_170 = vector.broadcast %eq3A_169 : i32 to vector<16xi32>
        %eq3A_171 = arith.cmpi eq, %iota3A, %eq3A_170 : vector<16xi32>
        %broadcast_in_dim3A_172 = vector.broadcast %reduce_sum3A_168 : f32 to vector<16xf32>
        %select_n3A_173 = arith.select %eq3A_171, %broadcast_in_dim3A_172, %select_n3A_157 : vector<16xi1>, vector<16xf32>
        %get3A_174 = arith.index_cast %add3A_127 : i32 to index
        %get3A_175 = arith.constant 48 : index
        %get3A_176 = tpu.vector_load %arg9[%get3A_174, %get3A_175] {strides = array<i32>} : memref<50x128xf32, #tpu.memory_space<vmem>>, vector<16xf32>,
        %get3A_177 = arith.index_cast %add3A_127 : i32 to index
        %get3A_178 = arith.constant 48 : index
        %get3A_179 = tpu.vector_load %arg10[%get3A_177, %get3A_178] {strides = array<i32>} : memref<50x128xf32, #tpu.memory_space<vmem>>, vector<16xf32>,
        %mul3A_180 = arith.mulf %get3A_176, %get3A_179 : vector<16xf32>
        %reduce_sum3A_181 = arith.constant true
        %reduce_sum3A_182 = vector.broadcast %reduce_sum3A_181 : i1 to vector<16xi1>
        %reduce_sum3A_183 = tpu.scan <sum>, %mul3A_180 masked %reduce_sum3A_182 : vector<16xf32>, vector<16xi1> -> vector<16xf32>
        %reduce_sum3A_184 = vector.extract %reduce_sum3A_183[15] : f32 from vector<16xf32>
        %eq3A_185 = arith.constant 3 : i32
        %eq3A_186 = vector.broadcast %eq3A_185 : i32 to vector<16xi32>
        %eq3A_187 = arith.cmpi eq, %iota3A, %eq3A_186 : vector<16xi32>
        %broadcast_in_dim3A_188 = vector.broadcast %reduce_sum3A_184 : f32 to vector<16xf32>
        %select_n3A_189 = arith.select %eq3A_187, %broadcast_in_dim3A_188, %select_n3A_173 : vector<16xi1>, vector<16xf32>
        %get3A_190 = arith.index_cast %add3A_127 : i32 to index
        %get3A_191 = arith.constant 64 : index
        %get3A_192 = tpu.vector_load %arg9[%get3A_190, %get3A_191] {strides = array<i32>} : memref<50x128xf32, #tpu.memory_space<vmem>>, vector<16xf32>,
        %get3A_193 = arith.index_cast %add3A_127 : i32 to index
        %get3A_194 = arith.constant 64 : index
        %get3A_195 = tpu.vector_load %arg10[%get3A_193, %get3A_194] {strides = array<i32>} : memref<50x128xf32, #tpu.memory_space<vmem>>, vector<16xf32>,
        %mul3A_196 = arith.mulf %get3A_192, %get3A_195 : vector<16xf32>
        %reduce_sum3A_197 = arith.constant true
        %reduce_sum3A_198 = vector.broadcast %reduce_sum3A_197 : i1 to vector<16xi1>
        %reduce_sum3A_199 = tpu.scan <sum>, %mul3A_196 masked %reduce_sum3A_198 : vector<16xf32>, vector<16xi1> -> vector<16xf32>
        %reduce_sum3A_200 = vector.extract %reduce_sum3A_199[15] : f32 from vector<16xf32>
        %eq3A_201 = arith.constant 4 : i32
        %eq3A_202 = vector.broadcast %eq3A_201 : i32 to vector<16xi32>
        %eq3A_203 = arith.cmpi eq, %iota3A, %eq3A_202 : vector<16xi32>
        %broadcast_in_dim3A_204 = vector.broadcast %reduce_sum3A_200 : f32 to vector<16xf32>
        %select_n3A_205 = arith.select %eq3A_203, %broadcast_in_dim3A_204, %select_n3A_189 : vector<16xi1>, vector<16xf32>
        %get3A_206 = arith.index_cast %add3A_127 : i32 to index
        %get3A_207 = arith.constant 80 : index
        %get3A_208 = tpu.vector_load %arg9[%get3A_206, %get3A_207] {strides = array<i32>} : memref<50x128xf32, #tpu.memory_space<vmem>>, vector<16xf32>,
        %get3A_209 = arith.index_cast %add3A_127 : i32 to index
        %get3A_210 = arith.constant 80 : index
        %get3A_211 = tpu.vector_load %arg10[%get3A_209, %get3A_210] {strides = array<i32>} : memref<50x128xf32, #tpu.memory_space<vmem>>, vector<16xf32>,
        %mul3A_212 = arith.mulf %get3A_208, %get3A_211 : vector<16xf32>
        %reduce_sum3A_213 = arith.constant true
        %reduce_sum3A_214 = vector.broadcast %reduce_sum3A_213 : i1 to vector<16xi1>
        %reduce_sum3A_215 = tpu.scan <sum>, %mul3A_212 masked %reduce_sum3A_214 : vector<16xf32>, vector<16xi1> -> vector<16xf32>
        %reduce_sum3A_216 = vector.extract %reduce_sum3A_215[15] : f32 from vector<16xf32>
        %eq3A_217 = arith.constant 5 : i32
        %eq3A_218 = vector.broadcast %eq3A_217 : i32 to vector<16xi32>
        %eq3A_219 = arith.cmpi eq, %iota3A, %eq3A_218 : vector<16xi32>
        %broadcast_in_dim3A_220 = vector.broadcast %reduce_sum3A_216 : f32 to vector<16xf32>
        %select_n3A_221 = arith.select %eq3A_219, %broadcast_in_dim3A_220, %select_n3A_205 : vector<16xi1>, vector<16xf32>
        %get3A_222 = arith.index_cast %add3A_127 : i32 to index
        %get3A_223 = arith.constant 96 : index
        %get3A_224 = tpu.vector_load %arg9[%get3A_222, %get3A_223] {strides = array<i32>} : memref<50x128xf32, #tpu.memory_space<vmem>>, vector<16xf32>,
        %get3A_225 = arith.index_cast %add3A_127 : i32 to index
        %get3A_226 = arith.constant 96 : index
        %get3A_227 = tpu.vector_load %arg10[%get3A_225, %get3A_226] {strides = array<i32>} : memref<50x128xf32, #tpu.memory_space<vmem>>, vector<16xf32>,
        %mul3A_228 = arith.mulf %get3A_224, %get3A_227 : vector<16xf32>
        %reduce_sum3A_229 = arith.constant true
        %reduce_sum3A_230 = vector.broadcast %reduce_sum3A_229 : i1 to vector<16xi1>
        %reduce_sum3A_231 = tpu.scan <sum>, %mul3A_228 masked %reduce_sum3A_230 : vector<16xf32>, vector<16xi1> -> vector<16xf32>
        %reduce_sum3A_232 = vector.extract %reduce_sum3A_231[15] : f32 from vector<16xf32>
        %eq3A_233 = arith.constant 6 : i32
        %eq3A_234 = vector.broadcast %eq3A_233 : i32 to vector<16xi32>
        %eq3A_235 = arith.cmpi eq, %iota3A, %eq3A_234 : vector<16xi32>
        %broadcast_in_dim3A_236 = vector.broadcast %reduce_sum3A_232 : f32 to vector<16xf32>
        %select_n3A_237 = arith.select %eq3A_235, %broadcast_in_dim3A_236, %select_n3A_221 : vector<16xi1>, vector<16xf32>
        %get3A_238 = arith.index_cast %add3A_127 : i32 to index
        %get3A_239 = arith.constant 112 : index
        %get3A_240 = tpu.vector_load %arg9[%get3A_238, %get3A_239] {strides = array<i32>} : memref<50x128xf32, #tpu.memory_space<vmem>>, vector<16xf32>,
        %get3A_241 = arith.index_cast %add3A_127 : i32 to index
        %get3A_242 = arith.constant 112 : index
        %get3A_243 = tpu.vector_load %arg10[%get3A_241, %get3A_242] {strides = array<i32>} : memref<50x128xf32, #tpu.memory_space<vmem>>, vector<16xf32>,
        %mul3A_244 = arith.mulf %get3A_240, %get3A_243 : vector<16xf32>
        %reduce_sum3A_245 = arith.constant true
        %reduce_sum3A_246 = vector.broadcast %reduce_sum3A_245 : i1 to vector<16xi1>
        %reduce_sum3A_247 = tpu.scan <sum>, %mul3A_244 masked %reduce_sum3A_246 : vector<16xf32>, vector<16xi1> -> vector<16xf32>
        %reduce_sum3A_248 = vector.extract %reduce_sum3A_247[15] : f32 from vector<16xf32>
        %eq3A_249 = arith.constant 7 : i32
        %eq3A_250 = vector.broadcast %eq3A_249 : i32 to vector<16xi32>
        %eq3A_251 = arith.cmpi eq, %iota3A, %eq3A_250 : vector<16xi32>
        %broadcast_in_dim3A_252 = vector.broadcast %reduce_sum3A_248 : f32 to vector<16xf32>
        %select_n3A_253 = arith.select %eq3A_251, %broadcast_in_dim3A_252, %select_n3A_237 : vector<16xi1>, vector<16xf32>
        %mul3A_254 = arith.constant 2 : i32
        %mul3A_255 = arith.muli %mul3A_254, %scan3A_121 : i32
        %add3A_256 = arith.constant 1 : i32
        %add3A_257 = arith.addi %mul3A_255, %add3A_256 : i32
        %get3A_258 = arith.index_cast %add3A_257 : i32 to index
        %get3A_259 = arith.constant 0 : index
        %get3A_260 = tpu.vector_load %arg9[%get3A_258, %get3A_259] {strides = array<i32>} : memref<50x128xf32, #tpu.memory_space<vmem>>, vector<16xf32>,
        %get3A_261 = arith.index_cast %add3A_257 : i32 to index
        %get3A_262 = arith.constant 0 : index
        %get3A_263 = tpu.vector_load %arg10[%get3A_261, %get3A_262] {strides = array<i32>} : memref<50x128xf32, #tpu.memory_space<vmem>>, vector<16xf32>,
        %mul3A_264 = arith.mulf %get3A_260, %get3A_263 : vector<16xf32>
        %reduce_sum3A_265 = arith.constant true
        %reduce_sum3A_266 = vector.broadcast %reduce_sum3A_265 : i1 to vector<16xi1>
        %reduce_sum3A_267 = tpu.scan <sum>, %mul3A_264 masked %reduce_sum3A_266 : vector<16xf32>, vector<16xi1> -> vector<16xf32>
        %reduce_sum3A_268 = vector.extract %reduce_sum3A_267[15] : f32 from vector<16xf32>
        %eq3A_269 = arith.constant 8 : i32
        %eq3A_270 = vector.broadcast %eq3A_269 : i32 to vector<16xi32>
        %eq3A_271 = arith.cmpi eq, %iota3A, %eq3A_270 : vector<16xi32>
        %broadcast_in_dim3A_272 = vector.broadcast %reduce_sum3A_268 : f32 to vector<16xf32>
        %select_n3A_273 = arith.select %eq3A_271, %broadcast_in_dim3A_272, %select_n3A_253 : vector<16xi1>, vector<16xf32>
        %get3A_274 = arith.index_cast %add3A_257 : i32 to index
        %get3A_275 = arith.constant 16 : index
        %get3A_276 = tpu.vector_load %arg9[%get3A_274, %get3A_275] {strides = array<i32>} : memref<50x128xf32, #tpu.memory_space<vmem>>, vector<16xf32>,
        %get3A_277 = arith.index_cast %add3A_257 : i32 to index
        %get3A_278 = arith.constant 16 : index
        %get3A_279 = tpu.vector_load %arg10[%get3A_277, %get3A_278] {strides = array<i32>} : memref<50x128xf32, #tpu.memory_space<vmem>>, vector<16xf32>,
        %mul3A_280 = arith.mulf %get3A_276, %get3A_279 : vector<16xf32>
        %reduce_sum3A_281 = arith.constant true
        %reduce_sum3A_282 = vector.broadcast %reduce_sum3A_281 : i1 to vector<16xi1>
        %reduce_sum3A_283 = tpu.scan <sum>, %mul3A_280 masked %reduce_sum3A_282 : vector<16xf32>, vector<16xi1> -> vector<16xf32>
        %reduce_sum3A_284 = vector.extract %reduce_sum3A_283[15] : f32 from vector<16xf32>
        %eq3A_285 = arith.constant 9 : i32
        %eq3A_286 = vector.broadcast %eq3A_285 : i32 to vector<16xi32>
        %eq3A_287 = arith.cmpi eq, %iota3A, %eq3A_286 : vector<16xi32>
        %broadcast_in_dim3A_288 = vector.broadcast %reduce_sum3A_284 : f32 to vector<16xf32>
        %select_n3A_289 = arith.select %eq3A_287, %broadcast_in_dim3A_288, %select_n3A_273 : vector<16xi1>, vector<16xf32>
        %get3A_290 = arith.index_cast %add3A_257 : i32 to index
        %get3A_291 = arith.constant 32 : index
        %get3A_292 = tpu.vector_load %arg9[%get3A_290, %get3A_291] {strides = array<i32>} : memref<50x128xf32, #tpu.memory_space<vmem>>, vector<16xf32>,
        %get3A_293 = arith.index_cast %add3A_257 : i32 to index
        %get3A_294 = arith.constant 32 : index
        %get3A_295 = tpu.vector_load %arg10[%get3A_293, %get3A_294] {strides = array<i32>} : memref<50x128xf32, #tpu.memory_space<vmem>>, vector<16xf32>,
        %mul3A_296 = arith.mulf %get3A_292, %get3A_295 : vector<16xf32>
        %reduce_sum3A_297 = arith.constant true
        %reduce_sum3A_298 = vector.broadcast %reduce_sum3A_297 : i1 to vector<16xi1>
        %reduce_sum3A_299 = tpu.scan <sum>, %mul3A_296 masked %reduce_sum3A_298 : vector<16xf32>, vector<16xi1> -> vector<16xf32>
        %reduce_sum3A_300 = vector.extract %reduce_sum3A_299[15] : f32 from vector<16xf32>
        %eq3A_301 = arith.constant 10 : i32
        %eq3A_302 = vector.broadcast %eq3A_301 : i32 to vector<16xi32>
        %eq3A_303 = arith.cmpi eq, %iota3A, %eq3A_302 : vector<16xi32>
        %broadcast_in_dim3A_304 = vector.broadcast %reduce_sum3A_300 : f32 to vector<16xf32>
        %select_n3A_305 = arith.select %eq3A_303, %broadcast_in_dim3A_304, %select_n3A_289 : vector<16xi1>, vector<16xf32>
        %get3A_306 = arith.index_cast %add3A_257 : i32 to index
        %get3A_307 = arith.constant 48 : index
        %get3A_308 = tpu.vector_load %arg9[%get3A_306, %get3A_307] {strides = array<i32>} : memref<50x128xf32, #tpu.memory_space<vmem>>, vector<16xf32>,
        %get3A_309 = arith.index_cast %add3A_257 : i32 to index
        %get3A_310 = arith.constant 48 : index
        %get3A_311 = tpu.vector_load %arg10[%get3A_309, %get3A_310] {strides = array<i32>} : memref<50x128xf32, #tpu.memory_space<vmem>>, vector<16xf32>,
        %mul3A_312 = arith.mulf %get3A_308, %get3A_311 : vector<16xf32>
        %reduce_sum3A_313 = arith.constant true
        %reduce_sum3A_314 = vector.broadcast %reduce_sum3A_313 : i1 to vector<16xi1>
        %reduce_sum3A_315 = tpu.scan <sum>, %mul3A_312 masked %reduce_sum3A_314 : vector<16xf32>, vector<16xi1> -> vector<16xf32>
        %reduce_sum3A_316 = vector.extract %reduce_sum3A_315[15] : f32 from vector<16xf32>
        %eq3A_317 = arith.constant 11 : i32
        %eq3A_318 = vector.broadcast %eq3A_317 : i32 to vector<16xi32>
        %eq3A_319 = arith.cmpi eq, %iota3A, %eq3A_318 : vector<16xi32>
        %broadcast_in_dim3A_320 = vector.broadcast %reduce_sum3A_316 : f32 to vector<16xf32>
        %select_n3A_321 = arith.select %eq3A_319, %broadcast_in_dim3A_320, %select_n3A_305 : vector<16xi1>, vector<16xf32>
        %get3A_322 = arith.index_cast %add3A_257 : i32 to index
        %get3A_323 = arith.constant 64 : index
        %get3A_324 = tpu.vector_load %arg9[%get3A_322, %get3A_323] {strides = array<i32>} : memref<50x128xf32, #tpu.memory_space<vmem>>, vector<16xf32>,
        %get3A_325 = arith.index_cast %add3A_257 : i32 to index
        %get3A_326 = arith.constant 64 : index
        %get3A_327 = tpu.vector_load %arg10[%get3A_325, %get3A_326] {strides = array<i32>} : memref<50x128xf32, #tpu.memory_space<vmem>>, vector<16xf32>,
        %mul3A_328 = arith.mulf %get3A_324, %get3A_327 : vector<16xf32>
        %reduce_sum3A_329 = arith.constant true
        %reduce_sum3A_330 = vector.broadcast %reduce_sum3A_329 : i1 to vector<16xi1>
        %reduce_sum3A_331 = tpu.scan <sum>, %mul3A_328 masked %reduce_sum3A_330 : vector<16xf32>, vector<16xi1> -> vector<16xf32>
        %reduce_sum3A_332 = vector.extract %reduce_sum3A_331[15] : f32 from vector<16xf32>
        %eq3A_333 = arith.constant 12 : i32
        %eq3A_334 = vector.broadcast %eq3A_333 : i32 to vector<16xi32>
        %eq3A_335 = arith.cmpi eq, %iota3A, %eq3A_334 : vector<16xi32>
        %broadcast_in_dim3A_336 = vector.broadcast %reduce_sum3A_332 : f32 to vector<16xf32>
        %select_n3A_337 = arith.select %eq3A_335, %broadcast_in_dim3A_336, %select_n3A_321 : vector<16xi1>, vector<16xf32>
        %get3A_338 = arith.index_cast %add3A_257 : i32 to index
        %get3A_339 = arith.constant 80 : index
        %get3A_340 = tpu.vector_load %arg9[%get3A_338, %get3A_339] {strides = array<i32>} : memref<50x128xf32, #tpu.memory_space<vmem>>, vector<16xf32>,
        %get3A_341 = arith.index_cast %add3A_257 : i32 to index
        %get3A_342 = arith.constant 80 : index
        %get3A_343 = tpu.vector_load %arg10[%get3A_341, %get3A_342] {strides = array<i32>} : memref<50x128xf32, #tpu.memory_space<vmem>>, vector<16xf32>,
        %mul3A_344 = arith.mulf %get3A_340, %get3A_343 : vector<16xf32>
        %reduce_sum3A_345 = arith.constant true
        %reduce_sum3A_346 = vector.broadcast %reduce_sum3A_345 : i1 to vector<16xi1>
        %reduce_sum3A_347 = tpu.scan <sum>, %mul3A_344 masked %reduce_sum3A_346 : vector<16xf32>, vector<16xi1> -> vector<16xf32>
        %reduce_sum3A_348 = vector.extract %reduce_sum3A_347[15] : f32 from vector<16xf32>
        %eq3A_349 = arith.constant 13 : i32
        %eq3A_350 = vector.broadcast %eq3A_349 : i32 to vector<16xi32>
        %eq3A_351 = arith.cmpi eq, %iota3A, %eq3A_350 : vector<16xi32>
        %broadcast_in_dim3A_352 = vector.broadcast %reduce_sum3A_348 : f32 to vector<16xf32>
        %select_n3A_353 = arith.select %eq3A_351, %broadcast_in_dim3A_352, %select_n3A_337 : vector<16xi1>, vector<16xf32>
        %get3A_354 = arith.index_cast %add3A_257 : i32 to index
        %get3A_355 = arith.constant 96 : index
        %get3A_356 = tpu.vector_load %arg9[%get3A_354, %get3A_355] {strides = array<i32>} : memref<50x128xf32, #tpu.memory_space<vmem>>, vector<16xf32>,
        %get3A_357 = arith.index_cast %add3A_257 : i32 to index
        %get3A_358 = arith.constant 96 : index
        %get3A_359 = tpu.vector_load %arg10[%get3A_357, %get3A_358] {strides = array<i32>} : memref<50x128xf32, #tpu.memory_space<vmem>>, vector<16xf32>,
        %mul3A_360 = arith.mulf %get3A_356, %get3A_359 : vector<16xf32>
        %reduce_sum3A_361 = arith.constant true
        %reduce_sum3A_362 = vector.broadcast %reduce_sum3A_361 : i1 to vector<16xi1>
        %reduce_sum3A_363 = tpu.scan <sum>, %mul3A_360 masked %reduce_sum3A_362 : vector<16xf32>, vector<16xi1> -> vector<16xf32>
        %reduce_sum3A_364 = vector.extract %reduce_sum3A_363[15] : f32 from vector<16xf32>
        %eq3A_365 = arith.constant 14 : i32
        %eq3A_366 = vector.broadcast %eq3A_365 : i32 to vector<16xi32>
        %eq3A_367 = arith.cmpi eq, %iota3A, %eq3A_366 : vector<16xi32>
        %broadcast_in_dim3A_368 = vector.broadcast %reduce_sum3A_364 : f32 to vector<16xf32>
        %select_n3A_369 = arith.select %eq3A_367, %broadcast_in_dim3A_368, %select_n3A_353 : vector<16xi1>, vector<16xf32>
        %get3A_370 = arith.index_cast %add3A_257 : i32 to index
        %get3A_371 = arith.constant 112 : index
        %get3A_372 = tpu.vector_load %arg9[%get3A_370, %get3A_371] {strides = array<i32>} : memref<50x128xf32, #tpu.memory_space<vmem>>, vector<16xf32>,
        %get3A_373 = arith.index_cast %add3A_257 : i32 to index
        %get3A_374 = arith.constant 112 : index
        %get3A_375 = tpu.vector_load %arg10[%get3A_373, %get3A_374] {strides = array<i32>} : memref<50x128xf32, #tpu.memory_space<vmem>>, vector<16xf32>,
        %mul3A_376 = arith.mulf %get3A_372, %get3A_375 : vector<16xf32>
        %reduce_sum3A_377 = arith.constant true
        %reduce_sum3A_378 = vector.broadcast %reduce_sum3A_377 : i1 to vector<16xi1>
        %reduce_sum3A_379 = tpu.scan <sum>, %mul3A_376 masked %reduce_sum3A_378 : vector<16xf32>, vector<16xi1> -> vector<16xf32>
        %reduce_sum3A_380 = vector.extract %reduce_sum3A_379[15] : f32 from vector<16xf32>
        %eq3A_381 = arith.constant 15 : i32
        %eq3A_382 = vector.broadcast %eq3A_381 : i32 to vector<16xi32>
        %eq3A_383 = arith.cmpi eq, %iota3A, %eq3A_382 : vector<16xi32>
        %broadcast_in_dim3A_384 = vector.broadcast %reduce_sum3A_380 : f32 to vector<16xf32>
        %select_n3A_385 = arith.select %eq3A_383, %broadcast_in_dim3A_384, %select_n3A_369 : vector<16xi1>, vector<16xf32>
        %mul3A_386 = arith.constant 50 : i32
        %mul3A_387 = arith.muli %add3A_91, %mul3A_386 : i32
        %mul3A_388 = arith.constant 8 : i32
        %mul3A_389 = arith.muli %mul3A_387, %mul3A_388 : i32
        %mul3A_390 = arith.constant 16 : i32
        %mul3A_391 = arith.muli %scan3A_121, %mul3A_390 : i32
        %add3A_392 = arith.addi %mul3A_389, %mul3A_391 : i32
        %swap3A = arith.index_cast %add3A_392 : i32 to index
        %swap3A_393 = tpu.vector_load %arg11[%swap3A] {strides = array<i32>} : memref<1600xf32, #tpu.memory_space<vmem>>, vector<16xf32>,
        tpu.vector_store %arg11[%swap3A], %select_n3A_385 {strides = array<i32>} : memref<1600xf32, #tpu.memory_space<vmem>>, vector<16xf32>,
        %scan3A_394 = arith.constant 0 : i32
        scf.yield %scan3A_394 : i32
      }
      %scan3A_98 = arith.constant 25 : i32
      %jit3A_99 = arith.constant 2 : i32
      %eq3A_100 = arith.constant 0 : i32
      %eq3A_101 = arith.cmpi eq, %jit3A_99, %eq3A_100 : i32
      %jit3A_102 = arith.constant 1 : i32
      %select_n3A_103 = arith.select %eq3A_101, %jit3A_102, %jit3A_99 : i32
      %rem3A_104 = arith.remsi %scan3A_22, %select_n3A_103 : i32
      %ne3A_105 = arith.constant 0 : i32
      %ne3A_106 = arith.cmpi ne, %rem3A_104, %ne3A_105 : i32
      %lt3A_107 = arith.constant 0 : i32
      %lt3A_108 = arith.cmpi slt, %rem3A_104, %lt3A_107 : i32
      %lt3A_109 = arith.constant 0 : i32
      %lt3A_110 = arith.cmpi slt, %select_n3A_103, %lt3A_109 : i32
      %ne3A_111 = arith.xori %lt3A_108, %lt3A_110 : i1
      %and3A_112 = arith.andi %ne3A_111, %ne3A_106 : i1
      %add3A_113 = arith.addi %rem3A_104, %select_n3A_103 : i32
      %select_n3A_114 = arith.select %and3A_112, %add3A_113, %rem3A_104 : i32
      %eq3A_115 = arith.constant 1 : i32
      %eq3A_116 = arith.cmpi eq, %select_n3A_114, %eq3A_115 : i32
      %convert_element_type3A_117 = arith.extui %eq3A_116 : i1 to i32
      %cond3A_118 = arith.constant 0 : i32
      %cond3A_119 = arith.cmpi ne, %convert_element_type3A_117, %cond3A_118 : i32
      scf.if %cond3A_119 {
        %sub3A = arith.constant 2 : i32
        %sub3A_121 = arith.subi %mul3A_25, %sub3A : i32
        %mul3A_122 = arith.constant 50 : i32
        %mul3A_123 = arith.muli %sub3A_121, %mul3A_122 : i32
        %add3A_124 = arith.addi %mul3A_2, %mul3A_123 : i32
        %mul3A_125 = arith.constant 8 : i32
        %mul3A_126 = arith.muli %add3A_124, %mul3A_125 : i32
        "tpu.region"() ({
          %run_scoped3A_127 = tpu.sem_alloc : memref<!tpu.dma_semaphore, #tpu.memory_space<semaphore_mem>>
          %dma_start3A_128 = tpu.memref_slice %arg4[%mul3A_126] : memref<2560000xf32, #tpu.memory_space<hbm>> -> memref<1600xf32, #tpu.memory_space<hbm>>
          %dma_start3A_129 = tpu.memref_slice %arg4[%mul3A_126] : memref<2560000xf32, #tpu.memory_space<hbm>> -> memref<1600xf32, #tpu.memory_space<hbm>>
          tpu.enqueue_dma source(%arg11 : memref<1600xf32, #tpu.memory_space<vmem>>) target(%dma_start3A_129 : memref<1600xf32, #tpu.memory_space<hbm>>) target_semaphore(%run_scoped3A_127 : memref<!tpu.dma_semaphore, #tpu.memory_space<semaphore_mem>>)
          %dma_wait3A_130 = tpu.memref_slice %arg4[%mul3A_126] : memref<2560000xf32, #tpu.memory_space<hbm>> -> memref<1600xf32, #tpu.memory_space<hbm>>
          %dma_wait3A_131 = tpu.memref_slice %arg4[%mul3A_126] : memref<2560000xf32, #tpu.memory_space<hbm>> -> memref<1600xf32, #tpu.memory_space<hbm>>
          tpu.wait_dma2 semaphore(%run_scoped3A_127 : memref<!tpu.dma_semaphore, #tpu.memory_space<semaphore_mem>>) src(%arg11 : memref<1600xf32, #tpu.memory_space<vmem>>) dst(%dma_wait3A_131 : memref<1600xf32, #tpu.memory_space<hbm>>)
          tpu.yield
        }) : () -> ()
      } else {
      }
      %scan3A_120 = arith.constant 0 : i32
      scf.yield %scan3A_120 : i32
    }
    %scan3A_21 = arith.constant 100 : i32
    return
  }
}

#map = affine_map<(d0, d1) -> (0, 0)>
#map1 = affine_map<(d0, d1) -> (0, 0, 0, 0)>
#map2 = affine_map<(d0, d1) -> (0)>
module attributes {stable_mosaic.version = 14 : i64} {
  func.func @_sc_logits(%arg0: i32, %arg1: i32, %arg2: memref<10000x128xf32, #tpu.memory_space<hbm>>, %arg3: memref<10000x128xf32, #tpu.memory_space<hbm>>, %arg4: memref<32x200x2x50xi32, #tpu.memory_space<hbm>>, %arg5: memref<128xf32, #tpu.memory_space<hbm>>, %arg6: memref<2560000xf32, #tpu.memory_space<hbm>>, %arg7: memref<32x80000xf32, #tpu.memory_space<hbm>>, %arg8: memref<128xf32, #tpu.memory_space<vmem>>, %arg9: memref<2x50xi32, #tpu.memory_space<vmem>>, %arg10: memref<2x50xi32, #tpu.memory_space<vmem>>, %arg11: memref<50x128xf32, #tpu.memory_space<vmem>>, %arg12: memref<50x128xf32, #tpu.memory_space<vmem>>, %arg13: memref<50x128xf32, #tpu.memory_space<vmem>>, %arg14: memref<50x128xf32, #tpu.memory_space<vmem>>, %arg15: memref<1600xf32, #tpu.memory_space<vmem>>, %arg16: memref<80000xf32, #tpu.memory_space<vmem>>, %arg17: memref<!tpu.dma_semaphore, #tpu.memory_space<semaphore_mem>>, %arg18: memref<!tpu.dma_semaphore, #tpu.memory_space<semaphore_mem>>) attributes {dimension_semantics = [#tpu.dimension_semantics<core_parallel>, #tpu.dimension_semantics<subcore_parallel>], iteration_bounds = array<i64: 2, 16>, scalar_prefetch = 0 : i64, scratch_operands = 11 : i64, tpu.core_type = #tpu.core_type<sc_vector_subcore>, window_params = [{transform_indices = #map}, {transform_indices = #map}, {transform_indices = #map1}, {transform_indices = #map2}, {transform_indices = #map2}, {transform_indices = #map}]} {
    %mul3A = arith.constant 16 : i32
    %mul3A_0 = arith.muli %arg0, %mul3A : i32
    %add3A = arith.addi %mul3A_0, %arg1 : i32
    %mul3A_1 = arith.constant 10000 : i32
    %mul3A_2 = arith.muli %add3A, %mul3A_1 : i32
    "tpu.region"() ({
      %run_scoped3A_50 = tpu.sem_alloc : memref<!tpu.dma_semaphore, #tpu.memory_space<semaphore_mem>>
      tpu.enqueue_dma source(%arg5 : memref<128xf32, #tpu.memory_space<hbm>>) target(%arg8 : memref<128xf32, #tpu.memory_space<vmem>>) target_semaphore(%run_scoped3A_50 : memref<!tpu.dma_semaphore, #tpu.memory_space<semaphore_mem>>)
      tpu.wait_dma2 semaphore(%run_scoped3A_50 : memref<!tpu.dma_semaphore, #tpu.memory_space<semaphore_mem>>) src(%arg5 : memref<128xf32, #tpu.memory_space<hbm>>) dst(%arg8 : memref<128xf32, #tpu.memory_space<vmem>>)
      tpu.yield
    }) : () -> ()
    %scan3A = arith.constant 0 : i32
    %scan3A_3 = arith.constant 0 : i32
    %scan3A_4 = arith.constant 5000 : i32
    %scan3A_5 = arith.addi %scan3A_3, %scan3A_4 : i32
    %scan3A_6 = arith.constant 1 : i32
    %scan3A_7 = scf.for %scan3A_50 = %scan3A_3 to %scan3A_5 step %scan3A_6 iter_args(%scan3A_51 = %scan3A) -> (i32)  : i32 {
      %broadcast_in_dim3A_52 = arith.constant 0.000000e+00 : f32
      %broadcast_in_dim3A_53 = vector.broadcast %broadcast_in_dim3A_52 : f32 to vector<16xf32>
      %mul3A_54 = arith.constant 16 : i32
      %mul3A_55 = arith.muli %scan3A_50, %mul3A_54 : i32
      %swap3A = arith.index_cast %mul3A_55 : i32 to index
      %swap3A_56 = tpu.vector_load %arg16[%swap3A] {strides = array<i32>} : memref<80000xf32, #tpu.memory_space<vmem>>, vector<16xf32>,
      tpu.vector_store %arg16[%swap3A], %broadcast_in_dim3A_53 {strides = array<i32>} : memref<80000xf32, #tpu.memory_space<vmem>>, vector<16xf32>,
      %scan3A_57 = arith.constant 0 : i32
      scf.yield %scan3A_57 : i32
    }
    %scan3A_8 = arith.constant 5000 : i32
    %iota3A = tpu.iota {dimensions = array<i32: 0>} : vector<16xi32>
    %ge3A = arith.constant 8 : i32
    %ge3A_9 = vector.broadcast %ge3A : i32 to vector<16xi32>
    %ge3A_10 = arith.cmpi sge, %iota3A, %ge3A_9 : vector<16xi32>
    %convert_element_type3A = arith.extui %ge3A_10 : vector<16xi1> to vector<16xi32>
    %and3A = arith.constant 7 : i32
    %and3A_11 = vector.broadcast %and3A : i32 to vector<16xi32>
    %and3A_12 = arith.andi %iota3A, %and3A_11 : vector<16xi32>
    %iota3A_13 = tpu.iota {dimensions = array<i32: 0>} : vector<16xi32>
    %get3A = arith.constant 0 : index
    %get3A_14 = tpu.vector_load %arg8[%get3A] {strides = array<i32>} : memref<128xf32, #tpu.memory_space<vmem>>, vector<16xf32>,
    %get3A_15 = arith.constant 16 : index
    %get3A_16 = tpu.vector_load %arg8[%get3A_15] {strides = array<i32>} : memref<128xf32, #tpu.memory_space<vmem>>, vector<16xf32>,
    %get3A_17 = arith.constant 32 : index
    %get3A_18 = tpu.vector_load %arg8[%get3A_17] {strides = array<i32>} : memref<128xf32, #tpu.memory_space<vmem>>, vector<16xf32>,
    %get3A_19 = arith.constant 48 : index
    %get3A_20 = tpu.vector_load %arg8[%get3A_19] {strides = array<i32>} : memref<128xf32, #tpu.memory_space<vmem>>, vector<16xf32>,
    %get3A_21 = arith.constant 64 : index
    %get3A_22 = tpu.vector_load %arg8[%get3A_21] {strides = array<i32>} : memref<128xf32, #tpu.memory_space<vmem>>, vector<16xf32>,
    %get3A_23 = arith.constant 80 : index
    %get3A_24 = tpu.vector_load %arg8[%get3A_23] {strides = array<i32>} : memref<128xf32, #tpu.memory_space<vmem>>, vector<16xf32>,
    %get3A_25 = arith.constant 96 : index
    %get3A_26 = tpu.vector_load %arg8[%get3A_25] {strides = array<i32>} : memref<128xf32, #tpu.memory_space<vmem>>, vector<16xf32>,
    %get3A_27 = arith.constant 112 : index
    %get3A_28 = tpu.vector_load %arg8[%get3A_27] {strides = array<i32>} : memref<128xf32, #tpu.memory_space<vmem>>, vector<16xf32>,
    %broadcast_in_dim3A = arith.constant 1 : i32
    %broadcast_in_dim3A_29 = vector.broadcast %broadcast_in_dim3A : i32 to vector<16xi32>
    %run_scoped3A = arith.constant 0 : i32
    "tpu.region"() ({
      %run_scoped3A_50 = tpu.sem_alloc : memref<!tpu.dma_semaphore, #tpu.memory_space<semaphore_mem>>
      %dma_start3A_51 = arith.constant 0 : i32
      %dma_start3A_52 = arith.constant 0 : i32
      %dma_start3A_53 = arith.constant 0 : i32
      %dma_start3A_54 = tpu.memref_slice %arg4[%add3A, %dma_start3A_51, %dma_start3A_52, %dma_start3A_53] : memref<32x200x2x50xi32, #tpu.memory_space<hbm>> -> memref<1x200x2x50xi32, #tpu.memory_space<hbm>>
      %dma_start3A_55 = tpu.memref_squeeze %dma_start3A_54 : memref<1x200x2x50xi32, #tpu.memory_space<hbm>> -> memref<200x2x50xi32, #tpu.memory_space<hbm>>
      %dma_start3A_56 = arith.constant 0 : i32
      %dma_start3A_57 = arith.constant 0 : i32
      %dma_start3A_58 = tpu.memref_slice %dma_start3A_55[%run_scoped3A, %dma_start3A_56, %dma_start3A_57] : memref<200x2x50xi32, #tpu.memory_space<hbm>> -> memref<1x2x50xi32, #tpu.memory_space<hbm>>
      %dma_start3A_59 = tpu.memref_squeeze %dma_start3A_58 : memref<1x2x50xi32, #tpu.memory_space<hbm>> -> memref<2x50xi32, #tpu.memory_space<hbm>>
      %dma_start3A_60 = arith.constant 0 : i32
      %dma_start3A_61 = arith.constant 0 : i32
      %dma_start3A_62 = arith.constant 0 : i32
      %dma_start3A_63 = tpu.memref_slice %arg4[%add3A, %dma_start3A_60, %dma_start3A_61, %dma_start3A_62] : memref<32x200x2x50xi32, #tpu.memory_space<hbm>> -> memref<1x200x2x50xi32, #tpu.memory_space<hbm>>
      %dma_start3A_64 = tpu.memref_squeeze %dma_start3A_63 : memref<1x200x2x50xi32, #tpu.memory_space<hbm>> -> memref<200x2x50xi32, #tpu.memory_space<hbm>>
      %dma_start3A_65 = arith.constant 0 : i32
      %dma_start3A_66 = arith.constant 0 : i32
      %dma_start3A_67 = tpu.memref_slice %dma_start3A_64[%run_scoped3A, %dma_start3A_65, %dma_start3A_66] : memref<200x2x50xi32, #tpu.memory_space<hbm>> -> memref<1x2x50xi32, #tpu.memory_space<hbm>>
      %dma_start3A_68 = tpu.memref_squeeze %dma_start3A_67 : memref<1x2x50xi32, #tpu.memory_space<hbm>> -> memref<2x50xi32, #tpu.memory_space<hbm>>
      tpu.enqueue_dma source(%dma_start3A_68 : memref<2x50xi32, #tpu.memory_space<hbm>>) target(%arg9 : memref<2x50xi32, #tpu.memory_space<vmem>>) target_semaphore(%run_scoped3A_50 : memref<!tpu.dma_semaphore, #tpu.memory_space<semaphore_mem>>)
      %dma_wait3A = arith.constant 0 : i32
      %dma_wait3A_69 = arith.constant 0 : i32
      %dma_wait3A_70 = arith.constant 0 : i32
      %dma_wait3A_71 = tpu.memref_slice %arg4[%add3A, %dma_wait3A, %dma_wait3A_69, %dma_wait3A_70] : memref<32x200x2x50xi32, #tpu.memory_space<hbm>> -> memref<1x200x2x50xi32, #tpu.memory_space<hbm>>
      %dma_wait3A_72 = tpu.memref_squeeze %dma_wait3A_71 : memref<1x200x2x50xi32, #tpu.memory_space<hbm>> -> memref<200x2x50xi32, #tpu.memory_space<hbm>>
      %dma_wait3A_73 = arith.constant 0 : i32
      %dma_wait3A_74 = arith.constant 0 : i32
      %dma_wait3A_75 = tpu.memref_slice %dma_wait3A_72[%run_scoped3A, %dma_wait3A_73, %dma_wait3A_74] : memref<200x2x50xi32, #tpu.memory_space<hbm>> -> memref<1x2x50xi32, #tpu.memory_space<hbm>>
      %dma_wait3A_76 = tpu.memref_squeeze %dma_wait3A_75 : memref<1x2x50xi32, #tpu.memory_space<hbm>> -> memref<2x50xi32, #tpu.memory_space<hbm>>
      %dma_wait3A_77 = arith.constant 0 : i32
      %dma_wait3A_78 = arith.constant 0 : i32
      %dma_wait3A_79 = arith.constant 0 : i32
      %dma_wait3A_80 = tpu.memref_slice %arg4[%add3A, %dma_wait3A_77, %dma_wait3A_78, %dma_wait3A_79] : memref<32x200x2x50xi32, #tpu.memory_space<hbm>> -> memref<1x200x2x50xi32, #tpu.memory_space<hbm>>
      %dma_wait3A_81 = tpu.memref_squeeze %dma_wait3A_80 : memref<1x200x2x50xi32, #tpu.memory_space<hbm>> -> memref<200x2x50xi32, #tpu.memory_space<hbm>>
      %dma_wait3A_82 = arith.constant 0 : i32
      %dma_wait3A_83 = arith.constant 0 : i32
      %dma_wait3A_84 = tpu.memref_slice %dma_wait3A_81[%run_scoped3A, %dma_wait3A_82, %dma_wait3A_83] : memref<200x2x50xi32, #tpu.memory_space<hbm>> -> memref<1x2x50xi32, #tpu.memory_space<hbm>>
      %dma_wait3A_85 = tpu.memref_squeeze %dma_wait3A_84 : memref<1x2x50xi32, #tpu.memory_space<hbm>> -> memref<2x50xi32, #tpu.memory_space<hbm>>
      tpu.wait_dma2 semaphore(%run_scoped3A_50 : memref<!tpu.dma_semaphore, #tpu.memory_space<semaphore_mem>>) src(%dma_wait3A_85 : memref<2x50xi32, #tpu.memory_space<hbm>>) dst(%arg9 : memref<2x50xi32, #tpu.memory_space<vmem>>)
      tpu.yield
    }) : () -> ()
    %dma_start3A = arith.constant 0 : i32
    %dma_start3A_30 = arith.constant 0 : i32
    %dma_start3A_31 = tpu.memref_slice %arg9[%dma_start3A, %dma_start3A_30] : memref<2x50xi32, #tpu.memory_space<vmem>> -> memref<1x50xi32, #tpu.memory_space<vmem>>
    %dma_start3A_32 = tpu.memref_squeeze %dma_start3A_31 : memref<1x50xi32, #tpu.memory_space<vmem>> -> memref<50xi32, #tpu.memory_space<vmem>>
    %dma_start3A_33 = arith.constant 0 : i32
    %dma_start3A_34 = arith.constant 0 : i32
    %dma_start3A_35 = tpu.memref_slice %arg2[%dma_start3A_33, %dma_start3A_34] : memref<10000x128xf32, #tpu.memory_space<hbm>> -> memref<10000x128xf32, #tpu.memory_space<hbm>>
    tpu.enqueue_indirect_dma source(%dma_start3A_35 : memref<10000x128xf32, #tpu.memory_space<hbm>>) target(%arg11 : memref<50x128xf32, #tpu.memory_space<vmem>>) offsets(%dma_start3A_32 : memref<50xi32, #tpu.memory_space<vmem>>) semaphore(%arg17 : memref<!tpu.dma_semaphore, #tpu.memory_space<semaphore_mem>>)
    %dma_start3A_36 = arith.constant 1 : i32
    %dma_start3A_37 = arith.constant 0 : i32
    %dma_start3A_38 = tpu.memref_slice %arg9[%dma_start3A_36, %dma_start3A_37] : memref<2x50xi32, #tpu.memory_space<vmem>> -> memref<1x50xi32, #tpu.memory_space<vmem>>
    %dma_start3A_39 = tpu.memref_squeeze %dma_start3A_38 : memref<1x50xi32, #tpu.memory_space<vmem>> -> memref<50xi32, #tpu.memory_space<vmem>>
    %dma_start3A_40 = arith.constant 0 : i32
    %dma_start3A_41 = arith.constant 0 : i32
    %dma_start3A_42 = tpu.memref_slice %arg3[%dma_start3A_40, %dma_start3A_41] : memref<10000x128xf32, #tpu.memory_space<hbm>> -> memref<10000x128xf32, #tpu.memory_space<hbm>>
    tpu.enqueue_indirect_dma source(%dma_start3A_42 : memref<10000x128xf32, #tpu.memory_space<hbm>>) target(%arg12 : memref<50x128xf32, #tpu.memory_space<vmem>>) offsets(%dma_start3A_39 : memref<50xi32, #tpu.memory_space<vmem>>) semaphore(%arg17 : memref<!tpu.dma_semaphore, #tpu.memory_space<semaphore_mem>>)
    %scan3A_43 = arith.constant 0 : i32
    %scan3A_44 = arith.constant 0 : i32
    %scan3A_45 = arith.constant 100 : i32
    %scan3A_46 = arith.addi %scan3A_44, %scan3A_45 : i32
    %scan3A_47 = arith.constant 1 : i32
    %scan3A_48 = scf.for %scan3A_50 = %scan3A_44 to %scan3A_46 step %scan3A_47 iter_args(%scan3A_51 = %scan3A_43) -> (i32)  : i32 {
      %mul3A_52 = arith.constant 2 : i32
      %mul3A_53 = arith.muli %mul3A_52, %scan3A_50 : i32
      %jit3A = arith.constant 2 : i32
      %eq3A = arith.constant 0 : i32
      %eq3A_54 = arith.cmpi eq, %jit3A, %eq3A : i32
      %jit3A_55 = arith.constant 1 : i32
      %select_n3A = arith.select %eq3A_54, %jit3A_55, %jit3A : i32
      %rem3A = arith.remsi %scan3A_50, %select_n3A : i32
      %ne3A = arith.constant 0 : i32
      %ne3A_56 = arith.cmpi ne, %rem3A, %ne3A : i32
      %lt3A = arith.constant 0 : i32
      %lt3A_57 = arith.cmpi slt, %rem3A, %lt3A : i32
      %lt3A_58 = arith.constant 0 : i32
      %lt3A_59 = arith.cmpi slt, %select_n3A, %lt3A_58 : i32
      %ne3A_60 = arith.xori %lt3A_57, %lt3A_59 : i1
      %and3A_61 = arith.andi %ne3A_60, %ne3A_56 : i1
      %add3A_62 = arith.addi %rem3A, %select_n3A : i32
      %select_n3A_63 = arith.select %and3A_61, %add3A_62, %rem3A : i32
      %mul3A_64 = arith.constant 2 : i32
      %mul3A_65 = arith.muli %mul3A_64, %select_n3A_63 : i32
      %add3A_66 = arith.constant 1 : i32
      %add3A_67 = arith.addi %mul3A_53, %add3A_66 : i32
      "tpu.region"() ({
        %run_scoped3A_151 = tpu.sem_alloc : memref<!tpu.dma_semaphore, #tpu.memory_space<semaphore_mem>>
        %dma_start3A_152 = arith.constant 0 : i32
        %dma_start3A_153 = arith.constant 0 : i32
        %dma_start3A_154 = arith.constant 0 : i32
        %dma_start3A_155 = tpu.memref_slice %arg4[%add3A, %dma_start3A_152, %dma_start3A_153, %dma_start3A_154] : memref<32x200x2x50xi32, #tpu.memory_space<hbm>> -> memref<1x200x2x50xi32, #tpu.memory_space<hbm>>
        %dma_start3A_156 = tpu.memref_squeeze %dma_start3A_155 : memref<1x200x2x50xi32, #tpu.memory_space<hbm>> -> memref<200x2x50xi32, #tpu.memory_space<hbm>>
        %dma_start3A_157 = arith.constant 0 : i32
        %dma_start3A_158 = arith.constant 0 : i32
        %dma_start3A_159 = tpu.memref_slice %dma_start3A_156[%add3A_67, %dma_start3A_157, %dma_start3A_158] : memref<200x2x50xi32, #tpu.memory_space<hbm>> -> memref<1x2x50xi32, #tpu.memory_space<hbm>>
        %dma_start3A_160 = tpu.memref_squeeze %dma_start3A_159 : memref<1x2x50xi32, #tpu.memory_space<hbm>> -> memref<2x50xi32, #tpu.memory_space<hbm>>
        %dma_start3A_161 = arith.constant 0 : i32
        %dma_start3A_162 = arith.constant 0 : i32
        %dma_start3A_163 = arith.constant 0 : i32
        %dma_start3A_164 = tpu.memref_slice %arg4[%add3A, %dma_start3A_161, %dma_start3A_162, %dma_start3A_163] : memref<32x200x2x50xi32, #tpu.memory_space<hbm>> -> memref<1x200x2x50xi32, #tpu.memory_space<hbm>>
        %dma_start3A_165 = tpu.memref_squeeze %dma_start3A_164 : memref<1x200x2x50xi32, #tpu.memory_space<hbm>> -> memref<200x2x50xi32, #tpu.memory_space<hbm>>
        %dma_start3A_166 = arith.constant 0 : i32
        %dma_start3A_167 = arith.constant 0 : i32
        %dma_start3A_168 = tpu.memref_slice %dma_start3A_165[%add3A_67, %dma_start3A_166, %dma_start3A_167] : memref<200x2x50xi32, #tpu.memory_space<hbm>> -> memref<1x2x50xi32, #tpu.memory_space<hbm>>
        %dma_start3A_169 = tpu.memref_squeeze %dma_start3A_168 : memref<1x2x50xi32, #tpu.memory_space<hbm>> -> memref<2x50xi32, #tpu.memory_space<hbm>>
        tpu.enqueue_dma source(%dma_start3A_169 : memref<2x50xi32, #tpu.memory_space<hbm>>) target(%arg10 : memref<2x50xi32, #tpu.memory_space<vmem>>) target_semaphore(%run_scoped3A_151 : memref<!tpu.dma_semaphore, #tpu.memory_space<semaphore_mem>>)
        %dma_wait3A_170 = arith.constant 0 : i32
        %dma_wait3A_171 = arith.constant 0 : i32
        %dma_wait3A_172 = arith.constant 0 : i32
        %dma_wait3A_173 = tpu.memref_slice %arg4[%add3A, %dma_wait3A_170, %dma_wait3A_171, %dma_wait3A_172] : memref<32x200x2x50xi32, #tpu.memory_space<hbm>> -> memref<1x200x2x50xi32, #tpu.memory_space<hbm>>
        %dma_wait3A_174 = tpu.memref_squeeze %dma_wait3A_173 : memref<1x200x2x50xi32, #tpu.memory_space<hbm>> -> memref<200x2x50xi32, #tpu.memory_space<hbm>>
        %dma_wait3A_175 = arith.constant 0 : i32
        %dma_wait3A_176 = arith.constant 0 : i32
        %dma_wait3A_177 = tpu.memref_slice %dma_wait3A_174[%add3A_67, %dma_wait3A_175, %dma_wait3A_176] : memref<200x2x50xi32, #tpu.memory_space<hbm>> -> memref<1x2x50xi32, #tpu.memory_space<hbm>>
        %dma_wait3A_178 = tpu.memref_squeeze %dma_wait3A_177 : memref<1x2x50xi32, #tpu.memory_space<hbm>> -> memref<2x50xi32, #tpu.memory_space<hbm>>
        %dma_wait3A_179 = arith.constant 0 : i32
        %dma_wait3A_180 = arith.constant 0 : i32
        %dma_wait3A_181 = arith.constant 0 : i32
        %dma_wait3A_182 = tpu.memref_slice %arg4[%add3A, %dma_wait3A_179, %dma_wait3A_180, %dma_wait3A_181] : memref<32x200x2x50xi32, #tpu.memory_space<hbm>> -> memref<1x200x2x50xi32, #tpu.memory_space<hbm>>
        %dma_wait3A_183 = tpu.memref_squeeze %dma_wait3A_182 : memref<1x200x2x50xi32, #tpu.memory_space<hbm>> -> memref<200x2x50xi32, #tpu.memory_space<hbm>>
        %dma_wait3A_184 = arith.constant 0 : i32
        %dma_wait3A_185 = arith.constant 0 : i32
        %dma_wait3A_186 = tpu.memref_slice %dma_wait3A_183[%add3A_67, %dma_wait3A_184, %dma_wait3A_185] : memref<200x2x50xi32, #tpu.memory_space<hbm>> -> memref<1x2x50xi32, #tpu.memory_space<hbm>>
        %dma_wait3A_187 = tpu.memref_squeeze %dma_wait3A_186 : memref<1x2x50xi32, #tpu.memory_space<hbm>> -> memref<2x50xi32, #tpu.memory_space<hbm>>
        tpu.wait_dma2 semaphore(%run_scoped3A_151 : memref<!tpu.dma_semaphore, #tpu.memory_space<semaphore_mem>>) src(%dma_wait3A_187 : memref<2x50xi32, #tpu.memory_space<hbm>>) dst(%arg10 : memref<2x50xi32, #tpu.memory_space<vmem>>)
        tpu.yield
      }) : () -> ()
      %dma_start3A_68 = arith.constant 0 : i32
      %dma_start3A_69 = arith.constant 0 : i32
      %dma_start3A_70 = tpu.memref_slice %arg10[%dma_start3A_68, %dma_start3A_69] : memref<2x50xi32, #tpu.memory_space<vmem>> -> memref<1x50xi32, #tpu.memory_space<vmem>>
      %dma_start3A_71 = tpu.memref_squeeze %dma_start3A_70 : memref<1x50xi32, #tpu.memory_space<vmem>> -> memref<50xi32, #tpu.memory_space<vmem>>
      %dma_start3A_72 = arith.constant 0 : i32
      %dma_start3A_73 = arith.constant 0 : i32
      %dma_start3A_74 = tpu.memref_slice %arg2[%dma_start3A_72, %dma_start3A_73] : memref<10000x128xf32, #tpu.memory_space<hbm>> -> memref<10000x128xf32, #tpu.memory_space<hbm>>
      tpu.enqueue_indirect_dma source(%dma_start3A_74 : memref<10000x128xf32, #tpu.memory_space<hbm>>) target(%arg13 : memref<50x128xf32, #tpu.memory_space<vmem>>) offsets(%dma_start3A_71 : memref<50xi32, #tpu.memory_space<vmem>>) semaphore(%arg18 : memref<!tpu.dma_semaphore, #tpu.memory_space<semaphore_mem>>)
      %dma_start3A_75 = arith.constant 1 : i32
      %dma_start3A_76 = arith.constant 0 : i32
      %dma_start3A_77 = tpu.memref_slice %arg10[%dma_start3A_75, %dma_start3A_76] : memref<2x50xi32, #tpu.memory_space<vmem>> -> memref<1x50xi32, #tpu.memory_space<vmem>>
      %dma_start3A_78 = tpu.memref_squeeze %dma_start3A_77 : memref<1x50xi32, #tpu.memory_space<vmem>> -> memref<50xi32, #tpu.memory_space<vmem>>
      %dma_start3A_79 = arith.constant 0 : i32
      %dma_start3A_80 = arith.constant 0 : i32
      %dma_start3A_81 = tpu.memref_slice %arg3[%dma_start3A_79, %dma_start3A_80] : memref<10000x128xf32, #tpu.memory_space<hbm>> -> memref<10000x128xf32, #tpu.memory_space<hbm>>
      tpu.enqueue_indirect_dma source(%dma_start3A_81 : memref<10000x128xf32, #tpu.memory_space<hbm>>) target(%arg14 : memref<50x128xf32, #tpu.memory_space<vmem>>) offsets(%dma_start3A_78 : memref<50xi32, #tpu.memory_space<vmem>>) semaphore(%arg18 : memref<!tpu.dma_semaphore, #tpu.memory_space<semaphore_mem>>)
      %dma_wait3A = arith.constant 0 : i32
      %dma_wait3A_82 = arith.constant 0 : i32
      %dma_wait3A_83 = tpu.memref_slice %arg9[%dma_wait3A, %dma_wait3A_82] : memref<2x50xi32, #tpu.memory_space<vmem>> -> memref<1x50xi32, #tpu.memory_space<vmem>>
      %dma_wait3A_84 = tpu.memref_squeeze %dma_wait3A_83 : memref<1x50xi32, #tpu.memory_space<vmem>> -> memref<50xi32, #tpu.memory_space<vmem>>
      %dma_wait3A_85 = arith.constant 0 : i32
      %dma_wait3A_86 = arith.constant 0 : i32
      %dma_wait3A_87 = tpu.memref_slice %arg2[%dma_wait3A_85, %dma_wait3A_86] : memref<10000x128xf32, #tpu.memory_space<hbm>> -> memref<10000x128xf32, #tpu.memory_space<hbm>>
      tpu.wait_indirect_dma semaphore(%arg17 : memref<!tpu.dma_semaphore, #tpu.memory_space<semaphore_mem>>) src(%dma_wait3A_87 : memref<10000x128xf32, #tpu.memory_space<hbm>>) dst(%arg11 : memref<50x128xf32, #tpu.memory_space<vmem>>)
      %dma_wait3A_88 = arith.constant 1 : i32
      %dma_wait3A_89 = arith.constant 0 : i32
      %dma_wait3A_90 = tpu.memref_slice %arg9[%dma_wait3A_88, %dma_wait3A_89] : memref<2x50xi32, #tpu.memory_space<vmem>> -> memref<1x50xi32, #tpu.memory_space<vmem>>
      %dma_wait3A_91 = tpu.memref_squeeze %dma_wait3A_90 : memref<1x50xi32, #tpu.memory_space<vmem>> -> memref<50xi32, #tpu.memory_space<vmem>>
      %dma_wait3A_92 = arith.constant 0 : i32
      %dma_wait3A_93 = arith.constant 0 : i32
      %dma_wait3A_94 = tpu.memref_slice %arg3[%dma_wait3A_92, %dma_wait3A_93] : memref<10000x128xf32, #tpu.memory_space<hbm>> -> memref<10000x128xf32, #tpu.memory_space<hbm>>
      tpu.wait_indirect_dma semaphore(%arg17 : memref<!tpu.dma_semaphore, #tpu.memory_space<semaphore_mem>>) src(%dma_wait3A_94 : memref<10000x128xf32, #tpu.memory_space<hbm>>) dst(%arg12 : memref<50x128xf32, #tpu.memory_space<vmem>>)
      %scan3A_95 = arith.constant 0 : i32
      %scan3A_96 = arith.constant 0 : i32
      %scan3A_97 = arith.constant 25 : i32
      %scan3A_98 = arith.addi %scan3A_96, %scan3A_97 : i32
      %scan3A_99 = arith.constant 1 : i32
      %scan3A_100 = scf.for %scan3A_151 = %scan3A_96 to %scan3A_98 step %scan3A_99 iter_args(%scan3A_152 = %scan3A_95) -> (i32)  : i32 {
        %broadcast_in_dim3A_153 = arith.constant 0.000000e+00 : f32
        %broadcast_in_dim3A_154 = vector.broadcast %broadcast_in_dim3A_153 : f32 to vector<16xf32>
        %mul3A_155 = arith.constant 2 : i32
        %mul3A_156 = arith.muli %mul3A_155, %scan3A_151 : i32
        %add3A_157 = arith.constant 0 : i32
        %add3A_158 = arith.addi %mul3A_156, %add3A_157 : i32
        %get3A_159 = arith.index_cast %add3A_158 : i32 to index
        %get3A_160 = arith.constant 0 : index
        %get3A_161 = tpu.vector_load %arg11[%get3A_159, %get3A_160] {strides = array<i32>} : memref<50x128xf32, #tpu.memory_space<vmem>>, vector<16xf32>,
        %get3A_162 = arith.index_cast %add3A_158 : i32 to index
        %get3A_163 = arith.constant 0 : index
        %get3A_164 = tpu.vector_load %arg12[%get3A_162, %get3A_163] {strides = array<i32>} : memref<50x128xf32, #tpu.memory_space<vmem>>, vector<16xf32>,
        %add3A_165 = arith.addf %get3A_161, %get3A_164 : vector<16xf32>
        %mul3A_166 = arith.constant 2.000000e-01 : f32
        %mul3A_167 = vector.broadcast %mul3A_166 : f32 to vector<16xf32>
        %mul3A_168 = arith.mulf %add3A_165, %mul3A_167 : vector<16xf32>
        %max3A = arith.maximumf %add3A_165, %mul3A_168 : vector<16xf32>
        %mul3A_169 = arith.mulf %max3A, %get3A_14 : vector<16xf32>
        %reduce_sum3A = arith.constant true
        %reduce_sum3A_170 = vector.broadcast %reduce_sum3A : i1 to vector<16xi1>
        %reduce_sum3A_171 = tpu.scan <sum>, %mul3A_169 masked %reduce_sum3A_170 : vector<16xf32>, vector<16xi1> -> vector<16xf32>
        %reduce_sum3A_172 = vector.extract %reduce_sum3A_171[15] : f32 from vector<16xf32>
        %eq3A_173 = arith.constant 0 : i32
        %eq3A_174 = vector.broadcast %eq3A_173 : i32 to vector<16xi32>
        %eq3A_175 = arith.cmpi eq, %iota3A_13, %eq3A_174 : vector<16xi32>
        %broadcast_in_dim3A_176 = vector.broadcast %reduce_sum3A_172 : f32 to vector<16xf32>
        %select_n3A_177 = arith.select %eq3A_175, %broadcast_in_dim3A_176, %broadcast_in_dim3A_154 : vector<16xi1>, vector<16xf32>
        %get3A_178 = arith.index_cast %add3A_158 : i32 to index
        %get3A_179 = arith.constant 16 : index
        %get3A_180 = tpu.vector_load %arg11[%get3A_178, %get3A_179] {strides = array<i32>} : memref<50x128xf32, #tpu.memory_space<vmem>>, vector<16xf32>,
        %get3A_181 = arith.index_cast %add3A_158 : i32 to index
        %get3A_182 = arith.constant 16 : index
        %get3A_183 = tpu.vector_load %arg12[%get3A_181, %get3A_182] {strides = array<i32>} : memref<50x128xf32, #tpu.memory_space<vmem>>, vector<16xf32>,
        %add3A_184 = arith.addf %get3A_180, %get3A_183 : vector<16xf32>
        %mul3A_185 = arith.constant 2.000000e-01 : f32
        %mul3A_186 = vector.broadcast %mul3A_185 : f32 to vector<16xf32>
        %mul3A_187 = arith.mulf %add3A_184, %mul3A_186 : vector<16xf32>
        %max3A_188 = arith.maximumf %add3A_184, %mul3A_187 : vector<16xf32>
        %mul3A_189 = arith.mulf %max3A_188, %get3A_16 : vector<16xf32>
        %reduce_sum3A_190 = arith.constant true
        %reduce_sum3A_191 = vector.broadcast %reduce_sum3A_190 : i1 to vector<16xi1>
        %reduce_sum3A_192 = tpu.scan <sum>, %mul3A_189 masked %reduce_sum3A_191 : vector<16xf32>, vector<16xi1> -> vector<16xf32>
        %reduce_sum3A_193 = vector.extract %reduce_sum3A_192[15] : f32 from vector<16xf32>
        %eq3A_194 = arith.constant 1 : i32
        %eq3A_195 = vector.broadcast %eq3A_194 : i32 to vector<16xi32>
        %eq3A_196 = arith.cmpi eq, %iota3A_13, %eq3A_195 : vector<16xi32>
        %broadcast_in_dim3A_197 = vector.broadcast %reduce_sum3A_193 : f32 to vector<16xf32>
        %select_n3A_198 = arith.select %eq3A_196, %broadcast_in_dim3A_197, %select_n3A_177 : vector<16xi1>, vector<16xf32>
        %get3A_199 = arith.index_cast %add3A_158 : i32 to index
        %get3A_200 = arith.constant 32 : index
        %get3A_201 = tpu.vector_load %arg11[%get3A_199, %get3A_200] {strides = array<i32>} : memref<50x128xf32, #tpu.memory_space<vmem>>, vector<16xf32>,
        %get3A_202 = arith.index_cast %add3A_158 : i32 to index
        %get3A_203 = arith.constant 32 : index
        %get3A_204 = tpu.vector_load %arg12[%get3A_202, %get3A_203] {strides = array<i32>} : memref<50x128xf32, #tpu.memory_space<vmem>>, vector<16xf32>,
        %add3A_205 = arith.addf %get3A_201, %get3A_204 : vector<16xf32>
        %mul3A_206 = arith.constant 2.000000e-01 : f32
        %mul3A_207 = vector.broadcast %mul3A_206 : f32 to vector<16xf32>
        %mul3A_208 = arith.mulf %add3A_205, %mul3A_207 : vector<16xf32>
        %max3A_209 = arith.maximumf %add3A_205, %mul3A_208 : vector<16xf32>
        %mul3A_210 = arith.mulf %max3A_209, %get3A_18 : vector<16xf32>
        %reduce_sum3A_211 = arith.constant true
        %reduce_sum3A_212 = vector.broadcast %reduce_sum3A_211 : i1 to vector<16xi1>
        %reduce_sum3A_213 = tpu.scan <sum>, %mul3A_210 masked %reduce_sum3A_212 : vector<16xf32>, vector<16xi1> -> vector<16xf32>
        %reduce_sum3A_214 = vector.extract %reduce_sum3A_213[15] : f32 from vector<16xf32>
        %eq3A_215 = arith.constant 2 : i32
        %eq3A_216 = vector.broadcast %eq3A_215 : i32 to vector<16xi32>
        %eq3A_217 = arith.cmpi eq, %iota3A_13, %eq3A_216 : vector<16xi32>
        %broadcast_in_dim3A_218 = vector.broadcast %reduce_sum3A_214 : f32 to vector<16xf32>
        %select_n3A_219 = arith.select %eq3A_217, %broadcast_in_dim3A_218, %select_n3A_198 : vector<16xi1>, vector<16xf32>
        %get3A_220 = arith.index_cast %add3A_158 : i32 to index
        %get3A_221 = arith.constant 48 : index
        %get3A_222 = tpu.vector_load %arg11[%get3A_220, %get3A_221] {strides = array<i32>} : memref<50x128xf32, #tpu.memory_space<vmem>>, vector<16xf32>,
        %get3A_223 = arith.index_cast %add3A_158 : i32 to index
        %get3A_224 = arith.constant 48 : index
        %get3A_225 = tpu.vector_load %arg12[%get3A_223, %get3A_224] {strides = array<i32>} : memref<50x128xf32, #tpu.memory_space<vmem>>, vector<16xf32>,
        %add3A_226 = arith.addf %get3A_222, %get3A_225 : vector<16xf32>
        %mul3A_227 = arith.constant 2.000000e-01 : f32
        %mul3A_228 = vector.broadcast %mul3A_227 : f32 to vector<16xf32>
        %mul3A_229 = arith.mulf %add3A_226, %mul3A_228 : vector<16xf32>
        %max3A_230 = arith.maximumf %add3A_226, %mul3A_229 : vector<16xf32>
        %mul3A_231 = arith.mulf %max3A_230, %get3A_20 : vector<16xf32>
        %reduce_sum3A_232 = arith.constant true
        %reduce_sum3A_233 = vector.broadcast %reduce_sum3A_232 : i1 to vector<16xi1>
        %reduce_sum3A_234 = tpu.scan <sum>, %mul3A_231 masked %reduce_sum3A_233 : vector<16xf32>, vector<16xi1> -> vector<16xf32>
        %reduce_sum3A_235 = vector.extract %reduce_sum3A_234[15] : f32 from vector<16xf32>
        %eq3A_236 = arith.constant 3 : i32
        %eq3A_237 = vector.broadcast %eq3A_236 : i32 to vector<16xi32>
        %eq3A_238 = arith.cmpi eq, %iota3A_13, %eq3A_237 : vector<16xi32>
        %broadcast_in_dim3A_239 = vector.broadcast %reduce_sum3A_235 : f32 to vector<16xf32>
        %select_n3A_240 = arith.select %eq3A_238, %broadcast_in_dim3A_239, %select_n3A_219 : vector<16xi1>, vector<16xf32>
        %get3A_241 = arith.index_cast %add3A_158 : i32 to index
        %get3A_242 = arith.constant 64 : index
        %get3A_243 = tpu.vector_load %arg11[%get3A_241, %get3A_242] {strides = array<i32>} : memref<50x128xf32, #tpu.memory_space<vmem>>, vector<16xf32>,
        %get3A_244 = arith.index_cast %add3A_158 : i32 to index
        %get3A_245 = arith.constant 64 : index
        %get3A_246 = tpu.vector_load %arg12[%get3A_244, %get3A_245] {strides = array<i32>} : memref<50x128xf32, #tpu.memory_space<vmem>>, vector<16xf32>,
        %add3A_247 = arith.addf %get3A_243, %get3A_246 : vector<16xf32>
        %mul3A_248 = arith.constant 2.000000e-01 : f32
        %mul3A_249 = vector.broadcast %mul3A_248 : f32 to vector<16xf32>
        %mul3A_250 = arith.mulf %add3A_247, %mul3A_249 : vector<16xf32>
        %max3A_251 = arith.maximumf %add3A_247, %mul3A_250 : vector<16xf32>
        %mul3A_252 = arith.mulf %max3A_251, %get3A_22 : vector<16xf32>
        %reduce_sum3A_253 = arith.constant true
        %reduce_sum3A_254 = vector.broadcast %reduce_sum3A_253 : i1 to vector<16xi1>
        %reduce_sum3A_255 = tpu.scan <sum>, %mul3A_252 masked %reduce_sum3A_254 : vector<16xf32>, vector<16xi1> -> vector<16xf32>
        %reduce_sum3A_256 = vector.extract %reduce_sum3A_255[15] : f32 from vector<16xf32>
        %eq3A_257 = arith.constant 4 : i32
        %eq3A_258 = vector.broadcast %eq3A_257 : i32 to vector<16xi32>
        %eq3A_259 = arith.cmpi eq, %iota3A_13, %eq3A_258 : vector<16xi32>
        %broadcast_in_dim3A_260 = vector.broadcast %reduce_sum3A_256 : f32 to vector<16xf32>
        %select_n3A_261 = arith.select %eq3A_259, %broadcast_in_dim3A_260, %select_n3A_240 : vector<16xi1>, vector<16xf32>
        %get3A_262 = arith.index_cast %add3A_158 : i32 to index
        %get3A_263 = arith.constant 80 : index
        %get3A_264 = tpu.vector_load %arg11[%get3A_262, %get3A_263] {strides = array<i32>} : memref<50x128xf32, #tpu.memory_space<vmem>>, vector<16xf32>,
        %get3A_265 = arith.index_cast %add3A_158 : i32 to index
        %get3A_266 = arith.constant 80 : index
        %get3A_267 = tpu.vector_load %arg12[%get3A_265, %get3A_266] {strides = array<i32>} : memref<50x128xf32, #tpu.memory_space<vmem>>, vector<16xf32>,
        %add3A_268 = arith.addf %get3A_264, %get3A_267 : vector<16xf32>
        %mul3A_269 = arith.constant 2.000000e-01 : f32
        %mul3A_270 = vector.broadcast %mul3A_269 : f32 to vector<16xf32>
        %mul3A_271 = arith.mulf %add3A_268, %mul3A_270 : vector<16xf32>
        %max3A_272 = arith.maximumf %add3A_268, %mul3A_271 : vector<16xf32>
        %mul3A_273 = arith.mulf %max3A_272, %get3A_24 : vector<16xf32>
        %reduce_sum3A_274 = arith.constant true
        %reduce_sum3A_275 = vector.broadcast %reduce_sum3A_274 : i1 to vector<16xi1>
        %reduce_sum3A_276 = tpu.scan <sum>, %mul3A_273 masked %reduce_sum3A_275 : vector<16xf32>, vector<16xi1> -> vector<16xf32>
        %reduce_sum3A_277 = vector.extract %reduce_sum3A_276[15] : f32 from vector<16xf32>
        %eq3A_278 = arith.constant 5 : i32
        %eq3A_279 = vector.broadcast %eq3A_278 : i32 to vector<16xi32>
        %eq3A_280 = arith.cmpi eq, %iota3A_13, %eq3A_279 : vector<16xi32>
        %broadcast_in_dim3A_281 = vector.broadcast %reduce_sum3A_277 : f32 to vector<16xf32>
        %select_n3A_282 = arith.select %eq3A_280, %broadcast_in_dim3A_281, %select_n3A_261 : vector<16xi1>, vector<16xf32>
        %get3A_283 = arith.index_cast %add3A_158 : i32 to index
        %get3A_284 = arith.constant 96 : index
        %get3A_285 = tpu.vector_load %arg11[%get3A_283, %get3A_284] {strides = array<i32>} : memref<50x128xf32, #tpu.memory_space<vmem>>, vector<16xf32>,
        %get3A_286 = arith.index_cast %add3A_158 : i32 to index
        %get3A_287 = arith.constant 96 : index
        %get3A_288 = tpu.vector_load %arg12[%get3A_286, %get3A_287] {strides = array<i32>} : memref<50x128xf32, #tpu.memory_space<vmem>>, vector<16xf32>,
        %add3A_289 = arith.addf %get3A_285, %get3A_288 : vector<16xf32>
        %mul3A_290 = arith.constant 2.000000e-01 : f32
        %mul3A_291 = vector.broadcast %mul3A_290 : f32 to vector<16xf32>
        %mul3A_292 = arith.mulf %add3A_289, %mul3A_291 : vector<16xf32>
        %max3A_293 = arith.maximumf %add3A_289, %mul3A_292 : vector<16xf32>
        %mul3A_294 = arith.mulf %max3A_293, %get3A_26 : vector<16xf32>
        %reduce_sum3A_295 = arith.constant true
        %reduce_sum3A_296 = vector.broadcast %reduce_sum3A_295 : i1 to vector<16xi1>
        %reduce_sum3A_297 = tpu.scan <sum>, %mul3A_294 masked %reduce_sum3A_296 : vector<16xf32>, vector<16xi1> -> vector<16xf32>
        %reduce_sum3A_298 = vector.extract %reduce_sum3A_297[15] : f32 from vector<16xf32>
        %eq3A_299 = arith.constant 6 : i32
        %eq3A_300 = vector.broadcast %eq3A_299 : i32 to vector<16xi32>
        %eq3A_301 = arith.cmpi eq, %iota3A_13, %eq3A_300 : vector<16xi32>
        %broadcast_in_dim3A_302 = vector.broadcast %reduce_sum3A_298 : f32 to vector<16xf32>
        %select_n3A_303 = arith.select %eq3A_301, %broadcast_in_dim3A_302, %select_n3A_282 : vector<16xi1>, vector<16xf32>
        %get3A_304 = arith.index_cast %add3A_158 : i32 to index
        %get3A_305 = arith.constant 112 : index
        %get3A_306 = tpu.vector_load %arg11[%get3A_304, %get3A_305] {strides = array<i32>} : memref<50x128xf32, #tpu.memory_space<vmem>>, vector<16xf32>,
        %get3A_307 = arith.index_cast %add3A_158 : i32 to index
        %get3A_308 = arith.constant 112 : index
        %get3A_309 = tpu.vector_load %arg12[%get3A_307, %get3A_308] {strides = array<i32>} : memref<50x128xf32, #tpu.memory_space<vmem>>, vector<16xf32>,
        %add3A_310 = arith.addf %get3A_306, %get3A_309 : vector<16xf32>
        %mul3A_311 = arith.constant 2.000000e-01 : f32
        %mul3A_312 = vector.broadcast %mul3A_311 : f32 to vector<16xf32>
        %mul3A_313 = arith.mulf %add3A_310, %mul3A_312 : vector<16xf32>
        %max3A_314 = arith.maximumf %add3A_310, %mul3A_313 : vector<16xf32>
        %mul3A_315 = arith.mulf %max3A_314, %get3A_28 : vector<16xf32>
        %reduce_sum3A_316 = arith.constant true
        %reduce_sum3A_317 = vector.broadcast %reduce_sum3A_316 : i1 to vector<16xi1>
        %reduce_sum3A_318 = tpu.scan <sum>, %mul3A_315 masked %reduce_sum3A_317 : vector<16xf32>, vector<16xi1> -> vector<16xf32>
        %reduce_sum3A_319 = vector.extract %reduce_sum3A_318[15] : f32 from vector<16xf32>
        %eq3A_320 = arith.constant 7 : i32
        %eq3A_321 = vector.broadcast %eq3A_320 : i32 to vector<16xi32>
        %eq3A_322 = arith.cmpi eq, %iota3A_13, %eq3A_321 : vector<16xi32>
        %broadcast_in_dim3A_323 = vector.broadcast %reduce_sum3A_319 : f32 to vector<16xf32>
        %select_n3A_324 = arith.select %eq3A_322, %broadcast_in_dim3A_323, %select_n3A_303 : vector<16xi1>, vector<16xf32>
        %mul3A_325 = arith.constant 2 : i32
        %mul3A_326 = arith.muli %mul3A_325, %scan3A_151 : i32
        %add3A_327 = arith.constant 1 : i32
        %add3A_328 = arith.addi %mul3A_326, %add3A_327 : i32
        %get3A_329 = arith.index_cast %add3A_328 : i32 to index
        %get3A_330 = arith.constant 0 : index
        %get3A_331 = tpu.vector_load %arg11[%get3A_329, %get3A_330] {strides = array<i32>} : memref<50x128xf32, #tpu.memory_space<vmem>>, vector<16xf32>,
        %get3A_332 = arith.index_cast %add3A_328 : i32 to index
        %get3A_333 = arith.constant 0 : index
        %get3A_334 = tpu.vector_load %arg12[%get3A_332, %get3A_333] {strides = array<i32>} : memref<50x128xf32, #tpu.memory_space<vmem>>, vector<16xf32>,
        %add3A_335 = arith.addf %get3A_331, %get3A_334 : vector<16xf32>
        %mul3A_336 = arith.constant 2.000000e-01 : f32
        %mul3A_337 = vector.broadcast %mul3A_336 : f32 to vector<16xf32>
        %mul3A_338 = arith.mulf %add3A_335, %mul3A_337 : vector<16xf32>
        %max3A_339 = arith.maximumf %add3A_335, %mul3A_338 : vector<16xf32>
        %mul3A_340 = arith.mulf %max3A_339, %get3A_14 : vector<16xf32>
        %reduce_sum3A_341 = arith.constant true
        %reduce_sum3A_342 = vector.broadcast %reduce_sum3A_341 : i1 to vector<16xi1>
        %reduce_sum3A_343 = tpu.scan <sum>, %mul3A_340 masked %reduce_sum3A_342 : vector<16xf32>, vector<16xi1> -> vector<16xf32>
        %reduce_sum3A_344 = vector.extract %reduce_sum3A_343[15] : f32 from vector<16xf32>
        %eq3A_345 = arith.constant 8 : i32
        %eq3A_346 = vector.broadcast %eq3A_345 : i32 to vector<16xi32>
        %eq3A_347 = arith.cmpi eq, %iota3A_13, %eq3A_346 : vector<16xi32>
        %broadcast_in_dim3A_348 = vector.broadcast %reduce_sum3A_344 : f32 to vector<16xf32>
        %select_n3A_349 = arith.select %eq3A_347, %broadcast_in_dim3A_348, %select_n3A_324 : vector<16xi1>, vector<16xf32>
        %get3A_350 = arith.index_cast %add3A_328 : i32 to index
        %get3A_351 = arith.constant 16 : index
        %get3A_352 = tpu.vector_load %arg11[%get3A_350, %get3A_351] {strides = array<i32>} : memref<50x128xf32, #tpu.memory_space<vmem>>, vector<16xf32>,
        %get3A_353 = arith.index_cast %add3A_328 : i32 to index
        %get3A_354 = arith.constant 16 : index
        %get3A_355 = tpu.vector_load %arg12[%get3A_353, %get3A_354] {strides = array<i32>} : memref<50x128xf32, #tpu.memory_space<vmem>>, vector<16xf32>,
        %add3A_356 = arith.addf %get3A_352, %get3A_355 : vector<16xf32>
        %mul3A_357 = arith.constant 2.000000e-01 : f32
        %mul3A_358 = vector.broadcast %mul3A_357 : f32 to vector<16xf32>
        %mul3A_359 = arith.mulf %add3A_356, %mul3A_358 : vector<16xf32>
        %max3A_360 = arith.maximumf %add3A_356, %mul3A_359 : vector<16xf32>
        %mul3A_361 = arith.mulf %max3A_360, %get3A_16 : vector<16xf32>
        %reduce_sum3A_362 = arith.constant true
        %reduce_sum3A_363 = vector.broadcast %reduce_sum3A_362 : i1 to vector<16xi1>
        %reduce_sum3A_364 = tpu.scan <sum>, %mul3A_361 masked %reduce_sum3A_363 : vector<16xf32>, vector<16xi1> -> vector<16xf32>
        %reduce_sum3A_365 = vector.extract %reduce_sum3A_364[15] : f32 from vector<16xf32>
        %eq3A_366 = arith.constant 9 : i32
        %eq3A_367 = vector.broadcast %eq3A_366 : i32 to vector<16xi32>
        %eq3A_368 = arith.cmpi eq, %iota3A_13, %eq3A_367 : vector<16xi32>
        %broadcast_in_dim3A_369 = vector.broadcast %reduce_sum3A_365 : f32 to vector<16xf32>
        %select_n3A_370 = arith.select %eq3A_368, %broadcast_in_dim3A_369, %select_n3A_349 : vector<16xi1>, vector<16xf32>
        %get3A_371 = arith.index_cast %add3A_328 : i32 to index
        %get3A_372 = arith.constant 32 : index
        %get3A_373 = tpu.vector_load %arg11[%get3A_371, %get3A_372] {strides = array<i32>} : memref<50x128xf32, #tpu.memory_space<vmem>>, vector<16xf32>,
        %get3A_374 = arith.index_cast %add3A_328 : i32 to index
        %get3A_375 = arith.constant 32 : index
        %get3A_376 = tpu.vector_load %arg12[%get3A_374, %get3A_375] {strides = array<i32>} : memref<50x128xf32, #tpu.memory_space<vmem>>, vector<16xf32>,
        %add3A_377 = arith.addf %get3A_373, %get3A_376 : vector<16xf32>
        %mul3A_378 = arith.constant 2.000000e-01 : f32
        %mul3A_379 = vector.broadcast %mul3A_378 : f32 to vector<16xf32>
        %mul3A_380 = arith.mulf %add3A_377, %mul3A_379 : vector<16xf32>
        %max3A_381 = arith.maximumf %add3A_377, %mul3A_380 : vector<16xf32>
        %mul3A_382 = arith.mulf %max3A_381, %get3A_18 : vector<16xf32>
        %reduce_sum3A_383 = arith.constant true
        %reduce_sum3A_384 = vector.broadcast %reduce_sum3A_383 : i1 to vector<16xi1>
        %reduce_sum3A_385 = tpu.scan <sum>, %mul3A_382 masked %reduce_sum3A_384 : vector<16xf32>, vector<16xi1> -> vector<16xf32>
        %reduce_sum3A_386 = vector.extract %reduce_sum3A_385[15] : f32 from vector<16xf32>
        %eq3A_387 = arith.constant 10 : i32
        %eq3A_388 = vector.broadcast %eq3A_387 : i32 to vector<16xi32>
        %eq3A_389 = arith.cmpi eq, %iota3A_13, %eq3A_388 : vector<16xi32>
        %broadcast_in_dim3A_390 = vector.broadcast %reduce_sum3A_386 : f32 to vector<16xf32>
        %select_n3A_391 = arith.select %eq3A_389, %broadcast_in_dim3A_390, %select_n3A_370 : vector<16xi1>, vector<16xf32>
        %get3A_392 = arith.index_cast %add3A_328 : i32 to index
        %get3A_393 = arith.constant 48 : index
        %get3A_394 = tpu.vector_load %arg11[%get3A_392, %get3A_393] {strides = array<i32>} : memref<50x128xf32, #tpu.memory_space<vmem>>, vector<16xf32>,
        %get3A_395 = arith.index_cast %add3A_328 : i32 to index
        %get3A_396 = arith.constant 48 : index
        %get3A_397 = tpu.vector_load %arg12[%get3A_395, %get3A_396] {strides = array<i32>} : memref<50x128xf32, #tpu.memory_space<vmem>>, vector<16xf32>,
        %add3A_398 = arith.addf %get3A_394, %get3A_397 : vector<16xf32>
        %mul3A_399 = arith.constant 2.000000e-01 : f32
        %mul3A_400 = vector.broadcast %mul3A_399 : f32 to vector<16xf32>
        %mul3A_401 = arith.mulf %add3A_398, %mul3A_400 : vector<16xf32>
        %max3A_402 = arith.maximumf %add3A_398, %mul3A_401 : vector<16xf32>
        %mul3A_403 = arith.mulf %max3A_402, %get3A_20 : vector<16xf32>
        %reduce_sum3A_404 = arith.constant true
        %reduce_sum3A_405 = vector.broadcast %reduce_sum3A_404 : i1 to vector<16xi1>
        %reduce_sum3A_406 = tpu.scan <sum>, %mul3A_403 masked %reduce_sum3A_405 : vector<16xf32>, vector<16xi1> -> vector<16xf32>
        %reduce_sum3A_407 = vector.extract %reduce_sum3A_406[15] : f32 from vector<16xf32>
        %eq3A_408 = arith.constant 11 : i32
        %eq3A_409 = vector.broadcast %eq3A_408 : i32 to vector<16xi32>
        %eq3A_410 = arith.cmpi eq, %iota3A_13, %eq3A_409 : vector<16xi32>
        %broadcast_in_dim3A_411 = vector.broadcast %reduce_sum3A_407 : f32 to vector<16xf32>
        %select_n3A_412 = arith.select %eq3A_410, %broadcast_in_dim3A_411, %select_n3A_391 : vector<16xi1>, vector<16xf32>
        %get3A_413 = arith.index_cast %add3A_328 : i32 to index
        %get3A_414 = arith.constant 64 : index
        %get3A_415 = tpu.vector_load %arg11[%get3A_413, %get3A_414] {strides = array<i32>} : memref<50x128xf32, #tpu.memory_space<vmem>>, vector<16xf32>,
        %get3A_416 = arith.index_cast %add3A_328 : i32 to index
        %get3A_417 = arith.constant 64 : index
        %get3A_418 = tpu.vector_load %arg12[%get3A_416, %get3A_417] {strides = array<i32>} : memref<50x128xf32, #tpu.memory_space<vmem>>, vector<16xf32>,
        %add3A_419 = arith.addf %get3A_415, %get3A_418 : vector<16xf32>
        %mul3A_420 = arith.constant 2.000000e-01 : f32
        %mul3A_421 = vector.broadcast %mul3A_420 : f32 to vector<16xf32>
        %mul3A_422 = arith.mulf %add3A_419, %mul3A_421 : vector<16xf32>
        %max3A_423 = arith.maximumf %add3A_419, %mul3A_422 : vector<16xf32>
        %mul3A_424 = arith.mulf %max3A_423, %get3A_22 : vector<16xf32>
        %reduce_sum3A_425 = arith.constant true
        %reduce_sum3A_426 = vector.broadcast %reduce_sum3A_425 : i1 to vector<16xi1>
        %reduce_sum3A_427 = tpu.scan <sum>, %mul3A_424 masked %reduce_sum3A_426 : vector<16xf32>, vector<16xi1> -> vector<16xf32>
        %reduce_sum3A_428 = vector.extract %reduce_sum3A_427[15] : f32 from vector<16xf32>
        %eq3A_429 = arith.constant 12 : i32
        %eq3A_430 = vector.broadcast %eq3A_429 : i32 to vector<16xi32>
        %eq3A_431 = arith.cmpi eq, %iota3A_13, %eq3A_430 : vector<16xi32>
        %broadcast_in_dim3A_432 = vector.broadcast %reduce_sum3A_428 : f32 to vector<16xf32>
        %select_n3A_433 = arith.select %eq3A_431, %broadcast_in_dim3A_432, %select_n3A_412 : vector<16xi1>, vector<16xf32>
        %get3A_434 = arith.index_cast %add3A_328 : i32 to index
        %get3A_435 = arith.constant 80 : index
        %get3A_436 = tpu.vector_load %arg11[%get3A_434, %get3A_435] {strides = array<i32>} : memref<50x128xf32, #tpu.memory_space<vmem>>, vector<16xf32>,
        %get3A_437 = arith.index_cast %add3A_328 : i32 to index
        %get3A_438 = arith.constant 80 : index
        %get3A_439 = tpu.vector_load %arg12[%get3A_437, %get3A_438] {strides = array<i32>} : memref<50x128xf32, #tpu.memory_space<vmem>>, vector<16xf32>,
        %add3A_440 = arith.addf %get3A_436, %get3A_439 : vector<16xf32>
        %mul3A_441 = arith.constant 2.000000e-01 : f32
        %mul3A_442 = vector.broadcast %mul3A_441 : f32 to vector<16xf32>
        %mul3A_443 = arith.mulf %add3A_440, %mul3A_442 : vector<16xf32>
        %max3A_444 = arith.maximumf %add3A_440, %mul3A_443 : vector<16xf32>
        %mul3A_445 = arith.mulf %max3A_444, %get3A_24 : vector<16xf32>
        %reduce_sum3A_446 = arith.constant true
        %reduce_sum3A_447 = vector.broadcast %reduce_sum3A_446 : i1 to vector<16xi1>
        %reduce_sum3A_448 = tpu.scan <sum>, %mul3A_445 masked %reduce_sum3A_447 : vector<16xf32>, vector<16xi1> -> vector<16xf32>
        %reduce_sum3A_449 = vector.extract %reduce_sum3A_448[15] : f32 from vector<16xf32>
        %eq3A_450 = arith.constant 13 : i32
        %eq3A_451 = vector.broadcast %eq3A_450 : i32 to vector<16xi32>
        %eq3A_452 = arith.cmpi eq, %iota3A_13, %eq3A_451 : vector<16xi32>
        %broadcast_in_dim3A_453 = vector.broadcast %reduce_sum3A_449 : f32 to vector<16xf32>
        %select_n3A_454 = arith.select %eq3A_452, %broadcast_in_dim3A_453, %select_n3A_433 : vector<16xi1>, vector<16xf32>
        %get3A_455 = arith.index_cast %add3A_328 : i32 to index
        %get3A_456 = arith.constant 96 : index
        %get3A_457 = tpu.vector_load %arg11[%get3A_455, %get3A_456] {strides = array<i32>} : memref<50x128xf32, #tpu.memory_space<vmem>>, vector<16xf32>,
        %get3A_458 = arith.index_cast %add3A_328 : i32 to index
        %get3A_459 = arith.constant 96 : index
        %get3A_460 = tpu.vector_load %arg12[%get3A_458, %get3A_459] {strides = array<i32>} : memref<50x128xf32, #tpu.memory_space<vmem>>, vector<16xf32>,
        %add3A_461 = arith.addf %get3A_457, %get3A_460 : vector<16xf32>
        %mul3A_462 = arith.constant 2.000000e-01 : f32
        %mul3A_463 = vector.broadcast %mul3A_462 : f32 to vector<16xf32>
        %mul3A_464 = arith.mulf %add3A_461, %mul3A_463 : vector<16xf32>
        %max3A_465 = arith.maximumf %add3A_461, %mul3A_464 : vector<16xf32>
        %mul3A_466 = arith.mulf %max3A_465, %get3A_26 : vector<16xf32>
        %reduce_sum3A_467 = arith.constant true
        %reduce_sum3A_468 = vector.broadcast %reduce_sum3A_467 : i1 to vector<16xi1>
        %reduce_sum3A_469 = tpu.scan <sum>, %mul3A_466 masked %reduce_sum3A_468 : vector<16xf32>, vector<16xi1> -> vector<16xf32>
        %reduce_sum3A_470 = vector.extract %reduce_sum3A_469[15] : f32 from vector<16xf32>
        %eq3A_471 = arith.constant 14 : i32
        %eq3A_472 = vector.broadcast %eq3A_471 : i32 to vector<16xi32>
        %eq3A_473 = arith.cmpi eq, %iota3A_13, %eq3A_472 : vector<16xi32>
        %broadcast_in_dim3A_474 = vector.broadcast %reduce_sum3A_470 : f32 to vector<16xf32>
        %select_n3A_475 = arith.select %eq3A_473, %broadcast_in_dim3A_474, %select_n3A_454 : vector<16xi1>, vector<16xf32>
        %get3A_476 = arith.index_cast %add3A_328 : i32 to index
        %get3A_477 = arith.constant 112 : index
        %get3A_478 = tpu.vector_load %arg11[%get3A_476, %get3A_477] {strides = array<i32>} : memref<50x128xf32, #tpu.memory_space<vmem>>, vector<16xf32>,
        %get3A_479 = arith.index_cast %add3A_328 : i32 to index
        %get3A_480 = arith.constant 112 : index
        %get3A_481 = tpu.vector_load %arg12[%get3A_479, %get3A_480] {strides = array<i32>} : memref<50x128xf32, #tpu.memory_space<vmem>>, vector<16xf32>,
        %add3A_482 = arith.addf %get3A_478, %get3A_481 : vector<16xf32>
        %mul3A_483 = arith.constant 2.000000e-01 : f32
        %mul3A_484 = vector.broadcast %mul3A_483 : f32 to vector<16xf32>
        %mul3A_485 = arith.mulf %add3A_482, %mul3A_484 : vector<16xf32>
        %max3A_486 = arith.maximumf %add3A_482, %mul3A_485 : vector<16xf32>
        %mul3A_487 = arith.mulf %max3A_486, %get3A_28 : vector<16xf32>
        %reduce_sum3A_488 = arith.constant true
        %reduce_sum3A_489 = vector.broadcast %reduce_sum3A_488 : i1 to vector<16xi1>
        %reduce_sum3A_490 = tpu.scan <sum>, %mul3A_487 masked %reduce_sum3A_489 : vector<16xf32>, vector<16xi1> -> vector<16xf32>
        %reduce_sum3A_491 = vector.extract %reduce_sum3A_490[15] : f32 from vector<16xf32>
        %eq3A_492 = arith.constant 15 : i32
        %eq3A_493 = vector.broadcast %eq3A_492 : i32 to vector<16xi32>
        %eq3A_494 = arith.cmpi eq, %iota3A_13, %eq3A_493 : vector<16xi32>
        %broadcast_in_dim3A_495 = vector.broadcast %reduce_sum3A_491 : f32 to vector<16xf32>
        %select_n3A_496 = arith.select %eq3A_494, %broadcast_in_dim3A_495, %select_n3A_475 : vector<16xi1>, vector<16xf32>
        %exp3A = math.exp %select_n3A_496 : vector<16xf32>
        %mul3A_497 = arith.constant 50 : i32
        %mul3A_498 = arith.muli %mul3A_65, %mul3A_497 : i32
        %mul3A_499 = arith.constant 8 : i32
        %mul3A_500 = arith.muli %mul3A_498, %mul3A_499 : i32
        %mul3A_501 = arith.constant 16 : i32
        %mul3A_502 = arith.muli %scan3A_151, %mul3A_501 : i32
        %add3A_503 = arith.addi %mul3A_500, %mul3A_502 : i32
        %swap3A = arith.index_cast %add3A_503 : i32 to index
        %swap3A_504 = tpu.vector_load %arg15[%swap3A] {strides = array<i32>} : memref<1600xf32, #tpu.memory_space<vmem>>, vector<16xf32>,
        tpu.vector_store %arg15[%swap3A], %exp3A {strides = array<i32>} : memref<1600xf32, #tpu.memory_space<vmem>>, vector<16xf32>,
        %mul3A_505 = arith.constant 2 : i32
        %mul3A_506 = arith.muli %mul3A_505, %scan3A_151 : i32
        %add3A_507 = vector.broadcast %mul3A_506 : i32 to vector<16xi32>
        %add3A_508 = arith.addi %add3A_507, %convert_element_type3A : vector<16xi32>
        %gather3A = tpu.vector_load_idx %arg9[%broadcast_in_dim3A_29, %add3A_508] : memref<2x50xi32, #tpu.memory_space<vmem>>[vector<16xi32>, vector<16xi32>], vector<16xi32>,
        %mul3A_509 = arith.constant 8 : i32
        %mul3A_510 = vector.broadcast %mul3A_509 : i32 to vector<16xi32>
        %mul3A_511 = arith.muli %gather3A, %mul3A_510 : vector<16xi32>
        %add3A_512 = arith.addi %mul3A_511, %and3A_12 : vector<16xi32>
        tpu.vector_store_idx %arg16[%add3A_512], %exp3A {add = true} : memref<80000xf32, #tpu.memory_space<vmem>>[vector<16xi32>], vector<16xf32>,
        %scan3A_513 = arith.constant 0 : i32
        scf.yield %scan3A_513 : i32
      }
      %scan3A_101 = arith.constant 25 : i32
      %lt3A_102 = arith.constant 99 : i32
      %lt3A_103 = arith.cmpi slt, %scan3A_50, %lt3A_102 : i32
      %convert_element_type3A_104 = arith.extui %lt3A_103 : i1 to i32
      %cond3A = arith.constant 0 : i32
      %cond3A_105 = arith.cmpi ne, %convert_element_type3A_104, %cond3A : i32
      scf.if %cond3A_105 {
        %add3A_151 = arith.constant 2 : i32
        %add3A_152 = arith.addi %mul3A_53, %add3A_151 : i32
        "tpu.region"() ({
          %run_scoped3A_167 = tpu.sem_alloc : memref<!tpu.dma_semaphore, #tpu.memory_space<semaphore_mem>>
          %dma_start3A_168 = arith.constant 0 : i32
          %dma_start3A_169 = arith.constant 0 : i32
          %dma_start3A_170 = arith.constant 0 : i32
          %dma_start3A_171 = tpu.memref_slice %arg4[%add3A, %dma_start3A_168, %dma_start3A_169, %dma_start3A_170] : memref<32x200x2x50xi32, #tpu.memory_space<hbm>> -> memref<1x200x2x50xi32, #tpu.memory_space<hbm>>
          %dma_start3A_172 = tpu.memref_squeeze %dma_start3A_171 : memref<1x200x2x50xi32, #tpu.memory_space<hbm>> -> memref<200x2x50xi32, #tpu.memory_space<hbm>>
          %dma_start3A_173 = arith.constant 0 : i32
          %dma_start3A_174 = arith.constant 0 : i32
          %dma_start3A_175 = tpu.memref_slice %dma_start3A_172[%add3A_152, %dma_start3A_173, %dma_start3A_174] : memref<200x2x50xi32, #tpu.memory_space<hbm>> -> memref<1x2x50xi32, #tpu.memory_space<hbm>>
          %dma_start3A_176 = tpu.memref_squeeze %dma_start3A_175 : memref<1x2x50xi32, #tpu.memory_space<hbm>> -> memref<2x50xi32, #tpu.memory_space<hbm>>
          %dma_start3A_177 = arith.constant 0 : i32
          %dma_start3A_178 = arith.constant 0 : i32
          %dma_start3A_179 = arith.constant 0 : i32
          %dma_start3A_180 = tpu.memref_slice %arg4[%add3A, %dma_start3A_177, %dma_start3A_178, %dma_start3A_179] : memref<32x200x2x50xi32, #tpu.memory_space<hbm>> -> memref<1x200x2x50xi32, #tpu.memory_space<hbm>>
          %dma_start3A_181 = tpu.memref_squeeze %dma_start3A_180 : memref<1x200x2x50xi32, #tpu.memory_space<hbm>> -> memref<200x2x50xi32, #tpu.memory_space<hbm>>
          %dma_start3A_182 = arith.constant 0 : i32
          %dma_start3A_183 = arith.constant 0 : i32
          %dma_start3A_184 = tpu.memref_slice %dma_start3A_181[%add3A_152, %dma_start3A_182, %dma_start3A_183] : memref<200x2x50xi32, #tpu.memory_space<hbm>> -> memref<1x2x50xi32, #tpu.memory_space<hbm>>
          %dma_start3A_185 = tpu.memref_squeeze %dma_start3A_184 : memref<1x2x50xi32, #tpu.memory_space<hbm>> -> memref<2x50xi32, #tpu.memory_space<hbm>>
          tpu.enqueue_dma source(%dma_start3A_185 : memref<2x50xi32, #tpu.memory_space<hbm>>) target(%arg9 : memref<2x50xi32, #tpu.memory_space<vmem>>) target_semaphore(%run_scoped3A_167 : memref<!tpu.dma_semaphore, #tpu.memory_space<semaphore_mem>>)
          %dma_wait3A_186 = arith.constant 0 : i32
          %dma_wait3A_187 = arith.constant 0 : i32
          %dma_wait3A_188 = arith.constant 0 : i32
          %dma_wait3A_189 = tpu.memref_slice %arg4[%add3A, %dma_wait3A_186, %dma_wait3A_187, %dma_wait3A_188] : memref<32x200x2x50xi32, #tpu.memory_space<hbm>> -> memref<1x200x2x50xi32, #tpu.memory_space<hbm>>
          %dma_wait3A_190 = tpu.memref_squeeze %dma_wait3A_189 : memref<1x200x2x50xi32, #tpu.memory_space<hbm>> -> memref<200x2x50xi32, #tpu.memory_space<hbm>>
          %dma_wait3A_191 = arith.constant 0 : i32
          %dma_wait3A_192 = arith.constant 0 : i32
          %dma_wait3A_193 = tpu.memref_slice %dma_wait3A_190[%add3A_152, %dma_wait3A_191, %dma_wait3A_192] : memref<200x2x50xi32, #tpu.memory_space<hbm>> -> memref<1x2x50xi32, #tpu.memory_space<hbm>>
          %dma_wait3A_194 = tpu.memref_squeeze %dma_wait3A_193 : memref<1x2x50xi32, #tpu.memory_space<hbm>> -> memref<2x50xi32, #tpu.memory_space<hbm>>
          %dma_wait3A_195 = arith.constant 0 : i32
          %dma_wait3A_196 = arith.constant 0 : i32
          %dma_wait3A_197 = arith.constant 0 : i32
          %dma_wait3A_198 = tpu.memref_slice %arg4[%add3A, %dma_wait3A_195, %dma_wait3A_196, %dma_wait3A_197] : memref<32x200x2x50xi32, #tpu.memory_space<hbm>> -> memref<1x200x2x50xi32, #tpu.memory_space<hbm>>
          %dma_wait3A_199 = tpu.memref_squeeze %dma_wait3A_198 : memref<1x200x2x50xi32, #tpu.memory_space<hbm>> -> memref<200x2x50xi32, #tpu.memory_space<hbm>>
          %dma_wait3A_200 = arith.constant 0 : i32
          %dma_wait3A_201 = arith.constant 0 : i32
          %dma_wait3A_202 = tpu.memref_slice %dma_wait3A_199[%add3A_152, %dma_wait3A_200, %dma_wait3A_201] : memref<200x2x50xi32, #tpu.memory_space<hbm>> -> memref<1x2x50xi32, #tpu.memory_space<hbm>>
          %dma_wait3A_203 = tpu.memref_squeeze %dma_wait3A_202 : memref<1x2x50xi32, #tpu.memory_space<hbm>> -> memref<2x50xi32, #tpu.memory_space<hbm>>
          tpu.wait_dma2 semaphore(%run_scoped3A_167 : memref<!tpu.dma_semaphore, #tpu.memory_space<semaphore_mem>>) src(%dma_wait3A_203 : memref<2x50xi32, #tpu.memory_space<hbm>>) dst(%arg9 : memref<2x50xi32, #tpu.memory_space<vmem>>)
          tpu.yield
        }) : () -> ()
        %dma_start3A_153 = arith.constant 0 : i32
        %dma_start3A_154 = arith.constant 0 : i32
        %dma_start3A_155 = tpu.memref_slice %arg9[%dma_start3A_153, %dma_start3A_154] : memref<2x50xi32, #tpu.memory_space<vmem>> -> memref<1x50xi32, #tpu.memory_space<vmem>>
        %dma_start3A_156 = tpu.memref_squeeze %dma_start3A_155 : memref<1x50xi32, #tpu.memory_space<vmem>> -> memref<50xi32, #tpu.memory_space<vmem>>
        %dma_start3A_157 = arith.constant 0 : i32
        %dma_start3A_158 = arith.constant 0 : i32
        %dma_start3A_159 = tpu.memref_slice %arg2[%dma_start3A_157, %dma_start3A_158] : memref<10000x128xf32, #tpu.memory_space<hbm>> -> memref<10000x128xf32, #tpu.memory_space<hbm>>
        tpu.enqueue_indirect_dma source(%dma_start3A_159 : memref<10000x128xf32, #tpu.memory_space<hbm>>) target(%arg11 : memref<50x128xf32, #tpu.memory_space<vmem>>) offsets(%dma_start3A_156 : memref<50xi32, #tpu.memory_space<vmem>>) semaphore(%arg17 : memref<!tpu.dma_semaphore, #tpu.memory_space<semaphore_mem>>)
        %dma_start3A_160 = arith.constant 1 : i32
        %dma_start3A_161 = arith.constant 0 : i32
        %dma_start3A_162 = tpu.memref_slice %arg9[%dma_start3A_160, %dma_start3A_161] : memref<2x50xi32, #tpu.memory_space<vmem>> -> memref<1x50xi32, #tpu.memory_space<vmem>>
        %dma_start3A_163 = tpu.memref_squeeze %dma_start3A_162 : memref<1x50xi32, #tpu.memory_space<vmem>> -> memref<50xi32, #tpu.memory_space<vmem>>
        %dma_start3A_164 = arith.constant 0 : i32
        %dma_start3A_165 = arith.constant 0 : i32
        %dma_start3A_166 = tpu.memref_slice %arg3[%dma_start3A_164, %dma_start3A_165] : memref<10000x128xf32, #tpu.memory_space<hbm>> -> memref<10000x128xf32, #tpu.memory_space<hbm>>
        tpu.enqueue_indirect_dma source(%dma_start3A_166 : memref<10000x128xf32, #tpu.memory_space<hbm>>) target(%arg12 : memref<50x128xf32, #tpu.memory_space<vmem>>) offsets(%dma_start3A_163 : memref<50xi32, #tpu.memory_space<vmem>>) semaphore(%arg17 : memref<!tpu.dma_semaphore, #tpu.memory_space<semaphore_mem>>)
      } else {
      }
      %dma_wait3A_106 = arith.constant 0 : i32
      %dma_wait3A_107 = arith.constant 0 : i32
      %dma_wait3A_108 = tpu.memref_slice %arg10[%dma_wait3A_106, %dma_wait3A_107] : memref<2x50xi32, #tpu.memory_space<vmem>> -> memref<1x50xi32, #tpu.memory_space<vmem>>
      %dma_wait3A_109 = tpu.memref_squeeze %dma_wait3A_108 : memref<1x50xi32, #tpu.memory_space<vmem>> -> memref<50xi32, #tpu.memory_space<vmem>>
      %dma_wait3A_110 = arith.constant 0 : i32
      %dma_wait3A_111 = arith.constant 0 : i32
      %dma_wait3A_112 = tpu.memref_slice %arg2[%dma_wait3A_110, %dma_wait3A_111] : memref<10000x128xf32, #tpu.memory_space<hbm>> -> memref<10000x128xf32, #tpu.memory_space<hbm>>
      tpu.wait_indirect_dma semaphore(%arg18 : memref<!tpu.dma_semaphore, #tpu.memory_space<semaphore_mem>>) src(%dma_wait3A_112 : memref<10000x128xf32, #tpu.memory_space<hbm>>) dst(%arg13 : memref<50x128xf32, #tpu.memory_space<vmem>>)
      %dma_wait3A_113 = arith.constant 1 : i32
      %dma_wait3A_114 = arith.constant 0 : i32
      %dma_wait3A_115 = tpu.memref_slice %arg10[%dma_wait3A_113, %dma_wait3A_114] : memref<2x50xi32, #tpu.memory_space<vmem>> -> memref<1x50xi32, #tpu.memory_space<vmem>>
      %dma_wait3A_116 = tpu.memref_squeeze %dma_wait3A_115 : memref<1x50xi32, #tpu.memory_space<vmem>> -> memref<50xi32, #tpu.memory_space<vmem>>
      %dma_wait3A_117 = arith.constant 0 : i32
      %dma_wait3A_118 = arith.constant 0 : i32
      %dma_wait3A_119 = tpu.memref_slice %arg3[%dma_wait3A_117, %dma_wait3A_118] : memref<10000x128xf32, #tpu.memory_space<hbm>> -> memref<10000x128xf32, #tpu.memory_space<hbm>>
      tpu.wait_indirect_dma semaphore(%arg18 : memref<!tpu.dma_semaphore, #tpu.memory_space<semaphore_mem>>) src(%dma_wait3A_119 : memref<10000x128xf32, #tpu.memory_space<hbm>>) dst(%arg14 : memref<50x128xf32, #tpu.memory_space<vmem>>)
      %add3A_120 = arith.constant 1 : i32
      %add3A_121 = arith.addi %mul3A_65, %add3A_120 : i32
      %scan3A_122 = arith.constant 0 : i32
      %scan3A_123 = arith.constant 0 : i32
      %scan3A_124 = arith.constant 25 : i32
      %scan3A_125 = arith.addi %scan3A_123, %scan3A_124 : i32
      %scan3A_126 = arith.constant 1 : i32
      %scan3A_127 = scf.for %scan3A_151 = %scan3A_123 to %scan3A_125 step %scan3A_126 iter_args(%scan3A_152 = %scan3A_122) -> (i32)  : i32 {
        %broadcast_in_dim3A_153 = arith.constant 0.000000e+00 : f32
        %broadcast_in_dim3A_154 = vector.broadcast %broadcast_in_dim3A_153 : f32 to vector<16xf32>
        %mul3A_155 = arith.constant 2 : i32
        %mul3A_156 = arith.muli %mul3A_155, %scan3A_151 : i32
        %add3A_157 = arith.constant 0 : i32
        %add3A_158 = arith.addi %mul3A_156, %add3A_157 : i32
        %get3A_159 = arith.index_cast %add3A_158 : i32 to index
        %get3A_160 = arith.constant 0 : index
        %get3A_161 = tpu.vector_load %arg13[%get3A_159, %get3A_160] {strides = array<i32>} : memref<50x128xf32, #tpu.memory_space<vmem>>, vector<16xf32>,
        %get3A_162 = arith.index_cast %add3A_158 : i32 to index
        %get3A_163 = arith.constant 0 : index
        %get3A_164 = tpu.vector_load %arg14[%get3A_162, %get3A_163] {strides = array<i32>} : memref<50x128xf32, #tpu.memory_space<vmem>>, vector<16xf32>,
        %add3A_165 = arith.addf %get3A_161, %get3A_164 : vector<16xf32>
        %mul3A_166 = arith.constant 2.000000e-01 : f32
        %mul3A_167 = vector.broadcast %mul3A_166 : f32 to vector<16xf32>
        %mul3A_168 = arith.mulf %add3A_165, %mul3A_167 : vector<16xf32>
        %max3A = arith.maximumf %add3A_165, %mul3A_168 : vector<16xf32>
        %mul3A_169 = arith.mulf %max3A, %get3A_14 : vector<16xf32>
        %reduce_sum3A = arith.constant true
        %reduce_sum3A_170 = vector.broadcast %reduce_sum3A : i1 to vector<16xi1>
        %reduce_sum3A_171 = tpu.scan <sum>, %mul3A_169 masked %reduce_sum3A_170 : vector<16xf32>, vector<16xi1> -> vector<16xf32>
        %reduce_sum3A_172 = vector.extract %reduce_sum3A_171[15] : f32 from vector<16xf32>
        %eq3A_173 = arith.constant 0 : i32
        %eq3A_174 = vector.broadcast %eq3A_173 : i32 to vector<16xi32>
        %eq3A_175 = arith.cmpi eq, %iota3A_13, %eq3A_174 : vector<16xi32>
        %broadcast_in_dim3A_176 = vector.broadcast %reduce_sum3A_172 : f32 to vector<16xf32>
        %select_n3A_177 = arith.select %eq3A_175, %broadcast_in_dim3A_176, %broadcast_in_dim3A_154 : vector<16xi1>, vector<16xf32>
        %get3A_178 = arith.index_cast %add3A_158 : i32 to index
        %get3A_179 = arith.constant 16 : index
        %get3A_180 = tpu.vector_load %arg13[%get3A_178, %get3A_179] {strides = array<i32>} : memref<50x128xf32, #tpu.memory_space<vmem>>, vector<16xf32>,
        %get3A_181 = arith.index_cast %add3A_158 : i32 to index
        %get3A_182 = arith.constant 16 : index
        %get3A_183 = tpu.vector_load %arg14[%get3A_181, %get3A_182] {strides = array<i32>} : memref<50x128xf32, #tpu.memory_space<vmem>>, vector<16xf32>,
        %add3A_184 = arith.addf %get3A_180, %get3A_183 : vector<16xf32>
        %mul3A_185 = arith.constant 2.000000e-01 : f32
        %mul3A_186 = vector.broadcast %mul3A_185 : f32 to vector<16xf32>
        %mul3A_187 = arith.mulf %add3A_184, %mul3A_186 : vector<16xf32>
        %max3A_188 = arith.maximumf %add3A_184, %mul3A_187 : vector<16xf32>
        %mul3A_189 = arith.mulf %max3A_188, %get3A_16 : vector<16xf32>
        %reduce_sum3A_190 = arith.constant true
        %reduce_sum3A_191 = vector.broadcast %reduce_sum3A_190 : i1 to vector<16xi1>
        %reduce_sum3A_192 = tpu.scan <sum>, %mul3A_189 masked %reduce_sum3A_191 : vector<16xf32>, vector<16xi1> -> vector<16xf32>
        %reduce_sum3A_193 = vector.extract %reduce_sum3A_192[15] : f32 from vector<16xf32>
        %eq3A_194 = arith.constant 1 : i32
        %eq3A_195 = vector.broadcast %eq3A_194 : i32 to vector<16xi32>
        %eq3A_196 = arith.cmpi eq, %iota3A_13, %eq3A_195 : vector<16xi32>
        %broadcast_in_dim3A_197 = vector.broadcast %reduce_sum3A_193 : f32 to vector<16xf32>
        %select_n3A_198 = arith.select %eq3A_196, %broadcast_in_dim3A_197, %select_n3A_177 : vector<16xi1>, vector<16xf32>
        %get3A_199 = arith.index_cast %add3A_158 : i32 to index
        %get3A_200 = arith.constant 32 : index
        %get3A_201 = tpu.vector_load %arg13[%get3A_199, %get3A_200] {strides = array<i32>} : memref<50x128xf32, #tpu.memory_space<vmem>>, vector<16xf32>,
        %get3A_202 = arith.index_cast %add3A_158 : i32 to index
        %get3A_203 = arith.constant 32 : index
        %get3A_204 = tpu.vector_load %arg14[%get3A_202, %get3A_203] {strides = array<i32>} : memref<50x128xf32, #tpu.memory_space<vmem>>, vector<16xf32>,
        %add3A_205 = arith.addf %get3A_201, %get3A_204 : vector<16xf32>
        %mul3A_206 = arith.constant 2.000000e-01 : f32
        %mul3A_207 = vector.broadcast %mul3A_206 : f32 to vector<16xf32>
        %mul3A_208 = arith.mulf %add3A_205, %mul3A_207 : vector<16xf32>
        %max3A_209 = arith.maximumf %add3A_205, %mul3A_208 : vector<16xf32>
        %mul3A_210 = arith.mulf %max3A_209, %get3A_18 : vector<16xf32>
        %reduce_sum3A_211 = arith.constant true
        %reduce_sum3A_212 = vector.broadcast %reduce_sum3A_211 : i1 to vector<16xi1>
        %reduce_sum3A_213 = tpu.scan <sum>, %mul3A_210 masked %reduce_sum3A_212 : vector<16xf32>, vector<16xi1> -> vector<16xf32>
        %reduce_sum3A_214 = vector.extract %reduce_sum3A_213[15] : f32 from vector<16xf32>
        %eq3A_215 = arith.constant 2 : i32
        %eq3A_216 = vector.broadcast %eq3A_215 : i32 to vector<16xi32>
        %eq3A_217 = arith.cmpi eq, %iota3A_13, %eq3A_216 : vector<16xi32>
        %broadcast_in_dim3A_218 = vector.broadcast %reduce_sum3A_214 : f32 to vector<16xf32>
        %select_n3A_219 = arith.select %eq3A_217, %broadcast_in_dim3A_218, %select_n3A_198 : vector<16xi1>, vector<16xf32>
        %get3A_220 = arith.index_cast %add3A_158 : i32 to index
        %get3A_221 = arith.constant 48 : index
        %get3A_222 = tpu.vector_load %arg13[%get3A_220, %get3A_221] {strides = array<i32>} : memref<50x128xf32, #tpu.memory_space<vmem>>, vector<16xf32>,
        %get3A_223 = arith.index_cast %add3A_158 : i32 to index
        %get3A_224 = arith.constant 48 : index
        %get3A_225 = tpu.vector_load %arg14[%get3A_223, %get3A_224] {strides = array<i32>} : memref<50x128xf32, #tpu.memory_space<vmem>>, vector<16xf32>,
        %add3A_226 = arith.addf %get3A_222, %get3A_225 : vector<16xf32>
        %mul3A_227 = arith.constant 2.000000e-01 : f32
        %mul3A_228 = vector.broadcast %mul3A_227 : f32 to vector<16xf32>
        %mul3A_229 = arith.mulf %add3A_226, %mul3A_228 : vector<16xf32>
        %max3A_230 = arith.maximumf %add3A_226, %mul3A_229 : vector<16xf32>
        %mul3A_231 = arith.mulf %max3A_230, %get3A_20 : vector<16xf32>
        %reduce_sum3A_232 = arith.constant true
        %reduce_sum3A_233 = vector.broadcast %reduce_sum3A_232 : i1 to vector<16xi1>
        %reduce_sum3A_234 = tpu.scan <sum>, %mul3A_231 masked %reduce_sum3A_233 : vector<16xf32>, vector<16xi1> -> vector<16xf32>
        %reduce_sum3A_235 = vector.extract %reduce_sum3A_234[15] : f32 from vector<16xf32>
        %eq3A_236 = arith.constant 3 : i32
        %eq3A_237 = vector.broadcast %eq3A_236 : i32 to vector<16xi32>
        %eq3A_238 = arith.cmpi eq, %iota3A_13, %eq3A_237 : vector<16xi32>
        %broadcast_in_dim3A_239 = vector.broadcast %reduce_sum3A_235 : f32 to vector<16xf32>
        %select_n3A_240 = arith.select %eq3A_238, %broadcast_in_dim3A_239, %select_n3A_219 : vector<16xi1>, vector<16xf32>
        %get3A_241 = arith.index_cast %add3A_158 : i32 to index
        %get3A_242 = arith.constant 64 : index
        %get3A_243 = tpu.vector_load %arg13[%get3A_241, %get3A_242] {strides = array<i32>} : memref<50x128xf32, #tpu.memory_space<vmem>>, vector<16xf32>,
        %get3A_244 = arith.index_cast %add3A_158 : i32 to index
        %get3A_245 = arith.constant 64 : index
        %get3A_246 = tpu.vector_load %arg14[%get3A_244, %get3A_245] {strides = array<i32>} : memref<50x128xf32, #tpu.memory_space<vmem>>, vector<16xf32>,
        %add3A_247 = arith.addf %get3A_243, %get3A_246 : vector<16xf32>
        %mul3A_248 = arith.constant 2.000000e-01 : f32
        %mul3A_249 = vector.broadcast %mul3A_248 : f32 to vector<16xf32>
        %mul3A_250 = arith.mulf %add3A_247, %mul3A_249 : vector<16xf32>
        %max3A_251 = arith.maximumf %add3A_247, %mul3A_250 : vector<16xf32>
        %mul3A_252 = arith.mulf %max3A_251, %get3A_22 : vector<16xf32>
        %reduce_sum3A_253 = arith.constant true
        %reduce_sum3A_254 = vector.broadcast %reduce_sum3A_253 : i1 to vector<16xi1>
        %reduce_sum3A_255 = tpu.scan <sum>, %mul3A_252 masked %reduce_sum3A_254 : vector<16xf32>, vector<16xi1> -> vector<16xf32>
        %reduce_sum3A_256 = vector.extract %reduce_sum3A_255[15] : f32 from vector<16xf32>
        %eq3A_257 = arith.constant 4 : i32
        %eq3A_258 = vector.broadcast %eq3A_257 : i32 to vector<16xi32>
        %eq3A_259 = arith.cmpi eq, %iota3A_13, %eq3A_258 : vector<16xi32>
        %broadcast_in_dim3A_260 = vector.broadcast %reduce_sum3A_256 : f32 to vector<16xf32>
        %select_n3A_261 = arith.select %eq3A_259, %broadcast_in_dim3A_260, %select_n3A_240 : vector<16xi1>, vector<16xf32>
        %get3A_262 = arith.index_cast %add3A_158 : i32 to index
        %get3A_263 = arith.constant 80 : index
        %get3A_264 = tpu.vector_load %arg13[%get3A_262, %get3A_263] {strides = array<i32>} : memref<50x128xf32, #tpu.memory_space<vmem>>, vector<16xf32>,
        %get3A_265 = arith.index_cast %add3A_158 : i32 to index
        %get3A_266 = arith.constant 80 : index
        %get3A_267 = tpu.vector_load %arg14[%get3A_265, %get3A_266] {strides = array<i32>} : memref<50x128xf32, #tpu.memory_space<vmem>>, vector<16xf32>,
        %add3A_268 = arith.addf %get3A_264, %get3A_267 : vector<16xf32>
        %mul3A_269 = arith.constant 2.000000e-01 : f32
        %mul3A_270 = vector.broadcast %mul3A_269 : f32 to vector<16xf32>
        %mul3A_271 = arith.mulf %add3A_268, %mul3A_270 : vector<16xf32>
        %max3A_272 = arith.maximumf %add3A_268, %mul3A_271 : vector<16xf32>
        %mul3A_273 = arith.mulf %max3A_272, %get3A_24 : vector<16xf32>
        %reduce_sum3A_274 = arith.constant true
        %reduce_sum3A_275 = vector.broadcast %reduce_sum3A_274 : i1 to vector<16xi1>
        %reduce_sum3A_276 = tpu.scan <sum>, %mul3A_273 masked %reduce_sum3A_275 : vector<16xf32>, vector<16xi1> -> vector<16xf32>
        %reduce_sum3A_277 = vector.extract %reduce_sum3A_276[15] : f32 from vector<16xf32>
        %eq3A_278 = arith.constant 5 : i32
        %eq3A_279 = vector.broadcast %eq3A_278 : i32 to vector<16xi32>
        %eq3A_280 = arith.cmpi eq, %iota3A_13, %eq3A_279 : vector<16xi32>
        %broadcast_in_dim3A_281 = vector.broadcast %reduce_sum3A_277 : f32 to vector<16xf32>
        %select_n3A_282 = arith.select %eq3A_280, %broadcast_in_dim3A_281, %select_n3A_261 : vector<16xi1>, vector<16xf32>
        %get3A_283 = arith.index_cast %add3A_158 : i32 to index
        %get3A_284 = arith.constant 96 : index
        %get3A_285 = tpu.vector_load %arg13[%get3A_283, %get3A_284] {strides = array<i32>} : memref<50x128xf32, #tpu.memory_space<vmem>>, vector<16xf32>,
        %get3A_286 = arith.index_cast %add3A_158 : i32 to index
        %get3A_287 = arith.constant 96 : index
        %get3A_288 = tpu.vector_load %arg14[%get3A_286, %get3A_287] {strides = array<i32>} : memref<50x128xf32, #tpu.memory_space<vmem>>, vector<16xf32>,
        %add3A_289 = arith.addf %get3A_285, %get3A_288 : vector<16xf32>
        %mul3A_290 = arith.constant 2.000000e-01 : f32
        %mul3A_291 = vector.broadcast %mul3A_290 : f32 to vector<16xf32>
        %mul3A_292 = arith.mulf %add3A_289, %mul3A_291 : vector<16xf32>
        %max3A_293 = arith.maximumf %add3A_289, %mul3A_292 : vector<16xf32>
        %mul3A_294 = arith.mulf %max3A_293, %get3A_26 : vector<16xf32>
        %reduce_sum3A_295 = arith.constant true
        %reduce_sum3A_296 = vector.broadcast %reduce_sum3A_295 : i1 to vector<16xi1>
        %reduce_sum3A_297 = tpu.scan <sum>, %mul3A_294 masked %reduce_sum3A_296 : vector<16xf32>, vector<16xi1> -> vector<16xf32>
        %reduce_sum3A_298 = vector.extract %reduce_sum3A_297[15] : f32 from vector<16xf32>
        %eq3A_299 = arith.constant 6 : i32
        %eq3A_300 = vector.broadcast %eq3A_299 : i32 to vector<16xi32>
        %eq3A_301 = arith.cmpi eq, %iota3A_13, %eq3A_300 : vector<16xi32>
        %broadcast_in_dim3A_302 = vector.broadcast %reduce_sum3A_298 : f32 to vector<16xf32>
        %select_n3A_303 = arith.select %eq3A_301, %broadcast_in_dim3A_302, %select_n3A_282 : vector<16xi1>, vector<16xf32>
        %get3A_304 = arith.index_cast %add3A_158 : i32 to index
        %get3A_305 = arith.constant 112 : index
        %get3A_306 = tpu.vector_load %arg13[%get3A_304, %get3A_305] {strides = array<i32>} : memref<50x128xf32, #tpu.memory_space<vmem>>, vector<16xf32>,
        %get3A_307 = arith.index_cast %add3A_158 : i32 to index
        %get3A_308 = arith.constant 112 : index
        %get3A_309 = tpu.vector_load %arg14[%get3A_307, %get3A_308] {strides = array<i32>} : memref<50x128xf32, #tpu.memory_space<vmem>>, vector<16xf32>,
        %add3A_310 = arith.addf %get3A_306, %get3A_309 : vector<16xf32>
        %mul3A_311 = arith.constant 2.000000e-01 : f32
        %mul3A_312 = vector.broadcast %mul3A_311 : f32 to vector<16xf32>
        %mul3A_313 = arith.mulf %add3A_310, %mul3A_312 : vector<16xf32>
        %max3A_314 = arith.maximumf %add3A_310, %mul3A_313 : vector<16xf32>
        %mul3A_315 = arith.mulf %max3A_314, %get3A_28 : vector<16xf32>
        %reduce_sum3A_316 = arith.constant true
        %reduce_sum3A_317 = vector.broadcast %reduce_sum3A_316 : i1 to vector<16xi1>
        %reduce_sum3A_318 = tpu.scan <sum>, %mul3A_315 masked %reduce_sum3A_317 : vector<16xf32>, vector<16xi1> -> vector<16xf32>
        %reduce_sum3A_319 = vector.extract %reduce_sum3A_318[15] : f32 from vector<16xf32>
        %eq3A_320 = arith.constant 7 : i32
        %eq3A_321 = vector.broadcast %eq3A_320 : i32 to vector<16xi32>
        %eq3A_322 = arith.cmpi eq, %iota3A_13, %eq3A_321 : vector<16xi32>
        %broadcast_in_dim3A_323 = vector.broadcast %reduce_sum3A_319 : f32 to vector<16xf32>
        %select_n3A_324 = arith.select %eq3A_322, %broadcast_in_dim3A_323, %select_n3A_303 : vector<16xi1>, vector<16xf32>
        %mul3A_325 = arith.constant 2 : i32
        %mul3A_326 = arith.muli %mul3A_325, %scan3A_151 : i32
        %add3A_327 = arith.constant 1 : i32
        %add3A_328 = arith.addi %mul3A_326, %add3A_327 : i32
        %get3A_329 = arith.index_cast %add3A_328 : i32 to index
        %get3A_330 = arith.constant 0 : index
        %get3A_331 = tpu.vector_load %arg13[%get3A_329, %get3A_330] {strides = array<i32>} : memref<50x128xf32, #tpu.memory_space<vmem>>, vector<16xf32>,
        %get3A_332 = arith.index_cast %add3A_328 : i32 to index
        %get3A_333 = arith.constant 0 : index
        %get3A_334 = tpu.vector_load %arg14[%get3A_332, %get3A_333] {strides = array<i32>} : memref<50x128xf32, #tpu.memory_space<vmem>>, vector<16xf32>,
        %add3A_335 = arith.addf %get3A_331, %get3A_334 : vector<16xf32>
        %mul3A_336 = arith.constant 2.000000e-01 : f32
        %mul3A_337 = vector.broadcast %mul3A_336 : f32 to vector<16xf32>
        %mul3A_338 = arith.mulf %add3A_335, %mul3A_337 : vector<16xf32>
        %max3A_339 = arith.maximumf %add3A_335, %mul3A_338 : vector<16xf32>
        %mul3A_340 = arith.mulf %max3A_339, %get3A_14 : vector<16xf32>
        %reduce_sum3A_341 = arith.constant true
        %reduce_sum3A_342 = vector.broadcast %reduce_sum3A_341 : i1 to vector<16xi1>
        %reduce_sum3A_343 = tpu.scan <sum>, %mul3A_340 masked %reduce_sum3A_342 : vector<16xf32>, vector<16xi1> -> vector<16xf32>
        %reduce_sum3A_344 = vector.extract %reduce_sum3A_343[15] : f32 from vector<16xf32>
        %eq3A_345 = arith.constant 8 : i32
        %eq3A_346 = vector.broadcast %eq3A_345 : i32 to vector<16xi32>
        %eq3A_347 = arith.cmpi eq, %iota3A_13, %eq3A_346 : vector<16xi32>
        %broadcast_in_dim3A_348 = vector.broadcast %reduce_sum3A_344 : f32 to vector<16xf32>
        %select_n3A_349 = arith.select %eq3A_347, %broadcast_in_dim3A_348, %select_n3A_324 : vector<16xi1>, vector<16xf32>
        %get3A_350 = arith.index_cast %add3A_328 : i32 to index
        %get3A_351 = arith.constant 16 : index
        %get3A_352 = tpu.vector_load %arg13[%get3A_350, %get3A_351] {strides = array<i32>} : memref<50x128xf32, #tpu.memory_space<vmem>>, vector<16xf32>,
        %get3A_353 = arith.index_cast %add3A_328 : i32 to index
        %get3A_354 = arith.constant 16 : index
        %get3A_355 = tpu.vector_load %arg14[%get3A_353, %get3A_354] {strides = array<i32>} : memref<50x128xf32, #tpu.memory_space<vmem>>, vector<16xf32>,
        %add3A_356 = arith.addf %get3A_352, %get3A_355 : vector<16xf32>
        %mul3A_357 = arith.constant 2.000000e-01 : f32
        %mul3A_358 = vector.broadcast %mul3A_357 : f32 to vector<16xf32>
        %mul3A_359 = arith.mulf %add3A_356, %mul3A_358 : vector<16xf32>
        %max3A_360 = arith.maximumf %add3A_356, %mul3A_359 : vector<16xf32>
        %mul3A_361 = arith.mulf %max3A_360, %get3A_16 : vector<16xf32>
        %reduce_sum3A_362 = arith.constant true
        %reduce_sum3A_363 = vector.broadcast %reduce_sum3A_362 : i1 to vector<16xi1>
        %reduce_sum3A_364 = tpu.scan <sum>, %mul3A_361 masked %reduce_sum3A_363 : vector<16xf32>, vector<16xi1> -> vector<16xf32>
        %reduce_sum3A_365 = vector.extract %reduce_sum3A_364[15] : f32 from vector<16xf32>
        %eq3A_366 = arith.constant 9 : i32
        %eq3A_367 = vector.broadcast %eq3A_366 : i32 to vector<16xi32>
        %eq3A_368 = arith.cmpi eq, %iota3A_13, %eq3A_367 : vector<16xi32>
        %broadcast_in_dim3A_369 = vector.broadcast %reduce_sum3A_365 : f32 to vector<16xf32>
        %select_n3A_370 = arith.select %eq3A_368, %broadcast_in_dim3A_369, %select_n3A_349 : vector<16xi1>, vector<16xf32>
        %get3A_371 = arith.index_cast %add3A_328 : i32 to index
        %get3A_372 = arith.constant 32 : index
        %get3A_373 = tpu.vector_load %arg13[%get3A_371, %get3A_372] {strides = array<i32>} : memref<50x128xf32, #tpu.memory_space<vmem>>, vector<16xf32>,
        %get3A_374 = arith.index_cast %add3A_328 : i32 to index
        %get3A_375 = arith.constant 32 : index
        %get3A_376 = tpu.vector_load %arg14[%get3A_374, %get3A_375] {strides = array<i32>} : memref<50x128xf32, #tpu.memory_space<vmem>>, vector<16xf32>,
        %add3A_377 = arith.addf %get3A_373, %get3A_376 : vector<16xf32>
        %mul3A_378 = arith.constant 2.000000e-01 : f32
        %mul3A_379 = vector.broadcast %mul3A_378 : f32 to vector<16xf32>
        %mul3A_380 = arith.mulf %add3A_377, %mul3A_379 : vector<16xf32>
        %max3A_381 = arith.maximumf %add3A_377, %mul3A_380 : vector<16xf32>
        %mul3A_382 = arith.mulf %max3A_381, %get3A_18 : vector<16xf32>
        %reduce_sum3A_383 = arith.constant true
        %reduce_sum3A_384 = vector.broadcast %reduce_sum3A_383 : i1 to vector<16xi1>
        %reduce_sum3A_385 = tpu.scan <sum>, %mul3A_382 masked %reduce_sum3A_384 : vector<16xf32>, vector<16xi1> -> vector<16xf32>
        %reduce_sum3A_386 = vector.extract %reduce_sum3A_385[15] : f32 from vector<16xf32>
        %eq3A_387 = arith.constant 10 : i32
        %eq3A_388 = vector.broadcast %eq3A_387 : i32 to vector<16xi32>
        %eq3A_389 = arith.cmpi eq, %iota3A_13, %eq3A_388 : vector<16xi32>
        %broadcast_in_dim3A_390 = vector.broadcast %reduce_sum3A_386 : f32 to vector<16xf32>
        %select_n3A_391 = arith.select %eq3A_389, %broadcast_in_dim3A_390, %select_n3A_370 : vector<16xi1>, vector<16xf32>
        %get3A_392 = arith.index_cast %add3A_328 : i32 to index
        %get3A_393 = arith.constant 48 : index
        %get3A_394 = tpu.vector_load %arg13[%get3A_392, %get3A_393] {strides = array<i32>} : memref<50x128xf32, #tpu.memory_space<vmem>>, vector<16xf32>,
        %get3A_395 = arith.index_cast %add3A_328 : i32 to index
        %get3A_396 = arith.constant 48 : index
        %get3A_397 = tpu.vector_load %arg14[%get3A_395, %get3A_396] {strides = array<i32>} : memref<50x128xf32, #tpu.memory_space<vmem>>, vector<16xf32>,
        %add3A_398 = arith.addf %get3A_394, %get3A_397 : vector<16xf32>
        %mul3A_399 = arith.constant 2.000000e-01 : f32
        %mul3A_400 = vector.broadcast %mul3A_399 : f32 to vector<16xf32>
        %mul3A_401 = arith.mulf %add3A_398, %mul3A_400 : vector<16xf32>
        %max3A_402 = arith.maximumf %add3A_398, %mul3A_401 : vector<16xf32>
        %mul3A_403 = arith.mulf %max3A_402, %get3A_20 : vector<16xf32>
        %reduce_sum3A_404 = arith.constant true
        %reduce_sum3A_405 = vector.broadcast %reduce_sum3A_404 : i1 to vector<16xi1>
        %reduce_sum3A_406 = tpu.scan <sum>, %mul3A_403 masked %reduce_sum3A_405 : vector<16xf32>, vector<16xi1> -> vector<16xf32>
        %reduce_sum3A_407 = vector.extract %reduce_sum3A_406[15] : f32 from vector<16xf32>
        %eq3A_408 = arith.constant 11 : i32
        %eq3A_409 = vector.broadcast %eq3A_408 : i32 to vector<16xi32>
        %eq3A_410 = arith.cmpi eq, %iota3A_13, %eq3A_409 : vector<16xi32>
        %broadcast_in_dim3A_411 = vector.broadcast %reduce_sum3A_407 : f32 to vector<16xf32>
        %select_n3A_412 = arith.select %eq3A_410, %broadcast_in_dim3A_411, %select_n3A_391 : vector<16xi1>, vector<16xf32>
        %get3A_413 = arith.index_cast %add3A_328 : i32 to index
        %get3A_414 = arith.constant 64 : index
        %get3A_415 = tpu.vector_load %arg13[%get3A_413, %get3A_414] {strides = array<i32>} : memref<50x128xf32, #tpu.memory_space<vmem>>, vector<16xf32>,
        %get3A_416 = arith.index_cast %add3A_328 : i32 to index
        %get3A_417 = arith.constant 64 : index
        %get3A_418 = tpu.vector_load %arg14[%get3A_416, %get3A_417] {strides = array<i32>} : memref<50x128xf32, #tpu.memory_space<vmem>>, vector<16xf32>,
        %add3A_419 = arith.addf %get3A_415, %get3A_418 : vector<16xf32>
        %mul3A_420 = arith.constant 2.000000e-01 : f32
        %mul3A_421 = vector.broadcast %mul3A_420 : f32 to vector<16xf32>
        %mul3A_422 = arith.mulf %add3A_419, %mul3A_421 : vector<16xf32>
        %max3A_423 = arith.maximumf %add3A_419, %mul3A_422 : vector<16xf32>
        %mul3A_424 = arith.mulf %max3A_423, %get3A_22 : vector<16xf32>
        %reduce_sum3A_425 = arith.constant true
        %reduce_sum3A_426 = vector.broadcast %reduce_sum3A_425 : i1 to vector<16xi1>
        %reduce_sum3A_427 = tpu.scan <sum>, %mul3A_424 masked %reduce_sum3A_426 : vector<16xf32>, vector<16xi1> -> vector<16xf32>
        %reduce_sum3A_428 = vector.extract %reduce_sum3A_427[15] : f32 from vector<16xf32>
        %eq3A_429 = arith.constant 12 : i32
        %eq3A_430 = vector.broadcast %eq3A_429 : i32 to vector<16xi32>
        %eq3A_431 = arith.cmpi eq, %iota3A_13, %eq3A_430 : vector<16xi32>
        %broadcast_in_dim3A_432 = vector.broadcast %reduce_sum3A_428 : f32 to vector<16xf32>
        %select_n3A_433 = arith.select %eq3A_431, %broadcast_in_dim3A_432, %select_n3A_412 : vector<16xi1>, vector<16xf32>
        %get3A_434 = arith.index_cast %add3A_328 : i32 to index
        %get3A_435 = arith.constant 80 : index
        %get3A_436 = tpu.vector_load %arg13[%get3A_434, %get3A_435] {strides = array<i32>} : memref<50x128xf32, #tpu.memory_space<vmem>>, vector<16xf32>,
        %get3A_437 = arith.index_cast %add3A_328 : i32 to index
        %get3A_438 = arith.constant 80 : index
        %get3A_439 = tpu.vector_load %arg14[%get3A_437, %get3A_438] {strides = array<i32>} : memref<50x128xf32, #tpu.memory_space<vmem>>, vector<16xf32>,
        %add3A_440 = arith.addf %get3A_436, %get3A_439 : vector<16xf32>
        %mul3A_441 = arith.constant 2.000000e-01 : f32
        %mul3A_442 = vector.broadcast %mul3A_441 : f32 to vector<16xf32>
        %mul3A_443 = arith.mulf %add3A_440, %mul3A_442 : vector<16xf32>
        %max3A_444 = arith.maximumf %add3A_440, %mul3A_443 : vector<16xf32>
        %mul3A_445 = arith.mulf %max3A_444, %get3A_24 : vector<16xf32>
        %reduce_sum3A_446 = arith.constant true
        %reduce_sum3A_447 = vector.broadcast %reduce_sum3A_446 : i1 to vector<16xi1>
        %reduce_sum3A_448 = tpu.scan <sum>, %mul3A_445 masked %reduce_sum3A_447 : vector<16xf32>, vector<16xi1> -> vector<16xf32>
        %reduce_sum3A_449 = vector.extract %reduce_sum3A_448[15] : f32 from vector<16xf32>
        %eq3A_450 = arith.constant 13 : i32
        %eq3A_451 = vector.broadcast %eq3A_450 : i32 to vector<16xi32>
        %eq3A_452 = arith.cmpi eq, %iota3A_13, %eq3A_451 : vector<16xi32>
        %broadcast_in_dim3A_453 = vector.broadcast %reduce_sum3A_449 : f32 to vector<16xf32>
        %select_n3A_454 = arith.select %eq3A_452, %broadcast_in_dim3A_453, %select_n3A_433 : vector<16xi1>, vector<16xf32>
        %get3A_455 = arith.index_cast %add3A_328 : i32 to index
        %get3A_456 = arith.constant 96 : index
        %get3A_457 = tpu.vector_load %arg13[%get3A_455, %get3A_456] {strides = array<i32>} : memref<50x128xf32, #tpu.memory_space<vmem>>, vector<16xf32>,
        %get3A_458 = arith.index_cast %add3A_328 : i32 to index
        %get3A_459 = arith.constant 96 : index
        %get3A_460 = tpu.vector_load %arg14[%get3A_458, %get3A_459] {strides = array<i32>} : memref<50x128xf32, #tpu.memory_space<vmem>>, vector<16xf32>,
        %add3A_461 = arith.addf %get3A_457, %get3A_460 : vector<16xf32>
        %mul3A_462 = arith.constant 2.000000e-01 : f32
        %mul3A_463 = vector.broadcast %mul3A_462 : f32 to vector<16xf32>
        %mul3A_464 = arith.mulf %add3A_461, %mul3A_463 : vector<16xf32>
        %max3A_465 = arith.maximumf %add3A_461, %mul3A_464 : vector<16xf32>
        %mul3A_466 = arith.mulf %max3A_465, %get3A_26 : vector<16xf32>
        %reduce_sum3A_467 = arith.constant true
        %reduce_sum3A_468 = vector.broadcast %reduce_sum3A_467 : i1 to vector<16xi1>
        %reduce_sum3A_469 = tpu.scan <sum>, %mul3A_466 masked %reduce_sum3A_468 : vector<16xf32>, vector<16xi1> -> vector<16xf32>
        %reduce_sum3A_470 = vector.extract %reduce_sum3A_469[15] : f32 from vector<16xf32>
        %eq3A_471 = arith.constant 14 : i32
        %eq3A_472 = vector.broadcast %eq3A_471 : i32 to vector<16xi32>
        %eq3A_473 = arith.cmpi eq, %iota3A_13, %eq3A_472 : vector<16xi32>
        %broadcast_in_dim3A_474 = vector.broadcast %reduce_sum3A_470 : f32 to vector<16xf32>
        %select_n3A_475 = arith.select %eq3A_473, %broadcast_in_dim3A_474, %select_n3A_454 : vector<16xi1>, vector<16xf32>
        %get3A_476 = arith.index_cast %add3A_328 : i32 to index
        %get3A_477 = arith.constant 112 : index
        %get3A_478 = tpu.vector_load %arg13[%get3A_476, %get3A_477] {strides = array<i32>} : memref<50x128xf32, #tpu.memory_space<vmem>>, vector<16xf32>,
        %get3A_479 = arith.index_cast %add3A_328 : i32 to index
        %get3A_480 = arith.constant 112 : index
        %get3A_481 = tpu.vector_load %arg14[%get3A_479, %get3A_480] {strides = array<i32>} : memref<50x128xf32, #tpu.memory_space<vmem>>, vector<16xf32>,
        %add3A_482 = arith.addf %get3A_478, %get3A_481 : vector<16xf32>
        %mul3A_483 = arith.constant 2.000000e-01 : f32
        %mul3A_484 = vector.broadcast %mul3A_483 : f32 to vector<16xf32>
        %mul3A_485 = arith.mulf %add3A_482, %mul3A_484 : vector<16xf32>
        %max3A_486 = arith.maximumf %add3A_482, %mul3A_485 : vector<16xf32>
        %mul3A_487 = arith.mulf %max3A_486, %get3A_28 : vector<16xf32>
        %reduce_sum3A_488 = arith.constant true
        %reduce_sum3A_489 = vector.broadcast %reduce_sum3A_488 : i1 to vector<16xi1>
        %reduce_sum3A_490 = tpu.scan <sum>, %mul3A_487 masked %reduce_sum3A_489 : vector<16xf32>, vector<16xi1> -> vector<16xf32>
        %reduce_sum3A_491 = vector.extract %reduce_sum3A_490[15] : f32 from vector<16xf32>
        %eq3A_492 = arith.constant 15 : i32
        %eq3A_493 = vector.broadcast %eq3A_492 : i32 to vector<16xi32>
        %eq3A_494 = arith.cmpi eq, %iota3A_13, %eq3A_493 : vector<16xi32>
        %broadcast_in_dim3A_495 = vector.broadcast %reduce_sum3A_491 : f32 to vector<16xf32>
        %select_n3A_496 = arith.select %eq3A_494, %broadcast_in_dim3A_495, %select_n3A_475 : vector<16xi1>, vector<16xf32>
        %exp3A = math.exp %select_n3A_496 : vector<16xf32>
        %mul3A_497 = arith.constant 50 : i32
        %mul3A_498 = arith.muli %add3A_121, %mul3A_497 : i32
        %mul3A_499 = arith.constant 8 : i32
        %mul3A_500 = arith.muli %mul3A_498, %mul3A_499 : i32
        %mul3A_501 = arith.constant 16 : i32
        %mul3A_502 = arith.muli %scan3A_151, %mul3A_501 : i32
        %add3A_503 = arith.addi %mul3A_500, %mul3A_502 : i32
        %swap3A = arith.index_cast %add3A_503 : i32 to index
        %swap3A_504 = tpu.vector_load %arg15[%swap3A] {strides = array<i32>} : memref<1600xf32, #tpu.memory_space<vmem>>, vector<16xf32>,
        tpu.vector_store %arg15[%swap3A], %exp3A {strides = array<i32>} : memref<1600xf32, #tpu.memory_space<vmem>>, vector<16xf32>,
        %mul3A_505 = arith.constant 2 : i32
        %mul3A_506 = arith.muli %mul3A_505, %scan3A_151 : i32
        %add3A_507 = vector.broadcast %mul3A_506 : i32 to vector<16xi32>
        %add3A_508 = arith.addi %add3A_507, %convert_element_type3A : vector<16xi32>
        %gather3A = tpu.vector_load_idx %arg10[%broadcast_in_dim3A_29, %add3A_508] : memref<2x50xi32, #tpu.memory_space<vmem>>[vector<16xi32>, vector<16xi32>], vector<16xi32>,
        %mul3A_509 = arith.constant 8 : i32
        %mul3A_510 = vector.broadcast %mul3A_509 : i32 to vector<16xi32>
        %mul3A_511 = arith.muli %gather3A, %mul3A_510 : vector<16xi32>
        %add3A_512 = arith.addi %mul3A_511, %and3A_12 : vector<16xi32>
        tpu.vector_store_idx %arg16[%add3A_512], %exp3A {add = true} : memref<80000xf32, #tpu.memory_space<vmem>>[vector<16xi32>], vector<16xf32>,
        %scan3A_513 = arith.constant 0 : i32
        scf.yield %scan3A_513 : i32
      }
      %scan3A_128 = arith.constant 25 : i32
      %jit3A_129 = arith.constant 2 : i32
      %eq3A_130 = arith.constant 0 : i32
      %eq3A_131 = arith.cmpi eq, %jit3A_129, %eq3A_130 : i32
      %jit3A_132 = arith.constant 1 : i32
      %select_n3A_133 = arith.select %eq3A_131, %jit3A_132, %jit3A_129 : i32
      %rem3A_134 = arith.remsi %scan3A_50, %select_n3A_133 : i32
      %ne3A_135 = arith.constant 0 : i32
      %ne3A_136 = arith.cmpi ne, %rem3A_134, %ne3A_135 : i32
      %lt3A_137 = arith.constant 0 : i32
      %lt3A_138 = arith.cmpi slt, %rem3A_134, %lt3A_137 : i32
      %lt3A_139 = arith.constant 0 : i32
      %lt3A_140 = arith.cmpi slt, %select_n3A_133, %lt3A_139 : i32
      %ne3A_141 = arith.xori %lt3A_138, %lt3A_140 : i1
      %and3A_142 = arith.andi %ne3A_141, %ne3A_136 : i1
      %add3A_143 = arith.addi %rem3A_134, %select_n3A_133 : i32
      %select_n3A_144 = arith.select %and3A_142, %add3A_143, %rem3A_134 : i32
      %eq3A_145 = arith.constant 1 : i32
      %eq3A_146 = arith.cmpi eq, %select_n3A_144, %eq3A_145 : i32
      %convert_element_type3A_147 = arith.extui %eq3A_146 : i1 to i32
      %cond3A_148 = arith.constant 0 : i32
      %cond3A_149 = arith.cmpi ne, %convert_element_type3A_147, %cond3A_148 : i32
      scf.if %cond3A_149 {
        %sub3A = arith.constant 2 : i32
        %sub3A_151 = arith.subi %mul3A_53, %sub3A : i32
        %mul3A_152 = arith.constant 50 : i32
        %mul3A_153 = arith.muli %sub3A_151, %mul3A_152 : i32
        %add3A_154 = arith.addi %mul3A_2, %mul3A_153 : i32
        %mul3A_155 = arith.constant 8 : i32
        %mul3A_156 = arith.muli %add3A_154, %mul3A_155 : i32
        "tpu.region"() ({
          %run_scoped3A_157 = tpu.sem_alloc : memref<!tpu.dma_semaphore, #tpu.memory_space<semaphore_mem>>
          %dma_start3A_158 = tpu.memref_slice %arg6[%mul3A_156] : memref<2560000xf32, #tpu.memory_space<hbm>> -> memref<1600xf32, #tpu.memory_space<hbm>>
          %dma_start3A_159 = tpu.memref_slice %arg6[%mul3A_156] : memref<2560000xf32, #tpu.memory_space<hbm>> -> memref<1600xf32, #tpu.memory_space<hbm>>
          tpu.enqueue_dma source(%arg15 : memref<1600xf32, #tpu.memory_space<vmem>>) target(%dma_start3A_159 : memref<1600xf32, #tpu.memory_space<hbm>>) target_semaphore(%run_scoped3A_157 : memref<!tpu.dma_semaphore, #tpu.memory_space<semaphore_mem>>)
          %dma_wait3A_160 = tpu.memref_slice %arg6[%mul3A_156] : memref<2560000xf32, #tpu.memory_space<hbm>> -> memref<1600xf32, #tpu.memory_space<hbm>>
          %dma_wait3A_161 = tpu.memref_slice %arg6[%mul3A_156] : memref<2560000xf32, #tpu.memory_space<hbm>> -> memref<1600xf32, #tpu.memory_space<hbm>>
          tpu.wait_dma2 semaphore(%run_scoped3A_157 : memref<!tpu.dma_semaphore, #tpu.memory_space<semaphore_mem>>) src(%arg15 : memref<1600xf32, #tpu.memory_space<vmem>>) dst(%dma_wait3A_161 : memref<1600xf32, #tpu.memory_space<hbm>>)
          tpu.yield
        }) : () -> ()
      } else {
      }
      %scan3A_150 = arith.constant 0 : i32
      scf.yield %scan3A_150 : i32
    }
    %scan3A_49 = arith.constant 100 : i32
    "tpu.region"() ({
      %run_scoped3A_50 = tpu.sem_alloc : memref<!tpu.dma_semaphore, #tpu.memory_space<semaphore_mem>>
      %dma_start3A_51 = arith.constant 0 : i32
      %dma_start3A_52 = tpu.memref_slice %arg7[%add3A, %dma_start3A_51] : memref<32x80000xf32, #tpu.memory_space<hbm>> -> memref<1x80000xf32, #tpu.memory_space<hbm>>
      %dma_start3A_53 = tpu.memref_squeeze %dma_start3A_52 : memref<1x80000xf32, #tpu.memory_space<hbm>> -> memref<80000xf32, #tpu.memory_space<hbm>>
      %dma_start3A_54 = arith.constant 0 : i32
      %dma_start3A_55 = tpu.memref_slice %arg7[%add3A, %dma_start3A_54] : memref<32x80000xf32, #tpu.memory_space<hbm>> -> memref<1x80000xf32, #tpu.memory_space<hbm>>
      %dma_start3A_56 = tpu.memref_squeeze %dma_start3A_55 : memref<1x80000xf32, #tpu.memory_space<hbm>> -> memref<80000xf32, #tpu.memory_space<hbm>>
      tpu.enqueue_dma source(%arg16 : memref<80000xf32, #tpu.memory_space<vmem>>) target(%dma_start3A_56 : memref<80000xf32, #tpu.memory_space<hbm>>) target_semaphore(%run_scoped3A_50 : memref<!tpu.dma_semaphore, #tpu.memory_space<semaphore_mem>>)
      %dma_wait3A = arith.constant 0 : i32
      %dma_wait3A_57 = tpu.memref_slice %arg7[%add3A, %dma_wait3A] : memref<32x80000xf32, #tpu.memory_space<hbm>> -> memref<1x80000xf32, #tpu.memory_space<hbm>>
      %dma_wait3A_58 = tpu.memref_squeeze %dma_wait3A_57 : memref<1x80000xf32, #tpu.memory_space<hbm>> -> memref<80000xf32, #tpu.memory_space<hbm>>
      %dma_wait3A_59 = arith.constant 0 : i32
      %dma_wait3A_60 = tpu.memref_slice %arg7[%add3A, %dma_wait3A_59] : memref<32x80000xf32, #tpu.memory_space<hbm>> -> memref<1x80000xf32, #tpu.memory_space<hbm>>
      %dma_wait3A_61 = tpu.memref_squeeze %dma_wait3A_60 : memref<1x80000xf32, #tpu.memory_space<hbm>> -> memref<80000xf32, #tpu.memory_space<hbm>>
      tpu.wait_dma2 semaphore(%run_scoped3A_50 : memref<!tpu.dma_semaphore, #tpu.memory_space<semaphore_mem>>) src(%arg16 : memref<80000xf32, #tpu.memory_space<vmem>>) dst(%dma_wait3A_61 : memref<80000xf32, #tpu.memory_space<hbm>>)
      tpu.yield
    }) : () -> ()
    return
  }
}

#map = affine_map<(d0, d1) -> (0, 0)>
#map1 = affine_map<(d0, d1) -> (0)>
#map2 = affine_map<(d0, d1) -> (0, 0, 0, 0)>
#map3 = affine_map<(d0, d1) -> (0, 0, 0)>
module attributes {stable_mosaic.version = 14 : i64} {
  func.func @_sc_messages(%arg0: i32, %arg1: i32, %arg2: memref<10000x128xf32, #tpu.memory_space<hbm>>, %arg3: memref<2560000xf32, #tpu.memory_space<hbm>>, %arg4: memref<32x125x2x80xi32, #tpu.memory_space<hbm>>, %arg5: memref<10000x128xf32, #tpu.memory_space<hbm>>, %arg6: memref<2x10000x128xf32, #tpu.memory_space<hbm>>, %arg7: memref<2x80xi32, #tpu.memory_space<vmem>>, %arg8: memref<80x128xf32, #tpu.memory_space<vmem>>, %arg9: memref<640xf32, #tpu.memory_space<vmem>>, %arg10: memref<80x128xf32, #tpu.memory_space<vmem>>, %arg11: memref<10000x128xf32, #tpu.memory_space<vmem_shared>>, %arg12: memref<!tpu.dma_semaphore, #tpu.memory_space<semaphore_mem>>) attributes {dimension_semantics = [#tpu.dimension_semantics<core_parallel>, #tpu.dimension_semantics<subcore_parallel>], iteration_bounds = array<i64: 2, 16>, scalar_prefetch = 0 : i64, scratch_operands = 6 : i64, tpu.core_type = #tpu.core_type<sc_vector_subcore>, window_params = [{transform_indices = #map}, {transform_indices = #map1}, {transform_indices = #map2}, {transform_indices = #map}, {transform_indices = #map3}]} {
    %mul3A = arith.constant 16 : i32
    %mul3A_0 = arith.muli %arg0, %mul3A : i32
    %add3A = arith.addi %mul3A_0, %arg1 : i32
    %mul3A_1 = arith.constant 10000 : i32
    %mul3A_2 = arith.muli %add3A, %mul3A_1 : i32
    %eq3A = arith.constant 0 : i32
    %eq3A_3 = arith.cmpi eq, %arg1, %eq3A : i32
    %convert_element_type3A = arith.extui %eq3A_3 : i1 to i32
    %cond3A = arith.constant 0 : i32
    %cond3A_4 = arith.cmpi ne, %convert_element_type3A, %cond3A : i32
    scf.if %cond3A_4 {
      "tpu.region"() ({
        %run_scoped3A = tpu.sem_alloc : memref<!tpu.dma_semaphore, #tpu.memory_space<semaphore_mem>>
        tpu.enqueue_dma source(%arg5 : memref<10000x128xf32, #tpu.memory_space<hbm>>) target(%arg11 : memref<10000x128xf32, #tpu.memory_space<vmem_shared>>) target_semaphore(%run_scoped3A : memref<!tpu.dma_semaphore, #tpu.memory_space<semaphore_mem>>)
        tpu.wait_dma2 semaphore(%run_scoped3A : memref<!tpu.dma_semaphore, #tpu.memory_space<semaphore_mem>>) src(%arg5 : memref<10000x128xf32, #tpu.memory_space<hbm>>) dst(%arg11 : memref<10000x128xf32, #tpu.memory_space<vmem_shared>>)
        tpu.yield
      }) : () -> ()
    } else {
    }
    %barrier3A = arith.constant 0 : index
    tpu.barrier barrier_id(%barrier3A)
    %scan3A = arith.constant 0 : i32
    %scan3A_5 = arith.constant 0 : i32
    %scan3A_6 = arith.constant 125 : i32
    %scan3A_7 = arith.addi %scan3A_5, %scan3A_6 : i32
    %scan3A_8 = arith.constant 1 : i32
    %scan3A_9 = scf.for %scan3A_17 = %scan3A_5 to %scan3A_7 step %scan3A_8 iter_args(%scan3A_18 = %scan3A) -> (i32)  : i32 {
      %mul3A_19 = arith.constant 80 : i32
      %mul3A_20 = arith.muli %scan3A_17, %mul3A_19 : i32
      %add3A_21 = arith.addi %mul3A_2, %mul3A_20 : i32
      "tpu.region"() ({
        %run_scoped3A_44 = tpu.sem_alloc : memref<!tpu.dma_semaphore, #tpu.memory_space<semaphore_mem>>
        %dma_start3A_45 = arith.constant 0 : i32
        %dma_start3A_46 = arith.constant 0 : i32
        %dma_start3A_47 = arith.constant 0 : i32
        %dma_start3A_48 = tpu.memref_slice %arg4[%add3A, %dma_start3A_45, %dma_start3A_46, %dma_start3A_47] : memref<32x125x2x80xi32, #tpu.memory_space<hbm>> -> memref<1x125x2x80xi32, #tpu.memory_space<hbm>>
        %dma_start3A_49 = tpu.memref_squeeze %dma_start3A_48 : memref<1x125x2x80xi32, #tpu.memory_space<hbm>> -> memref<125x2x80xi32, #tpu.memory_space<hbm>>
        %dma_start3A_50 = arith.constant 0 : i32
        %dma_start3A_51 = arith.constant 0 : i32
        %dma_start3A_52 = tpu.memref_slice %dma_start3A_49[%scan3A_17, %dma_start3A_50, %dma_start3A_51] : memref<125x2x80xi32, #tpu.memory_space<hbm>> -> memref<1x2x80xi32, #tpu.memory_space<hbm>>
        %dma_start3A_53 = tpu.memref_squeeze %dma_start3A_52 : memref<1x2x80xi32, #tpu.memory_space<hbm>> -> memref<2x80xi32, #tpu.memory_space<hbm>>
        %dma_start3A_54 = arith.constant 0 : i32
        %dma_start3A_55 = arith.constant 0 : i32
        %dma_start3A_56 = arith.constant 0 : i32
        %dma_start3A_57 = tpu.memref_slice %arg4[%add3A, %dma_start3A_54, %dma_start3A_55, %dma_start3A_56] : memref<32x125x2x80xi32, #tpu.memory_space<hbm>> -> memref<1x125x2x80xi32, #tpu.memory_space<hbm>>
        %dma_start3A_58 = tpu.memref_squeeze %dma_start3A_57 : memref<1x125x2x80xi32, #tpu.memory_space<hbm>> -> memref<125x2x80xi32, #tpu.memory_space<hbm>>
        %dma_start3A_59 = arith.constant 0 : i32
        %dma_start3A_60 = arith.constant 0 : i32
        %dma_start3A_61 = tpu.memref_slice %dma_start3A_58[%scan3A_17, %dma_start3A_59, %dma_start3A_60] : memref<125x2x80xi32, #tpu.memory_space<hbm>> -> memref<1x2x80xi32, #tpu.memory_space<hbm>>
        %dma_start3A_62 = tpu.memref_squeeze %dma_start3A_61 : memref<1x2x80xi32, #tpu.memory_space<hbm>> -> memref<2x80xi32, #tpu.memory_space<hbm>>
        tpu.enqueue_dma source(%dma_start3A_62 : memref<2x80xi32, #tpu.memory_space<hbm>>) target(%arg7 : memref<2x80xi32, #tpu.memory_space<vmem>>) target_semaphore(%run_scoped3A_44 : memref<!tpu.dma_semaphore, #tpu.memory_space<semaphore_mem>>)
        %dma_wait3A_63 = arith.constant 0 : i32
        %dma_wait3A_64 = arith.constant 0 : i32
        %dma_wait3A_65 = arith.constant 0 : i32
        %dma_wait3A_66 = tpu.memref_slice %arg4[%add3A, %dma_wait3A_63, %dma_wait3A_64, %dma_wait3A_65] : memref<32x125x2x80xi32, #tpu.memory_space<hbm>> -> memref<1x125x2x80xi32, #tpu.memory_space<hbm>>
        %dma_wait3A_67 = tpu.memref_squeeze %dma_wait3A_66 : memref<1x125x2x80xi32, #tpu.memory_space<hbm>> -> memref<125x2x80xi32, #tpu.memory_space<hbm>>
        %dma_wait3A_68 = arith.constant 0 : i32
        %dma_wait3A_69 = arith.constant 0 : i32
        %dma_wait3A_70 = tpu.memref_slice %dma_wait3A_67[%scan3A_17, %dma_wait3A_68, %dma_wait3A_69] : memref<125x2x80xi32, #tpu.memory_space<hbm>> -> memref<1x2x80xi32, #tpu.memory_space<hbm>>
        %dma_wait3A_71 = tpu.memref_squeeze %dma_wait3A_70 : memref<1x2x80xi32, #tpu.memory_space<hbm>> -> memref<2x80xi32, #tpu.memory_space<hbm>>
        %dma_wait3A_72 = arith.constant 0 : i32
        %dma_wait3A_73 = arith.constant 0 : i32
        %dma_wait3A_74 = arith.constant 0 : i32
        %dma_wait3A_75 = tpu.memref_slice %arg4[%add3A, %dma_wait3A_72, %dma_wait3A_73, %dma_wait3A_74] : memref<32x125x2x80xi32, #tpu.memory_space<hbm>> -> memref<1x125x2x80xi32, #tpu.memory_space<hbm>>
        %dma_wait3A_76 = tpu.memref_squeeze %dma_wait3A_75 : memref<1x125x2x80xi32, #tpu.memory_space<hbm>> -> memref<125x2x80xi32, #tpu.memory_space<hbm>>
        %dma_wait3A_77 = arith.constant 0 : i32
        %dma_wait3A_78 = arith.constant 0 : i32
        %dma_wait3A_79 = tpu.memref_slice %dma_wait3A_76[%scan3A_17, %dma_wait3A_77, %dma_wait3A_78] : memref<125x2x80xi32, #tpu.memory_space<hbm>> -> memref<1x2x80xi32, #tpu.memory_space<hbm>>
        %dma_wait3A_80 = tpu.memref_squeeze %dma_wait3A_79 : memref<1x2x80xi32, #tpu.memory_space<hbm>> -> memref<2x80xi32, #tpu.memory_space<hbm>>
        tpu.wait_dma2 semaphore(%run_scoped3A_44 : memref<!tpu.dma_semaphore, #tpu.memory_space<semaphore_mem>>) src(%dma_wait3A_80 : memref<2x80xi32, #tpu.memory_space<hbm>>) dst(%arg7 : memref<2x80xi32, #tpu.memory_space<vmem>>)
        tpu.yield
      }) : () -> ()
      %mul3A_22 = arith.constant 8 : i32
      %mul3A_23 = arith.muli %add3A_21, %mul3A_22 : i32
      "tpu.region"() ({
        %run_scoped3A_44 = tpu.sem_alloc : memref<!tpu.dma_semaphore, #tpu.memory_space<semaphore_mem>>
        %dma_start3A_45 = tpu.memref_slice %arg3[%mul3A_23] : memref<2560000xf32, #tpu.memory_space<hbm>> -> memref<640xf32, #tpu.memory_space<hbm>>
        %dma_start3A_46 = tpu.memref_slice %arg3[%mul3A_23] : memref<2560000xf32, #tpu.memory_space<hbm>> -> memref<640xf32, #tpu.memory_space<hbm>>
        tpu.enqueue_dma source(%dma_start3A_46 : memref<640xf32, #tpu.memory_space<hbm>>) target(%arg9 : memref<640xf32, #tpu.memory_space<vmem>>) target_semaphore(%run_scoped3A_44 : memref<!tpu.dma_semaphore, #tpu.memory_space<semaphore_mem>>)
        %dma_wait3A_47 = tpu.memref_slice %arg3[%mul3A_23] : memref<2560000xf32, #tpu.memory_space<hbm>> -> memref<640xf32, #tpu.memory_space<hbm>>
        %dma_wait3A_48 = tpu.memref_slice %arg3[%mul3A_23] : memref<2560000xf32, #tpu.memory_space<hbm>> -> memref<640xf32, #tpu.memory_space<hbm>>
        tpu.wait_dma2 semaphore(%run_scoped3A_44 : memref<!tpu.dma_semaphore, #tpu.memory_space<semaphore_mem>>) src(%dma_wait3A_48 : memref<640xf32, #tpu.memory_space<hbm>>) dst(%arg9 : memref<640xf32, #tpu.memory_space<vmem>>)
        tpu.yield
      }) : () -> ()
      %dma_start3A = arith.constant 0 : i32
      %dma_start3A_24 = arith.constant 0 : i32
      %dma_start3A_25 = tpu.memref_slice %arg7[%dma_start3A, %dma_start3A_24] : memref<2x80xi32, #tpu.memory_space<vmem>> -> memref<1x80xi32, #tpu.memory_space<vmem>>
      %dma_start3A_26 = tpu.memref_squeeze %dma_start3A_25 : memref<1x80xi32, #tpu.memory_space<vmem>> -> memref<80xi32, #tpu.memory_space<vmem>>
      %dma_start3A_27 = arith.constant 0 : i32
      %dma_start3A_28 = arith.constant 0 : i32
      %dma_start3A_29 = tpu.memref_slice %arg2[%dma_start3A_27, %dma_start3A_28] : memref<10000x128xf32, #tpu.memory_space<hbm>> -> memref<10000x128xf32, #tpu.memory_space<hbm>>
      tpu.enqueue_indirect_dma source(%dma_start3A_29 : memref<10000x128xf32, #tpu.memory_space<hbm>>) target(%arg8 : memref<80x128xf32, #tpu.memory_space<vmem>>) offsets(%dma_start3A_26 : memref<80xi32, #tpu.memory_space<vmem>>) semaphore(%arg12 : memref<!tpu.dma_semaphore, #tpu.memory_space<semaphore_mem>>)
      %dma_wait3A = arith.constant 0 : i32
      %dma_wait3A_30 = arith.constant 0 : i32
      %dma_wait3A_31 = tpu.memref_slice %arg7[%dma_wait3A, %dma_wait3A_30] : memref<2x80xi32, #tpu.memory_space<vmem>> -> memref<1x80xi32, #tpu.memory_space<vmem>>
      %dma_wait3A_32 = tpu.memref_squeeze %dma_wait3A_31 : memref<1x80xi32, #tpu.memory_space<vmem>> -> memref<80xi32, #tpu.memory_space<vmem>>
      %dma_wait3A_33 = arith.constant 0 : i32
      %dma_wait3A_34 = arith.constant 0 : i32
      %dma_wait3A_35 = tpu.memref_slice %arg2[%dma_wait3A_33, %dma_wait3A_34] : memref<10000x128xf32, #tpu.memory_space<hbm>> -> memref<10000x128xf32, #tpu.memory_space<hbm>>
      tpu.wait_indirect_dma semaphore(%arg12 : memref<!tpu.dma_semaphore, #tpu.memory_space<semaphore_mem>>) src(%dma_wait3A_35 : memref<10000x128xf32, #tpu.memory_space<hbm>>) dst(%arg8 : memref<80x128xf32, #tpu.memory_space<vmem>>)
      %scan3A_36 = arith.constant 0 : i32
      %scan3A_37 = arith.constant 0 : i32
      %scan3A_38 = arith.constant 80 : i32
      %scan3A_39 = arith.addi %scan3A_37, %scan3A_38 : i32
      %scan3A_40 = arith.constant 1 : i32
      %scan3A_41 = scf.for %scan3A_44 = %scan3A_37 to %scan3A_39 step %scan3A_40 iter_args(%scan3A_45 = %scan3A_36) -> (i32)  : i32 {
        %mul3A_46 = arith.constant 8 : i32
        %mul3A_47 = arith.muli %scan3A_44, %mul3A_46 : i32
        %add3A_48 = arith.constant 0 : i32
        %add3A_49 = arith.addi %mul3A_47, %add3A_48 : i32
        %broadcast_in_dim3A = vector.broadcast %add3A_49 : i32 to vector<16xi32>
        %gather3A = tpu.vector_load_idx %arg9[%broadcast_in_dim3A] : memref<640xf32, #tpu.memory_space<vmem>>[vector<16xi32>], vector<16xf32>,
        %get3A = arith.index_cast %scan3A_44 : i32 to index
        %get3A_50 = arith.constant 0 : index
        %get3A_51 = tpu.vector_load %arg8[%get3A, %get3A_50] {strides = array<i32>} : memref<80x128xf32, #tpu.memory_space<vmem>>, vector<16xf32>,
        %mul3A_52 = arith.mulf %get3A_51, %gather3A : vector<16xf32>
        %swap3A = arith.index_cast %scan3A_44 : i32 to index
        %swap3A_53 = arith.constant 0 : index
        %swap3A_54 = tpu.vector_load %arg10[%swap3A, %swap3A_53] {strides = array<i32>} : memref<80x128xf32, #tpu.memory_space<vmem>>, vector<16xf32>,
        tpu.vector_store %arg10[%swap3A, %swap3A_53], %mul3A_52 {strides = array<i32>} : memref<80x128xf32, #tpu.memory_space<vmem>>, vector<16xf32>,
        %mul3A_55 = arith.constant 8 : i32
        %mul3A_56 = arith.muli %scan3A_44, %mul3A_55 : i32
        %add3A_57 = arith.constant 1 : i32
        %add3A_58 = arith.addi %mul3A_56, %add3A_57 : i32
        %broadcast_in_dim3A_59 = vector.broadcast %add3A_58 : i32 to vector<16xi32>
        %gather3A_60 = tpu.vector_load_idx %arg9[%broadcast_in_dim3A_59] : memref<640xf32, #tpu.memory_space<vmem>>[vector<16xi32>], vector<16xf32>,
        %get3A_61 = arith.index_cast %scan3A_44 : i32 to index
        %get3A_62 = arith.constant 16 : index
        %get3A_63 = tpu.vector_load %arg8[%get3A_61, %get3A_62] {strides = array<i32>} : memref<80x128xf32, #tpu.memory_space<vmem>>, vector<16xf32>,
        %mul3A_64 = arith.mulf %get3A_63, %gather3A_60 : vector<16xf32>
        %swap3A_65 = arith.index_cast %scan3A_44 : i32 to index
        %swap3A_66 = arith.constant 16 : index
        %swap3A_67 = tpu.vector_load %arg10[%swap3A_65, %swap3A_66] {strides = array<i32>} : memref<80x128xf32, #tpu.memory_space<vmem>>, vector<16xf32>,
        tpu.vector_store %arg10[%swap3A_65, %swap3A_66], %mul3A_64 {strides = array<i32>} : memref<80x128xf32, #tpu.memory_space<vmem>>, vector<16xf32>,
        %mul3A_68 = arith.constant 8 : i32
        %mul3A_69 = arith.muli %scan3A_44, %mul3A_68 : i32
        %add3A_70 = arith.constant 2 : i32
        %add3A_71 = arith.addi %mul3A_69, %add3A_70 : i32
        %broadcast_in_dim3A_72 = vector.broadcast %add3A_71 : i32 to vector<16xi32>
        %gather3A_73 = tpu.vector_load_idx %arg9[%broadcast_in_dim3A_72] : memref<640xf32, #tpu.memory_space<vmem>>[vector<16xi32>], vector<16xf32>,
        %get3A_74 = arith.index_cast %scan3A_44 : i32 to index
        %get3A_75 = arith.constant 32 : index
        %get3A_76 = tpu.vector_load %arg8[%get3A_74, %get3A_75] {strides = array<i32>} : memref<80x128xf32, #tpu.memory_space<vmem>>, vector<16xf32>,
        %mul3A_77 = arith.mulf %get3A_76, %gather3A_73 : vector<16xf32>
        %swap3A_78 = arith.index_cast %scan3A_44 : i32 to index
        %swap3A_79 = arith.constant 32 : index
        %swap3A_80 = tpu.vector_load %arg10[%swap3A_78, %swap3A_79] {strides = array<i32>} : memref<80x128xf32, #tpu.memory_space<vmem>>, vector<16xf32>,
        tpu.vector_store %arg10[%swap3A_78, %swap3A_79], %mul3A_77 {strides = array<i32>} : memref<80x128xf32, #tpu.memory_space<vmem>>, vector<16xf32>,
        %mul3A_81 = arith.constant 8 : i32
        %mul3A_82 = arith.muli %scan3A_44, %mul3A_81 : i32
        %add3A_83 = arith.constant 3 : i32
        %add3A_84 = arith.addi %mul3A_82, %add3A_83 : i32
        %broadcast_in_dim3A_85 = vector.broadcast %add3A_84 : i32 to vector<16xi32>
        %gather3A_86 = tpu.vector_load_idx %arg9[%broadcast_in_dim3A_85] : memref<640xf32, #tpu.memory_space<vmem>>[vector<16xi32>], vector<16xf32>,
        %get3A_87 = arith.index_cast %scan3A_44 : i32 to index
        %get3A_88 = arith.constant 48 : index
        %get3A_89 = tpu.vector_load %arg8[%get3A_87, %get3A_88] {strides = array<i32>} : memref<80x128xf32, #tpu.memory_space<vmem>>, vector<16xf32>,
        %mul3A_90 = arith.mulf %get3A_89, %gather3A_86 : vector<16xf32>
        %swap3A_91 = arith.index_cast %scan3A_44 : i32 to index
        %swap3A_92 = arith.constant 48 : index
        %swap3A_93 = tpu.vector_load %arg10[%swap3A_91, %swap3A_92] {strides = array<i32>} : memref<80x128xf32, #tpu.memory_space<vmem>>, vector<16xf32>,
        tpu.vector_store %arg10[%swap3A_91, %swap3A_92], %mul3A_90 {strides = array<i32>} : memref<80x128xf32, #tpu.memory_space<vmem>>, vector<16xf32>,
        %mul3A_94 = arith.constant 8 : i32
        %mul3A_95 = arith.muli %scan3A_44, %mul3A_94 : i32
        %add3A_96 = arith.constant 4 : i32
        %add3A_97 = arith.addi %mul3A_95, %add3A_96 : i32
        %broadcast_in_dim3A_98 = vector.broadcast %add3A_97 : i32 to vector<16xi32>
        %gather3A_99 = tpu.vector_load_idx %arg9[%broadcast_in_dim3A_98] : memref<640xf32, #tpu.memory_space<vmem>>[vector<16xi32>], vector<16xf32>,
        %get3A_100 = arith.index_cast %scan3A_44 : i32 to index
        %get3A_101 = arith.constant 64 : index
        %get3A_102 = tpu.vector_load %arg8[%get3A_100, %get3A_101] {strides = array<i32>} : memref<80x128xf32, #tpu.memory_space<vmem>>, vector<16xf32>,
        %mul3A_103 = arith.mulf %get3A_102, %gather3A_99 : vector<16xf32>
        %swap3A_104 = arith.index_cast %scan3A_44 : i32 to index
        %swap3A_105 = arith.constant 64 : index
        %swap3A_106 = tpu.vector_load %arg10[%swap3A_104, %swap3A_105] {strides = array<i32>} : memref<80x128xf32, #tpu.memory_space<vmem>>, vector<16xf32>,
        tpu.vector_store %arg10[%swap3A_104, %swap3A_105], %mul3A_103 {strides = array<i32>} : memref<80x128xf32, #tpu.memory_space<vmem>>, vector<16xf32>,
        %mul3A_107 = arith.constant 8 : i32
        %mul3A_108 = arith.muli %scan3A_44, %mul3A_107 : i32
        %add3A_109 = arith.constant 5 : i32
        %add3A_110 = arith.addi %mul3A_108, %add3A_109 : i32
        %broadcast_in_dim3A_111 = vector.broadcast %add3A_110 : i32 to vector<16xi32>
        %gather3A_112 = tpu.vector_load_idx %arg9[%broadcast_in_dim3A_111] : memref<640xf32, #tpu.memory_space<vmem>>[vector<16xi32>], vector<16xf32>,
        %get3A_113 = arith.index_cast %scan3A_44 : i32 to index
        %get3A_114 = arith.constant 80 : index
        %get3A_115 = tpu.vector_load %arg8[%get3A_113, %get3A_114] {strides = array<i32>} : memref<80x128xf32, #tpu.memory_space<vmem>>, vector<16xf32>,
        %mul3A_116 = arith.mulf %get3A_115, %gather3A_112 : vector<16xf32>
        %swap3A_117 = arith.index_cast %scan3A_44 : i32 to index
        %swap3A_118 = arith.constant 80 : index
        %swap3A_119 = tpu.vector_load %arg10[%swap3A_117, %swap3A_118] {strides = array<i32>} : memref<80x128xf32, #tpu.memory_space<vmem>>, vector<16xf32>,
        tpu.vector_store %arg10[%swap3A_117, %swap3A_118], %mul3A_116 {strides = array<i32>} : memref<80x128xf32, #tpu.memory_space<vmem>>, vector<16xf32>,
        %mul3A_120 = arith.constant 8 : i32
        %mul3A_121 = arith.muli %scan3A_44, %mul3A_120 : i32
        %add3A_122 = arith.constant 6 : i32
        %add3A_123 = arith.addi %mul3A_121, %add3A_122 : i32
        %broadcast_in_dim3A_124 = vector.broadcast %add3A_123 : i32 to vector<16xi32>
        %gather3A_125 = tpu.vector_load_idx %arg9[%broadcast_in_dim3A_124] : memref<640xf32, #tpu.memory_space<vmem>>[vector<16xi32>], vector<16xf32>,
        %get3A_126 = arith.index_cast %scan3A_44 : i32 to index
        %get3A_127 = arith.constant 96 : index
        %get3A_128 = tpu.vector_load %arg8[%get3A_126, %get3A_127] {strides = array<i32>} : memref<80x128xf32, #tpu.memory_space<vmem>>, vector<16xf32>,
        %mul3A_129 = arith.mulf %get3A_128, %gather3A_125 : vector<16xf32>
        %swap3A_130 = arith.index_cast %scan3A_44 : i32 to index
        %swap3A_131 = arith.constant 96 : index
        %swap3A_132 = tpu.vector_load %arg10[%swap3A_130, %swap3A_131] {strides = array<i32>} : memref<80x128xf32, #tpu.memory_space<vmem>>, vector<16xf32>,
        tpu.vector_store %arg10[%swap3A_130, %swap3A_131], %mul3A_129 {strides = array<i32>} : memref<80x128xf32, #tpu.memory_space<vmem>>, vector<16xf32>,
        %mul3A_133 = arith.constant 8 : i32
        %mul3A_134 = arith.muli %scan3A_44, %mul3A_133 : i32
        %add3A_135 = arith.constant 7 : i32
        %add3A_136 = arith.addi %mul3A_134, %add3A_135 : i32
        %broadcast_in_dim3A_137 = vector.broadcast %add3A_136 : i32 to vector<16xi32>
        %gather3A_138 = tpu.vector_load_idx %arg9[%broadcast_in_dim3A_137] : memref<640xf32, #tpu.memory_space<vmem>>[vector<16xi32>], vector<16xf32>,
        %get3A_139 = arith.index_cast %scan3A_44 : i32 to index
        %get3A_140 = arith.constant 112 : index
        %get3A_141 = tpu.vector_load %arg8[%get3A_139, %get3A_140] {strides = array<i32>} : memref<80x128xf32, #tpu.memory_space<vmem>>, vector<16xf32>,
        %mul3A_142 = arith.mulf %get3A_141, %gather3A_138 : vector<16xf32>
        %swap3A_143 = arith.index_cast %scan3A_44 : i32 to index
        %swap3A_144 = arith.constant 112 : index
        %swap3A_145 = tpu.vector_load %arg10[%swap3A_143, %swap3A_144] {strides = array<i32>} : memref<80x128xf32, #tpu.memory_space<vmem>>, vector<16xf32>,
        tpu.vector_store %arg10[%swap3A_143, %swap3A_144], %mul3A_142 {strides = array<i32>} : memref<80x128xf32, #tpu.memory_space<vmem>>, vector<16xf32>,
        %scan3A_146 = arith.constant 0 : i32
        scf.yield %scan3A_146 : i32
      }
      %scan3A_42 = arith.constant 80 : i32
      %run_scoped3A = arith.constant 1 : i32
      "tpu.region"() ({
        %run_scoped3A_44 = tpu.sem_alloc : memref<!tpu.dma_semaphore, #tpu.memory_space<semaphore_mem>>
        %dma_start3A_45 = arith.constant 0 : i32
        %dma_start3A_46 = tpu.memref_slice %arg7[%run_scoped3A, %dma_start3A_45] : memref<2x80xi32, #tpu.memory_space<vmem>> -> memref<1x80xi32, #tpu.memory_space<vmem>>
        %dma_start3A_47 = tpu.memref_squeeze %dma_start3A_46 : memref<1x80xi32, #tpu.memory_space<vmem>> -> memref<80xi32, #tpu.memory_space<vmem>>
        %dma_start3A_48 = arith.constant 0 : i32
        %dma_start3A_49 = arith.constant 0 : i32
        %dma_start3A_50 = tpu.memref_slice %arg11[%dma_start3A_48, %dma_start3A_49] : memref<10000x128xf32, #tpu.memory_space<vmem_shared>> -> memref<10000x128xf32, #tpu.memory_space<vmem_shared>>
        tpu.enqueue_indirect_dma source(%arg10 : memref<80x128xf32, #tpu.memory_space<vmem>>) target(%dma_start3A_50 : memref<10000x128xf32, #tpu.memory_space<vmem_shared>>) offsets(%dma_start3A_47 : memref<80xi32, #tpu.memory_space<vmem>>) semaphore(%run_scoped3A_44 : memref<!tpu.dma_semaphore, #tpu.memory_space<semaphore_mem>>) {add = true}
        %dma_wait3A_51 = arith.constant 0 : i32
        %dma_wait3A_52 = tpu.memref_slice %arg7[%run_scoped3A, %dma_wait3A_51] : memref<2x80xi32, #tpu.memory_space<vmem>> -> memref<1x80xi32, #tpu.memory_space<vmem>>
        %dma_wait3A_53 = tpu.memref_squeeze %dma_wait3A_52 : memref<1x80xi32, #tpu.memory_space<vmem>> -> memref<80xi32, #tpu.memory_space<vmem>>
        %dma_wait3A_54 = arith.constant 0 : i32
        %dma_wait3A_55 = arith.constant 0 : i32
        %dma_wait3A_56 = tpu.memref_slice %arg11[%dma_wait3A_54, %dma_wait3A_55] : memref<10000x128xf32, #tpu.memory_space<vmem_shared>> -> memref<10000x128xf32, #tpu.memory_space<vmem_shared>>
        tpu.wait_indirect_dma semaphore(%run_scoped3A_44 : memref<!tpu.dma_semaphore, #tpu.memory_space<semaphore_mem>>) src(%arg10 : memref<80x128xf32, #tpu.memory_space<vmem>>) dst(%dma_wait3A_56 : memref<10000x128xf32, #tpu.memory_space<vmem_shared>>)
        tpu.yield
      }) : () -> ()
      %scan3A_43 = arith.constant 0 : i32
      scf.yield %scan3A_43 : i32
    }
    %scan3A_10 = arith.constant 125 : i32
    %barrier3A_11 = arith.constant 0 : index
    tpu.barrier barrier_id(%barrier3A_11)
    %eq3A_12 = arith.constant 0 : i32
    %eq3A_13 = arith.cmpi eq, %arg1, %eq3A_12 : i32
    %convert_element_type3A_14 = arith.extui %eq3A_13 : i1 to i32
    %cond3A_15 = arith.constant 0 : i32
    %cond3A_16 = arith.cmpi ne, %convert_element_type3A_14, %cond3A_15 : i32
    scf.if %cond3A_16 {
      "tpu.region"() ({
        %run_scoped3A = tpu.sem_alloc : memref<!tpu.dma_semaphore, #tpu.memory_space<semaphore_mem>>
        %dma_start3A = arith.constant 0 : i32
        %dma_start3A_17 = arith.constant 0 : i32
        %dma_start3A_18 = tpu.memref_slice %arg6[%arg0, %dma_start3A, %dma_start3A_17] : memref<2x10000x128xf32, #tpu.memory_space<hbm>> -> memref<1x10000x128xf32, #tpu.memory_space<hbm>>
        %dma_start3A_19 = tpu.memref_squeeze %dma_start3A_18 : memref<1x10000x128xf32, #tpu.memory_space<hbm>> -> memref<10000x128xf32, #tpu.memory_space<hbm>>
        tpu.enqueue_dma source(%arg11 : memref<10000x128xf32, #tpu.memory_space<vmem_shared>>) target(%dma_start3A_19 : memref<10000x128xf32, #tpu.memory_space<hbm>>) target_semaphore(%run_scoped3A : memref<!tpu.dma_semaphore, #tpu.memory_space<semaphore_mem>>)
        %dma_wait3A = arith.constant 0 : i32
        %dma_wait3A_20 = arith.constant 0 : i32
        %dma_wait3A_21 = tpu.memref_slice %arg6[%arg0, %dma_wait3A, %dma_wait3A_20] : memref<2x10000x128xf32, #tpu.memory_space<hbm>> -> memref<1x10000x128xf32, #tpu.memory_space<hbm>>
        %dma_wait3A_22 = tpu.memref_squeeze %dma_wait3A_21 : memref<1x10000x128xf32, #tpu.memory_space<hbm>> -> memref<10000x128xf32, #tpu.memory_space<hbm>>
        tpu.wait_dma2 semaphore(%run_scoped3A : memref<!tpu.dma_semaphore, #tpu.memory_space<semaphore_mem>>) src(%arg11 : memref<10000x128xf32, #tpu.memory_space<vmem_shared>>) dst(%dma_wait3A_22 : memref<10000x128xf32, #tpu.memory_space<hbm>>)
        tpu.yield
      }) : () -> ()
    } else {
    }
    return
  }
}

#map = affine_map<(d0, d1) -> (0)>
module attributes {stable_mosaic.version = 14 : i64} {
  func.func @_sc_alpha(%arg0: i32, %arg1: i32, %arg2: memref<2560000xf32, #tpu.memory_space<hbm>>, %arg3: memref<80000xf32, #tpu.memory_space<hbm>>, %arg4: memref<320000xi32, #tpu.memory_space<hbm>>, %arg5: memref<2560000xf32, #tpu.memory_space<hbm>>, %arg6: memref<10000xi32, #tpu.memory_space<vmem>>, %arg7: memref<3200xf32, #tpu.memory_space<vmem>>, %arg8: memref<3200xf32, #tpu.memory_space<vmem>>, %arg9: memref<80000xf32, #tpu.memory_space<vmem>>) attributes {dimension_semantics = [#tpu.dimension_semantics<core_parallel>, #tpu.dimension_semantics<subcore_parallel>], iteration_bounds = array<i64: 2, 16>, scalar_prefetch = 0 : i64, scratch_operands = 4 : i64, tpu.core_type = #tpu.core_type<sc_vector_subcore>, window_params = [{transform_indices = #map}, {transform_indices = #map}, {transform_indices = #map}, {transform_indices = #map}]} {
    %mul3A = arith.constant 16 : i32
    %mul3A_0 = arith.muli %arg0, %mul3A : i32
    %add3A = arith.addi %mul3A_0, %arg1 : i32
    %mul3A_1 = arith.constant 10000 : i32
    %mul3A_2 = arith.muli %add3A, %mul3A_1 : i32
    "tpu.region"() ({
      %run_scoped3A = tpu.sem_alloc : memref<!tpu.dma_semaphore, #tpu.memory_space<semaphore_mem>>
      tpu.enqueue_dma source(%arg3 : memref<80000xf32, #tpu.memory_space<hbm>>) target(%arg9 : memref<80000xf32, #tpu.memory_space<vmem>>) target_semaphore(%run_scoped3A : memref<!tpu.dma_semaphore, #tpu.memory_space<semaphore_mem>>)
      tpu.wait_dma2 semaphore(%run_scoped3A : memref<!tpu.dma_semaphore, #tpu.memory_space<semaphore_mem>>) src(%arg3 : memref<80000xf32, #tpu.memory_space<hbm>>) dst(%arg9 : memref<80000xf32, #tpu.memory_space<vmem>>)
      tpu.yield
    }) : () -> ()
    "tpu.region"() ({
      %run_scoped3A = tpu.sem_alloc : memref<!tpu.dma_semaphore, #tpu.memory_space<semaphore_mem>>
      %dma_start3A = tpu.memref_slice %arg4[%mul3A_2] : memref<320000xi32, #tpu.memory_space<hbm>> -> memref<10000xi32, #tpu.memory_space<hbm>>
      %dma_start3A_13 = tpu.memref_slice %arg4[%mul3A_2] : memref<320000xi32, #tpu.memory_space<hbm>> -> memref<10000xi32, #tpu.memory_space<hbm>>
      tpu.enqueue_dma source(%dma_start3A_13 : memref<10000xi32, #tpu.memory_space<hbm>>) target(%arg6 : memref<10000xi32, #tpu.memory_space<vmem>>) target_semaphore(%run_scoped3A : memref<!tpu.dma_semaphore, #tpu.memory_space<semaphore_mem>>)
      %dma_wait3A = tpu.memref_slice %arg4[%mul3A_2] : memref<320000xi32, #tpu.memory_space<hbm>> -> memref<10000xi32, #tpu.memory_space<hbm>>
      %dma_wait3A_14 = tpu.memref_slice %arg4[%mul3A_2] : memref<320000xi32, #tpu.memory_space<hbm>> -> memref<10000xi32, #tpu.memory_space<hbm>>
      tpu.wait_dma2 semaphore(%run_scoped3A : memref<!tpu.dma_semaphore, #tpu.memory_space<semaphore_mem>>) src(%dma_wait3A_14 : memref<10000xi32, #tpu.memory_space<hbm>>) dst(%arg6 : memref<10000xi32, #tpu.memory_space<vmem>>)
      tpu.yield
    }) : () -> ()
    %iota3A = tpu.iota {dimensions = array<i32: 0>} : vector<16xi32>
    %ge3A = arith.constant 8 : i32
    %ge3A_3 = vector.broadcast %ge3A : i32 to vector<16xi32>
    %ge3A_4 = arith.cmpi sge, %iota3A, %ge3A_3 : vector<16xi32>
    %convert_element_type3A = arith.extui %ge3A_4 : vector<16xi1> to vector<16xi32>
    %and3A = arith.constant 7 : i32
    %and3A_5 = vector.broadcast %and3A : i32 to vector<16xi32>
    %and3A_6 = arith.andi %iota3A, %and3A_5 : vector<16xi32>
    %scan3A = arith.constant 0 : i32
    %scan3A_7 = arith.constant 0 : i32
    %scan3A_8 = arith.constant 25 : i32
    %scan3A_9 = arith.addi %scan3A_7, %scan3A_8 : i32
    %scan3A_10 = arith.constant 1 : i32
    %scan3A_11 = scf.for %scan3A_13 = %scan3A_7 to %scan3A_9 step %scan3A_10 iter_args(%scan3A_14 = %scan3A) -> (i32)  : i32 {
      %mul3A_15 = arith.constant 400 : i32
      %mul3A_16 = arith.muli %scan3A_13, %mul3A_15 : i32
      %add3A_17 = arith.addi %mul3A_2, %mul3A_16 : i32
      %mul3A_18 = arith.constant 8 : i32
      %mul3A_19 = arith.muli %add3A_17, %mul3A_18 : i32
      "tpu.region"() ({
        %run_scoped3A = tpu.sem_alloc : memref<!tpu.dma_semaphore, #tpu.memory_space<semaphore_mem>>
        %dma_start3A = tpu.memref_slice %arg2[%mul3A_19] : memref<2560000xf32, #tpu.memory_space<hbm>> -> memref<3200xf32, #tpu.memory_space<hbm>>
        %dma_start3A_30 = tpu.memref_slice %arg2[%mul3A_19] : memref<2560000xf32, #tpu.memory_space<hbm>> -> memref<3200xf32, #tpu.memory_space<hbm>>
        tpu.enqueue_dma source(%dma_start3A_30 : memref<3200xf32, #tpu.memory_space<hbm>>) target(%arg7 : memref<3200xf32, #tpu.memory_space<vmem>>) target_semaphore(%run_scoped3A : memref<!tpu.dma_semaphore, #tpu.memory_space<semaphore_mem>>)
        %dma_wait3A = tpu.memref_slice %arg2[%mul3A_19] : memref<2560000xf32, #tpu.memory_space<hbm>> -> memref<3200xf32, #tpu.memory_space<hbm>>
        %dma_wait3A_31 = tpu.memref_slice %arg2[%mul3A_19] : memref<2560000xf32, #tpu.memory_space<hbm>> -> memref<3200xf32, #tpu.memory_space<hbm>>
        tpu.wait_dma2 semaphore(%run_scoped3A : memref<!tpu.dma_semaphore, #tpu.memory_space<semaphore_mem>>) src(%dma_wait3A_31 : memref<3200xf32, #tpu.memory_space<hbm>>) dst(%arg7 : memref<3200xf32, #tpu.memory_space<vmem>>)
        tpu.yield
      }) : () -> ()
      %scan3A_20 = arith.constant 0 : i32
      %scan3A_21 = arith.constant 0 : i32
      %scan3A_22 = arith.constant 200 : i32
      %scan3A_23 = arith.addi %scan3A_21, %scan3A_22 : i32
      %scan3A_24 = arith.constant 1 : i32
      %scan3A_25 = scf.for %scan3A_30 = %scan3A_21 to %scan3A_23 step %scan3A_24 iter_args(%scan3A_31 = %scan3A_20) -> (i32)  : i32 {
        %mul3A_32 = arith.constant 400 : i32
        %mul3A_33 = arith.muli %scan3A_13, %mul3A_32 : i32
        %mul3A_34 = arith.constant 2 : i32
        %mul3A_35 = arith.muli %mul3A_34, %scan3A_30 : i32
        %add3A_36 = arith.addi %mul3A_33, %mul3A_35 : i32
        %add3A_37 = vector.broadcast %add3A_36 : i32 to vector<16xi32>
        %add3A_38 = arith.addi %add3A_37, %convert_element_type3A : vector<16xi32>
        %gather3A = tpu.vector_load_idx %arg6[%add3A_38] : memref<10000xi32, #tpu.memory_space<vmem>>[vector<16xi32>], vector<16xi32>,
        %mul3A_39 = arith.constant 8 : i32
        %mul3A_40 = vector.broadcast %mul3A_39 : i32 to vector<16xi32>
        %mul3A_41 = arith.muli %gather3A, %mul3A_40 : vector<16xi32>
        %add3A_42 = arith.addi %mul3A_41, %and3A_6 : vector<16xi32>
        %gather3A_43 = tpu.vector_load_idx %arg9[%add3A_42] : memref<80000xf32, #tpu.memory_space<vmem>>[vector<16xi32>], vector<16xf32>,
        %mul3A_44 = arith.constant 16 : i32
        %mul3A_45 = arith.muli %scan3A_30, %mul3A_44 : i32
        %get3A = arith.index_cast %mul3A_45 : i32 to index
        %get3A_46 = tpu.vector_load %arg7[%get3A] {strides = array<i32>} : memref<3200xf32, #tpu.memory_space<vmem>>, vector<16xf32>,
        %mul3A_47 = arith.mulf %get3A_46, %gather3A_43 : vector<16xf32>
        %mul3A_48 = arith.constant 16 : i32
        %mul3A_49 = arith.muli %scan3A_30, %mul3A_48 : i32
        %swap3A = arith.index_cast %mul3A_49 : i32 to index
        %swap3A_50 = tpu.vector_load %arg8[%swap3A] {strides = array<i32>} : memref<3200xf32, #tpu.memory_space<vmem>>, vector<16xf32>,
        tpu.vector_store %arg8[%swap3A], %mul3A_47 {strides = array<i32>} : memref<3200xf32, #tpu.memory_space<vmem>>, vector<16xf32>,
        %scan3A_51 = arith.constant 0 : i32
        scf.yield %scan3A_51 : i32
      }
      %scan3A_26 = arith.constant 200 : i32
      %mul3A_27 = arith.constant 8 : i32
      %mul3A_28 = arith.muli %add3A_17, %mul3A_27 : i32
      "tpu.region"() ({
        %run_scoped3A = tpu.sem_alloc : memref<!tpu.dma_semaphore, #tpu.memory_space<semaphore_mem>>
        %dma_start3A = tpu.memref_slice %arg5[%mul3A_28] : memref<2560000xf32, #tpu.memory_space<hbm>> -> memref<3200xf32, #tpu.memory_space<hbm>>
        %dma_start3A_30 = tpu.memref_slice %arg5[%mul3A_28] : memref<2560000xf32, #tpu.memory_space<hbm>> -> memref<3200xf32, #tpu.memory_space<hbm>>
        tpu.enqueue_dma source(%arg8 : memref<3200xf32, #tpu.memory_space<vmem>>) target(%dma_start3A_30 : memref<3200xf32, #tpu.memory_space<hbm>>) target_semaphore(%run_scoped3A : memref<!tpu.dma_semaphore, #tpu.memory_space<semaphore_mem>>)
        %dma_wait3A = tpu.memref_slice %arg5[%mul3A_28] : memref<2560000xf32, #tpu.memory_space<hbm>> -> memref<3200xf32, #tpu.memory_space<hbm>>
        %dma_wait3A_31 = tpu.memref_slice %arg5[%mul3A_28] : memref<2560000xf32, #tpu.memory_space<hbm>> -> memref<3200xf32, #tpu.memory_space<hbm>>
        tpu.wait_dma2 semaphore(%run_scoped3A : memref<!tpu.dma_semaphore, #tpu.memory_space<semaphore_mem>>) src(%arg8 : memref<3200xf32, #tpu.memory_space<vmem>>) dst(%dma_wait3A_31 : memref<3200xf32, #tpu.memory_space<hbm>>)
        tpu.yield
      }) : () -> ()
      %scan3A_29 = arith.constant 0 : i32
      scf.yield %scan3A_29 : i32
    }
    %scan3A_12 = arith.constant 25 : i32
    return
  }
}

module attributes {stable_mosaic.version = 14 : i64} {
  func.func @_proj_body(%arg0: i32, %arg1: memref<1000x128xf32, #tpu.memory_space<vmem>>, %arg2: memref<128x128xf32, #tpu.memory_space<vmem>>, %arg3: memref<1x128xf32, #tpu.memory_space<vmem>>, %arg4: memref<128x128xf32, #tpu.memory_space<vmem>>, %arg5: memref<1x128xf32, #tpu.memory_space<vmem>>, %arg6: memref<1000x128xf32, #tpu.memory_space<vmem>>, %arg7: memref<1000x128xf32, #tpu.memory_space<vmem>>) attributes {dimension_semantics = [#tpu.dimension_semantics<arbitrary>], iteration_bounds = array<i64: 10>, scalar_prefetch = 0 : i64, scratch_operands = 0 : i64, tpu.core_type = #tpu.core_type<tc>, window_params = [{transform_indices = @transform_0, window_bounds = array<i64: 1000, 128>}, {pipeline_mode = #tpu.pipeline_mode<synchronous>, transform_indices = @transform_1, window_bounds = array<i64: 128, 128>}, {pipeline_mode = #tpu.pipeline_mode<synchronous>, transform_indices = @transform_2, window_bounds = array<i64: 1, 128>}, {pipeline_mode = #tpu.pipeline_mode<synchronous>, transform_indices = @transform_3, window_bounds = array<i64: 128, 128>}, {pipeline_mode = #tpu.pipeline_mode<synchronous>, transform_indices = @transform_4, window_bounds = array<i64: 1, 128>}, {transform_indices = @transform_5, window_bounds = array<i64: 1000, 128>}, {transform_indices = @transform_6, window_bounds = array<i64: 1000, 128>}]} {
    %get3A = arith.constant 0 : index
    %get3A_0 = arith.constant 0 : index
    %get3A_1 = vector.load %arg1[%get3A, %get3A_0] : memref<1000x128xf32, #tpu.memory_space<vmem>>, vector<1000x128xf32>
    %get3A_2 = arith.constant 0 : index
    %get3A_3 = arith.constant 0 : index
    %get3A_4 = vector.load %arg2[%get3A_2, %get3A_3] : memref<128x128xf32, #tpu.memory_space<vmem>>, vector<128x128xf32>
    %dot_general3A = arith.constant dense<0.000000e+00> : vector<1000x128xf32>
    %dot_general3A_5 = tpu.matmul %get3A_1, %get3A_4, %dot_general3A {dimension_numbers = #tpu.dot_dimension_numbers<[1], [0], [0], [1], [0, 0, 1, 1], [], []>, transpose_lhs_hint = false} : vector<1000x128xf32>, vector<128x128xf32>, vector<1000x128xf32> -> vector<1000x128xf32>
    %get3A_6 = arith.constant 0 : index
    %get3A_7 = arith.constant 0 : index
    %get3A_8 = vector.load %arg3[%get3A_6, %get3A_7] : memref<1x128xf32, #tpu.memory_space<vmem>>, vector<1x128xf32>
    %add3A = vector.broadcast %get3A_8 : vector<1x128xf32> to vector<1000x128xf32>
    %add3A_9 = arith.addf %dot_general3A_5, %add3A : vector<1000x128xf32>
    %swap3A = arith.constant 0 : index
    %swap3A_10 = arith.constant 0 : index
    %swap3A_11 = vector.load %arg6[%swap3A, %swap3A_10] : memref<1000x128xf32, #tpu.memory_space<vmem>>, vector<1000x128xf32>
    tpu.vector_store %arg6[%swap3A, %swap3A_10], %add3A_9 {strides = array<i32>} : memref<1000x128xf32, #tpu.memory_space<vmem>>, vector<1000x128xf32>,
    %get3A_12 = arith.constant 0 : index
    %get3A_13 = arith.constant 0 : index
    %get3A_14 = vector.load %arg4[%get3A_12, %get3A_13] : memref<128x128xf32, #tpu.memory_space<vmem>>, vector<128x128xf32>
    %dot_general3A_15 = arith.constant dense<0.000000e+00> : vector<1000x128xf32>
    %dot_general3A_16 = tpu.matmul %get3A_1, %get3A_14, %dot_general3A_15 {dimension_numbers = #tpu.dot_dimension_numbers<[1], [0], [0], [1], [0, 0, 1, 1], [], []>, transpose_lhs_hint = false} : vector<1000x128xf32>, vector<128x128xf32>, vector<1000x128xf32> -> vector<1000x128xf32>
    %get3A_17 = arith.constant 0 : index
    %get3A_18 = arith.constant 0 : index
    %get3A_19 = vector.load %arg5[%get3A_17, %get3A_18] : memref<1x128xf32, #tpu.memory_space<vmem>>, vector<1x128xf32>
    %add3A_20 = vector.broadcast %get3A_19 : vector<1x128xf32> to vector<1000x128xf32>
    %add3A_21 = arith.addf %dot_general3A_16, %add3A_20 : vector<1000x128xf32>
    %swap3A_22 = arith.constant 0 : index
    %swap3A_23 = arith.constant 0 : index
    %swap3A_24 = vector.load %arg7[%swap3A_22, %swap3A_23] : memref<1000x128xf32, #tpu.memory_space<vmem>>, vector<1000x128xf32>
    tpu.vector_store %arg7[%swap3A_22, %swap3A_23], %add3A_21 {strides = array<i32>} : memref<1000x128xf32, #tpu.memory_space<vmem>>, vector<1000x128xf32>,
    return
  }
  func.func @transform_0(%arg0: i32) -> (i32, i32) {
    %c0_i32 = arith.constant 0 : i32
    %c0_i32_0 = arith.constant 0 : i32
    return %arg0, %c0_i32 : i32, i32
  }
  func.func @transform_1(%arg0: i32) -> (i32, i32) {
    %c0_i32 = arith.constant 0 : i32
    %c0_i32_0 = arith.constant 0 : i32
    %c0_i32_1 = arith.constant 0 : i32
    return %c0_i32, %c0_i32_0 : i32, i32
  }
  func.func @transform_2(%arg0: i32) -> (i32, i32) {
    %c0_i32 = arith.constant 0 : i32
    %c0_i32_0 = arith.constant 0 : i32
    %c0_i32_1 = arith.constant 0 : i32
    return %c0_i32, %c0_i32_0 : i32, i32
  }
  func.func @transform_3(%arg0: i32) -> (i32, i32) {
    %c0_i32 = arith.constant 0 : i32
    %c0_i32_0 = arith.constant 0 : i32
    %c0_i32_1 = arith.constant 0 : i32
    return %c0_i32, %c0_i32_0 : i32, i32
  }
  func.func @transform_4(%arg0: i32) -> (i32, i32) {
    %c0_i32 = arith.constant 0 : i32
    %c0_i32_0 = arith.constant 0 : i32
    %c0_i32_1 = arith.constant 0 : i32
    return %c0_i32, %c0_i32_0 : i32, i32
  }
  func.func @transform_5(%arg0: i32) -> (i32, i32) {
    %c0_i32 = arith.constant 0 : i32
    %c0_i32_0 = arith.constant 0 : i32
    return %arg0, %c0_i32 : i32, i32
  }
  func.func @transform_6(%arg0: i32) -> (i32, i32) {
    %c0_i32 = arith.constant 0 : i32
    %c0_i32_0 = arith.constant 0 : i32
    return %arg0, %c0_i32 : i32, i32
  }
}

</mosaic_0001>

<sc_bundles>
// kernel: kernel.10.cloned.1.call-start
scs
__scs_entry_jumppad:
0x0: {  	(pc) =	sbr.rel $0x88, $3  }
0x1: {  	(tag) =	ssettag $0x0;
	lr =	simm.s32 $0x1  }
0x2: {  	[smem:$0x3F99] =	sst lr;
	_ =	strace $0xD0000000  }
0x3: {  	_ = 	snop  }
0x4: {  	_ = 	snop  }
0x5: {  	_ = 	snop  }
0x6: {  	_ = 	snop  }
0x7: {  	_ = 	snop  }
__scs_overlays_trampoline_lowered:
0x8: {  	[smem:$0x3FA8] =	sst s0  }
0x9: {  	[smem:$0x3FA9] =	sst s1  }
0xa: {  	[smem:$0x3FAA] =	sst s2  }
0xb: {  	[smem:$0x3FAB] =	sst s3  }
0xc: {  	[smem:$0x3FAC] =	sst s4  }
0xd: {  	[smem:$0x3FAD] =	sst s5  }
0xe: {  	[smem:$0x3FAE] =	sst s6  }
0xf: {  	[smem:$0x3FAF] =	sst s7  }
0x10: {  	[smem:$0x3FB0] =	sst s8  }
0x11: {  	[smem:$0x3FB1] =	sst s9;
	s0 =	simm.s32 @!p0 $0x0  }
0x12: {  	s1 =	sld [smem:$0x3F97];
	s0 =	simm.s32 @p0 $0x1  }
0x13: {  	[smem:$0x3FB2] =	sst s0;
	s0 =	simm.s32 @!p1 $0x0  }
0x14: {  	s2 =	sld [smem:$0x3F96];
	s0 =	simm.s32 @p1 $0x1  }
0x15: {  	[smem:$0x3FB3] =	sst s0;
	s0 =	simm.s32 @!p2 $0x0  }
0x16: {  	s3 =	sld [smem:$0x3FDB];
	s0 =	simm.s32 @p2 $0x1  }
0x17: {  	s4 =	simm.s32 $0x1BF5;
	[smem:$0x3FB5] =	sst s0  }
0x18: {  	s0 =	sld [smem:$0x3F98];
	_ =	swait.ge [sflag:s4], $0x0  }
0x19: {  	s7 =	sld [smem:$0x3F99]  }
0x1a: {  	s8 =	sadd.s32 $0xFFFFE003, lr  }
0x1b: {  	s9 =	sadd.s32 $0xFFFFFEF7, lr;
	s5 =	simm.s32 $0xFFFFFFFF;
	p2 =	slt.u32 s8, $0xFFFFF086  }
0x1c: {  	p1 =	slt.u32 s9, $0xF7A;
	s5 =	simm.s32 @!p2 $0x0  }
0x1d: {  	s5 =	simm.s32 @p1 $0x1;
	p0 =	seq.s32 s7, s2  }
0x1e: {  	s7 =	smul.u32 @!p0 $0xF7A, s2;
	p2 =	seq.s32 @!p0 s5, $0x0  }
0x1f: {  	s9 =	smul.u32 $0xF7A, s1;
	s8 =	simm.s32 @!p0 $0x1BF5;
	p2 =	por !p2, p0  }
0x20: {  	[sflag:s8] =	ssyncset.s32 @!p0 $0xFFFFF086;
	s6 =	sadd.s32 @!p0 s3, s7;
	s7 =	simm.s32 @!p0 $0x108  }
0x21: {  	s3 =	sadd.s32 s3, s9;
	s6 =	sadd.s32 @!p0 $0x88, s6;
	s7 =	simm.s32 @p2 $0x1082  }
0x22: {  	[simem:s7], [sflag:s8] =	dma.local @!p0 [hbm:s6], $0xF7A  }
0x23: {  	s9 =	sor.u32 $0xD0000000, s2;
	s6 =	simm.s32 $0x108;
	_ =	swait.ge @!p0 [sflag:s8], $0x0  }
0x24: {  	s3 =	sadd.s32 $0x88, s3;
	s6 =	simm.s32 @!p1 $0x1082;
	[sflag:s4] =	ssyncset.s32 $0xFFFFF086  }
0x25: {  	[simem:s6], [sflag:s4] =	dma.local [hbm:s3], $0xF7A  }
0x26: {  	[smem:$0x3F99] =	sst s1;
	(tag) =	ssettag s2;
	_ =	strace s9  }
0x27: {  	s1 =	sld [smem:$0x3FA9]  }
0x28: {  	s2 =	sld [smem:$0x3FAA]  }
0x29: {  	s4 =	sld [smem:$0x3FAC]  }
0x2a: {  	p0 =	seq.s32 s5, $0x0;
	s5 =	sld [smem:$0x3FAD]  }
0x2b: {  	s6 =	sld [smem:$0x3FAE]  }
0x2c: {  	s7 =	sld [smem:$0x3FAF]  }
0x2d: {  	s3 =	simm.s32 $0x108;
	s8 =	sld [smem:$0x3FB0]  }
0x2e: {  	s3 =	simm.s32 @!p0 $0x1082;
	s9 =	sld [smem:$0x3FB1]  }
0x2f: {  	lr =	sadd.s32 s0, s3;
	s0 =	sld [smem:$0x3FA8]  }
0x30: {  	s3 =	sld [smem:$0x3FAB]  }
0x31: {  	[smem:$0x3FB4] =	sst s10  }
0x32: {  	s10 =	sld [smem:$0x3FB2];
	_ =	sdelay $0x3  }
0x33: {  	p0 =	seq.s32 s10, $0x1;
	s10 =	sld [smem:$0x3FB4];
	_ =	sdelay $0x3  }
0x34: {  	[smem:$0x3FB4] =	sst s10  }
0x35: {  	s10 =	sld [smem:$0x3FB3];
	_ =	sdelay $0x3  }
0x36: {  	p1 =	seq.s32 s10, $0x1;
	s10 =	sld [smem:$0x3FB4];
	_ =	sdelay $0x3  }
0x37: {  	[smem:$0x3FB4] =	sst s10  }
0x38: {  	s10 =	sld [smem:$0x3FB5]  }
0x39: {  	_ = 	snop;
	(pc) =	sbr.ind lr, $3  }
0x3a: {  	_ = 	snop  }
0x3b: {  	_ = 	snop  }
0x3c: {  	p2 =	seq.s32 s10, $0x1;
	s10 =	sld [smem:$0x3FB4]  }
0x3d: {  	_ =	shalt  }
0x3e: {  	_ =	shalt  }
0x3f: {  	_ =	shalt  }
0x40: {  	_ =	shalt  }
0x41: {  	_ =	shalt  }
0x42: {  	_ =	shalt  }
0x43: {  	_ =	shalt  }
0x44: {  	_ =	shalt  }
0x45: {  	_ =	shalt  }
0x46: {  	_ =	shalt  }
0x47: {  	_ =	shalt  }
0x48: {  	_ =	shalt  }
0x49: {  	_ =	shalt  }
0x4a: {  	_ =	shalt  }
0x4b: {  	_ =	shalt  }
0x4c: {  	_ =	shalt  }
0x4d: {  	_ =	shalt  }
0x4e: {  	_ =	shalt  }
0x4f: {  	_ =	shalt  }
0x50: {  	_ =	shalt  }
0x51: {  	_ =	shalt  }
0x52: {  	_ =	shalt  }
0x53: {  	_ =	shalt  }
0x54: {  	_ =	shalt  }
0x55: {  	_ =	shalt  }
0x56: {  	_ =	shalt  }
0x57: {  	_ =	shalt  }
0x58: {  	_ =	shalt  }
0x59: {  	_ =	shalt  }
0x5a: {  	_ =	shalt  }
0x5b: {  	_ =	shalt  }
0x5c: {  	_ =	shalt  }
0x5d: {  	_ =	shalt  }
0x5e: {  	_ =	shalt  }
0x5f: {  	_ =	shalt  }
0x60: {  	_ =	shalt  }
0x61: {  	_ =	shalt  }
0x62: {  	_ =	shalt  }
0x63: {  	_ =	shalt  }
0x64: {  	_ =	shalt  }
0x65: {  	_ =	shalt  }
0x66: {  	_ =	shalt  }
0x67: {  	_ =	shalt  }
0x68: {  	_ =	shalt  }
0x69: {  	_ =	shalt  }
0x6a: {  	_ =	shalt  }
0x6b: {  	_ =	shalt  }
0x6c: {  	_ =	shalt  }
0x6d: {  	_ =	shalt  }
0x6e: {  	_ =	shalt  }
0x6f: {  	_ =	shalt  }
0x70: {  	_ =	shalt  }
0x71: {  	_ =	shalt  }
0x72: {  	_ =	shalt  }
0x73: {  	_ =	shalt  }
0x74: {  	_ =	shalt  }
0x75: {  	_ =	shalt  }
0x76: {  	_ =	shalt  }
0x77: {  	_ =	shalt  }
0x78: {  	_ =	shalt  }
0x79: {  	_ =	shalt  }
0x7a: {  	_ =	shalt  }
0x7b: {  	_ =	shalt  }
0x7c: {  	_ =	shalt  }
0x7d: {  	_ =	shalt  }
0x7e: {  	_ =	shalt  }
0x7f: {  	_ =	shalt  }
0x80: {  	_ =	shalt  }
0x81: {  	_ =	shalt  }
0x82: {  	_ =	shalt  }
0x83: {  	_ =	shalt  }
0x84: {  	_ =	shalt  }
0x85: {  	_ =	shalt  }
0x86: {  	_ =	shalt  }
0x87: {  	_ =	shalt  }
.Lfunc_end0:
.L_simem_size_0:
called_computation.1_lowered:
.L_overlay_start_0:
0x88: {  	s2 =	sld [smem:$0x3FD9]  }
0x89: {  	s3 =	sld [smem:$0x3FFE];
	_ =	sdelay $0x1  }
0x8a: {  	s1 =	srdreg.scid  }
0x8b: {  	s0 =	sand.u32 $0x1, s1  }
0x8c: {  	s17 =	sshll.u32 s0, $0xA;
	s2 =	sadd.s32 s3, s2  }
0x8d: {  	s2 =	sadd.s32 s2, s17  }
0x8e: {  	[smem:$0x3FC0] =	sst s2  }
0x8f: {  	_ = 	snop  }
0x90: {  	s2 =	sld [smem:$0x3FD0];
	(tm) =	ssettm $0x1  }
0x91: {  	s18 =	sld [smem:$0x3FFB];
	_ =	sdelay $0x3  }
0x92: {  	_ =	strace s18  }
0x93: {  	s3 =	sld [smem:$0x3FFC];
	_ =	sdelay $0x3  }
0x94: {  	_ =	strace s3  }
0x95: {  	s3 =	sld [smem:$0x3FFD];
	_ =	sdelay $0x3  }
0x96: {  	_ =	strace s3  }
0x97: {  	_ =	strace $0x8FFFFFFF  }
0x98: {  	s19 =	sld [smem:$0x3FDB];
	_ =	sdelay $0x1  }
0x99: {  	s4 =	simm.s32 $_scs_section_size  }
0x9a: {  	s5 =	simm.s32 $_size__tile_overlayer_lowered;
	s6 =	simm.s32 $_tile_overlayer_lowered  }
0x9b: {  	s22 =	simm.s32 $0x1BFF;
	s21 =	sshll.u32 s6, $0x1;
	s3 =	sadd.s32 s4, s19  }
0x9c: {  	s7 =	simm.s32 $0x0;
	s20 =	sshll.u32 s5, $0x1;
	s5 =	sadd.s32 s21, s3  }
0x9d: {  	[timem:s7], [sflag:s22] =	dma.local [hbm:s5], s20  }
0x9e: {  	_ =	swait.ge [sflag:s22], s20  }
0x9f: {  	s4 =	ssub.s32 $0x0, s20;
	[sflag:s22] =	ssyncset.done $0x0  }
0xa0: {  	[sflag:s22] =	ssyncadd.s32 s4;
	_ =	sdelay $0x1  }
0xa1: {  	s23 =	simm.s32 $0x1B8B  }
0xa2: {  	_ =	swait.ge [sflag:s23], $0x1  }
0xa3: {  	[sflag:s23] =	ssyncset.done $0x0  }
0xa4: {  	s25 =	simm.s32 $0x1B8E;
	s24 =	sld [smem:$0x3FFE];
	[sflag:s23] =	ssyncadd.s32 $0xFFFFFFFF  }
0xa5: {  	s26 =	simm.s32 $execute0_lowered;
	[smem:$0x3FD2] =	sst s25  }
0xa6: {  	s5 =	sshll.u32 s26, $0x1;
	_ =	strace $0x80000049;
	[dreg:$0x1] =	wrdreg $0xFFFFFFFF  }
0xa7: {  	s28 =	simm.s32 $_size_execute0_lowered;
	s3 =	sadd.s32 s3, s5;
	[dreg:$0x0] =	wrdreg $0x0  }
0xa8: {  	s5 =	sshll.u32 s28, $0x1;
	[dreg:$0x2] =	wrdreg s3  }
0xa9: {  	[dreg:$0x3] =	wrdreg s5  }
0xaa: {  	[dreg:$0x4] =	wrdreg $0xC0  }
0xab: {  	_ =	task [dreg:s7], $0x5FFFF  }
0xac: {  	[dreg:$0x1] =	wrdreg $0xFFFFFFFF  }
0xad: {  	[dreg:$0x0] =	wrdreg $0x60  }
0xae: {  	[dreg:$0x2] =	wrdreg s2  }
0xaf: {  	[dreg:$0x3] =	wrdreg s24  }
0xb0: {  	[dreg:$0x4] =	wrdreg $0x9  }
0xb1: {  	_ =	task.clear_ibuf [dreg:s7], $0x5FFFF;
	_ =	strace $0x90000049  }
0xb2: {  	s29 =	simm.s32 $0x9;
	_ =	strace $0x8000004B  }
0xb3: {  	_ =	swait.ge [sflag:s29], $0x1  }
0xb4: {  	[sflag:s29] =	ssyncadd.s32 $0xFFFFFFFF  }
0xb5: {  	_ =	strace $0x9000004B  }
0xb6: {  	_ =	sfence  }
0xb7: {  	s30 =	sld [smem:$0x0];
	_ =	sdelay $0x2  }
0xb8: {  	s31 =	sshll.u32 s1, $0xD;
	s1 =	sshrl.u32 s1, $0x2  }
0xb9: {  	s3 =	sand.u32 $0x4000, s31;
	s1 =	sadd.s32 s1, s30  }
0xba: {  	s0 =	sor.u32 s3, s0;
	s1 =	sshll.u32 s1, $0x11  }
0xbb: {  	s0 =	sor.u32 s1, s0  }
0xbc: {  	s0 =	sadd.s32 $0x8F2B, s0  }
0xbd: {  	[sflag:s0] =	ssyncadd.remote.s32 $0x1  }
0xbe: {  	_ =	sfence.sel $0xFFFF  }
0xbf: {  	[dreg:$0x0] =	wrdreg $0xFFFFFFFF;
	(pc) =	sbr.abs _section_cstart, $3  }
0xc0: {  	[dreg:$0x1] =	wrdreg $0xFFFFFFFF  }
0xc1: {  	_ =	task.clear_ibuf [dreg:s7], $0x2FFFF;
	_ =	strace $0x9FFFFFFF  }
0xc2: {  	(tm) =	ssettm $0x7FFFFFFF  }
0xc3: {  	_ =	shalt  }
tec
execute0_lowered:
.L_overlay_start_1:
0x0: {  	(tag) =	ssettag $0x1  }
0x1: {  	s0 =	srdreg.scid;
	s2 =	rddreg [dreg:$0x0]  }
0x2: {  	s6 =	rddreg [dreg:$0x1];
	s3 =	simm.s32 $0x0;
	s5 =	sand.u32 $0x1, s0  }
0x3: {  	s10 =	simm.s32 $0x1;
	s0 =	stileid.u32;
	s1 =	sshll.u32 s5, $0x4  }
0x4: {  	s11 =	simm.s32 $0x2780;
	s12 =	simm.s32 $0x3400;
	s4 =	sor.u32 s0, s1  }
0x5: {  	s13 =	simm.s32 $0x0;
	[smem:$0x7FF] =	sst s3;
	s4 =	smul.u32 $0x2710, s4  }
0x6: {  	s8 =	ssub.s32 $0x2, s5;
	s5 =	sadd.s32 $0x65400, s6;
	s1 =	rddreg [dreg:$0x2]  }
0x7: {  	_ =	strace $0x8000004A;
	s9 =	sshrl.u32 s8, $0x1;
	s7 =	sshrl.u32 s4, $0x3  }
0x8: {  	v1 =	vlaneseq.u32;
	s8 =	ssub.s32 s8, s9;
	s9 =	simm.s32 $0x4080;
	s7 =	sadd.s32 s7, s6  }
0x9: {  	v0 =	vshrl.u32 v1, $0x3;
	v1 =	vand.u32 $0x7, v1;
	s8 =	smax.u32 s8, $0x1;
	s6 =	sadd.s32 $0x67C00, s6;
	s7 =	sadd.s32 $0x2400, s7  }
.LBB2_1:
0xa: {  	[tilespmem:s9], [sflag:$0x1] =	stream.linear.gather [hbm4b:s5+s3], $0x13880, $0x38;
	[tilespmem:$0x17900] =	vst v63  }
0xb: {  	_ =	swait.ge [sflag:s10], $0x13880  }
0xc: {  	[sflag:s10] =	ssyncset.done $0x0  }
0xd: {  	[sflag:s10] =	ssyncadd.s32 $0xFFFEC780  }
0xe: {  	[tilespmem:s3], [sflag:$0x1] =	stream.linear.gather [hbm4b:s7+s3], $0x2710, $0x38;
	[tilespmem:$0x17900] =	vst v63  }
0xf: {  	_ =	swait.ge [sflag:s10], $0x2710  }
0x10: {  	[sflag:s10] =	ssyncset.done $0x0  }
0x11: {  	s14 =	simm.s32 $0x0;
	s15 =	simm.s32 $0x0;
	[sflag:s10] =	ssyncadd.s32 $0xFFFFD8F0  }
.LBB2_2:
0x12: {  	s16 =	smul.u32 $0x190, s15;
	_ =	sdelay $0x1  }
0x13: {  	s16 =	sadd.s32 s4, s16  }
0x14: {  	s18 =	simm.s32 $0x0;
	v2 =	vor.u32 s14, v0;
	s17 =	sadd.s32 s2, s16  }
0x15: {  	[tilespmem:s11], [sflag:$0x1] =	stream.linear.gather [hbm4b:s17+s18], $0xC80, $0x38;
	[tilespmem:$0x17900] =	vst v63  }
0x16: {  	_ =	swait.ge [sflag:s10], $0xC80  }
0x17: {  	[sflag:s10] =	ssyncset.done $0x0  }
0x18: {  	[sflag:s10] =	ssyncadd.s32 $0xFFFFF380  }
0x19: {  	v2 =	vld.idx.msk [tilespmem:v2+s3+$0x0], $0xffff;
	_ =	sdelay $0x4  }
0x1a: {  	v2 =	vshll.u32 v2, $0x3  }
0x1b: {  	v2 =	vor.u32 v1, v2;
	_ =	sdelay $0x2  }
0x1c: {  	s20 =	simm.s32 $0x0  }
0x1d: {  	v4 =	vld [tilespmem:s20+$0x2780]  }
0x1e: {  	v2 =	vld.idx.msk [tilespmem:v2+s9+$0x0], $0xffff;
	_ =	sdelay $0x1  }
0x1f: {  	s18 =	sadd.s32 $0x2, s14  }
0x20: {  	s19 =	simm.s32 $0x80;
	s17 =	simm.s32 $0x40;
	v3 =	vor.u32 s18, v0  }
.LBB2_3:
0x21: {  	p0 =	sne.s32 s19, $0x31C0  }
0x22: {  	v2 =	vmul.f32 v4, v2;
	_ =	sdelay $0x1  }
0x23: {  	[tilespmem:s20+$0x3400] =	vst v2  }
0x24: {  	v2 =	vld.idx.msk [tilespmem:v3+s3+$0x0], $0xffff;
	_ =	sdelay $0x5  }
0x25: {  	v2 =	vshll.u32 v2, $0x3  }
0x26: {  	v2 =	vor.u32 v1, v2;
	_ =	sdelay $0x4  }
.Ltmp0:
0x27: {  	s20 =	sshra.s32 s17, $0x2;
	s17 =	smov.u32 s19;
	v2 =	vld.idx.msk [tilespmem:v2+s9+$0x0], $0xffff;
	(pc) =	sbr.rel @p0 .LBB2_3-.Ltmp0, $3  }
0x28: {  	v4 =	vld [tilespmem:s20+$0x2780];
	_ =	sdelay $0x1  }
0x29: {  	s18 =	sadd.s32 $0x2, s18  }
0x2a: {  	s19 =	sadd.s32 $0x40, s19;
	v3 =	vor.u32 s18, v0  }
0x2b: {  	_ = 	snop  }
0x2c: {  	v2 =	vmul.f32 v4, v2;
	_ =	sdelay $0x1  }
0x2d: {  	[tilespmem:s20+$0x3400] =	vst v2  }
0x2e: {  	v2 =	vld.idx.msk [tilespmem:v3+s3+$0x0], $0xffff;
	_ =	sdelay $0x4  }
0x2f: {  	v2 =	vshll.u32 v2, $0x3  }
0x30: {  	v2 =	vor.u32 v1, v2;
	_ =	sdelay $0x2  }
0x31: {  	s17 =	sshra.s32 s17, $0x2  }
0x32: {  	v3 =	vld [tilespmem:s17+$0x2780]  }
0x33: {  	v2 =	vld.idx.msk [tilespmem:v2+s9+$0x0], $0xffff;
	_ =	sdelay $0x4  }
0x34: {  	s15 =	sadd.s32 $0x1, s15;
	v2 =	vmul.f32 v3, v2  }
0x35: {  	p0 =	sne.s32 s15, $0x19  }
.Ltmp1:
0x36: {  	s16 =	sadd.s32 s6, s16;
	[tilespmem:s17+$0x3400] =	vst v2;
	(pc) =	sbr.rel @p0 .LBB2_2-.Ltmp1, $4  }
0x37: {  	[hbm4b:s16+s3] =	stream.linear.scatter [tilespmem:s12], [sflag:$0x1], $0xC80, $0x38;
	[tilespmem:$0x17900] =	vst v63  }
0x38: {  	_ =	swait.ge [sflag:s10], $0xC80  }
0x39: {  	[sflag:s10] =	ssyncset.done $0x0  }
0x3a: {  	s14 =	sadd.s32 $0x190, s14;
	[sflag:s10] =	ssyncadd.s32 $0xFFFFF380  }
0x3b: {  	s13 =	sadd.s32 $0x1, s13  }
0x3c: {  	p0 =	sne.s32 s13, s8  }
.Ltmp2:
0x3d: {  	_ = 	snop;
	(pc) =	sbr.rel @p0 .LBB2_1-.Ltmp2, $1  }
0x3e: {  	_ =	sdelay $0x3  }
0x3f: {  	_ =	sfence.sel $0x180000  }
0x40: {  	[bflag:$0x0] =	sbarrier.arrive $0xFFFF  }
0x41: {  	p0 =	sne.s32 s0, $0x0;
	_ =	strace $0x9000004A  }
0x42: {  	s0 =	sadd.s32 @!p0 $0x100000, s1;
	[bflag:$0x2] =	sbarrier.arrive $0xFFFF  }
0x43: {  	[sflag:s0] =	ssyncadd.tile.s32 @!p0 $0x1;
	_ =	shalt  }
.Lfunc_end2:
_tile_overlayer_lowered:
.L_overlay_start_2:
0x44: {  	(tag) =	ssettag $0x2  }
0x45: {  	s0 =	rddreg [dreg:$0x0];
	s2 =	stileid.u32  }
0x46: {  	s1 =	rddreg [dreg:$0x1];
	p0 =	sne.s32 s2, $0x0  }
0x47: {  	s3 =	rddreg [dreg:$0x2];
	[bflag:$0x3] =	sbarrier.arrive $0xFFFF;
	s2 =	simm.s32 @!p0 $0x1C01  }
0x48: {  	[timem:s3], [sflag:s2] =	dma.local @!p0 [hbm:s0], s1  }
0x49: {  	s0 =	simm.s32 @!p0 $0x1  }
0x4a: {  	_ =	swait.ge @!p0 [sflag:s0], s1  }
0x4b: {  	s1 =	ssub.s32 @!p0 $0x0, s1;
	[sflag:s0] =	ssyncset.done @!p0 $0x0  }
0x4c: {  	[sflag:s0] =	ssyncadd.s32 @!p0 s1  }
0x4d: {  	[bflag:$0x3] =	sbarrier.arrive $0xFFFF  }
0x4e: {  	_ =	shalt  }

// kernel: kernel.13.cloned.1.call-start
scs
__scs_entry_jumppad:
0x0: {  	(pc) =	sbr.rel $0x88, $3  }
0x1: {  	(tag) =	ssettag $0x0;
	lr =	simm.s32 $0x1  }
0x2: {  	[smem:$0x3F99] =	sst lr;
	_ =	strace $0xD0000000  }
0x3: {  	_ = 	snop  }
0x4: {  	_ = 	snop  }
0x5: {  	_ = 	snop  }
0x6: {  	_ = 	snop  }
0x7: {  	_ = 	snop  }
__scs_overlays_trampoline_lowered:
0x8: {  	[smem:$0x3FA8] =	sst s0  }
0x9: {  	[smem:$0x3FA9] =	sst s1  }
0xa: {  	[smem:$0x3FAA] =	sst s2  }
0xb: {  	[smem:$0x3FAB] =	sst s3  }
0xc: {  	[smem:$0x3FAC] =	sst s4  }
0xd: {  	[smem:$0x3FAD] =	sst s5  }
0xe: {  	[smem:$0x3FAE] =	sst s6  }
0xf: {  	[smem:$0x3FAF] =	sst s7  }
0x10: {  	[smem:$0x3FB0] =	sst s8  }
0x11: {  	[smem:$0x3FB1] =	sst s9;
	s0 =	simm.s32 @!p0 $0x0  }
0x12: {  	s1 =	sld [smem:$0x3F97];
	s0 =	simm.s32 @p0 $0x1  }
0x13: {  	[smem:$0x3FB2] =	sst s0;
	s0 =	simm.s32 @!p1 $0x0  }
0x14: {  	s2 =	sld [smem:$0x3F96];
	s0 =	simm.s32 @p1 $0x1  }
0x15: {  	[smem:$0x3FB3] =	sst s0;
	s0 =	simm.s32 @!p2 $0x0  }
0x16: {  	s3 =	sld [smem:$0x3FDB];
	s0 =	simm.s32 @p2 $0x1  }
0x17: {  	s4 =	simm.s32 $0x1BF5;
	[smem:$0x3FB5] =	sst s0  }
0x18: {  	s0 =	sld [smem:$0x3F98];
	_ =	swait.ge [sflag:s4], $0x0  }
0x19: {  	s7 =	sld [smem:$0x3F99]  }
0x1a: {  	s8 =	sadd.s32 $0xFFFFE003, lr  }
0x1b: {  	s9 =	sadd.s32 $0xFFFFFEF7, lr;
	s5 =	simm.s32 $0xFFFFFFFF;
	p2 =	slt.u32 s8, $0xFFFFF086  }
0x1c: {  	p1 =	slt.u32 s9, $0xF7A;
	s5 =	simm.s32 @!p2 $0x0  }
0x1d: {  	s5 =	simm.s32 @p1 $0x1;
	p0 =	seq.s32 s7, s2  }
0x1e: {  	s7 =	smul.u32 @!p0 $0xF7A, s2;
	p2 =	seq.s32 @!p0 s5, $0x0  }
0x1f: {  	s9 =	smul.u32 $0xF7A, s1;
	s8 =	simm.s32 @!p0 $0x1BF5;
	p2 =	por !p2, p0  }
0x20: {  	[sflag:s8] =	ssyncset.s32 @!p0 $0xFFFFF086;
	s6 =	sadd.s32 @!p0 s3, s7;
	s7 =	simm.s32 @!p0 $0x108  }
0x21: {  	s3 =	sadd.s32 s3, s9;
	s6 =	sadd.s32 @!p0 $0x88, s6;
	s7 =	simm.s32 @p2 $0x1082  }
0x22: {  	[simem:s7], [sflag:s8] =	dma.local @!p0 [hbm:s6], $0xF7A  }
0x23: {  	s9 =	sor.u32 $0xD0000000, s2;
	s6 =	simm.s32 $0x108;
	_ =	swait.ge @!p0 [sflag:s8], $0x0  }
0x24: {  	s3 =	sadd.s32 $0x88, s3;
	s6 =	simm.s32 @!p1 $0x1082;
	[sflag:s4] =	ssyncset.s32 $0xFFFFF086  }
0x25: {  	[simem:s6], [sflag:s4] =	dma.local [hbm:s3], $0xF7A  }
0x26: {  	[smem:$0x3F99] =	sst s1;
	(tag) =	ssettag s2;
	_ =	strace s9  }
0x27: {  	s1 =	sld [smem:$0x3FA9]  }
0x28: {  	s2 =	sld [smem:$0x3FAA]  }
0x29: {  	s4 =	sld [smem:$0x3FAC]  }
0x2a: {  	p0 =	seq.s32 s5, $0x0;
	s5 =	sld [smem:$0x3FAD]  }
0x2b: {  	s6 =	sld [smem:$0x3FAE]  }
0x2c: {  	s7 =	sld [smem:$0x3FAF]  }
0x2d: {  	s3 =	simm.s32 $0x108;
	s8 =	sld [smem:$0x3FB0]  }
0x2e: {  	s3 =	simm.s32 @!p0 $0x1082;
	s9 =	sld [smem:$0x3FB1]  }
0x2f: {  	lr =	sadd.s32 s0, s3;
	s0 =	sld [smem:$0x3FA8]  }
0x30: {  	s3 =	sld [smem:$0x3FAB]  }
0x31: {  	[smem:$0x3FB4] =	sst s10  }
0x32: {  	s10 =	sld [smem:$0x3FB2];
	_ =	sdelay $0x3  }
0x33: {  	p0 =	seq.s32 s10, $0x1;
	s10 =	sld [smem:$0x3FB4];
	_ =	sdelay $0x3  }
0x34: {  	[smem:$0x3FB4] =	sst s10  }
0x35: {  	s10 =	sld [smem:$0x3FB3];
	_ =	sdelay $0x3  }
0x36: {  	p1 =	seq.s32 s10, $0x1;
	s10 =	sld [smem:$0x3FB4];
	_ =	sdelay $0x3  }
0x37: {  	[smem:$0x3FB4] =	sst s10  }
0x38: {  	s10 =	sld [smem:$0x3FB5]  }
0x39: {  	_ = 	snop;
	(pc) =	sbr.ind lr, $3  }
0x3a: {  	_ = 	snop  }
0x3b: {  	_ = 	snop  }
0x3c: {  	p2 =	seq.s32 s10, $0x1;
	s10 =	sld [smem:$0x3FB4]  }
0x3d: {  	_ =	shalt  }
0x3e: {  	_ =	shalt  }
0x3f: {  	_ =	shalt  }
0x40: {  	_ =	shalt  }
0x41: {  	_ =	shalt  }
0x42: {  	_ =	shalt  }
0x43: {  	_ =	shalt  }
0x44: {  	_ =	shalt  }
0x45: {  	_ =	shalt  }
0x46: {  	_ =	shalt  }
0x47: {  	_ =	shalt  }
0x48: {  	_ =	shalt  }
0x49: {  	_ =	shalt  }
0x4a: {  	_ =	shalt  }
0x4b: {  	_ =	shalt  }
0x4c: {  	_ =	shalt  }
0x4d: {  	_ =	shalt  }
0x4e: {  	_ =	shalt  }
0x4f: {  	_ =	shalt  }
0x50: {  	_ =	shalt  }
0x51: {  	_ =	shalt  }
0x52: {  	_ =	shalt  }
0x53: {  	_ =	shalt  }
0x54: {  	_ =	shalt  }
0x55: {  	_ =	shalt  }
0x56: {  	_ =	shalt  }
0x57: {  	_ =	shalt  }
0x58: {  	_ =	shalt  }
0x59: {  	_ =	shalt  }
0x5a: {  	_ =	shalt  }
0x5b: {  	_ =	shalt  }
0x5c: {  	_ =	shalt  }
0x5d: {  	_ =	shalt  }
0x5e: {  	_ =	shalt  }
0x5f: {  	_ =	shalt  }
0x60: {  	_ =	shalt  }
0x61: {  	_ =	shalt  }
0x62: {  	_ =	shalt  }
0x63: {  	_ =	shalt  }
0x64: {  	_ =	shalt  }
0x65: {  	_ =	shalt  }
0x66: {  	_ =	shalt  }
0x67: {  	_ =	shalt  }
0x68: {  	_ =	shalt  }
0x69: {  	_ =	shalt  }
0x6a: {  	_ =	shalt  }
0x6b: {  	_ =	shalt  }
0x6c: {  	_ =	shalt  }
0x6d: {  	_ =	shalt  }
0x6e: {  	_ =	shalt  }
0x6f: {  	_ =	shalt  }
0x70: {  	_ =	shalt  }
0x71: {  	_ =	shalt  }
0x72: {  	_ =	shalt  }
0x73: {  	_ =	shalt  }
0x74: {  	_ =	shalt  }
0x75: {  	_ =	shalt  }
0x76: {  	_ =	shalt  }
0x77: {  	_ =	shalt  }
0x78: {  	_ =	shalt  }
0x79: {  	_ =	shalt  }
0x7a: {  	_ =	shalt  }
0x7b: {  	_ =	shalt  }
0x7c: {  	_ =	shalt  }
0x7d: {  	_ =	shalt  }
0x7e: {  	_ =	shalt  }
0x7f: {  	_ =	shalt  }
0x80: {  	_ =	shalt  }
0x81: {  	_ =	shalt  }
0x82: {  	_ =	shalt  }
0x83: {  	_ =	shalt  }
0x84: {  	_ =	shalt  }
0x85: {  	_ =	shalt  }
0x86: {  	_ =	shalt  }
0x87: {  	_ =	shalt  }
.Lfunc_end0:
.L_simem_size_0:
called_computation.2_lowered:
.L_overlay_start_0:
0x88: {  	s2 =	sld [smem:$0x3FD9]  }
0x89: {  	s3 =	sld [smem:$0x3FFE];
	_ =	sdelay $0x1  }
0x8a: {  	s1 =	srdreg.scid  }
0x8b: {  	s0 =	sand.u32 $0x1, s1  }
0x8c: {  	s17 =	sshll.u32 s0, $0xA;
	s2 =	sadd.s32 s3, s2  }
0x8d: {  	s2 =	sadd.s32 s2, s17  }
0x8e: {  	[smem:$0x3FC0] =	sst s2  }
0x8f: {  	_ = 	snop  }
0x90: {  	s2 =	sld [smem:$0x3FD0];
	(tm) =	ssettm $0x1  }
0x91: {  	s18 =	sld [smem:$0x3FFB];
	_ =	sdelay $0x3  }
0x92: {  	_ =	strace s18  }
0x93: {  	s3 =	sld [smem:$0x3FFC];
	_ =	sdelay $0x3  }
0x94: {  	_ =	strace s3  }
0x95: {  	s3 =	sld [smem:$0x3FFD];
	_ =	sdelay $0x3  }
0x96: {  	_ =	strace s3  }
0x97: {  	_ =	strace $0x8FFFFFFF  }
0x98: {  	s19 =	sld [smem:$0x3FDB];
	_ =	sdelay $0x1  }
0x99: {  	s4 =	simm.s32 $_scs_section_size  }
0x9a: {  	s5 =	simm.s32 $_size__tile_overlayer_lowered;
	s6 =	simm.s32 $_tile_overlayer_lowered  }
0x9b: {  	s22 =	simm.s32 $0x1BFF;
	s21 =	sshll.u32 s6, $0x1;
	s3 =	sadd.s32 s4, s19  }
0x9c: {  	s7 =	simm.s32 $0x0;
	s20 =	sshll.u32 s5, $0x1;
	s5 =	sadd.s32 s21, s3  }
0x9d: {  	[timem:s7], [sflag:s22] =	dma.local [hbm:s5], s20  }
0x9e: {  	_ =	swait.ge [sflag:s22], s20  }
0x9f: {  	s4 =	ssub.s32 $0x0, s20;
	[sflag:s22] =	ssyncset.done $0x0  }
0xa0: {  	[sflag:s22] =	ssyncadd.s32 s4;
	_ =	sdelay $0x1  }
0xa1: {  	s23 =	simm.s32 $0x1B8B  }
0xa2: {  	_ =	swait.ge [sflag:s23], $0x1  }
0xa3: {  	[sflag:s23] =	ssyncset.done $0x0  }
0xa4: {  	s25 =	simm.s32 $0x1B8E;
	s24 =	sld [smem:$0x3FFE];
	[sflag:s23] =	ssyncadd.s32 $0xFFFFFFFF  }
0xa5: {  	s26 =	simm.s32 $execute0_lowered;
	[smem:$0x3FD2] =	sst s25  }
0xa6: {  	s5 =	sshll.u32 s26, $0x1;
	_ =	strace $0x8000004C;
	[dreg:$0x1] =	wrdreg $0xFFFFFFFF  }
0xa7: {  	s28 =	simm.s32 $_size_execute0_lowered;
	s3 =	sadd.s32 s3, s5;
	[dreg:$0x0] =	wrdreg $0x0  }
0xa8: {  	s5 =	sshll.u32 s28, $0x1;
	[dreg:$0x2] =	wrdreg s3  }
0xa9: {  	[dreg:$0x3] =	wrdreg s5  }
0xaa: {  	[dreg:$0x4] =	wrdreg $0xC0  }
0xab: {  	_ =	task [dreg:s7], $0x5FFFF  }
0xac: {  	[dreg:$0x1] =	wrdreg $0xFFFFFFFF  }
0xad: {  	[dreg:$0x0] =	wrdreg $0x60  }
0xae: {  	[dreg:$0x2] =	wrdreg s24  }
0xaf: {  	[dreg:$0x3] =	wrdreg s2  }
0xb0: {  	[dreg:$0x4] =	wrdreg $0x53800  }
0xb1: {  	[dreg:$0x5] =	wrdreg $0x9  }
0xb2: {  	_ =	task.clear_ibuf [dreg:s7], $0x6FFFF;
	_ =	strace $0x9000004C  }
0xb3: {  	s29 =	simm.s32 $0x9;
	_ =	strace $0x8000004E  }
0xb4: {  	_ =	swait.ge [sflag:s29], $0x1  }
0xb5: {  	[sflag:s29] =	ssyncadd.s32 $0xFFFFFFFF  }
0xb6: {  	_ =	strace $0x9000004E  }
0xb7: {  	_ =	sfence  }
0xb8: {  	s30 =	sld [smem:$0x0];
	_ =	sdelay $0x2  }
0xb9: {  	s31 =	sshll.u32 s1, $0xD;
	s1 =	sshrl.u32 s1, $0x2  }
0xba: {  	s3 =	sand.u32 $0x4000, s31;
	s1 =	sadd.s32 s1, s30  }
0xbb: {  	s0 =	sor.u32 s3, s0;
	s1 =	sshll.u32 s1, $0x11  }
0xbc: {  	s0 =	sor.u32 s1, s0  }
0xbd: {  	s0 =	sadd.s32 $0x8F2B, s0  }
0xbe: {  	[sflag:s0] =	ssyncadd.remote.s32 $0x1  }
0xbf: {  	_ =	sfence.sel $0xFFFF  }
0xc0: {  	[dreg:$0x0] =	wrdreg $0xFFFFFFFF;
	(pc) =	sbr.abs _section_cstart, $3  }
0xc1: {  	[dreg:$0x1] =	wrdreg $0xFFFFFFFF  }
0xc2: {  	_ =	task.clear_ibuf [dreg:s7], $0x2FFFF;
	_ =	strace $0x9FFFFFFF  }
0xc3: {  	(tm) =	ssettm $0x7FFFFFFF  }
tec
execute0_lowered:
.L_overlay_start_1:
0x0: {  	(tag) =	ssettag $0x1  }
0x1: {  	s4 =	rddreg [dreg:$0x0]  }
0x2: {  	s0 =	srdreg.scid;
	s7 =	rddreg [dreg:$0x1]  }
0x3: {  	s9 =	stileid.u32;
	s1 =	rddreg [dreg:$0x2];
	s2 =	simm.s32 $0x0  }
0x4: {  	s13 =	simm.s32 $0x100;
	s14 =	simm.s32 $0x1;
	s15 =	simm.s32 $0x80  }
0x5: {  	s16 =	simm.s32 $0x2B80;
	s17 =	simm.s32 $0x0;
	s5 =	sand.u32 $0x1, s0  }
0x6: {  	[smem:$0x7FF] =	sst s2;
	p0 =	sne.s32 s9, $0x0;
	s0 =	sshll.u32 s5, $0x4  }
0x7: {  	s10 =	ssub.s32 $0x2, s5;
	s12 =	smul.u32 $0x27100, s5;
	s3 =	sor.u32 s9, s0  }
0x8: {  	s0 =	rddreg [dreg:$0x3];
	_ =	strace $0x8000004D;
	s6 =	smul.u32 $0x2710, s3  }
0x9: {  	s11 =	sshrl.u32 s10, $0x1;
	s9 =	sshrl.u32 @!p0 s1, $0x3;
	s8 =	smul.u32 $0xFA0, s3  }
0xa: {  	s3 =	sadd.s32 $0x3E200, s4;
	s10 =	ssub.s32 s10, s11;
	s7 =	sadd.s32 s7, s12  }
0xb: {  	s11 =	simm.s32 $0x2900;
	s12 =	simm.s32 $0x50;
	s8 =	sadd.s32 s8, s4  }
0xc: {  	s6 =	sadd.s32 s6, s4;
	s4 =	sadd.s32 $0xD5200, s4;
	s5 =	sadd.s32 $0xB5E00, s8  }
0xd: {  	s6 =	sadd.s32 $0x67C00, s6;
	s8 =	smax.u32 s10, $0x1;
	s10 =	simm.s32 $0x2  }
.LBB2_1:
0xe: {  	s18 =	simm.s32 @!p0 $0x1C02  }
0xf: {  	[spmem:s9], [sflag:s18] =	dma.local @!p0 [hbm:s4], $0x27100  }
0x10: {  	s18 =	simm.s32 @!p0 $0x2  }
0x11: {  	_ =	swait.ge @!p0 [sflag:s18], $0x27100  }
0x12: {  	[sflag:s18] =	ssyncset.done @!p0 $0x0  }
0x13: {  	[sflag:s18] =	ssyncadd.s32 @!p0 $0xFFFD8F00  }
0x14: {  	s18 =	simm.s32 $0x0;
	[bflag:$0x0] =	sbarrier.arrive $0xFFFF  }
.LBB2_2:
0x15: {  	s19 =	sshll.u32 s18, $0x5  }
0x16: {  	s19 =	sadd.s32 s19, s5  }
0x17: {  	[tilespmem:s2], [sflag:$0x2] =	stream.linear.gather [hbm4b:s19+s2], $0x100, $0x38;
	[tilespmem:$0x18C00] =	vst v63  }
0x18: {  	s23 =	smul.u32 $0x50, s18;
	_ =	swait.ge [sflag:s10], $0x100  }
0x19: {  	[sflag:s10] =	ssyncset.done $0x0  }
0x1a: {  	s20 =	simm.s32 $0x0;
	s19 =	sadd.s32 s23, s6;
	[sflag:s10] =	ssyncadd.s32 $0xFFFFFF00  }
0x1b: {  	v0 =	vmov s20;
	[tilespmem:s11], [sflag:$0x2] =	stream.linear.gather [hbm4b:s19+s2], $0x280, $0x38;
	[tilespmem:$0x18C00] =	vst v63  }
0x1c: {  	v0 =	vand.u32 $0xFFFFFFF8, v0;
	_ =	swait.ge [sflag:s10], $0x280  }
0x1d: {  	v0 =	vbroadcast v0, $0x0;
	[sflag:s10] =	ssyncset.done $0x0  }
0x1e: {  	[sflag:s10] =	ssyncadd.s32 $0xFFFFFD80  }
0x1f: {  	[tilespmem:s13], [sflag:$0x1] =	stream.indirect.gather [hbm4b:s3+s12], $0x80, s2, s12, $0xb8;
	[tilespmem:$0x18C00] =	vst v63  }
0x20: {  	_ =	swait.ge [sflag:s14], $0x2800  }
0x21: {  	[sflag:s14] =	ssyncset.done $0x0  }
0x22: {  	[sflag:s14] =	ssyncadd.s32 $0xFFFFD800  }
0x23: {  	s24 =	simm.s32 $0x1;
	s20 =	simm.s32 $0x140;
	v0 =	vld.idx.msk [tilespmem:v0+s11+$0x0], $0xffff  }
0x24: {  	v2 =	vmov s24;
	v1 =	vld [tilespmem:s20+$0xFFFFFFC0]  }
0x25: {  	v2 =	vand.u32 $0xFFFFFFF9, v2  }
0x26: {  	v2 =	vbroadcast v2, $0x0;
	_ =	sdelay $0x2  }
0x27: {  	v0 =	vmul.f32 v1, v0  }
0x28: {  	s19 =	simm.s32 $0x2BC0  }
0x29: {  	[tilespmem:s19+$0xFFFFFFC0] =	vst v0  }
0x2a: {  	s21 =	simm.s32 $0x2;
	v0 =	vld.idx.msk [tilespmem:v2+s11+$0x0], $0xffff  }
0x2b: {  	v1 =	vld [tilespmem:s20+$0xFFFFFFD0];
	v2 =	vmov s21  }
0x2c: {  	v2 =	vand.u32 $0xFFFFFFFA, v2  }
0x2d: {  	v2 =	vbroadcast v2, $0x0;
	_ =	sdelay $0x2  }
0x2e: {  	v0 =	vmul.f32 v1, v0;
	_ =	sdelay $0x1  }
0x2f: {  	[tilespmem:s19+$0xFFFFFFD0] =	vst v0  }
0x30: {  	s25 =	simm.s32 $0x3;
	v0 =	vld.idx.msk [tilespmem:v2+s11+$0x0], $0xffff  }
0x31: {  	v1 =	vld [tilespmem:s20+$0xFFFFFFE0];
	v2 =	vmov s25  }
0x32: {  	v2 =	vand.u32 $0xFFFFFFFB, v2  }
0x33: {  	v2 =	vbroadcast v2, $0x0;
	_ =	sdelay $0x2  }
0x34: {  	v0 =	vmul.f32 v1, v0;
	_ =	sdelay $0x1  }
0x35: {  	[tilespmem:s19+$0xFFFFFFE0] =	vst v0  }
0x36: {  	s26 =	simm.s32 $0x4;
	v0 =	vld.idx.msk [tilespmem:v2+s11+$0x0], $0xffff  }
0x37: {  	v1 =	vld [tilespmem:s20+$0xFFFFFFF0];
	v2 =	vmov s26  }
0x38: {  	v2 =	vand.u32 $0xFFFFFFFC, v2  }
0x39: {  	v2 =	vbroadcast v2, $0x0;
	_ =	sdelay $0x2  }
0x3a: {  	v0 =	vmul.f32 v1, v0;
	_ =	sdelay $0x1  }
0x3b: {  	[tilespmem:s19+$0xFFFFFFF0] =	vst v0  }
0x3c: {  	s28 =	simm.s32 $0x5;
	v0 =	vld.idx.msk [tilespmem:v2+s11+$0x0], $0xffff  }
0x3d: {  	v1 =	vld [tilespmem:s20+$0x0];
	v2 =	vmov s28  }
0x3e: {  	v2 =	vand.u32 $0xFFFFFFFD, v2  }
0x3f: {  	v2 =	vbroadcast v2, $0x0;
	_ =	sdelay $0x2  }
0x40: {  	v0 =	vmul.f32 v1, v0;
	_ =	sdelay $0x1  }
0x41: {  	[tilespmem:s19+$0x0] =	vst v0  }
0x42: {  	s29 =	simm.s32 $0x6;
	v0 =	vld.idx.msk [tilespmem:v2+s11+$0x0], $0xffff  }
0x43: {  	v1 =	vld [tilespmem:s20+$0x10];
	v2 =	vmov s29  }
0x44: {  	v2 =	vand.u32 $0xFFFFFFFE, v2  }
0x45: {  	v2 =	vbroadcast v2, $0x0;
	_ =	sdelay $0x2  }
0x46: {  	v0 =	vmul.f32 v1, v0;
	_ =	sdelay $0x1  }
0x47: {  	[tilespmem:s19+$0x10] =	vst v0  }
0x48: {  	v0 =	vld.idx.msk [tilespmem:v2+s11+$0x0], $0xffff  }
0x49: {  	v1 =	vld [tilespmem:s20+$0x20];
	_ =	sdelay $0x1  }
0x4a: {  	s30 =	simm.s32 $0x7  }
0x4b: {  	v2 =	vmov s30;
	_ =	sdelay $0x1  }
0x4c: {  	v0 =	vmul.f32 v1, v0;
	_ =	sdelay $0x1  }
0x4d: {  	[tilespmem:s19+$0x20] =	vst v0  }
0x4e: {  	s31 =	simm.s32 $0x8;
	v1 =	vld.idx.msk [tilespmem:v2+s11+$0x0], $0xffff  }
0x4f: {  	v0 =	vmov s31;
	v2 =	vld [tilespmem:s20+$0x30]  }
0x50: {  	v0 =	vand.u32 $0xFFFFFFF8, v0  }
0x51: {  	v0 =	vbroadcast v0, $0x0;
	_ =	sdelay $0x2  }
0x52: {  	s24 =	simm.s32 $0x17;
	s21 =	simm.s32 $0xF;
	v1 =	vmul.f32 v2, v1  }
.LBB2_3:
0x53: {  	s20 =	sadd.s32 $0x80, s20  }
0x54: {  	s23 =	smov.u32 s24;
	s22 =	sadd.s32 $0x8, s24;
	[tilespmem:s19+$0x30] =	vst v1;
	s19 =	sadd.s32 $0x80, s19  }
0x55: {  	p1 =	sne.s32 s24, $0x27F;
	s24 =	sadd.s32 $0xFFFFFFFA, s21;
	v0 =	vld.idx.msk [tilespmem:v0+s11+$0x0], $0xffff  }
0x56: {  	v2 =	vmov s24;
	v1 =	vld [tilespmem:s20+$0xFFFFFFC0]  }
0x57: {  	v2 =	vand.u32 $0xFFFFFFF9, v2  }
0x58: {  	v2 =	vbroadcast v2, $0x0;
	_ =	sdelay $0x2  }
0x59: {  	v0 =	vmul.f32 v1, v0;
	_ =	sdelay $0x1  }
0x5a: {  	[tilespmem:s19+$0xFFFFFFC0] =	vst v0  }
0x5b: {  	s24 =	sadd.s32 $0xFFFFFFFB, s21;
	v0 =	vld.idx.msk [tilespmem:v2+s11+$0x0], $0xffff  }
0x5c: {  	v2 =	vmov s24;
	v1 =	vld [tilespmem:s20+$0xFFFFFFD0]  }
0x5d: {  	v2 =	vand.u32 $0xFFFFFFFA, v2  }
0x5e: {  	v2 =	vbroadcast v2, $0x0;
	_ =	sdelay $0x2  }
0x5f: {  	v0 =	vmul.f32 v1, v0;
	_ =	sdelay $0x1  }
0x60: {  	[tilespmem:s19+$0xFFFFFFD0] =	vst v0  }
0x61: {  	s24 =	sadd.s32 $0xFFFFFFFC, s21;
	v0 =	vld.idx.msk [tilespmem:v2+s11+$0x0], $0xffff  }
0x62: {  	v2 =	vmov s24;
	v1 =	vld [tilespmem:s20+$0xFFFFFFE0]  }
0x63: {  	v2 =	vand.u32 $0xFFFFFFFB, v2  }
0x64: {  	v2 =	vbroadcast v2, $0x0;
	_ =	sdelay $0x2  }
0x65: {  	v0 =	vmul.f32 v1, v0;
	_ =	sdelay $0x1  }
0x66: {  	[tilespmem:s19+$0xFFFFFFE0] =	vst v0  }
0x67: {  	s24 =	sadd.s32 $0xFFFFFFFD, s21;
	v0 =	vld.idx.msk [tilespmem:v2+s11+$0x0], $0xffff  }
0x68: {  	v2 =	vmov s24;
	v1 =	vld [tilespmem:s20+$0xFFFFFFF0]  }
0x69: {  	v2 =	vand.u32 $0xFFFFFFFC, v2  }
0x6a: {  	v2 =	vbroadcast v2, $0x0;
	_ =	sdelay $0x2  }
0x6b: {  	v0 =	vmul.f32 v1, v0;
	_ =	sdelay $0x1  }
0x6c: {  	[tilespmem:s19+$0xFFFFFFF0] =	vst v0  }
0x6d: {  	s24 =	sadd.s32 $0xFFFFFFFE, s21;
	v0 =	vld.idx.msk [tilespmem:v2+s11+$0x0], $0xffff  }
0x6e: {  	v2 =	vmov s24;
	v1 =	vld [tilespmem:s20+$0x0]  }
0x6f: {  	v2 =	vand.u32 $0xFFFFFFFD, v2  }
0x70: {  	v2 =	vbroadcast v2, $0x0;
	_ =	sdelay $0x2  }
0x71: {  	v0 =	vmul.f32 v1, v0;
	_ =	sdelay $0x1  }
0x72: {  	[tilespmem:s19+$0x0] =	vst v0  }
0x73: {  	s24 =	sadd.s32 $0xFFFFFFFF, s21;
	v0 =	vld.idx.msk [tilespmem:v2+s11+$0x0], $0xffff  }
0x74: {  	v2 =	vmov s24;
	v1 =	vld [tilespmem:s20+$0x10]  }
0x75: {  	v2 =	vand.u32 $0xFFFFFFFE, v2  }
0x76: {  	v2 =	vbroadcast v2, $0x0;
	_ =	sdelay $0x2  }
0x77: {  	v0 =	vmul.f32 v1, v0;
	_ =	sdelay $0x1  }
0x78: {  	[tilespmem:s19+$0x10] =	vst v0  }
0x79: {  	v0 =	vld.idx.msk [tilespmem:v2+s11+$0x0], $0xffff  }
0x7a: {  	v1 =	vld [tilespmem:s20+$0x20];
	_ =	sdelay $0x2  }
0x7b: {  	v2 =	vmov s21;
	s21 =	smov.u32 s23;
	_ =	sdelay $0x1  }
0x7c: {  	v0 =	vmul.f32 v1, v0;
	_ =	sdelay $0x1  }
0x7d: {  	[tilespmem:s19+$0x20] =	vst v0  }
0x7e: {  	s23 =	sadd.s32 $0xFFFFFFF9, s21;
	v1 =	vld.idx.msk [tilespmem:v2+s11+$0x0], $0xffff  }
0x7f: {  	v0 =	vmov s23;
	v2 =	vld [tilespmem:s20+$0x30]  }
.Ltmp0:
0x80: {  	v0 =	vand.u32 $0xFFFFFFF8, v0;
	(pc) =	sbr.rel @p1 .LBB2_3-.Ltmp0, $2  }
0x81: {  	v0 =	vbroadcast v0, $0x0;
	_ =	sdelay $0x2  }
0x82: {  	s24 =	smov.u32 s22;
	v1 =	vmul.f32 v2, v1  }
0x83: {  	_ =	sdelay $0x2  }
0x84: {  	[tilespmem:s19+$0x30] =	vst v1  }
0x85: {  	s20 =	sadd.s32 $0x80, s20;
	s22 =	sadd.s32 $0xFFFFFFFA, s21;
	v0 =	vld.idx.msk [tilespmem:v0+s11+$0x0], $0xffff  }
0x86: {  	v2 =	vmov s22;
	v1 =	vld [tilespmem:s20+$0xFFFFFFC0]  }
0x87: {  	v2 =	vand.u32 $0xFFFFFFF9, v2  }
0x88: {  	v2 =	vbroadcast v2, $0x0;
	_ =	sdelay $0x2  }
0x89: {  	v0 =	vmul.f32 v1, v0  }
0x8a: {  	s25 =	sadd.s32 $0x80, s19  }
0x8b: {  	[tilespmem:s25+$0xFFFFFFC0] =	vst v0  }
0x8c: {  	s26 =	sadd.s32 $0xFFFFFFFB, s21;
	v0 =	vld.idx.msk [tilespmem:v2+s11+$0x0], $0xffff  }
0x8d: {  	v52 =	vmov s26;
	v51 =	vld [tilespmem:s20+$0xFFFFFFD0]  }
0x8e: {  	v2 =	vand.u32 $0xFFFFFFFA, v52  }
0x8f: {  	v2 =	vbroadcast v2, $0x0;
	_ =	sdelay $0x2  }
0x90: {  	v0 =	vmul.f32 v51, v0;
	_ =	sdelay $0x1  }
0x91: {  	[tilespmem:s25+$0xFFFFFFD0] =	vst v0  }
0x92: {  	s28 =	sadd.s32 $0xFFFFFFFC, s21;
	v0 =	vld.idx.msk [tilespmem:v2+s11+$0x0], $0xffff  }
0x93: {  	v54 =	vmov s28;
	v53 =	vld [tilespmem:s20+$0xFFFFFFE0]  }
0x94: {  	v2 =	vand.u32 $0xFFFFFFFB, v54  }
0x95: {  	v2 =	vbroadcast v2, $0x0;
	_ =	sdelay $0x2  }
0x96: {  	v0 =	vmul.f32 v53, v0;
	_ =	sdelay $0x1  }
0x97: {  	[tilespmem:s25+$0xFFFFFFE0] =	vst v0  }
0x98: {  	s29 =	sadd.s32 $0xFFFFFFFD, s21;
	v0 =	vld.idx.msk [tilespmem:v2+s11+$0x0], $0xffff  }
0x99: {  	v56 =	vmov s29;
	v55 =	vld [tilespmem:s20+$0xFFFFFFF0]  }
0x9a: {  	v2 =	vand.u32 $0xFFFFFFFC, v56  }
0x9b: {  	v2 =	vbroadcast v2, $0x0;
	_ =	sdelay $0x2  }
0x9c: {  	v0 =	vmul.f32 v55, v0;
	_ =	sdelay $0x1  }
0x9d: {  	[tilespmem:s25+$0xFFFFFFF0] =	vst v0  }
0x9e: {  	s30 =	sadd.s32 $0xFFFFFFFE, s21;
	v0 =	vld.idx.msk [tilespmem:v2+s11+$0x0], $0xffff  }
0x9f: {  	v58 =	vmov s30;
	v57 =	vld [tilespmem:s20+$0x0]  }
0xa0: {  	v2 =	vand.u32 $0xFFFFFFFD, v58  }
0xa1: {  	v2 =	vbroadcast v2, $0x0;
	_ =	sdelay $0x2  }
0xa2: {  	v0 =	vmul.f32 v57, v0;
	_ =	sdelay $0x1  }
0xa3: {  	[tilespmem:s25+$0x0] =	vst v0  }
0xa4: {  	s31 =	sadd.s32 $0xFFFFFFFF, s21;
	v0 =	vld.idx.msk [tilespmem:v2+s11+$0x0], $0xffff  }
0xa5: {  	v60 =	vmov s31;
	v59 =	vld [tilespmem:s20+$0x10]  }
0xa6: {  	v2 =	vand.u32 $0xFFFFFFFE, v60  }
0xa7: {  	v2 =	vbroadcast v2, $0x0;
	_ =	sdelay $0x2  }
0xa8: {  	v0 =	vmul.f32 v59, v0;
	_ =	sdelay $0x1  }
0xa9: {  	[tilespmem:s25+$0x10] =	vst v0  }
0xaa: {  	v0 =	vld.idx.msk [tilespmem:v2+s11+$0x0], $0xffff  }
0xab: {  	v61 =	vld [tilespmem:s20+$0x20];
	_ =	sdelay $0x2  }
0xac: {  	v62 =	vmov s21;
	_ =	sdelay $0x1  }
0xad: {  	v0 =	vmul.f32 v61, v0;
	_ =	sdelay $0x1  }
0xae: {  	[tilespmem:s25+$0x20] =	vst v0  }
0xaf: {  	v0 =	vld.idx.msk [tilespmem:v62+s11+$0x0], $0xffff  }
0xb0: {  	v63 =	vld [tilespmem:s20+$0x30];
	_ =	sdelay $0x4  }
0xb1: {  	s18 =	sadd.s32 $0x1, s18;
	v0 =	vmul.f32 v63, v0  }
0xb2: {  	p1 =	sne.s32 s18, $0x7D  }
.Ltmp1:
0xb3: {  	[tilespmem:s25+$0x30] =	vst v0;
	(pc) =	sbr.rel @p1 .LBB2_2-.Ltmp1, $4  }
0xb4: {  	[spmem:s1] =	stream.indirect.scatter.add.f32 [tilespmem:s16], [sflag:$0x2], $0x80, s15, s12, $0xb8;
	[tilespmem:$0x18C00] =	vst v63  }
0xb5: {  	_ =	swait.ge [sflag:s10], $0x2800  }
0xb6: {  	[sflag:s10] =	ssyncset.done $0x0  }
0xb7: {  	[sflag:s10] =	ssyncadd.s32 $0xFFFFD800  }
0xb8: {  	[bflag:$0x0] =	sbarrier.arrive $0xFFFF;
	s18 =	simm.s32 @!p0 $0x1C02;
	s17 =	sadd.s32 $0x1, s17  }
0xb9: {  	[hbm:s7], [sflag:s18] =	dma.local @!p0 [spmem:s9], $0x27100  }
0xba: {  	p1 =	sne.s32 s17, s8  }
.Ltmp2:
0xbb: {  	_ = 	snop;
	(pc) =	sbr.rel @p1 .LBB2_1-.Ltmp2, $4  }
0xbc: {  	s18 =	simm.s32 @!p0 $0x2  }
0xbd: {  	_ =	swait.ge @!p0 [sflag:s18], $0x27100  }
0xbe: {  	[sflag:s18] =	ssyncset.done @!p0 $0x0  }
0xbf: {  	[sflag:s18] =	ssyncadd.s32 @!p0 $0xFFFD8F00  }
0xc0: {  	_ =	sfence.sel $0x180000  }
0xc1: {  	[bflag:$0x0] =	sbarrier.arrive $0xFFFF  }
0xc2: {  	_ =	strace $0x9000004D  }
0xc3: {  	s0 =	sadd.s32 @!p0 $0x100000, s0;
	[bflag:$0x2] =	sbarrier.arrive $0xFFFF  }
0xc4: {  	[sflag:s0] =	ssyncadd.tile.s32 @!p0 $0x1;
	_ =	shalt  }
.Lfunc_end2:
_tile_overlayer_lowered:
.L_overlay_start_2:
0xc5: {  	(tag) =	ssettag $0x2  }
0xc6: {  	s0 =	rddreg [dreg:$0x0];
	s2 =	stileid.u32  }
0xc7: {  	s1 =	rddreg [dreg:$0x1];
	p0 =	sne.s32 s2, $0x0  }
0xc8: {  	s3 =	rddreg [dreg:$0x2];
	[bflag:$0x3] =	sbarrier.arrive $0xFFFF;
	s2 =	simm.s32 @!p0 $0x1C02  }
0xc9: {  	[timem:s3], [sflag:s2] =	dma.local @!p0 [hbm:s0], s1  }
0xca: {  	s0 =	simm.s32 @!p0 $0x2  }
0xcb: {  	_ =	swait.ge @!p0 [sflag:s0], s1  }
0xcc: {  	s1 =	ssub.s32 @!p0 $0x0, s1;
	[sflag:s0] =	ssyncset.done @!p0 $0x0  }
0xcd: {  	[sflag:s0] =	ssyncadd.s32 @!p0 s1  }
0xce: {  	[bflag:$0x3] =	sbarrier.arrive $0xFFFF  }
0xcf: {  	_ =	shalt  }

// kernel: kernel.16.cloned.1.call-start
scs
__scs_entry_jumppad:
0x0: {  	(pc) =	sbr.rel $0x88, $3  }
0x1: {  	(tag) =	ssettag $0x0;
	lr =	simm.s32 $0x1  }
0x2: {  	[smem:$0x3F99] =	sst lr;
	_ =	strace $0xD0000000  }
0x3: {  	_ = 	snop  }
0x4: {  	_ = 	snop  }
0x5: {  	_ = 	snop  }
0x6: {  	_ = 	snop  }
0x7: {  	_ = 	snop  }
__scs_overlays_trampoline_lowered:
0x8: {  	[smem:$0x3FA8] =	sst s0  }
0x9: {  	[smem:$0x3FA9] =	sst s1  }
0xa: {  	[smem:$0x3FAA] =	sst s2  }
0xb: {  	[smem:$0x3FAB] =	sst s3  }
0xc: {  	[smem:$0x3FAC] =	sst s4  }
0xd: {  	[smem:$0x3FAD] =	sst s5  }
0xe: {  	[smem:$0x3FAE] =	sst s6  }
0xf: {  	[smem:$0x3FAF] =	sst s7  }
0x10: {  	[smem:$0x3FB0] =	sst s8  }
0x11: {  	[smem:$0x3FB1] =	sst s9;
	s0 =	simm.s32 @!p0 $0x0  }
0x12: {  	s1 =	sld [smem:$0x3F97];
	s0 =	simm.s32 @p0 $0x1  }
0x13: {  	[smem:$0x3FB2] =	sst s0;
	s0 =	simm.s32 @!p1 $0x0  }
0x14: {  	s2 =	sld [smem:$0x3F96];
	s0 =	simm.s32 @p1 $0x1  }
0x15: {  	[smem:$0x3FB3] =	sst s0;
	s0 =	simm.s32 @!p2 $0x0  }
0x16: {  	s3 =	sld [smem:$0x3FDB];
	s0 =	simm.s32 @p2 $0x1  }
0x17: {  	s4 =	simm.s32 $0x1BF5;
	[smem:$0x3FB5] =	sst s0  }
0x18: {  	s0 =	sld [smem:$0x3F98];
	_ =	swait.ge [sflag:s4], $0x0  }
0x19: {  	s7 =	sld [smem:$0x3F99]  }
0x1a: {  	s8 =	sadd.s32 $0xFFFFE003, lr  }
0x1b: {  	s9 =	sadd.s32 $0xFFFFFEF7, lr;
	s5 =	simm.s32 $0xFFFFFFFF;
	p2 =	slt.u32 s8, $0xFFFFF086  }
0x1c: {  	p1 =	slt.u32 s9, $0xF7A;
	s5 =	simm.s32 @!p2 $0x0  }
0x1d: {  	s5 =	simm.s32 @p1 $0x1;
	p0 =	seq.s32 s7, s2  }
0x1e: {  	s7 =	smul.u32 @!p0 $0xF7A, s2;
	p2 =	seq.s32 @!p0 s5, $0x0  }
0x1f: {  	s9 =	smul.u32 $0xF7A, s1;
	s8 =	simm.s32 @!p0 $0x1BF5;
	p2 =	por !p2, p0  }
0x20: {  	[sflag:s8] =	ssyncset.s32 @!p0 $0xFFFFF086;
	s6 =	sadd.s32 @!p0 s3, s7;
	s7 =	simm.s32 @!p0 $0x108  }
0x21: {  	s3 =	sadd.s32 s3, s9;
	s6 =	sadd.s32 @!p0 $0x88, s6;
	s7 =	simm.s32 @p2 $0x1082  }
0x22: {  	[simem:s7], [sflag:s8] =	dma.local @!p0 [hbm:s6], $0xF7A  }
0x23: {  	s9 =	sor.u32 $0xD0000000, s2;
	s6 =	simm.s32 $0x108;
	_ =	swait.ge @!p0 [sflag:s8], $0x0  }
0x24: {  	s3 =	sadd.s32 $0x88, s3;
	s6 =	simm.s32 @!p1 $0x1082;
	[sflag:s4] =	ssyncset.s32 $0xFFFFF086  }
0x25: {  	[simem:s6], [sflag:s4] =	dma.local [hbm:s3], $0xF7A  }
0x26: {  	[smem:$0x3F99] =	sst s1;
	(tag) =	ssettag s2;
	_ =	strace s9  }
0x27: {  	s1 =	sld [smem:$0x3FA9]  }
0x28: {  	s2 =	sld [smem:$0x3FAA]  }
0x29: {  	s4 =	sld [smem:$0x3FAC]  }
0x2a: {  	p0 =	seq.s32 s5, $0x0;
	s5 =	sld [smem:$0x3FAD]  }
0x2b: {  	s6 =	sld [smem:$0x3FAE]  }
0x2c: {  	s7 =	sld [smem:$0x3FAF]  }
0x2d: {  	s3 =	simm.s32 $0x108;
	s8 =	sld [smem:$0x3FB0]  }
0x2e: {  	s3 =	simm.s32 @!p0 $0x1082;
	s9 =	sld [smem:$0x3FB1]  }
0x2f: {  	lr =	sadd.s32 s0, s3;
	s0 =	sld [smem:$0x3FA8]  }
0x30: {  	s3 =	sld [smem:$0x3FAB]  }
0x31: {  	[smem:$0x3FB4] =	sst s10  }
0x32: {  	s10 =	sld [smem:$0x3FB2];
	_ =	sdelay $0x3  }
0x33: {  	p0 =	seq.s32 s10, $0x1;
	s10 =	sld [smem:$0x3FB4];
	_ =	sdelay $0x3  }
0x34: {  	[smem:$0x3FB4] =	sst s10  }
0x35: {  	s10 =	sld [smem:$0x3FB3];
	_ =	sdelay $0x3  }
0x36: {  	p1 =	seq.s32 s10, $0x1;
	s10 =	sld [smem:$0x3FB4];
	_ =	sdelay $0x3  }
0x37: {  	[smem:$0x3FB4] =	sst s10  }
0x38: {  	s10 =	sld [smem:$0x3FB5]  }
0x39: {  	_ = 	snop;
	(pc) =	sbr.ind lr, $3  }
0x3a: {  	_ = 	snop  }
0x3b: {  	_ = 	snop  }
0x3c: {  	p2 =	seq.s32 s10, $0x1;
	s10 =	sld [smem:$0x3FB4]  }
0x3d: {  	_ =	shalt  }
0x3e: {  	_ =	shalt  }
0x3f: {  	_ =	shalt  }
0x40: {  	_ =	shalt  }
0x41: {  	_ =	shalt  }
0x42: {  	_ =	shalt  }
0x43: {  	_ =	shalt  }
0x44: {  	_ =	shalt  }
0x45: {  	_ =	shalt  }
0x46: {  	_ =	shalt  }
0x47: {  	_ =	shalt  }
0x48: {  	_ =	shalt  }
0x49: {  	_ =	shalt  }
0x4a: {  	_ =	shalt  }
0x4b: {  	_ =	shalt  }
0x4c: {  	_ =	shalt  }
0x4d: {  	_ =	shalt  }
0x4e: {  	_ =	shalt  }
0x4f: {  	_ =	shalt  }
0x50: {  	_ =	shalt  }
0x51: {  	_ =	shalt  }
0x52: {  	_ =	shalt  }
0x53: {  	_ =	shalt  }
0x54: {  	_ =	shalt  }
0x55: {  	_ =	shalt  }
0x56: {  	_ =	shalt  }
0x57: {  	_ =	shalt  }
0x58: {  	_ =	shalt  }
0x59: {  	_ =	shalt  }
0x5a: {  	_ =	shalt  }
0x5b: {  	_ =	shalt  }
0x5c: {  	_ =	shalt  }
0x5d: {  	_ =	shalt  }
0x5e: {  	_ =	shalt  }
0x5f: {  	_ =	shalt  }
0x60: {  	_ =	shalt  }
0x61: {  	_ =	shalt  }
0x62: {  	_ =	shalt  }
0x63: {  	_ =	shalt  }
0x64: {  	_ =	shalt  }
0x65: {  	_ =	shalt  }
0x66: {  	_ =	shalt  }
0x67: {  	_ =	shalt  }
0x68: {  	_ =	shalt  }
0x69: {  	_ =	shalt  }
0x6a: {  	_ =	shalt  }
0x6b: {  	_ =	shalt  }
0x6c: {  	_ =	shalt  }
0x6d: {  	_ =	shalt  }
0x6e: {  	_ =	shalt  }
0x6f: {  	_ =	shalt  }
0x70: {  	_ =	shalt  }
0x71: {  	_ =	shalt  }
0x72: {  	_ =	shalt  }
0x73: {  	_ =	shalt  }
0x74: {  	_ =	shalt  }
0x75: {  	_ =	shalt  }
0x76: {  	_ =	shalt  }
0x77: {  	_ =	shalt  }
0x78: {  	_ =	shalt  }
0x79: {  	_ =	shalt  }
0x7a: {  	_ =	shalt  }
0x7b: {  	_ =	shalt  }
0x7c: {  	_ =	shalt  }
0x7d: {  	_ =	shalt  }
0x7e: {  	_ =	shalt  }
0x7f: {  	_ =	shalt  }
0x80: {  	_ =	shalt  }
0x81: {  	_ =	shalt  }
0x82: {  	_ =	shalt  }
0x83: {  	_ =	shalt  }
0x84: {  	_ =	shalt  }
0x85: {  	_ =	shalt  }
0x86: {  	_ =	shalt  }
0x87: {  	_ =	shalt  }
.Lfunc_end0:
.L_simem_size_0:
called_computation.3_lowered:
.L_overlay_start_0:
0x88: {  	s2 =	sld [smem:$0x3FD9]  }
0x89: {  	s3 =	sld [smem:$0x3FFE];
	_ =	sdelay $0x1  }
0x8a: {  	s1 =	srdreg.scid  }
0x8b: {  	s0 =	sand.u32 $0x1, s1  }
0x8c: {  	s17 =	sshll.u32 s0, $0xA;
	s2 =	sadd.s32 s3, s2  }
0x8d: {  	s2 =	sadd.s32 s2, s17  }
0x8e: {  	[smem:$0x3FC0] =	sst s2  }
0x8f: {  	_ = 	snop  }
0x90: {  	s2 =	sld [smem:$0x3FD0];
	(tm) =	ssettm $0x1  }
0x91: {  	s18 =	sld [smem:$0x3FFB];
	_ =	sdelay $0x3  }
0x92: {  	_ =	strace s18  }
0x93: {  	s3 =	sld [smem:$0x3FFC];
	_ =	sdelay $0x3  }
0x94: {  	_ =	strace s3  }
0x95: {  	s3 =	sld [smem:$0x3FFD];
	_ =	sdelay $0x3  }
0x96: {  	_ =	strace s3  }
0x97: {  	_ =	strace $0x8FFFFFFF  }
0x98: {  	s19 =	sld [smem:$0x3FDB];
	_ =	sdelay $0x1  }
0x99: {  	s4 =	simm.s32 $_scs_section_size  }
0x9a: {  	s5 =	simm.s32 $_size__tile_overlayer_lowered;
	s6 =	simm.s32 $_tile_overlayer_lowered  }
0x9b: {  	s22 =	simm.s32 $0x1BFF;
	s21 =	sshll.u32 s6, $0x1;
	s3 =	sadd.s32 s4, s19  }
0x9c: {  	s7 =	simm.s32 $0x0;
	s20 =	sshll.u32 s5, $0x1;
	s5 =	sadd.s32 s21, s3  }
0x9d: {  	[timem:s7], [sflag:s22] =	dma.local [hbm:s5], s20  }
0x9e: {  	_ =	swait.ge [sflag:s22], s20  }
0x9f: {  	s4 =	ssub.s32 $0x0, s20;
	[sflag:s22] =	ssyncset.done $0x0  }
0xa0: {  	[sflag:s22] =	ssyncadd.s32 s4;
	_ =	sdelay $0x1  }
0xa1: {  	s23 =	simm.s32 $0x1B8B  }
0xa2: {  	_ =	swait.ge [sflag:s23], $0x1  }
0xa3: {  	[sflag:s23] =	ssyncset.done $0x0  }
0xa4: {  	s25 =	simm.s32 $0x1B8E;
	s24 =	sld [smem:$0x3FFE];
	[sflag:s23] =	ssyncadd.s32 $0xFFFFFFFF  }
0xa5: {  	s26 =	simm.s32 $execute0_lowered;
	[smem:$0x3FD2] =	sst s25  }
0xa6: {  	s5 =	sshll.u32 s26, $0x1;
	_ =	strace $0x8000004F;
	[dreg:$0x1] =	wrdreg $0xFFFFFFFF  }
0xa7: {  	s28 =	simm.s32 $_size_execute0_lowered;
	s3 =	sadd.s32 s3, s5;
	[dreg:$0x0] =	wrdreg $0x0  }
0xa8: {  	s5 =	sshll.u32 s28, $0x1;
	[dreg:$0x2] =	wrdreg s3  }
0xa9: {  	[dreg:$0x3] =	wrdreg s5  }
0xaa: {  	[dreg:$0x4] =	wrdreg $0xC0  }
0xab: {  	_ =	task [dreg:s7], $0x5FFFF  }
0xac: {  	[dreg:$0x1] =	wrdreg $0xFFFFFFFF  }
0xad: {  	[dreg:$0x0] =	wrdreg $0x60  }
0xae: {  	[dreg:$0x2] =	wrdreg s24  }
0xaf: {  	[dreg:$0x3] =	wrdreg s2  }
0xb0: {  	[dreg:$0x4] =	wrdreg $0x9  }
0xb1: {  	_ =	task.clear_ibuf [dreg:s7], $0x5FFFF;
	_ =	strace $0x9000004F  }
0xb2: {  	s29 =	simm.s32 $0x9;
	_ =	strace $0x80000051  }
0xb3: {  	_ =	swait.ge [sflag:s29], $0x1  }
0xb4: {  	[sflag:s29] =	ssyncadd.s32 $0xFFFFFFFF  }
0xb5: {  	_ =	strace $0x90000051  }
0xb6: {  	_ =	sfence  }
0xb7: {  	s30 =	sld [smem:$0x0];
	_ =	sdelay $0x2  }
0xb8: {  	s31 =	sshll.u32 s1, $0xD;
	s1 =	sshrl.u32 s1, $0x2  }
0xb9: {  	s3 =	sand.u32 $0x4000, s31;
	s1 =	sadd.s32 s1, s30  }
0xba: {  	s0 =	sor.u32 s3, s0;
	s1 =	sshll.u32 s1, $0x11  }
0xbb: {  	s0 =	sor.u32 s1, s0  }
0xbc: {  	s0 =	sadd.s32 $0x8F2B, s0  }
0xbd: {  	[sflag:s0] =	ssyncadd.remote.s32 $0x1  }
0xbe: {  	_ =	sfence.sel $0xFFFF  }
0xbf: {  	[dreg:$0x0] =	wrdreg $0xFFFFFFFF;
	(pc) =	sbr.abs _section_cstart, $3  }
0xc0: {  	[dreg:$0x1] =	wrdreg $0xFFFFFFFF  }
0xc1: {  	_ =	task.clear_ibuf [dreg:s7], $0x2FFFF;
	_ =	strace $0x9FFFFFFF  }
0xc2: {  	(tm) =	ssettm $0x7FFFFFFF  }
0xc3: {  	_ =	shalt  }
tec
execute0_lowered:
.L_overlay_start_1:
0x0: {  	(tag) =	ssettag $0x1  }
0x1: {  	s5 =	rddreg [dreg:$0x0]  }
0x2: {  	s0 =	srdreg.scid;
	s2 =	rddreg [dreg:$0x1]  }
0x3: {  	s1 =	stileid.u32;
	s3 =	simm.s32 $0x0;
	s10 =	simm.s32 $0x3  }
0x4: {  	s11 =	simm.s32 $0x32;
	s12 =	simm.s32 $0x200;
	s13 =	simm.s32 $0x80  }
0x5: {  	s14 =	simm.s32 $0x1E00;
	s15 =	simm.s32 $0x1;
	s16 =	simm.s32 $0x100  }
0x6: {  	s17 =	simm.s32 $0x4;
	s18 =	simm.s32 $0x3A00;
	s4 =	sand.u32 $0x1, s0  }
0x7: {  	s19 =	simm.s32 $0x180;
	s20 =	simm.s32 $0x5600;
	s6 =	sshll.u32 s4, $0x4  }
0x8: {  	s21 =	simm.s32 $0x2;
	s22 =	simm.s32 $0x0;
	s6 =	sor.u32 s1, s6  }
0x9: {  	vm0 =	vmmov $0x1;
	vm1 =	vmmov $0x3;
	vm2 =	vmmov $0x7;
	s0 =	rddreg [dreg:$0x2];
	s8 =	ssub.s32 $0x2, s4;
	s7 =	smul.u32 $0x1900, s6  }
0xa: {  	vm3 =	vmmov $0xf;
	vm4 =	vmmov $0x1f;
	vm5 =	vmmov $0x3f;
	[smem:$0x7FF] =	sst s3;
	s9 =	sshrl.u32 s8, $0x1;
	s31 =	smul.u32 $0x2710, s6  }
0xb: {  	vm6 =	vmmov $0x7f;
	vm7 =	vmmov $0xff;
	vm8 =	vmmov $0x1ff;
	_ =	strace $0x80000050;
	s4 =	sadd.s32 $0x3E200, s5;
	s9 =	ssub.s32 s8, s9  }
0xc: {  	vm9 =	vmmov $0x3ff;
	vm10 =	vmmov $0x7ff;
	vm11 =	vmmov $0xfff;
	s9 =	smax.u32 s9, $0x1;
	s7 =	sadd.s32 s7, s5;
	s8 =	sadd.s32 $0x1FFFFF9C, s31  }
0xd: {  	vm12 =	vmmov $0x1fff;
	vm13 =	vmmov $0x3fff;
	vm14 =	vmmov $0x7fff;
	s5 =	sadd.s32 $0xC200, s7;
	s6 =	sadd.s32 $0xC220, s7;
	s7 =	sadd.s32 $0xC240, s7  }
.LBB2_1:
0xe: {  	[tilespmem:s3], [sflag:$0x3] =	stream.linear.gather [hbm4b:s5+s3], $0x100, $0x38;
	[tilespmem:$0x7880] =	vst v63  }
0xf: {  	_ =	swait.ge [sflag:s10], $0x100  }
0x10: {  	[sflag:s10] =	ssyncset.done $0x0  }
0x11: {  	[sflag:s10] =	ssyncadd.s32 $0xFFFFFF00  }
0x12: {  	[tilespmem:s12], [sflag:$0x1] =	stream.indirect.gather [hbm4b:s4+s11], $0x80, s3, s11, $0xb8;
	[tilespmem:$0x7880] =	vst v63  }
0x13: {  	p0 =	por $0x0, $0x0;
	s23 =	simm.s32 $0x0  }
0x14: {  	[tilespmem:s14], [sflag:$0x1] =	stream.indirect.gather [hbm4b:s4+s11], $0x80, s13, s11, $0xb8;
	[tilespmem:$0x7880] =	vst v63  }
.LBB2_2:
0x15: {  	s26 =	sshll.u32 s23, $0x6  }
0x16: {  	s24 =	sadd.s32 s26, s6  }
0x17: {  	[tilespmem:s16], [sflag:$0x4] =	stream.linear.gather [hbm4b:s24+s3], $0x100, $0x38;
	[tilespmem:$0x7880] =	vst v63  }
0x18: {  	_ =	swait.ge [sflag:s17], $0x100  }
0x19: {  	[sflag:s17] =	ssyncset.done $0x0  }
0x1a: {  	[sflag:s17] =	ssyncadd.s32 $0xFFFFFF00  }
0x1b: {  	[tilespmem:s18], [sflag:$0x2] =	stream.indirect.gather [hbm4b:s4+s11], $0x80, s16, s11, $0xb8;
	[tilespmem:$0x7880] =	vst v63  }
0x1c: {  	s24 =	simm.s32 $0x1  }
0x1d: {  	[tilespmem:s20], [sflag:$0x2] =	stream.indirect.gather [hbm4b:s4+s11], $0x80, s19, s11, $0xb8;
	[tilespmem:$0x7880] =	vst v63  }
0x1e: {  	s24 =	simm.s32 @!p0 $0x0;
	_ =	swait.ge [sflag:s15], $0x1900  }
0x1f: {  	s24 =	smul.u32 $0xC80, s24;
	[sflag:s15] =	ssyncset.done $0x0  }
0x20: {  	[sflag:s15] =	ssyncadd.s32 $0xFFFFE700  }
0x21: {  	s25 =	sshrl.u32 s24, $0x2;
	_ =	swait.ge [sflag:s15], $0x1900  }
0x22: {  	s29 =	simm.s32 $0x3C0;
	s24 =	sadd.s32 $0x7390, s25;
	[sflag:s15] =	ssyncset.done $0x0  }
0x23: {  	s28 =	sadd.s32 $0x7200, s25;
	s25 =	sand.u32 $0x1, s23;
	[sflag:s15] =	ssyncadd.s32 $0xFFFFE700  }
.LBB2_3:
0x24: {  	s30 =	sshra.s32 s29, $0x2  }
0x25: {  	v0 =	vld [tilespmem:s30+$0x110]  }
0x26: {  	v1 =	vld [tilespmem:s30+$0x1D10]  }
0x27: {  	v2 =	vld [tilespmem:s30+$0x120]  }
0x28: {  	v3 =	vld [tilespmem:s30+$0x1D20]  }
0x29: {  	v4 =	vld [tilespmem:s30+$0x130]  }
0x2a: {  	v5 =	vld [tilespmem:s30+$0x1D30]  }
0x2b: {  	v6 =	vld [tilespmem:s30+$0x140]  }
0x2c: {  	v7 =	vld [tilespmem:s30+$0x1D40]  }
0x2d: {  	v8 =	vld [tilespmem:s30+$0x150]  }
0x2e: {  	v9 =	vld [tilespmem:s30+$0x1D50]  }
0x2f: {  	v10 =	vld [tilespmem:s30+$0x160]  }
0x30: {  	v11 =	vld [tilespmem:s30+$0x1D60]  }
0x31: {  	v12 =	vld [tilespmem:s30+$0x170]  }
0x32: {  	v13 =	vld [tilespmem:s30+$0x1D70]  }
0x33: {  	v14 =	vld [tilespmem:s30+$0x180]  }
0x34: {  	v15 =	vld [tilespmem:s30+$0x1D80]  }
0x35: {  	v16 =	vld [tilespmem:s30+$0x190]  }
0x36: {  	v17 =	vld [tilespmem:s30+$0x1D90]  }
0x37: {  	v18 =	vld [tilespmem:s30+$0x1A0]  }
0x38: {  	v19 =	vld [tilespmem:s30+$0x1DA0]  }
0x39: {  	v54 =	vld [tilespmem:s30+$0x1B0]  }
0x3a: {  	v55 =	vld [tilespmem:s30+$0x1DB0];
	v0 =	vmul.f32 v1, v0  }
0x3b: {  	v57 =	vld [tilespmem:s30+$0x1C0];
	v2 =	vmul.f32 v3, v2  }
0x3c: {  	v59 =	vld [tilespmem:s30+$0x1DC0];
	v56 =	vmul.f32 v5, v4;
	(xrf2) =	vadd.scan.msk.f32 $0xffff, v0  }
0x3d: {  	v61 =	vld [tilespmem:s30+$0x1D0];
	v58 =	vmul.f32 v7, v6;
	(xrf2) =	vadd.scan.msk.f32 $0xffff, v2  }
0x3e: {  	v63 =	vld [tilespmem:s30+$0x1DD0];
	v60 =	vmul.f32 v9, v8;
	(xrf2) =	vadd.scan.msk.f32 $0xffff, v56  }
0x3f: {  	v20 =	vld [tilespmem:s30+$0x1E0];
	v62 =	vmul.f32 v11, v10;
	(xrf2) =	vadd.scan.msk.f32 $0xffff, v58  }
0x40: {  	v22 =	vld [tilespmem:s30+$0x1DE0];
	v13 =	vmul.f32 v13, v12;
	(xrf2) =	vadd.scan.msk.f32 $0xffff, v60  }
0x41: {  	v24 =	vld [tilespmem:s30+$0x1F0];
	v21 =	vmul.f32 v15, v14;
	(xrf2) =	vadd.scan.msk.f32 $0xffff, v62  }
0x42: {  	v26 =	vld [tilespmem:s30+$0x1DF0];
	v23 =	vmul.f32 v17, v16;
	(xrf2) =	vadd.scan.msk.f32 $0xffff, v13  }
0x43: {  	v25 =	vmul.f32 v19, v18;
	(xrf2) =	vadd.scan.msk.f32 $0xffff, v21  }
0x44: {  	v27 =	vmul.f32 v55, v54;
	(xrf2) =	vadd.scan.msk.f32 $0xffff, v23  }
0x45: {  	v29 =	vld [tilespmem:s30+$0x200];
	v28 =	vmul.f32 v59, v57;
	(xrf2) =	vadd.scan.msk.f32 $0xffff, v25  }
0x46: {  	v32 =	vld [tilespmem:s30+$0x1E00];
	v31 =	vmul.f32 v63, v61;
	v30, _, _ =	vpop (xrf2);
	(xrf2) =	vadd.scan.msk.f32 $0xffff, v27  }
0x47: {  	v35 =	vmul.f32 v22, v20;
	v38 =	vmul.f32 v26, v24;
	v33, _, _ =	vpop (xrf2);
	(xrf2) =	vadd.scan.msk.f32 $0xffff, v28  }
0x48: {  	v34 =	vbroadcast v30, $0xF;
	v36, _, _ =	vpop (xrf2);
	(xrf2) =	vadd.scan.msk.f32 $0xffff, v31;
	v37 =	vbroadcast v33, $0xF  }
0x49: {  	v39, _, _ =	vpop (xrf2);
	(xrf2) =	vadd.scan.msk.f32 $0xffff, v35;
	v40 =	vbroadcast v36, $0xF  }
0x4a: {  	v0 =	vsel vm0, v34, v37;
	v41 =	vbroadcast v39, $0xF;
	v42, _, _ =	vpop (xrf2);
	(xrf2) =	vadd.scan.msk.f32 $0xffff, v38  }
0x4b: {  	v2 =	vmul.f32 v32, v29;
	v43, _, _ =	vpop (xrf2);
	v0 =	vsel vm1, v0, v40;
	v44 =	vbroadcast v42, $0xF  }
0x4c: {  	v45, _, _ =	vpop (xrf2);
	v0 =	vsel vm2, v0, v41;
	v46 =	vbroadcast v43, $0xF  }
0x4d: {  	(xrf2) =	vadd.scan.msk.f32 $0xffff, v2;
	v0 =	vsel vm3, v0, v44;
	v47 =	vbroadcast v45, $0xF;
	v48, _, _ =	vpop (xrf2)  }
0x4e: {  	v49, _, _ =	vpop (xrf2);
	v0 =	vsel vm4, v0, v46;
	v50 =	vbroadcast v48, $0xF  }
0x4f: {  	v51, _, _ =	vpop (xrf2);
	v0 =	vsel vm5, v0, v47;
	v2 =	vbroadcast v49, $0xF  }
0x50: {  	v52, _, _ =	vpop (xrf2);
	v0 =	vsel vm6, v0, v50;
	v53 =	vbroadcast v51, $0xF  }
0x51: {  	v54, _, _ =	vpop (xrf2);
	v0 =	vsel vm7, v0, v2;
	v55 =	vbroadcast v52, $0xF  }
0x52: {  	v56, _, _ =	vpop (xrf2);
	v0 =	vsel vm8, v0, v53;
	v57 =	vbroadcast v54, $0xF  }
0x53: {  	v58, _, _ =	vpop (xrf2);
	v0 =	vsel vm9, v0, v55;
	v59 =	vbroadcast v56, $0xF  }
0x54: {  	p1 =	sne.s32 s29, $0x63C0;
	v60, _, _ =	vpop (xrf2);
	v0 =	vsel vm10, v0, v57;
	v61 =	vbroadcast v58, $0xF  }
.Ltmp0:
0x55: {  	v0 =	vsel vm11, v0, v59;
	v62 =	vbroadcast v60, $0xF;
	(pc) =	sbr.rel @p1 .LBB2_3-.Ltmp0, $4  }
0x56: {  	v0 =	vsel vm12, v0, v61  }
0x57: {  	v63, _, _ =	vpop (xrf2);
	v0 =	vsel vm13, v0, v62  }
0x58: {  	v0 =	vsel vm14, v0, v63  }
0x59: {  	s29 =	sadd.s32 $0x400, s29;
	[tilespmem:s28+$0x0] =	vst v0;
	s28 =	sadd.s32 $0x10, s28  }
0x5a: {  	p1 =	seq.s32 s23, $0x63  }
0x5b: {  	s26 =	sadd.s32 @!p1 s26, s7;
	s28 =	simm.s32 @!p1 $0x0  }
0x5c: {  	[tilespmem:s28], [sflag:$0x4] =	stream.linear.gather @!p1 [hbm4b:s26+s28], $0x100, $0x38;
	[tilespmem:$0x7880] =	vst v63  }
0x5d: {  	s26 =	simm.s32 @!p1 $0x4  }
0x5e: {  	_ =	swait.ge @!p1 [sflag:s26], $0x100  }
0x5f: {  	[sflag:s26] =	ssyncset.done @!p1 $0x0  }
0x60: {  	s29 =	simm.s32 @!p1 $0x200;
	[sflag:s26] =	ssyncadd.s32 @!p1 $0xFFFFFF00;
	s26 =	simm.s32 @!p1 $0x32  }
0x61: {  	[tilespmem:s29], [sflag:$0x1] =	stream.indirect.gather @!p1 [hbm4b:s4+s26], $0x80, s28, s26, $0xb8;
	[tilespmem:$0x7880] =	vst v63  }
0x62: {  	s28 =	simm.s32 @!p1 $0x80;
	s29 =	simm.s32 @!p1 $0x1E00  }
0x63: {  	[tilespmem:s29], [sflag:$0x1] =	stream.indirect.gather @!p1 [hbm4b:s4+s26], $0x80, s28, s26, $0xb8;
	[tilespmem:$0x7880] =	vst v63  }
0x64: {  	_ =	swait.ge [sflag:s21], $0x1900  }
0x65: {  	[sflag:s21] =	ssyncset.done $0x0  }
0x66: {  	[sflag:s21] =	ssyncadd.s32 $0xFFFFE700  }
0x67: {  	_ =	swait.ge [sflag:s21], $0x1900  }
0x68: {  	[sflag:s21] =	ssyncset.done $0x0  }
0x69: {  	s26 =	simm.s32 $0x3C0;
	[sflag:s21] =	ssyncadd.s32 $0xFFFFE700  }
.LBB2_5:
0x6a: {  	s28 =	sshra.s32 s26, $0x2  }
0x6b: {  	v0 =	vld [tilespmem:s28+$0x3910]  }
0x6c: {  	v1 =	vld [tilespmem:s28+$0x5510]  }
0x6d: {  	v2 =	vld [tilespmem:s28+$0x3920]  }
0x6e: {  	v3 =	vld [tilespmem:s28+$0x5520]  }
0x6f: {  	v4 =	vld [tilespmem:s28+$0x3930]  }
0x70: {  	v5 =	vld [tilespmem:s28+$0x5530]  }
0x71: {  	v6 =	vld [tilespmem:s28+$0x3940]  }
0x72: {  	v7 =	vld [tilespmem:s28+$0x5540]  }
0x73: {  	v8 =	vld [tilespmem:s28+$0x3950]  }
0x74: {  	v9 =	vld [tilespmem:s28+$0x5550]  }
0x75: {  	v10 =	vld [tilespmem:s28+$0x3960]  }
0x76: {  	v11 =	vld [tilespmem:s28+$0x5560]  }
0x77: {  	v12 =	vld [tilespmem:s28+$0x3970]  }
0x78: {  	v13 =	vld [tilespmem:s28+$0x5570]  }
0x79: {  	v14 =	vld [tilespmem:s28+$0x3980]  }
0x7a: {  	v15 =	vld [tilespmem:s28+$0x5580]  }
0x7b: {  	v16 =	vld [tilespmem:s28+$0x3990]  }
0x7c: {  	v17 =	vld [tilespmem:s28+$0x5590]  }
0x7d: {  	v18 =	vld [tilespmem:s28+$0x39A0]  }
0x7e: {  	v19 =	vld [tilespmem:s28+$0x55A0]  }
0x7f: {  	v54 =	vld [tilespmem:s28+$0x39B0]  }
0x80: {  	v55 =	vld [tilespmem:s28+$0x55B0];
	v0 =	vmul.f32 v1, v0  }
0x81: {  	v57 =	vld [tilespmem:s28+$0x39C0];
	v2 =	vmul.f32 v3, v2  }
0x82: {  	v59 =	vld [tilespmem:s28+$0x55C0];
	v56 =	vmul.f32 v5, v4;
	(xrf2) =	vadd.scan.msk.f32 $0xffff, v0  }
0x83: {  	v61 =	vld [tilespmem:s28+$0x39D0];
	v58 =	vmul.f32 v7, v6;
	(xrf2) =	vadd.scan.msk.f32 $0xffff, v2  }
0x84: {  	v63 =	vld [tilespmem:s28+$0x55D0];
	v60 =	vmul.f32 v9, v8;
	(xrf2) =	vadd.scan.msk.f32 $0xffff, v56  }
0x85: {  	v20 =	vld [tilespmem:s28+$0x39E0];
	v62 =	vmul.f32 v11, v10;
	(xrf2) =	vadd.scan.msk.f32 $0xffff, v58  }
0x86: {  	v22 =	vld [tilespmem:s28+$0x55E0];
	v13 =	vmul.f32 v13, v12;
	(xrf2) =	vadd.scan.msk.f32 $0xffff, v60  }
0x87: {  	v24 =	vld [tilespmem:s28+$0x39F0];
	v21 =	vmul.f32 v15, v14;
	(xrf2) =	vadd.scan.msk.f32 $0xffff, v62  }
0x88: {  	v26 =	vld [tilespmem:s28+$0x55F0];
	v23 =	vmul.f32 v17, v16;
	(xrf2) =	vadd.scan.msk.f32 $0xffff, v13  }
0x89: {  	v25 =	vmul.f32 v19, v18;
	(xrf2) =	vadd.scan.msk.f32 $0xffff, v21  }
0x8a: {  	v27 =	vmul.f32 v55, v54;
	(xrf2) =	vadd.scan.msk.f32 $0xffff, v23  }
0x8b: {  	v29 =	vld [tilespmem:s28+$0x3A00];
	v28 =	vmul.f32 v59, v57;
	(xrf2) =	vadd.scan.msk.f32 $0xffff, v25  }
0x8c: {  	v32 =	vld [tilespmem:s28+$0x5600];
	v31 =	vmul.f32 v63, v61;
	v30, _, _ =	vpop (xrf2);
	(xrf2) =	vadd.scan.msk.f32 $0xffff, v27  }
0x8d: {  	v35 =	vmul.f32 v22, v20;
	v38 =	vmul.f32 v26, v24;
	v33, _, _ =	vpop (xrf2);
	(xrf2) =	vadd.scan.msk.f32 $0xffff, v28  }
0x8e: {  	v34 =	vbroadcast v30, $0xF;
	v36, _, _ =	vpop (xrf2);
	(xrf2) =	vadd.scan.msk.f32 $0xffff, v31;
	v37 =	vbroadcast v33, $0xF  }
0x8f: {  	v39, _, _ =	vpop (xrf2);
	(xrf2) =	vadd.scan.msk.f32 $0xffff, v35;
	v40 =	vbroadcast v36, $0xF  }
0x90: {  	v0 =	vsel vm0, v34, v37;
	v41 =	vbroadcast v39, $0xF;
	v42, _, _ =	vpop (xrf2);
	(xrf2) =	vadd.scan.msk.f32 $0xffff, v38  }
0x91: {  	v2 =	vmul.f32 v32, v29;
	v43, _, _ =	vpop (xrf2);
	v0 =	vsel vm1, v0, v40;
	v44 =	vbroadcast v42, $0xF  }
0x92: {  	v45, _, _ =	vpop (xrf2);
	v0 =	vsel vm2, v0, v41;
	v46 =	vbroadcast v43, $0xF  }
0x93: {  	(xrf2) =	vadd.scan.msk.f32 $0xffff, v2;
	v0 =	vsel vm3, v0, v44;
	v47 =	vbroadcast v45, $0xF;
	v48, _, _ =	vpop (xrf2)  }
0x94: {  	v49, _, _ =	vpop (xrf2);
	v0 =	vsel vm4, v0, v46;
	v50 =	vbroadcast v48, $0xF  }
0x95: {  	v51, _, _ =	vpop (xrf2);
	v0 =	vsel vm5, v0, v47;
	v2 =	vbroadcast v49, $0xF  }
0x96: {  	v52, _, _ =	vpop (xrf2);
	v0 =	vsel vm6, v0, v50;
	v53 =	vbroadcast v51, $0xF  }
0x97: {  	v54, _, _ =	vpop (xrf2);
	v0 =	vsel vm7, v0, v2;
	v55 =	vbroadcast v52, $0xF  }
0x98: {  	v56, _, _ =	vpop (xrf2);
	v0 =	vsel vm8, v0, v53;
	v57 =	vbroadcast v54, $0xF  }
0x99: {  	v58, _, _ =	vpop (xrf2);
	v0 =	vsel vm9, v0, v55;
	v59 =	vbroadcast v56, $0xF  }
0x9a: {  	p1 =	sne.s32 s26, $0x63C0;
	v60, _, _ =	vpop (xrf2);
	v0 =	vsel vm10, v0, v57;
	v61 =	vbroadcast v58, $0xF  }
.Ltmp1:
0x9b: {  	v0 =	vsel vm11, v0, v59;
	v62 =	vbroadcast v60, $0xF;
	(pc) =	sbr.rel @p1 .LBB2_5-.Ltmp1, $4  }
0x9c: {  	v0 =	vsel vm12, v0, v61  }
0x9d: {  	v63, _, _ =	vpop (xrf2);
	v0 =	vsel vm13, v0, v62  }
0x9e: {  	v0 =	vsel vm14, v0, v63  }
0x9f: {  	s26 =	sadd.s32 $0x400, s26;
	[tilespmem:s24+$0x0] =	vst v0;
	s24 =	sadd.s32 $0x10, s24  }
0xa0: {  	p1 =	seq.s32 s25, $0x0  }
0xa1: {  	s24 =	smul.u32 @!p1 $0x64, s23;
	_ =	sdelay $0x1  }
0xa2: {  	s24 =	sadd.s32 @!p1 s24, s8  }
0xa3: {  	s25 =	simm.s32 @!p1 $0x0;
	s23 =	sadd.s32 $0x1, s23;
	s24 =	sand.u32 @!p1 $0x1FFFFFF8, s24  }
0xa4: {  	s26 =	simm.s32 @!p1 $0x7200;
	p2 =	sne.s32 s23, $0x64;
	s24 =	sadd.s32 @!p1 s2, s24  }
0xa5: {  	[hbm4b:s24+s25] =	stream.linear.scatter @!p1 [tilespmem:s26], [sflag:$0x3], $0x640, $0x38;
	[tilespmem:$0x7880] =	vst v63  }
.Ltmp2:
0xa6: {  	_ = 	snop;
	(pc) =	sbr.rel @p2 .LBB2_2-.Ltmp2, $4  }
0xa7: {  	s24 =	simm.s32 @!p1 $0x3  }
0xa8: {  	_ =	swait.ge @!p1 [sflag:s24], $0x640  }
0xa9: {  	[sflag:s24] =	ssyncset.done @!p1 $0x0  }
0xaa: {  	p0 =	por !p0, !p0;
	[sflag:s24] =	ssyncadd.s32 @!p1 $0xFFFFF9C0  }
0xab: {  	s22 =	sadd.s32 $0x1, s22  }
0xac: {  	p0 =	sne.s32 s22, s9  }
.Ltmp3:
0xad: {  	_ = 	snop;
	(pc) =	sbr.rel @p0 .LBB2_1-.Ltmp3, $1  }
0xae: {  	_ =	sdelay $0x3  }
0xaf: {  	_ =	sfence.sel $0x180000  }
0xb0: {  	[bflag:$0x0] =	sbarrier.arrive $0xFFFF  }
0xb1: {  	p0 =	sne.s32 s1, $0x0;
	_ =	strace $0x90000050  }
0xb2: {  	s0 =	sadd.s32 @!p0 $0x100000, s0;
	[bflag:$0x2] =	sbarrier.arrive $0xFFFF  }
0xb3: {  	[sflag:s0] =	ssyncadd.tile.s32 @!p0 $0x1;
	_ =	shalt  }
.Lfunc_end2:
_tile_overlayer_lowered:
.L_overlay_start_2:
0xb4: {  	(tag) =	ssettag $0x2  }
0xb5: {  	s0 =	rddreg [dreg:$0x0];
	s2 =	stileid.u32  }
0xb6: {  	s1 =	rddreg [dreg:$0x1];
	p0 =	sne.s32 s2, $0x0  }
0xb7: {  	s3 =	rddreg [dreg:$0x2];
	[bflag:$0x3] =	sbarrier.arrive $0xFFFF;
	s2 =	simm.s32 @!p0 $0x1C03  }
0xb8: {  	[timem:s3], [sflag:s2] =	dma.local @!p0 [hbm:s0], s1  }
0xb9: {  	s0 =	simm.s32 @!p0 $0x3  }
0xba: {  	_ =	swait.ge @!p0 [sflag:s0], s1  }
0xbb: {  	s1 =	ssub.s32 @!p0 $0x0, s1;
	[sflag:s0] =	ssyncset.done @!p0 $0x0  }
0xbc: {  	[sflag:s0] =	ssyncadd.s32 @!p0 s1  }
0xbd: {  	[bflag:$0x3] =	sbarrier.arrive $0xFFFF  }
0xbe: {  	_ =	shalt  }

// kernel: kernel.7.cloned.1.call-start
scs
__scs_entry_jumppad:
0x0: {  	(pc) =	sbr.rel $0x88, $3  }
0x1: {  	(tag) =	ssettag $0x0;
	lr =	simm.s32 $0x1  }
0x2: {  	[smem:$0x3F99] =	sst lr;
	_ =	strace $0xD0000000  }
0x3: {  	_ = 	snop  }
0x4: {  	_ = 	snop  }
0x5: {  	_ = 	snop  }
0x6: {  	_ = 	snop  }
0x7: {  	_ = 	snop  }
__scs_overlays_trampoline_lowered:
0x8: {  	[smem:$0x3FA8] =	sst s0  }
0x9: {  	[smem:$0x3FA9] =	sst s1  }
0xa: {  	[smem:$0x3FAA] =	sst s2  }
0xb: {  	[smem:$0x3FAB] =	sst s3  }
0xc: {  	[smem:$0x3FAC] =	sst s4  }
0xd: {  	[smem:$0x3FAD] =	sst s5  }
0xe: {  	[smem:$0x3FAE] =	sst s6  }
0xf: {  	[smem:$0x3FAF] =	sst s7  }
0x10: {  	[smem:$0x3FB0] =	sst s8  }
0x11: {  	[smem:$0x3FB1] =	sst s9;
	s0 =	simm.s32 @!p0 $0x0  }
0x12: {  	s1 =	sld [smem:$0x3F97];
	s0 =	simm.s32 @p0 $0x1  }
0x13: {  	[smem:$0x3FB2] =	sst s0;
	s0 =	simm.s32 @!p1 $0x0  }
0x14: {  	s2 =	sld [smem:$0x3F96];
	s0 =	simm.s32 @p1 $0x1  }
0x15: {  	[smem:$0x3FB3] =	sst s0;
	s0 =	simm.s32 @!p2 $0x0  }
0x16: {  	s3 =	sld [smem:$0x3FDB];
	s0 =	simm.s32 @p2 $0x1  }
0x17: {  	s4 =	simm.s32 $0x1BF5;
	[smem:$0x3FB5] =	sst s0  }
0x18: {  	s0 =	sld [smem:$0x3F98];
	_ =	swait.ge [sflag:s4], $0x0  }
0x19: {  	s7 =	sld [smem:$0x3F99]  }
0x1a: {  	s8 =	sadd.s32 $0xFFFFE003, lr  }
0x1b: {  	s9 =	sadd.s32 $0xFFFFFEF7, lr;
	s5 =	simm.s32 $0xFFFFFFFF;
	p2 =	slt.u32 s8, $0xFFFFF086  }
0x1c: {  	p1 =	slt.u32 s9, $0xF7A;
	s5 =	simm.s32 @!p2 $0x0  }
0x1d: {  	s5 =	simm.s32 @p1 $0x1;
	p0 =	seq.s32 s7, s2  }
0x1e: {  	s7 =	smul.u32 @!p0 $0xF7A, s2;
	p2 =	seq.s32 @!p0 s5, $0x0  }
0x1f: {  	s9 =	smul.u32 $0xF7A, s1;
	s8 =	simm.s32 @!p0 $0x1BF5;
	p2 =	por !p2, p0  }
0x20: {  	[sflag:s8] =	ssyncset.s32 @!p0 $0xFFFFF086;
	s6 =	sadd.s32 @!p0 s3, s7;
	s7 =	simm.s32 @!p0 $0x108  }
0x21: {  	s3 =	sadd.s32 s3, s9;
	s6 =	sadd.s32 @!p0 $0x88, s6;
	s7 =	simm.s32 @p2 $0x1082  }
0x22: {  	[simem:s7], [sflag:s8] =	dma.local @!p0 [hbm:s6], $0xF7A  }
0x23: {  	s9 =	sor.u32 $0xD0000000, s2;
	s6 =	simm.s32 $0x108;
	_ =	swait.ge @!p0 [sflag:s8], $0x0  }
0x24: {  	s3 =	sadd.s32 $0x88, s3;
	s6 =	simm.s32 @!p1 $0x1082;
	[sflag:s4] =	ssyncset.s32 $0xFFFFF086  }
0x25: {  	[simem:s6], [sflag:s4] =	dma.local [hbm:s3], $0xF7A  }
0x26: {  	[smem:$0x3F99] =	sst s1;
	(tag) =	ssettag s2;
	_ =	strace s9  }
0x27: {  	s1 =	sld [smem:$0x3FA9]  }
0x28: {  	s2 =	sld [smem:$0x3FAA]  }
0x29: {  	s4 =	sld [smem:$0x3FAC]  }
0x2a: {  	p0 =	seq.s32 s5, $0x0;
	s5 =	sld [smem:$0x3FAD]  }
0x2b: {  	s6 =	sld [smem:$0x3FAE]  }
0x2c: {  	s7 =	sld [smem:$0x3FAF]  }
0x2d: {  	s3 =	simm.s32 $0x108;
	s8 =	sld [smem:$0x3FB0]  }
0x2e: {  	s3 =	simm.s32 @!p0 $0x1082;
	s9 =	sld [smem:$0x3FB1]  }
0x2f: {  	lr =	sadd.s32 s0, s3;
	s0 =	sld [smem:$0x3FA8]  }
0x30: {  	s3 =	sld [smem:$0x3FAB]  }
0x31: {  	[smem:$0x3FB4] =	sst s10  }
0x32: {  	s10 =	sld [smem:$0x3FB2];
	_ =	sdelay $0x3  }
0x33: {  	p0 =	seq.s32 s10, $0x1;
	s10 =	sld [smem:$0x3FB4];
	_ =	sdelay $0x3  }
0x34: {  	[smem:$0x3FB4] =	sst s10  }
0x35: {  	s10 =	sld [smem:$0x3FB3];
	_ =	sdelay $0x3  }
0x36: {  	p1 =	seq.s32 s10, $0x1;
	s10 =	sld [smem:$0x3FB4];
	_ =	sdelay $0x3  }
0x37: {  	[smem:$0x3FB4] =	sst s10  }
0x38: {  	s10 =	sld [smem:$0x3FB5]  }
0x39: {  	_ = 	snop;
	(pc) =	sbr.ind lr, $3  }
0x3a: {  	_ = 	snop  }
0x3b: {  	_ = 	snop  }
0x3c: {  	p2 =	seq.s32 s10, $0x1;
	s10 =	sld [smem:$0x3FB4]  }
0x3d: {  	_ =	shalt  }
0x3e: {  	_ =	shalt  }
0x3f: {  	_ =	shalt  }
0x40: {  	_ =	shalt  }
0x41: {  	_ =	shalt  }
0x42: {  	_ =	shalt  }
0x43: {  	_ =	shalt  }
0x44: {  	_ =	shalt  }
0x45: {  	_ =	shalt  }
0x46: {  	_ =	shalt  }
0x47: {  	_ =	shalt  }
0x48: {  	_ =	shalt  }
0x49: {  	_ =	shalt  }
0x4a: {  	_ =	shalt  }
0x4b: {  	_ =	shalt  }
0x4c: {  	_ =	shalt  }
0x4d: {  	_ =	shalt  }
0x4e: {  	_ =	shalt  }
0x4f: {  	_ =	shalt  }
0x50: {  	_ =	shalt  }
0x51: {  	_ =	shalt  }
0x52: {  	_ =	shalt  }
0x53: {  	_ =	shalt  }
0x54: {  	_ =	shalt  }
0x55: {  	_ =	shalt  }
0x56: {  	_ =	shalt  }
0x57: {  	_ =	shalt  }
0x58: {  	_ =	shalt  }
0x59: {  	_ =	shalt  }
0x5a: {  	_ =	shalt  }
0x5b: {  	_ =	shalt  }
0x5c: {  	_ =	shalt  }
0x5d: {  	_ =	shalt  }
0x5e: {  	_ =	shalt  }
0x5f: {  	_ =	shalt  }
0x60: {  	_ =	shalt  }
0x61: {  	_ =	shalt  }
0x62: {  	_ =	shalt  }
0x63: {  	_ =	shalt  }
0x64: {  	_ =	shalt  }
0x65: {  	_ =	shalt  }
0x66: {  	_ =	shalt  }
0x67: {  	_ =	shalt  }
0x68: {  	_ =	shalt  }
0x69: {  	_ =	shalt  }
0x6a: {  	_ =	shalt  }
0x6b: {  	_ =	shalt  }
0x6c: {  	_ =	shalt  }
0x6d: {  	_ =	shalt  }
0x6e: {  	_ =	shalt  }
0x6f: {  	_ =	shalt  }
0x70: {  	_ =	shalt  }
0x71: {  	_ =	shalt  }
0x72: {  	_ =	shalt  }
0x73: {  	_ =	shalt  }
0x74: {  	_ =	shalt  }
0x75: {  	_ =	shalt  }
0x76: {  	_ =	shalt  }
0x77: {  	_ =	shalt  }
0x78: {  	_ =	shalt  }
0x79: {  	_ =	shalt  }
0x7a: {  	_ =	shalt  }
0x7b: {  	_ =	shalt  }
0x7c: {  	_ =	shalt  }
0x7d: {  	_ =	shalt  }
0x7e: {  	_ =	shalt  }
0x7f: {  	_ =	shalt  }
0x80: {  	_ =	shalt  }
0x81: {  	_ =	shalt  }
0x82: {  	_ =	shalt  }
0x83: {  	_ =	shalt  }
0x84: {  	_ =	shalt  }
0x85: {  	_ =	shalt  }
0x86: {  	_ =	shalt  }
0x87: {  	_ =	shalt  }
.Lfunc_end0:
.L_simem_size_0:
called_computation_lowered:
.L_overlay_start_0:
0x88: {  	s2 =	sld [smem:$0x3FD9]  }
0x89: {  	s3 =	sld [smem:$0x3FFE];
	_ =	sdelay $0x1  }
0x8a: {  	s1 =	srdreg.scid  }
0x8b: {  	s0 =	sand.u32 $0x1, s1  }
0x8c: {  	s17 =	sshll.u32 s0, $0xA;
	s2 =	sadd.s32 s3, s2  }
0x8d: {  	s2 =	sadd.s32 s2, s17  }
0x8e: {  	[smem:$0x3FC0] =	sst s2  }
0x8f: {  	_ = 	snop  }
0x90: {  	s2 =	sld [smem:$0x3FD0];
	(tm) =	ssettm $0x1  }
0x91: {  	s18 =	sld [smem:$0x3FFB];
	_ =	sdelay $0x3  }
0x92: {  	_ =	strace s18  }
0x93: {  	s3 =	sld [smem:$0x3FFC];
	_ =	sdelay $0x3  }
0x94: {  	_ =	strace s3  }
0x95: {  	s3 =	sld [smem:$0x3FFD];
	_ =	sdelay $0x3  }
0x96: {  	_ =	strace s3  }
0x97: {  	_ =	strace $0x8FFFFFFF  }
0x98: {  	s19 =	sld [smem:$0x3FDB];
	_ =	sdelay $0x1  }
0x99: {  	s4 =	simm.s32 $_scs_section_size  }
0x9a: {  	s5 =	simm.s32 $_size__tile_overlayer_lowered;
	s6 =	simm.s32 $_tile_overlayer_lowered  }
0x9b: {  	s22 =	simm.s32 $0x1BFF;
	s21 =	sshll.u32 s6, $0x1;
	s3 =	sadd.s32 s4, s19  }
0x9c: {  	s7 =	simm.s32 $0x0;
	s20 =	sshll.u32 s5, $0x1;
	s5 =	sadd.s32 s21, s3  }
0x9d: {  	[timem:s7], [sflag:s22] =	dma.local [hbm:s5], s20  }
0x9e: {  	_ =	swait.ge [sflag:s22], s20  }
0x9f: {  	s4 =	ssub.s32 $0x0, s20;
	[sflag:s22] =	ssyncset.done $0x0  }
0xa0: {  	[sflag:s22] =	ssyncadd.s32 s4;
	_ =	sdelay $0x1  }
0xa1: {  	s23 =	simm.s32 $0x1B8B  }
0xa2: {  	_ =	swait.ge [sflag:s23], $0x1  }
0xa3: {  	[sflag:s23] =	ssyncset.done $0x0  }
0xa4: {  	s25 =	simm.s32 $0x1B8E;
	s24 =	sld [smem:$0x3FFE];
	[sflag:s23] =	ssyncadd.s32 $0xFFFFFFFF  }
0xa5: {  	s26 =	simm.s32 $execute0_lowered;
	[smem:$0x3FD2] =	sst s25  }
0xa6: {  	s5 =	sshll.u32 s26, $0x1;
	_ =	strace $0x80000046;
	[dreg:$0x1] =	wrdreg $0xFFFFFFFF  }
0xa7: {  	s28 =	simm.s32 $_size_execute0_lowered;
	s3 =	sadd.s32 s3, s5;
	[dreg:$0x0] =	wrdreg $0x0  }
0xa8: {  	s5 =	sshll.u32 s28, $0x1;
	[dreg:$0x2] =	wrdreg s3  }
0xa9: {  	[dreg:$0x3] =	wrdreg s5  }
0xaa: {  	[dreg:$0x4] =	wrdreg $0xC0  }
0xab: {  	_ =	task [dreg:s7], $0x5FFFF  }
0xac: {  	[dreg:$0x1] =	wrdreg $0xFFFFFFFF  }
0xad: {  	[dreg:$0x0] =	wrdreg $0x60  }
0xae: {  	[dreg:$0x2] =	wrdreg s24  }
0xaf: {  	[dreg:$0x3] =	wrdreg s2  }
0xb0: {  	[dreg:$0x4] =	wrdreg $0x9  }
0xb1: {  	_ =	task.clear_ibuf [dreg:s7], $0x5FFFF;
	_ =	strace $0x90000046  }
0xb2: {  	s29 =	simm.s32 $0x9;
	_ =	strace $0x80000048  }
0xb3: {  	_ =	swait.ge [sflag:s29], $0x1  }
0xb4: {  	[sflag:s29] =	ssyncadd.s32 $0xFFFFFFFF  }
0xb5: {  	_ =	strace $0x90000048  }
0xb6: {  	_ =	sfence  }
0xb7: {  	s30 =	sld [smem:$0x0];
	_ =	sdelay $0x2  }
0xb8: {  	s31 =	sshll.u32 s1, $0xD;
	s1 =	sshrl.u32 s1, $0x2  }
0xb9: {  	s3 =	sand.u32 $0x4000, s31;
	s1 =	sadd.s32 s1, s30  }
0xba: {  	s0 =	sor.u32 s3, s0;
	s1 =	sshll.u32 s1, $0x11  }
0xbb: {  	s0 =	sor.u32 s1, s0  }
0xbc: {  	s0 =	sadd.s32 $0x8F2B, s0  }
0xbd: {  	[sflag:s0] =	ssyncadd.remote.s32 $0x1  }
0xbe: {  	_ =	sfence.sel $0xFFFF  }
0xbf: {  	[dreg:$0x0] =	wrdreg $0xFFFFFFFF;
	(pc) =	sbr.abs _section_cstart, $3  }
0xc0: {  	[dreg:$0x1] =	wrdreg $0xFFFFFFFF  }
0xc1: {  	_ =	task.clear_ibuf [dreg:s7], $0x2FFFF;
	_ =	strace $0x9FFFFFFF  }
0xc2: {  	(tm) =	ssettm $0x7FFFFFFF  }
0xc3: {  	_ =	shalt  }
tec
execute0_lowered:
.L_overlay_start_1:
0x0: {  	(tag) =	ssettag $0x1  }
0x1: {  	s0 =	rddreg [dreg:$0x0]  }
0x2: {  	s1 =	rddreg [dreg:$0x1];
	s2 =	srdreg.scid  }
0x3: {  	s4 =	simm.s32 $0x0;
	s8 =	stileid.u32;
	s11 =	simm.s32 $0x3  }
0x4: {  	s12 =	simm.s32 $0x80;
	s13 =	simm.s32 $0x32;
	s19 =	simm.s32 $0x1  }
0x5: {  	s20 =	simm.s32 $0x180;
	s21 =	simm.s32 $0x4;
	s22 =	simm.s32 $0x3A80  }
0x6: {  	s23 =	simm.s32 $0x200;
	s24 =	simm.s32 $0x5680;
	s25 =	simm.s32 $0x7900  }
0x7: {  	s26 =	simm.s32 $0x2;
	s29 =	simm.s32 $0x0;
	s2 =	sand.u32 $0x1, s2  }
0x8: {  	s30 =	simm.s32 $0x0;
	[smem:$0x7FF] =	sst s4;
	s3 =	sshll.u32 s2, $0x4  }
0x9: {  	s4 =	sadd.s32 $0x3E200, s0;
	_ =	strace $0x80000047;
	s3 =	sor.u32 s8, s3  }
0xa: {  	v0 =	vimm.f32 $0.0e+00;
	vm0 =	vmmov $0x1;
	s2 =	ssub.s32 $0x2, s2;
	s6 =	smul.u32 $0x1900, s3;
	s5 =	sshrl.u32 s3, $0x3  }
0xb: {  	vm1 =	vmmov $0x3;
	vm2 =	vmmov $0x7;
	vm3 =	vmmov $0xf;
	s8 =	sshll.u32 s8, $0x7;
	s31 =	sshrl.u32 s2, $0x1;
	s7 =	smul.u32 $0x9C400, s5  }
0xc: {  	vm4 =	vmmov $0x1f;
	vm5 =	vmmov $0x3f;
	vm6 =	vmmov $0x7f;
	s8 =	sand.u32 $0x380, s8;
	s3 =	smul.u32 $0x2710, s3;
	s2 =	ssub.s32 s2, s31  }
0xd: {  	vm7 =	vmmov $0xff;
	vm8 =	vmmov $0x1ff;
	vm9 =	vmmov $0x3ff;
	s5 =	sadd.s32 $0x65400, s0;
	s10 =	smax.u32 s2, $0x1;
	s7 =	sor.u32 s8, s7  }
0xe: {  	vm10 =	vmmov $0x7ff;
	vm11 =	vmmov $0xfff;
	v2 =	vlaneseq.u32;
	s9 =	sadd.s32 s6, s0;
	s6 =	sadd.s32 $0x2200, s0;
	s7 =	sshrl.u32 s7, $0x3  }
0xf: {  	vm12 =	vmmov $0x1fff;
	vm13 =	vmmov $0x3fff;
	v1 =	vshrl.u32 v2, $0x3;
	s8 =	sadd.s32 $0x1FFFFF9C, s3;
	s0 =	sadd.s32 s7, s0;
	s7 =	sadd.s32 $0xC200, s9  }
0x10: {  	vm14 =	vmmov $0x7fff;
	v2 =	vand.u32 $0x7, v2;
	v1 =	vor.u32 $0x80, v1;
	s9 =	sadd.s32 $0x8C600, s0;
	s17 =	sadd.s32 $0x20, s7;
	s18 =	sadd.s32 $0x40, s7  }
.LBB2_1:
0x11: {  	s0 =	simm.s32 $0x0  }
0x12: {  	[tilespmem:s0], [sflag:$0x3] =	stream.linear.gather [hbm4b:s6+s0], $0x80, $0x38;
	[tilespmem:$0x1B180] =	vst v63  }
0x13: {  	_ =	swait.ge [sflag:s11], $0x80  }
0x14: {  	[sflag:s11] =	ssyncset.done $0x0  }
0x15: {  	s2 =	simm.s32 $0x0;
	s0 =	simm.s32 $0x40;
	[sflag:s11] =	ssyncadd.s32 $0xFFFFFF80  }
.LBB2_2:
0x16: {  	p0 =	sne.s32 s0, $0x4E1C0;
	[tilespmem:s2+$0x7900] =	vst v0;
	s2 =	smov.u32 s0;
	s0 =	sadd.s32 $0x40, s0  }
.Ltmp0:
0x17: {  	(pc) =	sbr.rel @p0 .LBB2_2-.Ltmp0, $2  }
0x18: {  	_ =	sdelay $0x2  }
0x19: {  	s2 =	sshra.s32 s2, $0x2  }
0x1a: {  	[tilespmem:s2+$0x7900] =	vst v0  }
0x1b: {  	v3 =	vld [tilespmem:$0x0]  }
0x1c: {  	v4 =	vld [tilespmem:$0x10]  }
0x1d: {  	v5 =	vld [tilespmem:$0x20]  }
0x1e: {  	v6 =	vld [tilespmem:$0x30]  }
0x1f: {  	v7 =	vld [tilespmem:$0x40]  }
0x20: {  	v8 =	vld [tilespmem:$0x50]  }
0x21: {  	v9 =	vld [tilespmem:$0x60]  }
0x22: {  	v10 =	vld [tilespmem:$0x70];
	[tilespmem:s12], [sflag:$0x3] =	stream.linear.gather [hbm4b:s7+s30], $0x100, $0x38  }
0x23: {  	_ =	swait.ge [sflag:s11], $0x100  }
0x24: {  	[sflag:s11] =	ssyncset.done $0x0  }
0x25: {  	s0 =	simm.s32 $0x280;
	s16 =	simm.s32 $0x100;
	[sflag:s11] =	ssyncadd.s32 $0xFFFFFF00  }
0x26: {  	[tilespmem:s0], [sflag:$0x1] =	stream.indirect.gather [hbm4b:s4+s13], $0x80, s12, s13, $0xb8;
	[tilespmem:$0x1B180] =	vst v63  }
0x27: {  	s28 =	simm.s32 $0x1E80;
	p0 =	por $0x0, $0x0;
	s31 =	simm.s32 $0x0  }
0x28: {  	[tilespmem:s28], [sflag:$0x1] =	stream.indirect.gather [hbm4b:s5+s13], $0x80, s16, s13, $0xb8;
	[tilespmem:$0x1B180] =	vst v63  }
.LBB2_4:
0x29: {  	s3 =	sshll.u32 s31, $0x6  }
0x2a: {  	s0 =	sadd.s32 s3, s17  }
0x2b: {  	[tilespmem:s20], [sflag:$0x4] =	stream.linear.gather [hbm4b:s0+s30], $0x100, $0x38;
	[tilespmem:$0x1B180] =	vst v63  }
0x2c: {  	_ =	swait.ge [sflag:s21], $0x100  }
0x2d: {  	[sflag:s21] =	ssyncset.done $0x0  }
0x2e: {  	[sflag:s21] =	ssyncadd.s32 $0xFFFFFF00  }
0x2f: {  	[tilespmem:s22], [sflag:$0x2] =	stream.indirect.gather [hbm4b:s4+s13], $0x80, s20, s13, $0xb8;
	[tilespmem:$0x1B180] =	vst v63  }
0x30: {  	s0 =	simm.s32 $0x1  }
0x31: {  	[tilespmem:s24], [sflag:$0x2] =	stream.indirect.gather [hbm4b:s5+s13], $0x80, s23, s13, $0xb8;
	[tilespmem:$0x1B180] =	vst v63  }
0x32: {  	s0 =	simm.s32 @!p0 $0x0;
	_ =	swait.ge [sflag:s19], $0x1900  }
0x33: {  	s0 =	smul.u32 $0xC80, s0;
	[sflag:s19] =	ssyncset.done $0x0  }
0x34: {  	s15 =	simm.s32 $0x300;
	[sflag:s19] =	ssyncadd.s32 $0xFFFFE700  }
0x35: {  	s16 =	simm.s32 $0x1F00;
	s2 =	sshrl.u32 s0, $0x2;
	_ =	swait.ge [sflag:s19], $0x1900  }
0x36: {  	s28 =	simm.s32 $0x0;
	s0 =	sor.u32 $0x7410, s2;
	[sflag:s19] =	ssyncset.done $0x0  }
0x37: {  	s14 =	sadd.s32 $0x7280, s2;
	s2 =	sand.u32 $0x1, s31;
	[sflag:s19] =	ssyncadd.s32 $0xFFFFE700  }
.LBB2_5:
0x38: {  	v11 =	vld [tilespmem:s15+$0xFFFFFF80]  }
0x39: {  	v12 =	vld [tilespmem:s16+$0xFFFFFF80]  }
0x3a: {  	v13 =	vld [tilespmem:s15+$0xFFFFFF90]  }
0x3b: {  	v14 =	vld [tilespmem:s16+$0xFFFFFF90]  }
0x3c: {  	v15 =	vld [tilespmem:s15+$0xFFFFFFA0]  }
0x3d: {  	v16 =	vld [tilespmem:s16+$0xFFFFFFA0]  }
0x3e: {  	v17 =	vld [tilespmem:s15+$0xFFFFFFB0]  }
0x3f: {  	v18 =	vld [tilespmem:s16+$0xFFFFFFB0]  }
0x40: {  	v19 =	vld [tilespmem:s15+$0xFFFFFFC0]  }
0x41: {  	v20 =	vld [tilespmem:s16+$0xFFFFFFC0]  }
0x42: {  	v21 =	vld [tilespmem:s15+$0xFFFFFFD0]  }
0x43: {  	v22 =	vld [tilespmem:s16+$0xFFFFFFD0]  }
0x44: {  	v23 =	vld [tilespmem:s15+$0xFFFFFFE0]  }
0x45: {  	v24 =	vld [tilespmem:s16+$0xFFFFFFE0]  }
0x46: {  	v60 =	vld [tilespmem:s15+$0xFFFFFFF0]  }
0x47: {  	v25 =	vld [tilespmem:s16+$0xFFFFFFF0]  }
0x48: {  	v27 =	vld [tilespmem:s15+$0x0]  }
0x49: {  	v62 =	vld [tilespmem:s16+$0x0]  }
0x4a: {  	v63 =	vld [tilespmem:s15+$0x10]  }
0x4b: {  	v34 =	vld [tilespmem:s16+$0x10]  }
0x4c: {  	v29 =	vld [tilespmem:s15+$0x20]  }
0x4d: {  	v36 =	vld [tilespmem:s16+$0x20]  }
0x4e: {  	v30 =	vld [tilespmem:s15+$0x30]  }
0x4f: {  	v38 =	vld [tilespmem:s16+$0x30]  }
0x50: {  	v40 =	vld [tilespmem:s15+$0x40]  }
0x51: {  	v43 =	vld [tilespmem:s16+$0x40]  }
0x52: {  	v45 =	vld [tilespmem:s15+$0x50]  }
0x53: {  	v49 =	vld [tilespmem:s16+$0x50];
	v11 =	vadd.f32 v12, v11;
	v13 =	vadd.f32 v14, v13  }
0x54: {  	v51 =	vld [tilespmem:s15+$0x60];
	v61 =	vadd.f32 v16, v15;
	v17 =	vadd.f32 v18, v17  }
0x55: {  	v54 =	vld [tilespmem:s16+$0x60];
	v19 =	vadd.f32 v20, v19;
	v37 =	vadd.f32 v22, v21  }
0x56: {  	v39 =	vadd.f32 v24, v23;
	v12 =	vadd.f32 v25, v60  }
0x57: {  	v15 =	vadd.f32 v62, v27;
	v16 =	vadd.f32 v34, v63  }
0x58: {  	v53 =	vadd.f32 v36, v29;
	v56 =	vadd.f32 v38, v30  }
0x59: {  	v58 =	vadd.f32 v43, v40;
	v60 =	vadd.f32 v49, v45;
	v26 =	vmul.f32 $2.000000030e-01, v11  }
0x5a: {  	v25 =	vadd.f32 v54, v51;
	v33 =	vmul.f32 $2.000000030e-01, v13;
	v28 =	vmul.f32 $2.000000030e-01, v61  }
0x5b: {  	v35 =	vmul.f32 $2.000000030e-01, v17;
	v41 =	vmul.f32 $2.000000030e-01, v19;
	v11 =	vmax.f32 v11, v26  }
0x5c: {  	v42 =	vmul.f32 $2.000000030e-01, v37;
	v13 =	vmax.f32 v13, v33;
	v11 =	vmul.f32 v11, v3  }
0x5d: {  	v44 =	vmul.f32 $2.000000030e-01, v12;
	v14 =	vmax.f32 v61, v28;
	v13 =	vmul.f32 v13, v4  }
0x5e: {  	v48 =	vmul.f32 $2.000000030e-01, v15;
	v17 =	vmax.f32 v17, v35;
	v14 =	vmul.f32 v14, v5;
	(xrf2) =	vadd.scan.msk.f32 $0xffff, v11  }
0x5f: {  	v46 =	vmax.f32 v19, v41;
	v17 =	vmul.f32 v17, v6;
	v11 =	vmul.f32 $2.000000030e-01, v39;
	(xrf2) =	vadd.scan.msk.f32 $0xffff, v13  }
0x60: {  	v50 =	vmul.f32 $2.000000030e-01, v16;
	v47 =	vmax.f32 v37, v42;
	v13 =	vmul.f32 v46, v7;
	(xrf2) =	vadd.scan.msk.f32 $0xffff, v14  }
0x61: {  	v59 =	vld [tilespmem:s15+$0x70];
	v57 =	vmul.f32 $2.000000030e-01, v53;
	v55 =	vmul.f32 v47, v8;
	v11 =	vmax.f32 v39, v11;
	(xrf2) =	vadd.scan.msk.f32 $0xffff, v17  }
0x62: {  	v62 =	vmul.f32 $2.000000030e-01, v56;
	v12 =	vmax.f32 v12, v44;
	v61 =	vld [tilespmem:s16+$0x70];
	v11 =	vmul.f32 v11, v9;
	(xrf2) =	vadd.scan.msk.f32 $0xffff, v13  }
0x63: {  	v63 =	vmul.f32 $2.000000030e-01, v58;
	v52 =	vmax.f32 v15, v48;
	v12 =	vmul.f32 v12, v10;
	(xrf2) =	vadd.scan.msk.f32 $0xffff, v55  }
0x64: {  	v30 =	vmul.f32 $2.000000030e-01, v25;
	v16 =	vmax.f32 v16, v50;
	v14 =	vmul.f32 v52, v3;
	(xrf2) =	vadd.scan.msk.f32 $0xffff, v11  }
0x65: {  	v26 =	vmul.f32 $2.000000030e-01, v60;
	v24 =	vmul.f32 v16, v4;
	v11 =	vmax.f32 v53, v57;
	(xrf2) =	vadd.scan.msk.f32 $0xffff, v12  }
0x66: {  	v27 =	vmax.f32 v58, v63;
	v13 =	vmax.f32 v56, v62;
	v11 =	vmul.f32 v11, v5;
	(xrf2) =	vadd.scan.msk.f32 $0xffff, v14  }
0x67: {  	v34 =	vmax.f32 v25, v30;
	v31 =	vadd.f32 v61, v59;
	v13 =	vmul.f32 v13, v6;
	(xrf2) =	vadd.scan.msk.f32 $0xffff, v24  }
0x68: {  	v36 =	vmul.f32 v34, v9;
	v29 =	vmax.f32 v60, v26;
	v14 =	vmul.f32 v27, v7;
	v28, _, _ =	vpop (xrf2);
	(xrf2) =	vadd.scan.msk.f32 $0xffff, v11  }
0x69: {  	v33 =	vmul.f32 v29, v8;
	v37 =	vmul.f32 $2.000000030e-01, v31;
	v32, _, _ =	vpop (xrf2);
	(xrf2) =	vadd.scan.msk.f32 $0xffff, v13  }
0x6a: {  	v11 =	vbroadcast v28, $0xF;
	v18 =	vbroadcast v32, $0xF;
	v35, _, _ =	vpop (xrf2);
	(xrf2) =	vadd.scan.msk.f32 $0xffff, v14  }
0x6b: {  	v38, _, _ =	vpop (xrf2);
	(xrf2) =	vadd.scan.msk.f32 $0xffff, v33;
	v39 =	vbroadcast v35, $0xF  }
0x6c: {  	v12 =	vmax.f32 v31, v37;
	v11 =	vsel vm0, v11, v18;
	v40, _, _ =	vpop (xrf2);
	(xrf2) =	vadd.scan.msk.f32 $0xffff, v36;
	v41 =	vbroadcast v38, $0xF  }
0x6d: {  	v12 =	vmul.f32 v12, v10;
	v42, _, _ =	vpop (xrf2);
	v11 =	vsel vm1, v11, v39;
	v43 =	vbroadcast v40, $0xF  }
0x6e: {  	v44, _, _ =	vpop (xrf2);
	v11 =	vsel vm2, v11, v41;
	v45 =	vbroadcast v42, $0xF  }
0x6f: {  	(xrf2) =	vadd.scan.msk.f32 $0xffff, v12;
	v11 =	vsel vm3, v11, v43;
	v46 =	vbroadcast v44, $0xF;
	v47, _, _ =	vpop (xrf2)  }
0x70: {  	v48, _, _ =	vpop (xrf2);
	v11 =	vsel vm4, v11, v45;
	v49 =	vbroadcast v47, $0xF  }
0x71: {  	v50, _, _ =	vpop (xrf2);
	v11 =	vsel vm5, v11, v46;
	v12 =	vbroadcast v48, $0xF  }
0x72: {  	v51, _, _ =	vpop (xrf2);
	v11 =	vsel vm6, v11, v49;
	v52 =	vbroadcast v50, $0xF  }
0x73: {  	v53, _, _ =	vpop (xrf2);
	v11 =	vsel vm7, v11, v12;
	v54 =	vbroadcast v51, $0xF  }
0x74: {  	v55, _, _ =	vpop (xrf2);
	v11 =	vsel vm8, v11, v52;
	v56 =	vbroadcast v53, $0xF  }
0x75: {  	v57, _, _ =	vpop (xrf2);
	v11 =	vsel vm9, v11, v54;
	v58 =	vbroadcast v55, $0xF  }
0x76: {  	v59, _, _ =	vpop (xrf2);
	v11 =	vsel vm10, v11, v56;
	v60 =	vbroadcast v57, $0xF  }
0x77: {  	v11 =	vsel vm11, v11, v58;
	v61 =	vbroadcast v59, $0xF  }
0x78: {  	v11 =	vsel vm12, v11, v60  }
0x79: {  	v62, _, _ =	vpop (xrf2);
	v11 =	vsel vm13, v11, v61  }
0x7a: {  	v11 =	vsel vm14, v11, v62  }
0x7b: {  	v11 =	vmul.f32 $1.442695020e+00, v11;
	_ =	sdelay $0x1  }
0x7c: {  	(erf) = vpow2.f32 v11;
	_ =	sdelay $0x5  }
0x7d: {  	v11 =	vor.u32 s28, v1;
	_ =	sdelay $0x2  }
0x7e: {  	v63 =	vpop (erf)  }
0x7f: {  	[tilespmem:s14+$0x0] =	vst v63  }
0x80: {  	v11 =	vld.idx.msk [tilespmem:v11+s12+$0x0], $0xffff;
	_ =	sdelay $0x4  }
0x81: {  	v11 =	vshll.u32 v11, $0x3  }
0x82: {  	p1 =	sne.s32 s28, $0x30;
	v11 =	vor.u32 v2, v11  }
.Ltmp1:
0x83: {  	_ = 	snop;
	(pc) =	sbr.rel @p1 .LBB2_5-.Ltmp1, $3  }
0x84: {  	_ =	sdelay $0x1  }
0x85: {  	s15 =	sadd.s32 $0x100, s15  }
0x86: {  	s16 =	sadd.s32 $0x100, s16;
	s28 =	sadd.s32 $0x2, s28;
	s14 =	sadd.s32 $0x10, s14;
	[tilespmem:v11+s25+$0x0] =	vst.idx.add.f32.msk $0xffff, v63  }
0x87: {  	p1 =	seq.s32 s31, $0x63  }
0x88: {  	s3 =	sadd.s32 @!p1 s3, s18;
	s14 =	simm.s32 @!p1 $0x0;
	s15 =	simm.s32 @!p1 $0x80  }
0x89: {  	[tilespmem:s15], [sflag:$0x4] =	stream.linear.gather @!p1 [hbm4b:s3+s14], $0x100, $0x38;
	[tilespmem:$0x1B180] =	vst v63  }
0x8a: {  	s3 =	simm.s32 @!p1 $0x4  }
0x8b: {  	_ =	swait.ge @!p1 [sflag:s3], $0x100  }
0x8c: {  	[sflag:s3] =	ssyncset.done @!p1 $0x0  }
0x8d: {  	s14 =	simm.s32 @!p1 $0x280;
	[sflag:s3] =	ssyncadd.s32 @!p1 $0xFFFFFF00;
	s3 =	simm.s32 @!p1 $0x32  }
0x8e: {  	[tilespmem:s14], [sflag:$0x1] =	stream.indirect.gather @!p1 [hbm4b:s4+s3], $0x80, s15, s3, $0xb8;
	[tilespmem:$0x1B180] =	vst v63  }
0x8f: {  	s14 =	simm.s32 @!p1 $0x100;
	s15 =	simm.s32 @!p1 $0x1E80  }
0x90: {  	[tilespmem:s15], [sflag:$0x1] =	stream.indirect.gather @!p1 [hbm4b:s5+s3], $0x80, s14, s3, $0xb8;
	[tilespmem:$0x1B180] =	vst v63  }
0x91: {  	_ =	swait.ge [sflag:s26], $0x1900  }
0x92: {  	[sflag:s26] =	ssyncset.done $0x0  }
0x93: {  	[sflag:s26] =	ssyncadd.s32 $0xFFFFE700  }
0x94: {  	_ =	swait.ge [sflag:s26], $0x1900  }
0x95: {  	s3 =	simm.s32 $0x0;
	[sflag:s26] =	ssyncset.done $0x0  }
0x96: {  	s14 =	simm.s32 $0x3B00;
	s15 =	simm.s32 $0x5700;
	[sflag:s26] =	ssyncadd.s32 $0xFFFFE700  }
.LBB2_7:
0x97: {  	v11 =	vld [tilespmem:s14+$0xFFFFFF80]  }
0x98: {  	v12 =	vld [tilespmem:s15+$0xFFFFFF80]  }
0x99: {  	v13 =	vld [tilespmem:s14+$0xFFFFFF90]  }
0x9a: {  	v14 =	vld [tilespmem:s15+$0xFFFFFF90]  }
0x9b: {  	v15 =	vld [tilespmem:s14+$0xFFFFFFA0]  }
0x9c: {  	v16 =	vld [tilespmem:s15+$0xFFFFFFA0]  }
0x9d: {  	v17 =	vld [tilespmem:s14+$0xFFFFFFB0]  }
0x9e: {  	v18 =	vld [tilespmem:s15+$0xFFFFFFB0]  }
0x9f: {  	v19 =	vld [tilespmem:s14+$0xFFFFFFC0]  }
0xa0: {  	v20 =	vld [tilespmem:s15+$0xFFFFFFC0]  }
0xa1: {  	v21 =	vld [tilespmem:s14+$0xFFFFFFD0]  }
0xa2: {  	v22 =	vld [tilespmem:s15+$0xFFFFFFD0]  }
0xa3: {  	v23 =	vld [tilespmem:s14+$0xFFFFFFE0]  }
0xa4: {  	v24 =	vld [tilespmem:s15+$0xFFFFFFE0]  }
0xa5: {  	v60 =	vld [tilespmem:s14+$0xFFFFFFF0]  }
0xa6: {  	v25 =	vld [tilespmem:s15+$0xFFFFFFF0]  }
0xa7: {  	v27 =	vld [tilespmem:s14+$0x0]  }
0xa8: {  	v62 =	vld [tilespmem:s15+$0x0]  }
0xa9: {  	v63 =	vld [tilespmem:s14+$0x10]  }
0xaa: {  	v34 =	vld [tilespmem:s15+$0x10]  }
0xab: {  	v29 =	vld [tilespmem:s14+$0x20]  }
0xac: {  	v36 =	vld [tilespmem:s15+$0x20]  }
0xad: {  	v30 =	vld [tilespmem:s14+$0x30]  }
0xae: {  	v38 =	vld [tilespmem:s15+$0x30]  }
0xaf: {  	v40 =	vld [tilespmem:s14+$0x40]  }
0xb0: {  	v43 =	vld [tilespmem:s15+$0x40]  }
0xb1: {  	v45 =	vld [tilespmem:s14+$0x50]  }
0xb2: {  	v49 =	vld [tilespmem:s15+$0x50];
	v11 =	vadd.f32 v12, v11;
	v13 =	vadd.f32 v14, v13  }
0xb3: {  	v51 =	vld [tilespmem:s14+$0x60];
	v61 =	vadd.f32 v16, v15;
	v17 =	vadd.f32 v18, v17  }
0xb4: {  	v54 =	vld [tilespmem:s15+$0x60];
	v19 =	vadd.f32 v20, v19;
	v37 =	vadd.f32 v22, v21  }
0xb5: {  	v39 =	vadd.f32 v24, v23;
	v12 =	vadd.f32 v25, v60  }
0xb6: {  	v15 =	vadd.f32 v62, v27;
	v16 =	vadd.f32 v34, v63  }
0xb7: {  	v53 =	vadd.f32 v36, v29;
	v56 =	vadd.f32 v38, v30  }
0xb8: {  	v58 =	vadd.f32 v43, v40;
	v60 =	vadd.f32 v49, v45;
	v26 =	vmul.f32 $2.000000030e-01, v11  }
0xb9: {  	v25 =	vadd.f32 v54, v51;
	v33 =	vmul.f32 $2.000000030e-01, v13;
	v28 =	vmul.f32 $2.000000030e-01, v61  }
0xba: {  	v35 =	vmul.f32 $2.000000030e-01, v17;
	v41 =	vmul.f32 $2.000000030e-01, v19;
	v11 =	vmax.f32 v11, v26  }
0xbb: {  	v42 =	vmul.f32 $2.000000030e-01, v37;
	v13 =	vmax.f32 v13, v33;
	v11 =	vmul.f32 v11, v3  }
0xbc: {  	v44 =	vmul.f32 $2.000000030e-01, v12;
	v14 =	vmax.f32 v61, v28;
	v13 =	vmul.f32 v13, v4  }
0xbd: {  	v48 =	vmul.f32 $2.000000030e-01, v15;
	v17 =	vmax.f32 v17, v35;
	v14 =	vmul.f32 v14, v5;
	(xrf2) =	vadd.scan.msk.f32 $0xffff, v11  }
0xbe: {  	v46 =	vmax.f32 v19, v41;
	v17 =	vmul.f32 v17, v6;
	v11 =	vmul.f32 $2.000000030e-01, v39;
	(xrf2) =	vadd.scan.msk.f32 $0xffff, v13  }
0xbf: {  	v50 =	vmul.f32 $2.000000030e-01, v16;
	v47 =	vmax.f32 v37, v42;
	v13 =	vmul.f32 v46, v7;
	(xrf2) =	vadd.scan.msk.f32 $0xffff, v14  }
0xc0: {  	v59 =	vld [tilespmem:s14+$0x70];
	v57 =	vmul.f32 $2.000000030e-01, v53;
	v55 =	vmul.f32 v47, v8;
	v11 =	vmax.f32 v39, v11;
	(xrf2) =	vadd.scan.msk.f32 $0xffff, v17  }
0xc1: {  	v62 =	vmul.f32 $2.000000030e-01, v56;
	v12 =	vmax.f32 v12, v44;
	v61 =	vld [tilespmem:s15+$0x70];
	v11 =	vmul.f32 v11, v9;
	(xrf2) =	vadd.scan.msk.f32 $0xffff, v13  }
0xc2: {  	v63 =	vmul.f32 $2.000000030e-01, v58;
	v52 =	vmax.f32 v15, v48;
	v12 =	vmul.f32 v12, v10;
	(xrf2) =	vadd.scan.msk.f32 $0xffff, v55  }
0xc3: {  	v30 =	vmul.f32 $2.000000030e-01, v25;
	v16 =	vmax.f32 v16, v50;
	v14 =	vmul.f32 v52, v3;
	(xrf2) =	vadd.scan.msk.f32 $0xffff, v11  }
0xc4: {  	v26 =	vmul.f32 $2.000000030e-01, v60;
	v24 =	vmul.f32 v16, v4;
	v11 =	vmax.f32 v53, v57;
	(xrf2) =	vadd.scan.msk.f32 $0xffff, v12  }
0xc5: {  	v27 =	vmax.f32 v58, v63;
	v13 =	vmax.f32 v56, v62;
	v11 =	vmul.f32 v11, v5;
	(xrf2) =	vadd.scan.msk.f32 $0xffff, v14  }
0xc6: {  	v34 =	vmax.f32 v25, v30;
	v31 =	vadd.f32 v61, v59;
	v13 =	vmul.f32 v13, v6;
	(xrf2) =	vadd.scan.msk.f32 $0xffff, v24  }
0xc7: {  	v36 =	vmul.f32 v34, v9;
	v29 =	vmax.f32 v60, v26;
	v14 =	vmul.f32 v27, v7;
	v28, _, _ =	vpop (xrf2);
	(xrf2) =	vadd.scan.msk.f32 $0xffff, v11  }
0xc8: {  	v33 =	vmul.f32 v29, v8;
	v37 =	vmul.f32 $2.000000030e-01, v31;
	v32, _, _ =	vpop (xrf2);
	(xrf2) =	vadd.scan.msk.f32 $0xffff, v13  }
0xc9: {  	v11 =	vbroadcast v28, $0xF;
	v18 =	vbroadcast v32, $0xF;
	v35, _, _ =	vpop (xrf2);
	(xrf2) =	vadd.scan.msk.f32 $0xffff, v14  }
0xca: {  	v38, _, _ =	vpop (xrf2);
	(xrf2) =	vadd.scan.msk.f32 $0xffff, v33;
	v39 =	vbroadcast v35, $0xF  }
0xcb: {  	v12 =	vmax.f32 v31, v37;
	v11 =	vsel vm0, v11, v18;
	v40, _, _ =	vpop (xrf2);
	(xrf2) =	vadd.scan.msk.f32 $0xffff, v36;
	v41 =	vbroadcast v38, $0xF  }
0xcc: {  	v12 =	vmul.f32 v12, v10;
	v42, _, _ =	vpop (xrf2);
	v11 =	vsel vm1, v11, v39;
	v43 =	vbroadcast v40, $0xF  }
0xcd: {  	v44, _, _ =	vpop (xrf2);
	v11 =	vsel vm2, v11, v41;
	v45 =	vbroadcast v42, $0xF  }
0xce: {  	(xrf2) =	vadd.scan.msk.f32 $0xffff, v12;
	v11 =	vsel vm3, v11, v43;
	v46 =	vbroadcast v44, $0xF;
	v47, _, _ =	vpop (xrf2)  }
0xcf: {  	v48, _, _ =	vpop (xrf2);
	v11 =	vsel vm4, v11, v45;
	v49 =	vbroadcast v47, $0xF  }
0xd0: {  	v50, _, _ =	vpop (xrf2);
	v11 =	vsel vm5, v11, v46;
	v12 =	vbroadcast v48, $0xF  }
0xd1: {  	v51, _, _ =	vpop (xrf2);
	v11 =	vsel vm6, v11, v49;
	v52 =	vbroadcast v50, $0xF  }
0xd2: {  	v53, _, _ =	vpop (xrf2);
	v11 =	vsel vm7, v11, v12;
	v54 =	vbroadcast v51, $0xF  }
0xd3: {  	v55, _, _ =	vpop (xrf2);
	v11 =	vsel vm8, v11, v52;
	v56 =	vbroadcast v53, $0xF  }
0xd4: {  	v57, _, _ =	vpop (xrf2);
	v11 =	vsel vm9, v11, v54;
	v58 =	vbroadcast v55, $0xF  }
0xd5: {  	v59, _, _ =	vpop (xrf2);
	v11 =	vsel vm10, v11, v56;
	v60 =	vbroadcast v57, $0xF  }
0xd6: {  	v11 =	vsel vm11, v11, v58;
	v61 =	vbroadcast v59, $0xF  }
0xd7: {  	v11 =	vsel vm12, v11, v60  }
0xd8: {  	v62, _, _ =	vpop (xrf2);
	v11 =	vsel vm13, v11, v61  }
0xd9: {  	v11 =	vsel vm14, v11, v62  }
0xda: {  	v11 =	vmul.f32 $1.442695020e+00, v11;
	_ =	sdelay $0x1  }
0xdb: {  	(erf) = vpow2.f32 v11;
	_ =	sdelay $0x5  }
0xdc: {  	v11 =	vor.u32 s3, v1;
	_ =	sdelay $0x2  }
0xdd: {  	v63 =	vpop (erf)  }
0xde: {  	[tilespmem:s0+$0x0] =	vst v63  }
0xdf: {  	v11 =	vld.idx.msk [tilespmem:v11+s20+$0x0], $0xffff;
	_ =	sdelay $0x4  }
0xe0: {  	v11 =	vshll.u32 v11, $0x3  }
0xe1: {  	p1 =	sne.s32 s3, $0x30;
	v11 =	vor.u32 v2, v11  }
.Ltmp2:
0xe2: {  	_ = 	snop;
	(pc) =	sbr.rel @p1 .LBB2_7-.Ltmp2, $3  }
0xe3: {  	_ =	sdelay $0x1  }
0xe4: {  	s14 =	sadd.s32 $0x100, s14  }
0xe5: {  	s15 =	sadd.s32 $0x100, s15;
	s3 =	sadd.s32 $0x2, s3;
	s0 =	sadd.s32 $0x10, s0;
	[tilespmem:v11+s25+$0x0] =	vst.idx.add.f32.msk $0xffff, v63  }
0xe6: {  	p1 =	seq.s32 s2, $0x0  }
0xe7: {  	s0 =	smul.u32 @!p1 $0x64, s31;
	_ =	sdelay $0x1  }
0xe8: {  	s0 =	sadd.s32 @!p1 s0, s8  }
0xe9: {  	s2 =	simm.s32 @!p1 $0x0;
	s31 =	sadd.s32 $0x1, s31;
	s0 =	sand.u32 @!p1 $0x1FFFFFF8, s0  }
0xea: {  	s3 =	simm.s32 @!p1 $0x7280;
	p2 =	sne.s32 s31, $0x64;
	s0 =	sadd.s32 @!p1 s1, s0  }
0xeb: {  	[hbm4b:s0+s2] =	stream.linear.scatter @!p1 [tilespmem:s3], [sflag:$0x3], $0x640, $0x38;
	[tilespmem:$0x1B180] =	vst v63  }
.Ltmp3:
0xec: {  	_ = 	snop;
	(pc) =	sbr.rel @p2 .LBB2_4-.Ltmp3, $4  }
0xed: {  	s0 =	simm.s32 @!p1 $0x3  }
0xee: {  	_ =	swait.ge @!p1 [sflag:s0], $0x640  }
0xef: {  	[sflag:s0] =	ssyncset.done @!p1 $0x0  }
0xf0: {  	p0 =	por !p0, !p0;
	[sflag:s0] =	ssyncadd.s32 @!p1 $0xFFFFF9C0  }
0xf1: {  	s29 =	sadd.s32 $0x1, s29  }
0xf2: {  	p0 =	sne.s32 s29, s10  }
.Ltmp4:
0xf3: {  	s0 =	simm.s32 $0x400;
	(pc) =	sbr.rel @p0 .LBB2_1-.Ltmp4, $4  }
0xf4: {  	[hbm4b:s9+s12] =	stream.strided.scatter [tilespmem:s25], [sflag:$0x3], $0x13880, s0, s12, $0x38;
	[tilespmem:$0x1B180] =	vst v63  }
0xf5: {  	_ =	swait.ge [sflag:s11], $0x13880  }
0xf6: {  	[sflag:s11] =	ssyncset.done $0x0  }
0xf7: {  	[sflag:s11] =	ssyncadd.s32 $0xFFFEC780  }
0xf8: {  	_ =	sfence.sel $0x180000  }
0xf9: {  	[bflag:$0x0] =	sbarrier.arrive $0xFFFF  }
0xfa: {  	_ =	strace $0x90000047  }
0xfb: {  	s0 =	stileid.u32;
	[bflag:$0x2] =	sbarrier.arrive $0xFFFF  }
0xfc: {  	p0 =	sne.s32 s0, $0x0;
	s0 =	rddreg [dreg:$0x2]  }
0xfd: {  	s0 =	sadd.s32 @!p0 $0x100000, s0  }
0xfe: {  	[sflag:s0] =	ssyncadd.tile.s32 @!p0 $0x1;
	_ =	shalt  }
.Lfunc_end2:
_tile_overlayer_lowered:
.L_overlay_start_2:
0xff: {  	(tag) =	ssettag $0x2  }
0x100: {  	s0 =	rddreg [dreg:$0x0];
	s2 =	stileid.u32  }
0x101: {  	s1 =	rddreg [dreg:$0x1];
	p0 =	sne.s32 s2, $0x0  }
0x102: {  	s3 =	rddreg [dreg:$0x2];
	[bflag:$0x3] =	sbarrier.arrive $0xFFFF;
	s2 =	simm.s32 @!p0 $0x1C03  }
0x103: {  	[timem:s3], [sflag:s2] =	dma.local @!p0 [hbm:s0], s1  }
0x104: {  	s0 =	simm.s32 @!p0 $0x3  }
0x105: {  	_ =	swait.ge @!p0 [sflag:s0], s1  }
0x106: {  	s1 =	ssub.s32 @!p0 $0x0, s1;
	[sflag:s0] =	ssyncset.done @!p0 $0x0  }
0x107: {  	[sflag:s0] =	ssyncadd.s32 @!p0 s1  }
0x108: {  	[bflag:$0x3] =	sbarrier.arrive $0xFFFF  }
0x109: {  	_ =	shalt  }

</sc_bundles>
